<compile_context>
chip_gen: v7x
topology: tpu7x:2x2x1
jax: 0.10.2.dev20260603
libtpu: 0.0.44.dev20260713+nightly
codegen_flags: <defaults>
</compile_context>

<pallas_src>
import functools

import jax
import jax.numpy as jnp
from jax import lax
from jax.experimental import pallas as pl
from jax.experimental.pallas import tpu as pltpu
from jax.experimental.pallas import tpu_sc as plsc

N = 10000
E = 160000
D = 256
NUM_CLASS = 8
NUM_GRAPHS = 64

NC = 2
NS = 16
NW = NC * NS
L = 16

P = 4
EK = 2000
NEK = E // EK
NB_E = EK // L
NB_N = N // L

E_PER_W = E // NW
N_PAD = 10240
N_PER_W = N_PAD // NW

NEG_INF = float("-inf")
NEG_INF_PAIR = -8355968

_mesh = plsc.VectorSubcoreMesh(core_axis_name="c", subcore_axis_name="s")
_sc_params = pltpu.CompilerParams(needs_layout_passes=False)
_ILV = plsc.PackFormat.INTERLEAVED


def _wid():
    return lax.axis_index("s") * NC + lax.axis_index("c")


def _full(val, dtype=jnp.float32):
    return jnp.full((L,), val, dtype=dtype)


@functools.partial(
    pl.kernel,
    out_type=[
        jax.ShapeDtypeStruct((E,), jnp.float32),
        jax.ShapeDtypeStruct((N_PAD,), jnp.float32),
    ],
    mesh=_mesh,
    scratch_types=[
        pltpu.VMEM((E_PER_W,), jnp.int32),
        pltpu.VMEM((E_PER_W,), jnp.float32),
        pltpu.VMEM((N_PER_W,), jnp.int32),
        pltpu.VMEM((N_PER_W,), jnp.float32),
        pltpu.SemaphoreType.DMA,
    ],
    compiler_params=_sc_params,
)
def _gather_tables(attr_hbm, ean_hbm, nidx_hbm, etans_hbm,
                   w_hbm, eta_hbm, attr_v, w_v, nidx_v, eta_v, sem):
    wid = _wid()
    ebase = wid * E_PER_W
    pltpu.sync_copy(attr_hbm.at[pl.ds(ebase, E_PER_W)], attr_v)

    chunks = [(j * 80, 80) for j in range(62)] + [(4960, 40)]
    for i in range(0, len(chunks), 8):
        grp = chunks[i:i + 8]
        for o, n in grp:
            pltpu.async_copy(ean_hbm.at[attr_v.at[pl.ds(o, n)]],
                             w_v.at[pl.ds(o, n)], sem)
        for o, n in grp:
            pltpu.make_async_copy(ean_hbm.at[attr_v.at[pl.ds(o, n)]],
                                  w_v.at[pl.ds(o, n)], sem).wait()
    pltpu.sync_copy(w_v, w_hbm.at[pl.ds(ebase, E_PER_W)])

    nbase = wid * N_PER_W
    pltpu.sync_copy(nidx_hbm.at[pl.ds(nbase, N_PER_W)], nidx_v)

    echunks = [(j * 64, 64) for j in range(N_PER_W // 64)]
    for o, n in echunks:
        pltpu.async_copy(etans_hbm.at[nidx_v.at[pl.ds(o, n)]],
                         eta_v.at[pl.ds(o, n)], sem)
    for o, n in echunks:
        pltpu.make_async_copy(etans_hbm.at[nidx_v.at[pl.ds(o, n)]],
                              eta_v.at[pl.ds(o, n)], sem).wait()
    pltpu.sync_copy(eta_v, eta_hbm.at[pl.ds(nbase, N_PER_W)])


@functools.partial(
    pl.kernel,
    out_type=jax.ShapeDtypeStruct((D * NUM_GRAPHS,), jnp.float32),
    mesh=_mesh,
    scratch_types=[
        pltpu.VMEM((N,), jnp.int32),
        pltpu.VMEM((N,), jnp.int32),
        pltpu.VMEM((N,), jnp.int32),
        pltpu.VMEM((N,), jnp.int32),
        pltpu.VMEM((N,), jnp.int32),
        pltpu.VMEM((N,), jnp.int32),
        pltpu.VMEM((N,), jnp.int32),
        pltpu.VMEM((N,), jnp.int32),
        pltpu.VMEM((EK,), jnp.int32),
        pltpu.VMEM((EK,), jnp.int32),
        pltpu.VMEM((EK,), jnp.int32),
        pltpu.VMEM((EK,), jnp.int32),
        pltpu.VMEM((EK,), jnp.float32),
        pltpu.VMEM((EK,), jnp.float32),
        pltpu.VMEM((N,), jnp.float32),
        pltpu.VMEM((N,), jnp.int32),
        pltpu.VMEM((D // NW * NUM_GRAPHS,), jnp.float32),
        pltpu.SemaphoreType.DMA,
        pltpu.SemaphoreType.DMA,
    ],
    compiler_params=_sc_params,
)
def _propagate(featP_hbm, src_hbm, dst_hbm, w_hbm, eta_hbm, batch_hbm,
               gt_hbm, fp0, fp1, fp2, fp3, rp0, rp1, rp2, rp3,
               src0, src1, dst0, dst1, w0, w1,
               eta_v, batch_v, g_v, sem0, sem1):
    wid = _wid()
    feat = (fp0, fp1, fp2, fp3)
    rmax = (rp0, rp1, rp2, rp3)
    bufs = ((src0, dst0, w0, sem0), (src1, dst1, w1, sem1))

    pltpu.sync_copy(eta_hbm.at[pl.ds(0, N)], eta_v)
    pltpu.sync_copy(batch_hbm.at[pl.ds(0, N)], batch_v)
    for j in range(P):
        pltpu.sync_copy(featP_hbm.at[wid * P + j], feat[j])

    for j in range(P):
        @pl.loop(0, NB_N)
        def _init_r(i, j=j):
            rmax[j][pl.ds(i * L, L)] = _full(NEG_INF_PAIR, jnp.int32)

    @pl.loop(0, (D // NW * NUM_GRAPHS) // L)
    def _init_g(i):
        g_v[pl.ds(i * L, L)] = _full(0.0)

    def issue(g, par):
        sb, db, wb, sem = bufs[par]
        o = g * EK
        pltpu.async_copy(src_hbm.at[pl.ds(o, EK)], sb, sem)
        pltpu.async_copy(dst_hbm.at[pl.ds(o, EK)], db, sem)
        pltpu.async_copy(w_hbm.at[pl.ds(o, EK)], wb, sem)

    def drain(par):
        sb, db, wb, sem = bufs[par]
        pltpu.make_async_copy(src_hbm.at[pl.ds(0, EK)], sb, sem).wait()
        pltpu.make_async_copy(dst_hbm.at[pl.ds(0, EK)], db, sem).wait()
        pltpu.make_async_copy(w_hbm.at[pl.ds(0, EK)], wb, sem).wait()

    def process(par):
        sb, db, wb, _ = bufs[par]

        def load_front(b):
            eo = b * L
            s16 = sb[pl.ds(eo, L)]
            d16 = db[pl.ds(eo, L)]
            w16 = wb[pl.ds(eo, L)]
            fs = tuple(plsc.load_gather(feat[j], [s16]) for j in range(P))
            return (d16, w16) + fs

        def apply_batch(fr):
            d16, w16 = fr[0], fr[1]
            fs = fr[2:]
            occ, _ = plsc.scan_count(d16)
            wbf = plsc.pack(w16, w16, format=_ILV)
            vs = [wbf * plsc.bitcast(fs[j], jnp.bfloat16)
                  for j in range(P)]
            m0 = occ == 0
            m1 = occ == 1
            rvs = [plsc.load_gather(rmax[j], [d16]) for j in range(P)]
            mxs = [plsc.bitcast(
                jnp.maximum(plsc.bitcast(rvs[j], jnp.bfloat16), vs[j]),
                jnp.int32) for j in range(P)]
            for j in range(P):
                plsc.store_scatter(rmax[j], [d16], mxs[j], mask=m0)
            rv1s = [plsc.load_gather(rmax[j], [d16]) for j in range(P)]
            mx1s = [plsc.bitcast(
                jnp.maximum(plsc.bitcast(rv1s[j], jnp.bfloat16), vs[j]),
                jnp.int32) for j in range(P)]
            for j in range(P):
                plsc.store_scatter(rmax[j], [d16], mx1s[j], mask=m1)
            return occ

        init = (jnp.zeros((L,), jnp.int32),) + load_front(0)

        @pl.loop(0, NB_E - 1, init_carry=init)
        def carry_out(b, carry):
            occ = apply_batch(carry[1:])
            nxt = load_front(b + 1)
            return (jnp.maximum(carry[0], occ),) + nxt

        dirty = jnp.maximum(carry_out[0], apply_batch(carry_out[1:]))

        @pl.when(jnp.max(dirty) >= 2)
        def _redo():
            @pl.loop(0, NB_E)
            def _redo_batch(b):
                eo = b * L
                s16 = sb[pl.ds(eo, L)]
                d16 = db[pl.ds(eo, L)]
                w16 = wb[pl.ds(eo, L)]
                occ, _ = plsc.scan_count(d16)
                nrounds = jnp.max(occ) + 1
                wbf = plsc.pack(w16, w16, format=_ILV)
                vals = []
                for j in range(P):
                    f = plsc.load_gather(feat[j], [s16])
                    vals.append(wbf * plsc.bitcast(f, jnp.bfloat16))

                def _round(k, carry):
                    m = occ == k
                    for j in range(P):
                        rv = plsc.load_gather(rmax[j], [d16])
                        mx = jnp.maximum(plsc.bitcast(rv, jnp.bfloat16),
                                         vals[j])
                        plsc.store_scatter(rmax[j], [d16],
                                           plsc.bitcast(mx, jnp.int32),
                                           mask=m)
                    return carry

                lax.fori_loop(2, nrounds, _round, 0)

    issue(0, 0)

    @pl.loop(0, NEK // 2)
    def _chunk_pair(i):
        g0 = 2 * i
        issue(g0 + 1, 1)
        drain(0)
        process(0)

        @pl.when(g0 + 2 < NEK)
        def _():
            issue(g0 + 2, 0)

        drain(1)
        process(1)

    @pl.loop(0, NB_N)
    def _node_batch(nb):
        no = nb * L
        e16 = eta_v[pl.ds(no, L)]
        bat16 = batch_v[pl.ds(no, L)]
        for j in range(P):
            rp = rmax[j][pl.ds(no, L)]
            ra, rb = plsc.unpack(plsc.bitcast(rp, jnp.bfloat16), format=_ILV)
            fp = feat[j][pl.ds(no, L)]
            fa, fb = plsc.unpack(plsc.bitcast(fp, jnp.bfloat16), format=_ILV)
            for col, (rcol, fcol) in enumerate(((ra, fa), (rb, fb))):
                rz = jnp.where(rcol == NEG_INF, 0.0, rcol)
                x = rz + e16 * (fcol - rz)
                idx = bat16 + (2 * j + col) * NUM_GRAPHS
                plsc.addupdate_scatter(g_v, [idx], x)

    pltpu.sync_copy(g_v, gt_hbm.at[pl.ds(wid * (D // NW * NUM_GRAPHS),
                                         D // NW * NUM_GRAPHS)])


def _readout_body(g_ref, w_ref, b_ref, o_ref):
    g = g_ref[...]
    w = w_ref[...]
    logits = lax.dot_general(g, w, (((0,), (0,)), ((), ())),
                             preferred_element_type=jnp.float32)
    logits = logits + b_ref[...][None, :]
    m = jnp.max(logits, axis=1, keepdims=True)
    e = jnp.exp(logits - m)
    o_ref[...] = e / jnp.sum(e, axis=1, keepdims=True)


def kernel(feature, nodesindex, adj, edge_attr, batch, ean, etans, W, b):
    fpair = feature.astype(jnp.bfloat16).reshape(N, D // 2, 2)
    featP = lax.bitcast_convert_type(fpair, jnp.int32).T
    src = adj[0].astype(jnp.int32)
    dst = adj[1].astype(jnp.int32)
    edge_attr = edge_attr.astype(jnp.int32)
    nidx_pad = jnp.zeros((N_PAD,), jnp.int32).at[:N].set(
        nodesindex.astype(jnp.int32))
    batch = batch.astype(jnp.int32)

    w_e, eta = _gather_tables(edge_attr, ean, nidx_pad, etans)
    gt_flat = _propagate(featP, src, dst, w_e, eta, batch)
    gT = gt_flat.reshape(D, NUM_GRAPHS)

    return pl.pallas_call(
        _readout_body,
        out_shape=jax.ShapeDtypeStruct((NUM_GRAPHS, NUM_CLASS), jnp.float32),
    )(gT, W, b)

# --- scband reference (transcript-rebuilt; emitter-appended) ---
"""Pipeline reference for scband-text-gcndynamic-weight-18648747999257 (READ-ONLY COPY).

The authoritative reference and input builder live on the scoring server;
editing this copy changes nothing except your own understanding.
"""

import jax, jax.numpy as jnp
import numpy as np

N = 10000
E = 160000
D = 256
NUM_CLASS = 8
NUM_GRAPHS = 64
NUM_EDGE_TYPES = 200000
NUM_NODE_TYPES = 50000


def setup_inputs(seed: int = 0):
    key = jax.random.key(seed)
    ks = jax.random.split(key, 8)
    feature = jax.random.normal(ks[0], (N, D), dtype=jnp.float32)
    nodesindex = jax.random.randint(ks[1], (N,), 0, NUM_NODE_TYPES)
    adj = jax.random.randint(ks[2], (2, E), 0, N)
    edge_attr = jax.random.randint(ks[3], (E,), 0, NUM_EDGE_TYPES)
    batch = jnp.sort(jax.random.randint(ks[4], (N,), 0, NUM_GRAPHS))
    # learned parameters
    ean = jnp.ones((NUM_EDGE_TYPES,), dtype=jnp.float32)  # per-edge-type weight, init ones
    etans = jnp.full((NUM_NODE_TYPES,), 0.5, dtype=jnp.float32)  # per-node gate, init 0.5
    W = jax.random.normal(ks[5], (D, NUM_CLASS), dtype=jnp.float32) * 0.05
    b = jnp.zeros((NUM_CLASS,), dtype=jnp.float32)
    return {"feature": feature, "nodesindex": nodesindex, "adj": adj,
            "edge_attr": edge_attr, "batch": batch,
            "ean": ean, "etans": etans, "W": W, "b": b}


def reference(feature, nodesindex, adj, edge_attr, batch, ean, etans, W, b):
    # edge_weight = gather(ean, edge_attr)
    edge_weight = jnp.take(ean, edge_attr)
    # etans gate per node: gather(etans, nodesindex) reshaped [-1, 1]
    eta = jnp.take(etans, nodesindex).reshape(-1, 1)
    src = adj[0]
    dst = adj[1]
    # Text-Level GNN (2019) message passing: r_n = max over in-edges of e * x_src
    msgs = edge_weight[:, None] * jnp.take(feature, src, axis=0)
    r = jax.ops.segment_max(msgs, dst, num_segments=N)
    r = jnp.where(jnp.isfinite(r), r, 0.0)  # nodes with no in-edges get 0
    # gated update: x' = (1 - eta) * r + eta * x  (dropout disabled: eval mode)
    x = (1.0 - eta) * r + eta * feature
    # graph readout: sum-pool by batch id
    g = jax.ops.segment_sum(x, batch, num_segments=NUM_GRAPHS)
    logits = g @ W + b
    return jax.nn.softmax(logits, axis=-1)

if __name__ == "__main__":
    import jax
    _d = setup_inputs()
    print(jax.jit(kernel)(*tuple(_d.values())))

</pallas_src>

<mosaic_0001>
#map = affine_map<(d0, d1) -> (0)>
module attributes {stable_mosaic.version = 14 : i64} {
  func.func @_gather_tables(%arg0: i32, %arg1: i32, %arg2: memref<160000xi32, #tpu.memory_space<hbm>>, %arg3: memref<200000xf32, #tpu.memory_space<hbm>>, %arg4: memref<10240xi32, #tpu.memory_space<hbm>>, %arg5: memref<50000xf32, #tpu.memory_space<hbm>>, %arg6: memref<160000xf32, #tpu.memory_space<hbm>>, %arg7: memref<10240xf32, #tpu.memory_space<hbm>>, %arg8: memref<5000xi32, #tpu.memory_space<vmem>>, %arg9: memref<5000xf32, #tpu.memory_space<vmem>>, %arg10: memref<320xi32, #tpu.memory_space<vmem>>, %arg11: memref<320xf32, #tpu.memory_space<vmem>>, %arg12: memref<!tpu.dma_semaphore, #tpu.memory_space<semaphore_mem>>) attributes {dimension_semantics = [#tpu.dimension_semantics<core_parallel>, #tpu.dimension_semantics<subcore_parallel>], iteration_bounds = array<i64: 2, 16>, scalar_prefetch = 0 : i64, scratch_operands = 5 : i64, tpu.core_type = #tpu.core_type<sc_vector_subcore>, window_params = [{transform_indices = #map}, {transform_indices = #map}, {transform_indices = #map}, {transform_indices = #map}, {transform_indices = #map}, {transform_indices = #map}]} {
    %mul3A = arith.constant 2 : i32
    %mul3A_0 = arith.muli %arg1, %mul3A : i32
    %add3A = arith.addi %mul3A_0, %arg0 : i32
    %mul3A_1 = arith.constant 5000 : i32
    %mul3A_2 = arith.muli %add3A, %mul3A_1 : i32
    "tpu.region"() ({
      %run_scoped3A = tpu.sem_alloc : memref<!tpu.dma_semaphore, #tpu.memory_space<semaphore_mem>>
      %dma_start3A_819 = tpu.memref_slice %arg2[%mul3A_2] : memref<160000xi32, #tpu.memory_space<hbm>> -> memref<5000xi32, #tpu.memory_space<hbm>>
      %dma_start3A_820 = tpu.memref_slice %arg2[%mul3A_2] : memref<160000xi32, #tpu.memory_space<hbm>> -> memref<5000xi32, #tpu.memory_space<hbm>>
      tpu.enqueue_dma source(%dma_start3A_820 : memref<5000xi32, #tpu.memory_space<hbm>>) target(%arg8 : memref<5000xi32, #tpu.memory_space<vmem>>) target_semaphore(%run_scoped3A : memref<!tpu.dma_semaphore, #tpu.memory_space<semaphore_mem>>)
      %dma_wait3A_821 = tpu.memref_slice %arg2[%mul3A_2] : memref<160000xi32, #tpu.memory_space<hbm>> -> memref<5000xi32, #tpu.memory_space<hbm>>
      %dma_wait3A_822 = tpu.memref_slice %arg2[%mul3A_2] : memref<160000xi32, #tpu.memory_space<hbm>> -> memref<5000xi32, #tpu.memory_space<hbm>>
      tpu.wait_dma2 semaphore(%run_scoped3A : memref<!tpu.dma_semaphore, #tpu.memory_space<semaphore_mem>>) src(%dma_wait3A_822 : memref<5000xi32, #tpu.memory_space<hbm>>) dst(%arg8 : memref<5000xi32, #tpu.memory_space<vmem>>)
      tpu.yield
    }) : () -> ()
    %dma_start3A = arith.constant 0 : i32
    %dma_start3A_3 = tpu.memref_slice %arg9[%dma_start3A] : memref<5000xf32, #tpu.memory_space<vmem>> -> memref<80xf32, #tpu.memory_space<vmem>>
    %dma_start3A_4 = arith.constant 0 : i32
    %dma_start3A_5 = tpu.memref_slice %arg8[%dma_start3A_4] : memref<5000xi32, #tpu.memory_space<vmem>> -> memref<80xi32, #tpu.memory_space<vmem>>
    %dma_start3A_6 = arith.constant 0 : i32
    %dma_start3A_7 = tpu.memref_slice %arg3[%dma_start3A_6] : memref<200000xf32, #tpu.memory_space<hbm>> -> memref<200000xf32, #tpu.memory_space<hbm>>
    tpu.enqueue_indirect_dma source(%dma_start3A_7 : memref<200000xf32, #tpu.memory_space<hbm>>) target(%dma_start3A_3 : memref<80xf32, #tpu.memory_space<vmem>>) offsets(%dma_start3A_5 : memref<80xi32, #tpu.memory_space<vmem>>) semaphore(%arg12 : memref<!tpu.dma_semaphore, #tpu.memory_space<semaphore_mem>>)
    %dma_start3A_8 = arith.constant 80 : i32
    %dma_start3A_9 = tpu.memref_slice %arg9[%dma_start3A_8] : memref<5000xf32, #tpu.memory_space<vmem>> -> memref<80xf32, #tpu.memory_space<vmem>>
    %dma_start3A_10 = arith.constant 80 : i32
    %dma_start3A_11 = tpu.memref_slice %arg8[%dma_start3A_10] : memref<5000xi32, #tpu.memory_space<vmem>> -> memref<80xi32, #tpu.memory_space<vmem>>
    %dma_start3A_12 = arith.constant 0 : i32
    %dma_start3A_13 = tpu.memref_slice %arg3[%dma_start3A_12] : memref<200000xf32, #tpu.memory_space<hbm>> -> memref<200000xf32, #tpu.memory_space<hbm>>
    tpu.enqueue_indirect_dma source(%dma_start3A_13 : memref<200000xf32, #tpu.memory_space<hbm>>) target(%dma_start3A_9 : memref<80xf32, #tpu.memory_space<vmem>>) offsets(%dma_start3A_11 : memref<80xi32, #tpu.memory_space<vmem>>) semaphore(%arg12 : memref<!tpu.dma_semaphore, #tpu.memory_space<semaphore_mem>>)
    %dma_start3A_14 = arith.constant 160 : i32
    %dma_start3A_15 = tpu.memref_slice %arg9[%dma_start3A_14] : memref<5000xf32, #tpu.memory_space<vmem>> -> memref<80xf32, #tpu.memory_space<vmem>>
    %dma_start3A_16 = arith.constant 160 : i32
    %dma_start3A_17 = tpu.memref_slice %arg8[%dma_start3A_16] : memref<5000xi32, #tpu.memory_space<vmem>> -> memref<80xi32, #tpu.memory_space<vmem>>
    %dma_start3A_18 = arith.constant 0 : i32
    %dma_start3A_19 = tpu.memref_slice %arg3[%dma_start3A_18] : memref<200000xf32, #tpu.memory_space<hbm>> -> memref<200000xf32, #tpu.memory_space<hbm>>
    tpu.enqueue_indirect_dma source(%dma_start3A_19 : memref<200000xf32, #tpu.memory_space<hbm>>) target(%dma_start3A_15 : memref<80xf32, #tpu.memory_space<vmem>>) offsets(%dma_start3A_17 : memref<80xi32, #tpu.memory_space<vmem>>) semaphore(%arg12 : memref<!tpu.dma_semaphore, #tpu.memory_space<semaphore_mem>>)
    %dma_start3A_20 = arith.constant 240 : i32
    %dma_start3A_21 = tpu.memref_slice %arg9[%dma_start3A_20] : memref<5000xf32, #tpu.memory_space<vmem>> -> memref<80xf32, #tpu.memory_space<vmem>>
    %dma_start3A_22 = arith.constant 240 : i32
    %dma_start3A_23 = tpu.memref_slice %arg8[%dma_start3A_22] : memref<5000xi32, #tpu.memory_space<vmem>> -> memref<80xi32, #tpu.memory_space<vmem>>
    %dma_start3A_24 = arith.constant 0 : i32
    %dma_start3A_25 = tpu.memref_slice %arg3[%dma_start3A_24] : memref<200000xf32, #tpu.memory_space<hbm>> -> memref<200000xf32, #tpu.memory_space<hbm>>
    tpu.enqueue_indirect_dma source(%dma_start3A_25 : memref<200000xf32, #tpu.memory_space<hbm>>) target(%dma_start3A_21 : memref<80xf32, #tpu.memory_space<vmem>>) offsets(%dma_start3A_23 : memref<80xi32, #tpu.memory_space<vmem>>) semaphore(%arg12 : memref<!tpu.dma_semaphore, #tpu.memory_space<semaphore_mem>>)
    %dma_start3A_26 = arith.constant 320 : i32
    %dma_start3A_27 = tpu.memref_slice %arg9[%dma_start3A_26] : memref<5000xf32, #tpu.memory_space<vmem>> -> memref<80xf32, #tpu.memory_space<vmem>>
    %dma_start3A_28 = arith.constant 320 : i32
    %dma_start3A_29 = tpu.memref_slice %arg8[%dma_start3A_28] : memref<5000xi32, #tpu.memory_space<vmem>> -> memref<80xi32, #tpu.memory_space<vmem>>
    %dma_start3A_30 = arith.constant 0 : i32
    %dma_start3A_31 = tpu.memref_slice %arg3[%dma_start3A_30] : memref<200000xf32, #tpu.memory_space<hbm>> -> memref<200000xf32, #tpu.memory_space<hbm>>
    tpu.enqueue_indirect_dma source(%dma_start3A_31 : memref<200000xf32, #tpu.memory_space<hbm>>) target(%dma_start3A_27 : memref<80xf32, #tpu.memory_space<vmem>>) offsets(%dma_start3A_29 : memref<80xi32, #tpu.memory_space<vmem>>) semaphore(%arg12 : memref<!tpu.dma_semaphore, #tpu.memory_space<semaphore_mem>>)
    %dma_start3A_32 = arith.constant 400 : i32
    %dma_start3A_33 = tpu.memref_slice %arg9[%dma_start3A_32] : memref<5000xf32, #tpu.memory_space<vmem>> -> memref<80xf32, #tpu.memory_space<vmem>>
    %dma_start3A_34 = arith.constant 400 : i32
    %dma_start3A_35 = tpu.memref_slice %arg8[%dma_start3A_34] : memref<5000xi32, #tpu.memory_space<vmem>> -> memref<80xi32, #tpu.memory_space<vmem>>
    %dma_start3A_36 = arith.constant 0 : i32
    %dma_start3A_37 = tpu.memref_slice %arg3[%dma_start3A_36] : memref<200000xf32, #tpu.memory_space<hbm>> -> memref<200000xf32, #tpu.memory_space<hbm>>
    tpu.enqueue_indirect_dma source(%dma_start3A_37 : memref<200000xf32, #tpu.memory_space<hbm>>) target(%dma_start3A_33 : memref<80xf32, #tpu.memory_space<vmem>>) offsets(%dma_start3A_35 : memref<80xi32, #tpu.memory_space<vmem>>) semaphore(%arg12 : memref<!tpu.dma_semaphore, #tpu.memory_space<semaphore_mem>>)
    %dma_start3A_38 = arith.constant 480 : i32
    %dma_start3A_39 = tpu.memref_slice %arg9[%dma_start3A_38] : memref<5000xf32, #tpu.memory_space<vmem>> -> memref<80xf32, #tpu.memory_space<vmem>>
    %dma_start3A_40 = arith.constant 480 : i32
    %dma_start3A_41 = tpu.memref_slice %arg8[%dma_start3A_40] : memref<5000xi32, #tpu.memory_space<vmem>> -> memref<80xi32, #tpu.memory_space<vmem>>
    %dma_start3A_42 = arith.constant 0 : i32
    %dma_start3A_43 = tpu.memref_slice %arg3[%dma_start3A_42] : memref<200000xf32, #tpu.memory_space<hbm>> -> memref<200000xf32, #tpu.memory_space<hbm>>
    tpu.enqueue_indirect_dma source(%dma_start3A_43 : memref<200000xf32, #tpu.memory_space<hbm>>) target(%dma_start3A_39 : memref<80xf32, #tpu.memory_space<vmem>>) offsets(%dma_start3A_41 : memref<80xi32, #tpu.memory_space<vmem>>) semaphore(%arg12 : memref<!tpu.dma_semaphore, #tpu.memory_space<semaphore_mem>>)
    %dma_start3A_44 = arith.constant 560 : i32
    %dma_start3A_45 = tpu.memref_slice %arg9[%dma_start3A_44] : memref<5000xf32, #tpu.memory_space<vmem>> -> memref<80xf32, #tpu.memory_space<vmem>>
    %dma_start3A_46 = arith.constant 560 : i32
    %dma_start3A_47 = tpu.memref_slice %arg8[%dma_start3A_46] : memref<5000xi32, #tpu.memory_space<vmem>> -> memref<80xi32, #tpu.memory_space<vmem>>
    %dma_start3A_48 = arith.constant 0 : i32
    %dma_start3A_49 = tpu.memref_slice %arg3[%dma_start3A_48] : memref<200000xf32, #tpu.memory_space<hbm>> -> memref<200000xf32, #tpu.memory_space<hbm>>
    tpu.enqueue_indirect_dma source(%dma_start3A_49 : memref<200000xf32, #tpu.memory_space<hbm>>) target(%dma_start3A_45 : memref<80xf32, #tpu.memory_space<vmem>>) offsets(%dma_start3A_47 : memref<80xi32, #tpu.memory_space<vmem>>) semaphore(%arg12 : memref<!tpu.dma_semaphore, #tpu.memory_space<semaphore_mem>>)
    %dma_wait3A = arith.constant 0 : i32
    %dma_wait3A_50 = tpu.memref_slice %arg9[%dma_wait3A] : memref<5000xf32, #tpu.memory_space<vmem>> -> memref<80xf32, #tpu.memory_space<vmem>>
    %dma_wait3A_51 = arith.constant 0 : i32
    %dma_wait3A_52 = tpu.memref_slice %arg8[%dma_wait3A_51] : memref<5000xi32, #tpu.memory_space<vmem>> -> memref<80xi32, #tpu.memory_space<vmem>>
    %dma_wait3A_53 = arith.constant 0 : i32
    %dma_wait3A_54 = tpu.memref_slice %arg3[%dma_wait3A_53] : memref<200000xf32, #tpu.memory_space<hbm>> -> memref<200000xf32, #tpu.memory_space<hbm>>
    tpu.wait_indirect_dma semaphore(%arg12 : memref<!tpu.dma_semaphore, #tpu.memory_space<semaphore_mem>>) src(%dma_wait3A_54 : memref<200000xf32, #tpu.memory_space<hbm>>) dst(%dma_wait3A_50 : memref<80xf32, #tpu.memory_space<vmem>>)
    %dma_wait3A_55 = arith.constant 80 : i32
    %dma_wait3A_56 = tpu.memref_slice %arg9[%dma_wait3A_55] : memref<5000xf32, #tpu.memory_space<vmem>> -> memref<80xf32, #tpu.memory_space<vmem>>
    %dma_wait3A_57 = arith.constant 80 : i32
    %dma_wait3A_58 = tpu.memref_slice %arg8[%dma_wait3A_57] : memref<5000xi32, #tpu.memory_space<vmem>> -> memref<80xi32, #tpu.memory_space<vmem>>
    %dma_wait3A_59 = arith.constant 0 : i32
    %dma_wait3A_60 = tpu.memref_slice %arg3[%dma_wait3A_59] : memref<200000xf32, #tpu.memory_space<hbm>> -> memref<200000xf32, #tpu.memory_space<hbm>>
    tpu.wait_indirect_dma semaphore(%arg12 : memref<!tpu.dma_semaphore, #tpu.memory_space<semaphore_mem>>) src(%dma_wait3A_60 : memref<200000xf32, #tpu.memory_space<hbm>>) dst(%dma_wait3A_56 : memref<80xf32, #tpu.memory_space<vmem>>)
    %dma_wait3A_61 = arith.constant 160 : i32
    %dma_wait3A_62 = tpu.memref_slice %arg9[%dma_wait3A_61] : memref<5000xf32, #tpu.memory_space<vmem>> -> memref<80xf32, #tpu.memory_space<vmem>>
    %dma_wait3A_63 = arith.constant 160 : i32
    %dma_wait3A_64 = tpu.memref_slice %arg8[%dma_wait3A_63] : memref<5000xi32, #tpu.memory_space<vmem>> -> memref<80xi32, #tpu.memory_space<vmem>>
    %dma_wait3A_65 = arith.constant 0 : i32
    %dma_wait3A_66 = tpu.memref_slice %arg3[%dma_wait3A_65] : memref<200000xf32, #tpu.memory_space<hbm>> -> memref<200000xf32, #tpu.memory_space<hbm>>
    tpu.wait_indirect_dma semaphore(%arg12 : memref<!tpu.dma_semaphore, #tpu.memory_space<semaphore_mem>>) src(%dma_wait3A_66 : memref<200000xf32, #tpu.memory_space<hbm>>) dst(%dma_wait3A_62 : memref<80xf32, #tpu.memory_space<vmem>>)
    %dma_wait3A_67 = arith.constant 240 : i32
    %dma_wait3A_68 = tpu.memref_slice %arg9[%dma_wait3A_67] : memref<5000xf32, #tpu.memory_space<vmem>> -> memref<80xf32, #tpu.memory_space<vmem>>
    %dma_wait3A_69 = arith.constant 240 : i32
    %dma_wait3A_70 = tpu.memref_slice %arg8[%dma_wait3A_69] : memref<5000xi32, #tpu.memory_space<vmem>> -> memref<80xi32, #tpu.memory_space<vmem>>
    %dma_wait3A_71 = arith.constant 0 : i32
    %dma_wait3A_72 = tpu.memref_slice %arg3[%dma_wait3A_71] : memref<200000xf32, #tpu.memory_space<hbm>> -> memref<200000xf32, #tpu.memory_space<hbm>>
    tpu.wait_indirect_dma semaphore(%arg12 : memref<!tpu.dma_semaphore, #tpu.memory_space<semaphore_mem>>) src(%dma_wait3A_72 : memref<200000xf32, #tpu.memory_space<hbm>>) dst(%dma_wait3A_68 : memref<80xf32, #tpu.memory_space<vmem>>)
    %dma_wait3A_73 = arith.constant 320 : i32
    %dma_wait3A_74 = tpu.memref_slice %arg9[%dma_wait3A_73] : memref<5000xf32, #tpu.memory_space<vmem>> -> memref<80xf32, #tpu.memory_space<vmem>>
    %dma_wait3A_75 = arith.constant 320 : i32
    %dma_wait3A_76 = tpu.memref_slice %arg8[%dma_wait3A_75] : memref<5000xi32, #tpu.memory_space<vmem>> -> memref<80xi32, #tpu.memory_space<vmem>>
    %dma_wait3A_77 = arith.constant 0 : i32
    %dma_wait3A_78 = tpu.memref_slice %arg3[%dma_wait3A_77] : memref<200000xf32, #tpu.memory_space<hbm>> -> memref<200000xf32, #tpu.memory_space<hbm>>
    tpu.wait_indirect_dma semaphore(%arg12 : memref<!tpu.dma_semaphore, #tpu.memory_space<semaphore_mem>>) src(%dma_wait3A_78 : memref<200000xf32, #tpu.memory_space<hbm>>) dst(%dma_wait3A_74 : memref<80xf32, #tpu.memory_space<vmem>>)
    %dma_wait3A_79 = arith.constant 400 : i32
    %dma_wait3A_80 = tpu.memref_slice %arg9[%dma_wait3A_79] : memref<5000xf32, #tpu.memory_space<vmem>> -> memref<80xf32, #tpu.memory_space<vmem>>
    %dma_wait3A_81 = arith.constant 400 : i32
    %dma_wait3A_82 = tpu.memref_slice %arg8[%dma_wait3A_81] : memref<5000xi32, #tpu.memory_space<vmem>> -> memref<80xi32, #tpu.memory_space<vmem>>
    %dma_wait3A_83 = arith.constant 0 : i32
    %dma_wait3A_84 = tpu.memref_slice %arg3[%dma_wait3A_83] : memref<200000xf32, #tpu.memory_space<hbm>> -> memref<200000xf32, #tpu.memory_space<hbm>>
    tpu.wait_indirect_dma semaphore(%arg12 : memref<!tpu.dma_semaphore, #tpu.memory_space<semaphore_mem>>) src(%dma_wait3A_84 : memref<200000xf32, #tpu.memory_space<hbm>>) dst(%dma_wait3A_80 : memref<80xf32, #tpu.memory_space<vmem>>)
    %dma_wait3A_85 = arith.constant 480 : i32
    %dma_wait3A_86 = tpu.memref_slice %arg9[%dma_wait3A_85] : memref<5000xf32, #tpu.memory_space<vmem>> -> memref<80xf32, #tpu.memory_space<vmem>>
    %dma_wait3A_87 = arith.constant 480 : i32
    %dma_wait3A_88 = tpu.memref_slice %arg8[%dma_wait3A_87] : memref<5000xi32, #tpu.memory_space<vmem>> -> memref<80xi32, #tpu.memory_space<vmem>>
    %dma_wait3A_89 = arith.constant 0 : i32
    %dma_wait3A_90 = tpu.memref_slice %arg3[%dma_wait3A_89] : memref<200000xf32, #tpu.memory_space<hbm>> -> memref<200000xf32, #tpu.memory_space<hbm>>
    tpu.wait_indirect_dma semaphore(%arg12 : memref<!tpu.dma_semaphore, #tpu.memory_space<semaphore_mem>>) src(%dma_wait3A_90 : memref<200000xf32, #tpu.memory_space<hbm>>) dst(%dma_wait3A_86 : memref<80xf32, #tpu.memory_space<vmem>>)
    %dma_wait3A_91 = arith.constant 560 : i32
    %dma_wait3A_92 = tpu.memref_slice %arg9[%dma_wait3A_91] : memref<5000xf32, #tpu.memory_space<vmem>> -> memref<80xf32, #tpu.memory_space<vmem>>
    %dma_wait3A_93 = arith.constant 560 : i32
    %dma_wait3A_94 = tpu.memref_slice %arg8[%dma_wait3A_93] : memref<5000xi32, #tpu.memory_space<vmem>> -> memref<80xi32, #tpu.memory_space<vmem>>
    %dma_wait3A_95 = arith.constant 0 : i32
    %dma_wait3A_96 = tpu.memref_slice %arg3[%dma_wait3A_95] : memref<200000xf32, #tpu.memory_space<hbm>> -> memref<200000xf32, #tpu.memory_space<hbm>>
    tpu.wait_indirect_dma semaphore(%arg12 : memref<!tpu.dma_semaphore, #tpu.memory_space<semaphore_mem>>) src(%dma_wait3A_96 : memref<200000xf32, #tpu.memory_space<hbm>>) dst(%dma_wait3A_92 : memref<80xf32, #tpu.memory_space<vmem>>)
    %dma_start3A_97 = arith.constant 640 : i32
    %dma_start3A_98 = tpu.memref_slice %arg9[%dma_start3A_97] : memref<5000xf32, #tpu.memory_space<vmem>> -> memref<80xf32, #tpu.memory_space<vmem>>
    %dma_start3A_99 = arith.constant 640 : i32
    %dma_start3A_100 = tpu.memref_slice %arg8[%dma_start3A_99] : memref<5000xi32, #tpu.memory_space<vmem>> -> memref<80xi32, #tpu.memory_space<vmem>>
    %dma_start3A_101 = arith.constant 0 : i32
    %dma_start3A_102 = tpu.memref_slice %arg3[%dma_start3A_101] : memref<200000xf32, #tpu.memory_space<hbm>> -> memref<200000xf32, #tpu.memory_space<hbm>>
    tpu.enqueue_indirect_dma source(%dma_start3A_102 : memref<200000xf32, #tpu.memory_space<hbm>>) target(%dma_start3A_98 : memref<80xf32, #tpu.memory_space<vmem>>) offsets(%dma_start3A_100 : memref<80xi32, #tpu.memory_space<vmem>>) semaphore(%arg12 : memref<!tpu.dma_semaphore, #tpu.memory_space<semaphore_mem>>)
    %dma_start3A_103 = arith.constant 720 : i32
    %dma_start3A_104 = tpu.memref_slice %arg9[%dma_start3A_103] : memref<5000xf32, #tpu.memory_space<vmem>> -> memref<80xf32, #tpu.memory_space<vmem>>
    %dma_start3A_105 = arith.constant 720 : i32
    %dma_start3A_106 = tpu.memref_slice %arg8[%dma_start3A_105] : memref<5000xi32, #tpu.memory_space<vmem>> -> memref<80xi32, #tpu.memory_space<vmem>>
    %dma_start3A_107 = arith.constant 0 : i32
    %dma_start3A_108 = tpu.memref_slice %arg3[%dma_start3A_107] : memref<200000xf32, #tpu.memory_space<hbm>> -> memref<200000xf32, #tpu.memory_space<hbm>>
    tpu.enqueue_indirect_dma source(%dma_start3A_108 : memref<200000xf32, #tpu.memory_space<hbm>>) target(%dma_start3A_104 : memref<80xf32, #tpu.memory_space<vmem>>) offsets(%dma_start3A_106 : memref<80xi32, #tpu.memory_space<vmem>>) semaphore(%arg12 : memref<!tpu.dma_semaphore, #tpu.memory_space<semaphore_mem>>)
    %dma_start3A_109 = arith.constant 800 : i32
    %dma_start3A_110 = tpu.memref_slice %arg9[%dma_start3A_109] : memref<5000xf32, #tpu.memory_space<vmem>> -> memref<80xf32, #tpu.memory_space<vmem>>
    %dma_start3A_111 = arith.constant 800 : i32
    %dma_start3A_112 = tpu.memref_slice %arg8[%dma_start3A_111] : memref<5000xi32, #tpu.memory_space<vmem>> -> memref<80xi32, #tpu.memory_space<vmem>>
    %dma_start3A_113 = arith.constant 0 : i32
    %dma_start3A_114 = tpu.memref_slice %arg3[%dma_start3A_113] : memref<200000xf32, #tpu.memory_space<hbm>> -> memref<200000xf32, #tpu.memory_space<hbm>>
    tpu.enqueue_indirect_dma source(%dma_start3A_114 : memref<200000xf32, #tpu.memory_space<hbm>>) target(%dma_start3A_110 : memref<80xf32, #tpu.memory_space<vmem>>) offsets(%dma_start3A_112 : memref<80xi32, #tpu.memory_space<vmem>>) semaphore(%arg12 : memref<!tpu.dma_semaphore, #tpu.memory_space<semaphore_mem>>)
    %dma_start3A_115 = arith.constant 880 : i32
    %dma_start3A_116 = tpu.memref_slice %arg9[%dma_start3A_115] : memref<5000xf32, #tpu.memory_space<vmem>> -> memref<80xf32, #tpu.memory_space<vmem>>
    %dma_start3A_117 = arith.constant 880 : i32
    %dma_start3A_118 = tpu.memref_slice %arg8[%dma_start3A_117] : memref<5000xi32, #tpu.memory_space<vmem>> -> memref<80xi32, #tpu.memory_space<vmem>>
    %dma_start3A_119 = arith.constant 0 : i32
    %dma_start3A_120 = tpu.memref_slice %arg3[%dma_start3A_119] : memref<200000xf32, #tpu.memory_space<hbm>> -> memref<200000xf32, #tpu.memory_space<hbm>>
    tpu.enqueue_indirect_dma source(%dma_start3A_120 : memref<200000xf32, #tpu.memory_space<hbm>>) target(%dma_start3A_116 : memref<80xf32, #tpu.memory_space<vmem>>) offsets(%dma_start3A_118 : memref<80xi32, #tpu.memory_space<vmem>>) semaphore(%arg12 : memref<!tpu.dma_semaphore, #tpu.memory_space<semaphore_mem>>)
    %dma_start3A_121 = arith.constant 960 : i32
    %dma_start3A_122 = tpu.memref_slice %arg9[%dma_start3A_121] : memref<5000xf32, #tpu.memory_space<vmem>> -> memref<80xf32, #tpu.memory_space<vmem>>
    %dma_start3A_123 = arith.constant 960 : i32
    %dma_start3A_124 = tpu.memref_slice %arg8[%dma_start3A_123] : memref<5000xi32, #tpu.memory_space<vmem>> -> memref<80xi32, #tpu.memory_space<vmem>>
    %dma_start3A_125 = arith.constant 0 : i32
    %dma_start3A_126 = tpu.memref_slice %arg3[%dma_start3A_125] : memref<200000xf32, #tpu.memory_space<hbm>> -> memref<200000xf32, #tpu.memory_space<hbm>>
    tpu.enqueue_indirect_dma source(%dma_start3A_126 : memref<200000xf32, #tpu.memory_space<hbm>>) target(%dma_start3A_122 : memref<80xf32, #tpu.memory_space<vmem>>) offsets(%dma_start3A_124 : memref<80xi32, #tpu.memory_space<vmem>>) semaphore(%arg12 : memref<!tpu.dma_semaphore, #tpu.memory_space<semaphore_mem>>)
    %dma_start3A_127 = arith.constant 1040 : i32
    %dma_start3A_128 = tpu.memref_slice %arg9[%dma_start3A_127] : memref<5000xf32, #tpu.memory_space<vmem>> -> memref<80xf32, #tpu.memory_space<vmem>>
    %dma_start3A_129 = arith.constant 1040 : i32
    %dma_start3A_130 = tpu.memref_slice %arg8[%dma_start3A_129] : memref<5000xi32, #tpu.memory_space<vmem>> -> memref<80xi32, #tpu.memory_space<vmem>>
    %dma_start3A_131 = arith.constant 0 : i32
    %dma_start3A_132 = tpu.memref_slice %arg3[%dma_start3A_131] : memref<200000xf32, #tpu.memory_space<hbm>> -> memref<200000xf32, #tpu.memory_space<hbm>>
    tpu.enqueue_indirect_dma source(%dma_start3A_132 : memref<200000xf32, #tpu.memory_space<hbm>>) target(%dma_start3A_128 : memref<80xf32, #tpu.memory_space<vmem>>) offsets(%dma_start3A_130 : memref<80xi32, #tpu.memory_space<vmem>>) semaphore(%arg12 : memref<!tpu.dma_semaphore, #tpu.memory_space<semaphore_mem>>)
    %dma_start3A_133 = arith.constant 1120 : i32
    %dma_start3A_134 = tpu.memref_slice %arg9[%dma_start3A_133] : memref<5000xf32, #tpu.memory_space<vmem>> -> memref<80xf32, #tpu.memory_space<vmem>>
    %dma_start3A_135 = arith.constant 1120 : i32
    %dma_start3A_136 = tpu.memref_slice %arg8[%dma_start3A_135] : memref<5000xi32, #tpu.memory_space<vmem>> -> memref<80xi32, #tpu.memory_space<vmem>>
    %dma_start3A_137 = arith.constant 0 : i32
    %dma_start3A_138 = tpu.memref_slice %arg3[%dma_start3A_137] : memref<200000xf32, #tpu.memory_space<hbm>> -> memref<200000xf32, #tpu.memory_space<hbm>>
    tpu.enqueue_indirect_dma source(%dma_start3A_138 : memref<200000xf32, #tpu.memory_space<hbm>>) target(%dma_start3A_134 : memref<80xf32, #tpu.memory_space<vmem>>) offsets(%dma_start3A_136 : memref<80xi32, #tpu.memory_space<vmem>>) semaphore(%arg12 : memref<!tpu.dma_semaphore, #tpu.memory_space<semaphore_mem>>)
    %dma_start3A_139 = arith.constant 1200 : i32
    %dma_start3A_140 = tpu.memref_slice %arg9[%dma_start3A_139] : memref<5000xf32, #tpu.memory_space<vmem>> -> memref<80xf32, #tpu.memory_space<vmem>>
    %dma_start3A_141 = arith.constant 1200 : i32
    %dma_start3A_142 = tpu.memref_slice %arg8[%dma_start3A_141] : memref<5000xi32, #tpu.memory_space<vmem>> -> memref<80xi32, #tpu.memory_space<vmem>>
    %dma_start3A_143 = arith.constant 0 : i32
    %dma_start3A_144 = tpu.memref_slice %arg3[%dma_start3A_143] : memref<200000xf32, #tpu.memory_space<hbm>> -> memref<200000xf32, #tpu.memory_space<hbm>>
    tpu.enqueue_indirect_dma source(%dma_start3A_144 : memref<200000xf32, #tpu.memory_space<hbm>>) target(%dma_start3A_140 : memref<80xf32, #tpu.memory_space<vmem>>) offsets(%dma_start3A_142 : memref<80xi32, #tpu.memory_space<vmem>>) semaphore(%arg12 : memref<!tpu.dma_semaphore, #tpu.memory_space<semaphore_mem>>)
    %dma_wait3A_145 = arith.constant 640 : i32
    %dma_wait3A_146 = tpu.memref_slice %arg9[%dma_wait3A_145] : memref<5000xf32, #tpu.memory_space<vmem>> -> memref<80xf32, #tpu.memory_space<vmem>>
    %dma_wait3A_147 = arith.constant 640 : i32
    %dma_wait3A_148 = tpu.memref_slice %arg8[%dma_wait3A_147] : memref<5000xi32, #tpu.memory_space<vmem>> -> memref<80xi32, #tpu.memory_space<vmem>>
    %dma_wait3A_149 = arith.constant 0 : i32
    %dma_wait3A_150 = tpu.memref_slice %arg3[%dma_wait3A_149] : memref<200000xf32, #tpu.memory_space<hbm>> -> memref<200000xf32, #tpu.memory_space<hbm>>
    tpu.wait_indirect_dma semaphore(%arg12 : memref<!tpu.dma_semaphore, #tpu.memory_space<semaphore_mem>>) src(%dma_wait3A_150 : memref<200000xf32, #tpu.memory_space<hbm>>) dst(%dma_wait3A_146 : memref<80xf32, #tpu.memory_space<vmem>>)
    %dma_wait3A_151 = arith.constant 720 : i32
    %dma_wait3A_152 = tpu.memref_slice %arg9[%dma_wait3A_151] : memref<5000xf32, #tpu.memory_space<vmem>> -> memref<80xf32, #tpu.memory_space<vmem>>
    %dma_wait3A_153 = arith.constant 720 : i32
    %dma_wait3A_154 = tpu.memref_slice %arg8[%dma_wait3A_153] : memref<5000xi32, #tpu.memory_space<vmem>> -> memref<80xi32, #tpu.memory_space<vmem>>
    %dma_wait3A_155 = arith.constant 0 : i32
    %dma_wait3A_156 = tpu.memref_slice %arg3[%dma_wait3A_155] : memref<200000xf32, #tpu.memory_space<hbm>> -> memref<200000xf32, #tpu.memory_space<hbm>>
    tpu.wait_indirect_dma semaphore(%arg12 : memref<!tpu.dma_semaphore, #tpu.memory_space<semaphore_mem>>) src(%dma_wait3A_156 : memref<200000xf32, #tpu.memory_space<hbm>>) dst(%dma_wait3A_152 : memref<80xf32, #tpu.memory_space<vmem>>)
    %dma_wait3A_157 = arith.constant 800 : i32
    %dma_wait3A_158 = tpu.memref_slice %arg9[%dma_wait3A_157] : memref<5000xf32, #tpu.memory_space<vmem>> -> memref<80xf32, #tpu.memory_space<vmem>>
    %dma_wait3A_159 = arith.constant 800 : i32
    %dma_wait3A_160 = tpu.memref_slice %arg8[%dma_wait3A_159] : memref<5000xi32, #tpu.memory_space<vmem>> -> memref<80xi32, #tpu.memory_space<vmem>>
    %dma_wait3A_161 = arith.constant 0 : i32
    %dma_wait3A_162 = tpu.memref_slice %arg3[%dma_wait3A_161] : memref<200000xf32, #tpu.memory_space<hbm>> -> memref<200000xf32, #tpu.memory_space<hbm>>
    tpu.wait_indirect_dma semaphore(%arg12 : memref<!tpu.dma_semaphore, #tpu.memory_space<semaphore_mem>>) src(%dma_wait3A_162 : memref<200000xf32, #tpu.memory_space<hbm>>) dst(%dma_wait3A_158 : memref<80xf32, #tpu.memory_space<vmem>>)
    %dma_wait3A_163 = arith.constant 880 : i32
    %dma_wait3A_164 = tpu.memref_slice %arg9[%dma_wait3A_163] : memref<5000xf32, #tpu.memory_space<vmem>> -> memref<80xf32, #tpu.memory_space<vmem>>
    %dma_wait3A_165 = arith.constant 880 : i32
    %dma_wait3A_166 = tpu.memref_slice %arg8[%dma_wait3A_165] : memref<5000xi32, #tpu.memory_space<vmem>> -> memref<80xi32, #tpu.memory_space<vmem>>
    %dma_wait3A_167 = arith.constant 0 : i32
    %dma_wait3A_168 = tpu.memref_slice %arg3[%dma_wait3A_167] : memref<200000xf32, #tpu.memory_space<hbm>> -> memref<200000xf32, #tpu.memory_space<hbm>>
    tpu.wait_indirect_dma semaphore(%arg12 : memref<!tpu.dma_semaphore, #tpu.memory_space<semaphore_mem>>) src(%dma_wait3A_168 : memref<200000xf32, #tpu.memory_space<hbm>>) dst(%dma_wait3A_164 : memref<80xf32, #tpu.memory_space<vmem>>)
    %dma_wait3A_169 = arith.constant 960 : i32
    %dma_wait3A_170 = tpu.memref_slice %arg9[%dma_wait3A_169] : memref<5000xf32, #tpu.memory_space<vmem>> -> memref<80xf32, #tpu.memory_space<vmem>>
    %dma_wait3A_171 = arith.constant 960 : i32
    %dma_wait3A_172 = tpu.memref_slice %arg8[%dma_wait3A_171] : memref<5000xi32, #tpu.memory_space<vmem>> -> memref<80xi32, #tpu.memory_space<vmem>>
    %dma_wait3A_173 = arith.constant 0 : i32
    %dma_wait3A_174 = tpu.memref_slice %arg3[%dma_wait3A_173] : memref<200000xf32, #tpu.memory_space<hbm>> -> memref<200000xf32, #tpu.memory_space<hbm>>
    tpu.wait_indirect_dma semaphore(%arg12 : memref<!tpu.dma_semaphore, #tpu.memory_space<semaphore_mem>>) src(%dma_wait3A_174 : memref<200000xf32, #tpu.memory_space<hbm>>) dst(%dma_wait3A_170 : memref<80xf32, #tpu.memory_space<vmem>>)
    %dma_wait3A_175 = arith.constant 1040 : i32
    %dma_wait3A_176 = tpu.memref_slice %arg9[%dma_wait3A_175] : memref<5000xf32, #tpu.memory_space<vmem>> -> memref<80xf32, #tpu.memory_space<vmem>>
    %dma_wait3A_177 = arith.constant 1040 : i32
    %dma_wait3A_178 = tpu.memref_slice %arg8[%dma_wait3A_177] : memref<5000xi32, #tpu.memory_space<vmem>> -> memref<80xi32, #tpu.memory_space<vmem>>
    %dma_wait3A_179 = arith.constant 0 : i32
    %dma_wait3A_180 = tpu.memref_slice %arg3[%dma_wait3A_179] : memref<200000xf32, #tpu.memory_space<hbm>> -> memref<200000xf32, #tpu.memory_space<hbm>>
    tpu.wait_indirect_dma semaphore(%arg12 : memref<!tpu.dma_semaphore, #tpu.memory_space<semaphore_mem>>) src(%dma_wait3A_180 : memref<200000xf32, #tpu.memory_space<hbm>>) dst(%dma_wait3A_176 : memref<80xf32, #tpu.memory_space<vmem>>)
    %dma_wait3A_181 = arith.constant 1120 : i32
    %dma_wait3A_182 = tpu.memref_slice %arg9[%dma_wait3A_181] : memref<5000xf32, #tpu.memory_space<vmem>> -> memref<80xf32, #tpu.memory_space<vmem>>
    %dma_wait3A_183 = arith.constant 1120 : i32
    %dma_wait3A_184 = tpu.memref_slice %arg8[%dma_wait3A_183] : memref<5000xi32, #tpu.memory_space<vmem>> -> memref<80xi32, #tpu.memory_space<vmem>>
    %dma_wait3A_185 = arith.constant 0 : i32
    %dma_wait3A_186 = tpu.memref_slice %arg3[%dma_wait3A_185] : memref<200000xf32, #tpu.memory_space<hbm>> -> memref<200000xf32, #tpu.memory_space<hbm>>
    tpu.wait_indirect_dma semaphore(%arg12 : memref<!tpu.dma_semaphore, #tpu.memory_space<semaphore_mem>>) src(%dma_wait3A_186 : memref<200000xf32, #tpu.memory_space<hbm>>) dst(%dma_wait3A_182 : memref<80xf32, #tpu.memory_space<vmem>>)
    %dma_wait3A_187 = arith.constant 1200 : i32
    %dma_wait3A_188 = tpu.memref_slice %arg9[%dma_wait3A_187] : memref<5000xf32, #tpu.memory_space<vmem>> -> memref<80xf32, #tpu.memory_space<vmem>>
    %dma_wait3A_189 = arith.constant 1200 : i32
    %dma_wait3A_190 = tpu.memref_slice %arg8[%dma_wait3A_189] : memref<5000xi32, #tpu.memory_space<vmem>> -> memref<80xi32, #tpu.memory_space<vmem>>
    %dma_wait3A_191 = arith.constant 0 : i32
    %dma_wait3A_192 = tpu.memref_slice %arg3[%dma_wait3A_191] : memref<200000xf32, #tpu.memory_space<hbm>> -> memref<200000xf32, #tpu.memory_space<hbm>>
    tpu.wait_indirect_dma semaphore(%arg12 : memref<!tpu.dma_semaphore, #tpu.memory_space<semaphore_mem>>) src(%dma_wait3A_192 : memref<200000xf32, #tpu.memory_space<hbm>>) dst(%dma_wait3A_188 : memref<80xf32, #tpu.memory_space<vmem>>)
    %dma_start3A_193 = arith.constant 1280 : i32
    %dma_start3A_194 = tpu.memref_slice %arg9[%dma_start3A_193] : memref<5000xf32, #tpu.memory_space<vmem>> -> memref<80xf32, #tpu.memory_space<vmem>>
    %dma_start3A_195 = arith.constant 1280 : i32
    %dma_start3A_196 = tpu.memref_slice %arg8[%dma_start3A_195] : memref<5000xi32, #tpu.memory_space<vmem>> -> memref<80xi32, #tpu.memory_space<vmem>>
    %dma_start3A_197 = arith.constant 0 : i32
    %dma_start3A_198 = tpu.memref_slice %arg3[%dma_start3A_197] : memref<200000xf32, #tpu.memory_space<hbm>> -> memref<200000xf32, #tpu.memory_space<hbm>>
    tpu.enqueue_indirect_dma source(%dma_start3A_198 : memref<200000xf32, #tpu.memory_space<hbm>>) target(%dma_start3A_194 : memref<80xf32, #tpu.memory_space<vmem>>) offsets(%dma_start3A_196 : memref<80xi32, #tpu.memory_space<vmem>>) semaphore(%arg12 : memref<!tpu.dma_semaphore, #tpu.memory_space<semaphore_mem>>)
    %dma_start3A_199 = arith.constant 1360 : i32
    %dma_start3A_200 = tpu.memref_slice %arg9[%dma_start3A_199] : memref<5000xf32, #tpu.memory_space<vmem>> -> memref<80xf32, #tpu.memory_space<vmem>>
    %dma_start3A_201 = arith.constant 1360 : i32
    %dma_start3A_202 = tpu.memref_slice %arg8[%dma_start3A_201] : memref<5000xi32, #tpu.memory_space<vmem>> -> memref<80xi32, #tpu.memory_space<vmem>>
    %dma_start3A_203 = arith.constant 0 : i32
    %dma_start3A_204 = tpu.memref_slice %arg3[%dma_start3A_203] : memref<200000xf32, #tpu.memory_space<hbm>> -> memref<200000xf32, #tpu.memory_space<hbm>>
    tpu.enqueue_indirect_dma source(%dma_start3A_204 : memref<200000xf32, #tpu.memory_space<hbm>>) target(%dma_start3A_200 : memref<80xf32, #tpu.memory_space<vmem>>) offsets(%dma_start3A_202 : memref<80xi32, #tpu.memory_space<vmem>>) semaphore(%arg12 : memref<!tpu.dma_semaphore, #tpu.memory_space<semaphore_mem>>)
    %dma_start3A_205 = arith.constant 1440 : i32
    %dma_start3A_206 = tpu.memref_slice %arg9[%dma_start3A_205] : memref<5000xf32, #tpu.memory_space<vmem>> -> memref<80xf32, #tpu.memory_space<vmem>>
    %dma_start3A_207 = arith.constant 1440 : i32
    %dma_start3A_208 = tpu.memref_slice %arg8[%dma_start3A_207] : memref<5000xi32, #tpu.memory_space<vmem>> -> memref<80xi32, #tpu.memory_space<vmem>>
    %dma_start3A_209 = arith.constant 0 : i32
    %dma_start3A_210 = tpu.memref_slice %arg3[%dma_start3A_209] : memref<200000xf32, #tpu.memory_space<hbm>> -> memref<200000xf32, #tpu.memory_space<hbm>>
    tpu.enqueue_indirect_dma source(%dma_start3A_210 : memref<200000xf32, #tpu.memory_space<hbm>>) target(%dma_start3A_206 : memref<80xf32, #tpu.memory_space<vmem>>) offsets(%dma_start3A_208 : memref<80xi32, #tpu.memory_space<vmem>>) semaphore(%arg12 : memref<!tpu.dma_semaphore, #tpu.memory_space<semaphore_mem>>)
    %dma_start3A_211 = arith.constant 1520 : i32
    %dma_start3A_212 = tpu.memref_slice %arg9[%dma_start3A_211] : memref<5000xf32, #tpu.memory_space<vmem>> -> memref<80xf32, #tpu.memory_space<vmem>>
    %dma_start3A_213 = arith.constant 1520 : i32
    %dma_start3A_214 = tpu.memref_slice %arg8[%dma_start3A_213] : memref<5000xi32, #tpu.memory_space<vmem>> -> memref<80xi32, #tpu.memory_space<vmem>>
    %dma_start3A_215 = arith.constant 0 : i32
    %dma_start3A_216 = tpu.memref_slice %arg3[%dma_start3A_215] : memref<200000xf32, #tpu.memory_space<hbm>> -> memref<200000xf32, #tpu.memory_space<hbm>>
    tpu.enqueue_indirect_dma source(%dma_start3A_216 : memref<200000xf32, #tpu.memory_space<hbm>>) target(%dma_start3A_212 : memref<80xf32, #tpu.memory_space<vmem>>) offsets(%dma_start3A_214 : memref<80xi32, #tpu.memory_space<vmem>>) semaphore(%arg12 : memref<!tpu.dma_semaphore, #tpu.memory_space<semaphore_mem>>)
    %dma_start3A_217 = arith.constant 1600 : i32
    %dma_start3A_218 = tpu.memref_slice %arg9[%dma_start3A_217] : memref<5000xf32, #tpu.memory_space<vmem>> -> memref<80xf32, #tpu.memory_space<vmem>>
    %dma_start3A_219 = arith.constant 1600 : i32
    %dma_start3A_220 = tpu.memref_slice %arg8[%dma_start3A_219] : memref<5000xi32, #tpu.memory_space<vmem>> -> memref<80xi32, #tpu.memory_space<vmem>>
    %dma_start3A_221 = arith.constant 0 : i32
    %dma_start3A_222 = tpu.memref_slice %arg3[%dma_start3A_221] : memref<200000xf32, #tpu.memory_space<hbm>> -> memref<200000xf32, #tpu.memory_space<hbm>>
    tpu.enqueue_indirect_dma source(%dma_start3A_222 : memref<200000xf32, #tpu.memory_space<hbm>>) target(%dma_start3A_218 : memref<80xf32, #tpu.memory_space<vmem>>) offsets(%dma_start3A_220 : memref<80xi32, #tpu.memory_space<vmem>>) semaphore(%arg12 : memref<!tpu.dma_semaphore, #tpu.memory_space<semaphore_mem>>)
    %dma_start3A_223 = arith.constant 1680 : i32
    %dma_start3A_224 = tpu.memref_slice %arg9[%dma_start3A_223] : memref<5000xf32, #tpu.memory_space<vmem>> -> memref<80xf32, #tpu.memory_space<vmem>>
    %dma_start3A_225 = arith.constant 1680 : i32
    %dma_start3A_226 = tpu.memref_slice %arg8[%dma_start3A_225] : memref<5000xi32, #tpu.memory_space<vmem>> -> memref<80xi32, #tpu.memory_space<vmem>>
    %dma_start3A_227 = arith.constant 0 : i32
    %dma_start3A_228 = tpu.memref_slice %arg3[%dma_start3A_227] : memref<200000xf32, #tpu.memory_space<hbm>> -> memref<200000xf32, #tpu.memory_space<hbm>>
    tpu.enqueue_indirect_dma source(%dma_start3A_228 : memref<200000xf32, #tpu.memory_space<hbm>>) target(%dma_start3A_224 : memref<80xf32, #tpu.memory_space<vmem>>) offsets(%dma_start3A_226 : memref<80xi32, #tpu.memory_space<vmem>>) semaphore(%arg12 : memref<!tpu.dma_semaphore, #tpu.memory_space<semaphore_mem>>)
    %dma_start3A_229 = arith.constant 1760 : i32
    %dma_start3A_230 = tpu.memref_slice %arg9[%dma_start3A_229] : memref<5000xf32, #tpu.memory_space<vmem>> -> memref<80xf32, #tpu.memory_space<vmem>>
    %dma_start3A_231 = arith.constant 1760 : i32
    %dma_start3A_232 = tpu.memref_slice %arg8[%dma_start3A_231] : memref<5000xi32, #tpu.memory_space<vmem>> -> memref<80xi32, #tpu.memory_space<vmem>>
    %dma_start3A_233 = arith.constant 0 : i32
    %dma_start3A_234 = tpu.memref_slice %arg3[%dma_start3A_233] : memref<200000xf32, #tpu.memory_space<hbm>> -> memref<200000xf32, #tpu.memory_space<hbm>>
    tpu.enqueue_indirect_dma source(%dma_start3A_234 : memref<200000xf32, #tpu.memory_space<hbm>>) target(%dma_start3A_230 : memref<80xf32, #tpu.memory_space<vmem>>) offsets(%dma_start3A_232 : memref<80xi32, #tpu.memory_space<vmem>>) semaphore(%arg12 : memref<!tpu.dma_semaphore, #tpu.memory_space<semaphore_mem>>)
    %dma_start3A_235 = arith.constant 1840 : i32
    %dma_start3A_236 = tpu.memref_slice %arg9[%dma_start3A_235] : memref<5000xf32, #tpu.memory_space<vmem>> -> memref<80xf32, #tpu.memory_space<vmem>>
    %dma_start3A_237 = arith.constant 1840 : i32
    %dma_start3A_238 = tpu.memref_slice %arg8[%dma_start3A_237] : memref<5000xi32, #tpu.memory_space<vmem>> -> memref<80xi32, #tpu.memory_space<vmem>>
    %dma_start3A_239 = arith.constant 0 : i32
    %dma_start3A_240 = tpu.memref_slice %arg3[%dma_start3A_239] : memref<200000xf32, #tpu.memory_space<hbm>> -> memref<200000xf32, #tpu.memory_space<hbm>>
    tpu.enqueue_indirect_dma source(%dma_start3A_240 : memref<200000xf32, #tpu.memory_space<hbm>>) target(%dma_start3A_236 : memref<80xf32, #tpu.memory_space<vmem>>) offsets(%dma_start3A_238 : memref<80xi32, #tpu.memory_space<vmem>>) semaphore(%arg12 : memref<!tpu.dma_semaphore, #tpu.memory_space<semaphore_mem>>)
    %dma_wait3A_241 = arith.constant 1280 : i32
    %dma_wait3A_242 = tpu.memref_slice %arg9[%dma_wait3A_241] : memref<5000xf32, #tpu.memory_space<vmem>> -> memref<80xf32, #tpu.memory_space<vmem>>
    %dma_wait3A_243 = arith.constant 1280 : i32
    %dma_wait3A_244 = tpu.memref_slice %arg8[%dma_wait3A_243] : memref<5000xi32, #tpu.memory_space<vmem>> -> memref<80xi32, #tpu.memory_space<vmem>>
    %dma_wait3A_245 = arith.constant 0 : i32
    %dma_wait3A_246 = tpu.memref_slice %arg3[%dma_wait3A_245] : memref<200000xf32, #tpu.memory_space<hbm>> -> memref<200000xf32, #tpu.memory_space<hbm>>
    tpu.wait_indirect_dma semaphore(%arg12 : memref<!tpu.dma_semaphore, #tpu.memory_space<semaphore_mem>>) src(%dma_wait3A_246 : memref<200000xf32, #tpu.memory_space<hbm>>) dst(%dma_wait3A_242 : memref<80xf32, #tpu.memory_space<vmem>>)
    %dma_wait3A_247 = arith.constant 1360 : i32
    %dma_wait3A_248 = tpu.memref_slice %arg9[%dma_wait3A_247] : memref<5000xf32, #tpu.memory_space<vmem>> -> memref<80xf32, #tpu.memory_space<vmem>>
    %dma_wait3A_249 = arith.constant 1360 : i32
    %dma_wait3A_250 = tpu.memref_slice %arg8[%dma_wait3A_249] : memref<5000xi32, #tpu.memory_space<vmem>> -> memref<80xi32, #tpu.memory_space<vmem>>
    %dma_wait3A_251 = arith.constant 0 : i32
    %dma_wait3A_252 = tpu.memref_slice %arg3[%dma_wait3A_251] : memref<200000xf32, #tpu.memory_space<hbm>> -> memref<200000xf32, #tpu.memory_space<hbm>>
    tpu.wait_indirect_dma semaphore(%arg12 : memref<!tpu.dma_semaphore, #tpu.memory_space<semaphore_mem>>) src(%dma_wait3A_252 : memref<200000xf32, #tpu.memory_space<hbm>>) dst(%dma_wait3A_248 : memref<80xf32, #tpu.memory_space<vmem>>)
    %dma_wait3A_253 = arith.constant 1440 : i32
    %dma_wait3A_254 = tpu.memref_slice %arg9[%dma_wait3A_253] : memref<5000xf32, #tpu.memory_space<vmem>> -> memref<80xf32, #tpu.memory_space<vmem>>
    %dma_wait3A_255 = arith.constant 1440 : i32
    %dma_wait3A_256 = tpu.memref_slice %arg8[%dma_wait3A_255] : memref<5000xi32, #tpu.memory_space<vmem>> -> memref<80xi32, #tpu.memory_space<vmem>>
    %dma_wait3A_257 = arith.constant 0 : i32
    %dma_wait3A_258 = tpu.memref_slice %arg3[%dma_wait3A_257] : memref<200000xf32, #tpu.memory_space<hbm>> -> memref<200000xf32, #tpu.memory_space<hbm>>
    tpu.wait_indirect_dma semaphore(%arg12 : memref<!tpu.dma_semaphore, #tpu.memory_space<semaphore_mem>>) src(%dma_wait3A_258 : memref<200000xf32, #tpu.memory_space<hbm>>) dst(%dma_wait3A_254 : memref<80xf32, #tpu.memory_space<vmem>>)
    %dma_wait3A_259 = arith.constant 1520 : i32
    %dma_wait3A_260 = tpu.memref_slice %arg9[%dma_wait3A_259] : memref<5000xf32, #tpu.memory_space<vmem>> -> memref<80xf32, #tpu.memory_space<vmem>>
    %dma_wait3A_261 = arith.constant 1520 : i32
    %dma_wait3A_262 = tpu.memref_slice %arg8[%dma_wait3A_261] : memref<5000xi32, #tpu.memory_space<vmem>> -> memref<80xi32, #tpu.memory_space<vmem>>
    %dma_wait3A_263 = arith.constant 0 : i32
    %dma_wait3A_264 = tpu.memref_slice %arg3[%dma_wait3A_263] : memref<200000xf32, #tpu.memory_space<hbm>> -> memref<200000xf32, #tpu.memory_space<hbm>>
    tpu.wait_indirect_dma semaphore(%arg12 : memref<!tpu.dma_semaphore, #tpu.memory_space<semaphore_mem>>) src(%dma_wait3A_264 : memref<200000xf32, #tpu.memory_space<hbm>>) dst(%dma_wait3A_260 : memref<80xf32, #tpu.memory_space<vmem>>)
    %dma_wait3A_265 = arith.constant 1600 : i32
    %dma_wait3A_266 = tpu.memref_slice %arg9[%dma_wait3A_265] : memref<5000xf32, #tpu.memory_space<vmem>> -> memref<80xf32, #tpu.memory_space<vmem>>
    %dma_wait3A_267 = arith.constant 1600 : i32
    %dma_wait3A_268 = tpu.memref_slice %arg8[%dma_wait3A_267] : memref<5000xi32, #tpu.memory_space<vmem>> -> memref<80xi32, #tpu.memory_space<vmem>>
    %dma_wait3A_269 = arith.constant 0 : i32
    %dma_wait3A_270 = tpu.memref_slice %arg3[%dma_wait3A_269] : memref<200000xf32, #tpu.memory_space<hbm>> -> memref<200000xf32, #tpu.memory_space<hbm>>
    tpu.wait_indirect_dma semaphore(%arg12 : memref<!tpu.dma_semaphore, #tpu.memory_space<semaphore_mem>>) src(%dma_wait3A_270 : memref<200000xf32, #tpu.memory_space<hbm>>) dst(%dma_wait3A_266 : memref<80xf32, #tpu.memory_space<vmem>>)
    %dma_wait3A_271 = arith.constant 1680 : i32
    %dma_wait3A_272 = tpu.memref_slice %arg9[%dma_wait3A_271] : memref<5000xf32, #tpu.memory_space<vmem>> -> memref<80xf32, #tpu.memory_space<vmem>>
    %dma_wait3A_273 = arith.constant 1680 : i32
    %dma_wait3A_274 = tpu.memref_slice %arg8[%dma_wait3A_273] : memref<5000xi32, #tpu.memory_space<vmem>> -> memref<80xi32, #tpu.memory_space<vmem>>
    %dma_wait3A_275 = arith.constant 0 : i32
    %dma_wait3A_276 = tpu.memref_slice %arg3[%dma_wait3A_275] : memref<200000xf32, #tpu.memory_space<hbm>> -> memref<200000xf32, #tpu.memory_space<hbm>>
    tpu.wait_indirect_dma semaphore(%arg12 : memref<!tpu.dma_semaphore, #tpu.memory_space<semaphore_mem>>) src(%dma_wait3A_276 : memref<200000xf32, #tpu.memory_space<hbm>>) dst(%dma_wait3A_272 : memref<80xf32, #tpu.memory_space<vmem>>)
    %dma_wait3A_277 = arith.constant 1760 : i32
    %dma_wait3A_278 = tpu.memref_slice %arg9[%dma_wait3A_277] : memref<5000xf32, #tpu.memory_space<vmem>> -> memref<80xf32, #tpu.memory_space<vmem>>
    %dma_wait3A_279 = arith.constant 1760 : i32
    %dma_wait3A_280 = tpu.memref_slice %arg8[%dma_wait3A_279] : memref<5000xi32, #tpu.memory_space<vmem>> -> memref<80xi32, #tpu.memory_space<vmem>>
    %dma_wait3A_281 = arith.constant 0 : i32
    %dma_wait3A_282 = tpu.memref_slice %arg3[%dma_wait3A_281] : memref<200000xf32, #tpu.memory_space<hbm>> -> memref<200000xf32, #tpu.memory_space<hbm>>
    tpu.wait_indirect_dma semaphore(%arg12 : memref<!tpu.dma_semaphore, #tpu.memory_space<semaphore_mem>>) src(%dma_wait3A_282 : memref<200000xf32, #tpu.memory_space<hbm>>) dst(%dma_wait3A_278 : memref<80xf32, #tpu.memory_space<vmem>>)
    %dma_wait3A_283 = arith.constant 1840 : i32
    %dma_wait3A_284 = tpu.memref_slice %arg9[%dma_wait3A_283] : memref<5000xf32, #tpu.memory_space<vmem>> -> memref<80xf32, #tpu.memory_space<vmem>>
    %dma_wait3A_285 = arith.constant 1840 : i32
    %dma_wait3A_286 = tpu.memref_slice %arg8[%dma_wait3A_285] : memref<5000xi32, #tpu.memory_space<vmem>> -> memref<80xi32, #tpu.memory_space<vmem>>
    %dma_wait3A_287 = arith.constant 0 : i32
    %dma_wait3A_288 = tpu.memref_slice %arg3[%dma_wait3A_287] : memref<200000xf32, #tpu.memory_space<hbm>> -> memref<200000xf32, #tpu.memory_space<hbm>>
    tpu.wait_indirect_dma semaphore(%arg12 : memref<!tpu.dma_semaphore, #tpu.memory_space<semaphore_mem>>) src(%dma_wait3A_288 : memref<200000xf32, #tpu.memory_space<hbm>>) dst(%dma_wait3A_284 : memref<80xf32, #tpu.memory_space<vmem>>)
    %dma_start3A_289 = arith.constant 1920 : i32
    %dma_start3A_290 = tpu.memref_slice %arg9[%dma_start3A_289] : memref<5000xf32, #tpu.memory_space<vmem>> -> memref<80xf32, #tpu.memory_space<vmem>>
    %dma_start3A_291 = arith.constant 1920 : i32
    %dma_start3A_292 = tpu.memref_slice %arg8[%dma_start3A_291] : memref<5000xi32, #tpu.memory_space<vmem>> -> memref<80xi32, #tpu.memory_space<vmem>>
    %dma_start3A_293 = arith.constant 0 : i32
    %dma_start3A_294 = tpu.memref_slice %arg3[%dma_start3A_293] : memref<200000xf32, #tpu.memory_space<hbm>> -> memref<200000xf32, #tpu.memory_space<hbm>>
    tpu.enqueue_indirect_dma source(%dma_start3A_294 : memref<200000xf32, #tpu.memory_space<hbm>>) target(%dma_start3A_290 : memref<80xf32, #tpu.memory_space<vmem>>) offsets(%dma_start3A_292 : memref<80xi32, #tpu.memory_space<vmem>>) semaphore(%arg12 : memref<!tpu.dma_semaphore, #tpu.memory_space<semaphore_mem>>)
    %dma_start3A_295 = arith.constant 2000 : i32
    %dma_start3A_296 = tpu.memref_slice %arg9[%dma_start3A_295] : memref<5000xf32, #tpu.memory_space<vmem>> -> memref<80xf32, #tpu.memory_space<vmem>>
    %dma_start3A_297 = arith.constant 2000 : i32
    %dma_start3A_298 = tpu.memref_slice %arg8[%dma_start3A_297] : memref<5000xi32, #tpu.memory_space<vmem>> -> memref<80xi32, #tpu.memory_space<vmem>>
    %dma_start3A_299 = arith.constant 0 : i32
    %dma_start3A_300 = tpu.memref_slice %arg3[%dma_start3A_299] : memref<200000xf32, #tpu.memory_space<hbm>> -> memref<200000xf32, #tpu.memory_space<hbm>>
    tpu.enqueue_indirect_dma source(%dma_start3A_300 : memref<200000xf32, #tpu.memory_space<hbm>>) target(%dma_start3A_296 : memref<80xf32, #tpu.memory_space<vmem>>) offsets(%dma_start3A_298 : memref<80xi32, #tpu.memory_space<vmem>>) semaphore(%arg12 : memref<!tpu.dma_semaphore, #tpu.memory_space<semaphore_mem>>)
    %dma_start3A_301 = arith.constant 2080 : i32
    %dma_start3A_302 = tpu.memref_slice %arg9[%dma_start3A_301] : memref<5000xf32, #tpu.memory_space<vmem>> -> memref<80xf32, #tpu.memory_space<vmem>>
    %dma_start3A_303 = arith.constant 2080 : i32
    %dma_start3A_304 = tpu.memref_slice %arg8[%dma_start3A_303] : memref<5000xi32, #tpu.memory_space<vmem>> -> memref<80xi32, #tpu.memory_space<vmem>>
    %dma_start3A_305 = arith.constant 0 : i32
    %dma_start3A_306 = tpu.memref_slice %arg3[%dma_start3A_305] : memref<200000xf32, #tpu.memory_space<hbm>> -> memref<200000xf32, #tpu.memory_space<hbm>>
    tpu.enqueue_indirect_dma source(%dma_start3A_306 : memref<200000xf32, #tpu.memory_space<hbm>>) target(%dma_start3A_302 : memref<80xf32, #tpu.memory_space<vmem>>) offsets(%dma_start3A_304 : memref<80xi32, #tpu.memory_space<vmem>>) semaphore(%arg12 : memref<!tpu.dma_semaphore, #tpu.memory_space<semaphore_mem>>)
    %dma_start3A_307 = arith.constant 2160 : i32
    %dma_start3A_308 = tpu.memref_slice %arg9[%dma_start3A_307] : memref<5000xf32, #tpu.memory_space<vmem>> -> memref<80xf32, #tpu.memory_space<vmem>>
    %dma_start3A_309 = arith.constant 2160 : i32
    %dma_start3A_310 = tpu.memref_slice %arg8[%dma_start3A_309] : memref<5000xi32, #tpu.memory_space<vmem>> -> memref<80xi32, #tpu.memory_space<vmem>>
    %dma_start3A_311 = arith.constant 0 : i32
    %dma_start3A_312 = tpu.memref_slice %arg3[%dma_start3A_311] : memref<200000xf32, #tpu.memory_space<hbm>> -> memref<200000xf32, #tpu.memory_space<hbm>>
    tpu.enqueue_indirect_dma source(%dma_start3A_312 : memref<200000xf32, #tpu.memory_space<hbm>>) target(%dma_start3A_308 : memref<80xf32, #tpu.memory_space<vmem>>) offsets(%dma_start3A_310 : memref<80xi32, #tpu.memory_space<vmem>>) semaphore(%arg12 : memref<!tpu.dma_semaphore, #tpu.memory_space<semaphore_mem>>)
    %dma_start3A_313 = arith.constant 2240 : i32
    %dma_start3A_314 = tpu.memref_slice %arg9[%dma_start3A_313] : memref<5000xf32, #tpu.memory_space<vmem>> -> memref<80xf32, #tpu.memory_space<vmem>>
    %dma_start3A_315 = arith.constant 2240 : i32
    %dma_start3A_316 = tpu.memref_slice %arg8[%dma_start3A_315] : memref<5000xi32, #tpu.memory_space<vmem>> -> memref<80xi32, #tpu.memory_space<vmem>>
    %dma_start3A_317 = arith.constant 0 : i32
    %dma_start3A_318 = tpu.memref_slice %arg3[%dma_start3A_317] : memref<200000xf32, #tpu.memory_space<hbm>> -> memref<200000xf32, #tpu.memory_space<hbm>>
    tpu.enqueue_indirect_dma source(%dma_start3A_318 : memref<200000xf32, #tpu.memory_space<hbm>>) target(%dma_start3A_314 : memref<80xf32, #tpu.memory_space<vmem>>) offsets(%dma_start3A_316 : memref<80xi32, #tpu.memory_space<vmem>>) semaphore(%arg12 : memref<!tpu.dma_semaphore, #tpu.memory_space<semaphore_mem>>)
    %dma_start3A_319 = arith.constant 2320 : i32
    %dma_start3A_320 = tpu.memref_slice %arg9[%dma_start3A_319] : memref<5000xf32, #tpu.memory_space<vmem>> -> memref<80xf32, #tpu.memory_space<vmem>>
    %dma_start3A_321 = arith.constant 2320 : i32
    %dma_start3A_322 = tpu.memref_slice %arg8[%dma_start3A_321] : memref<5000xi32, #tpu.memory_space<vmem>> -> memref<80xi32, #tpu.memory_space<vmem>>
    %dma_start3A_323 = arith.constant 0 : i32
    %dma_start3A_324 = tpu.memref_slice %arg3[%dma_start3A_323] : memref<200000xf32, #tpu.memory_space<hbm>> -> memref<200000xf32, #tpu.memory_space<hbm>>
    tpu.enqueue_indirect_dma source(%dma_start3A_324 : memref<200000xf32, #tpu.memory_space<hbm>>) target(%dma_start3A_320 : memref<80xf32, #tpu.memory_space<vmem>>) offsets(%dma_start3A_322 : memref<80xi32, #tpu.memory_space<vmem>>) semaphore(%arg12 : memref<!tpu.dma_semaphore, #tpu.memory_space<semaphore_mem>>)
    %dma_start3A_325 = arith.constant 2400 : i32
    %dma_start3A_326 = tpu.memref_slice %arg9[%dma_start3A_325] : memref<5000xf32, #tpu.memory_space<vmem>> -> memref<80xf32, #tpu.memory_space<vmem>>
    %dma_start3A_327 = arith.constant 2400 : i32
    %dma_start3A_328 = tpu.memref_slice %arg8[%dma_start3A_327] : memref<5000xi32, #tpu.memory_space<vmem>> -> memref<80xi32, #tpu.memory_space<vmem>>
    %dma_start3A_329 = arith.constant 0 : i32
    %dma_start3A_330 = tpu.memref_slice %arg3[%dma_start3A_329] : memref<200000xf32, #tpu.memory_space<hbm>> -> memref<200000xf32, #tpu.memory_space<hbm>>
    tpu.enqueue_indirect_dma source(%dma_start3A_330 : memref<200000xf32, #tpu.memory_space<hbm>>) target(%dma_start3A_326 : memref<80xf32, #tpu.memory_space<vmem>>) offsets(%dma_start3A_328 : memref<80xi32, #tpu.memory_space<vmem>>) semaphore(%arg12 : memref<!tpu.dma_semaphore, #tpu.memory_space<semaphore_mem>>)
    %dma_start3A_331 = arith.constant 2480 : i32
    %dma_start3A_332 = tpu.memref_slice %arg9[%dma_start3A_331] : memref<5000xf32, #tpu.memory_space<vmem>> -> memref<80xf32, #tpu.memory_space<vmem>>
    %dma_start3A_333 = arith.constant 2480 : i32
    %dma_start3A_334 = tpu.memref_slice %arg8[%dma_start3A_333] : memref<5000xi32, #tpu.memory_space<vmem>> -> memref<80xi32, #tpu.memory_space<vmem>>
    %dma_start3A_335 = arith.constant 0 : i32
    %dma_start3A_336 = tpu.memref_slice %arg3[%dma_start3A_335] : memref<200000xf32, #tpu.memory_space<hbm>> -> memref<200000xf32, #tpu.memory_space<hbm>>
    tpu.enqueue_indirect_dma source(%dma_start3A_336 : memref<200000xf32, #tpu.memory_space<hbm>>) target(%dma_start3A_332 : memref<80xf32, #tpu.memory_space<vmem>>) offsets(%dma_start3A_334 : memref<80xi32, #tpu.memory_space<vmem>>) semaphore(%arg12 : memref<!tpu.dma_semaphore, #tpu.memory_space<semaphore_mem>>)
    %dma_wait3A_337 = arith.constant 1920 : i32
    %dma_wait3A_338 = tpu.memref_slice %arg9[%dma_wait3A_337] : memref<5000xf32, #tpu.memory_space<vmem>> -> memref<80xf32, #tpu.memory_space<vmem>>
    %dma_wait3A_339 = arith.constant 1920 : i32
    %dma_wait3A_340 = tpu.memref_slice %arg8[%dma_wait3A_339] : memref<5000xi32, #tpu.memory_space<vmem>> -> memref<80xi32, #tpu.memory_space<vmem>>
    %dma_wait3A_341 = arith.constant 0 : i32
    %dma_wait3A_342 = tpu.memref_slice %arg3[%dma_wait3A_341] : memref<200000xf32, #tpu.memory_space<hbm>> -> memref<200000xf32, #tpu.memory_space<hbm>>
    tpu.wait_indirect_dma semaphore(%arg12 : memref<!tpu.dma_semaphore, #tpu.memory_space<semaphore_mem>>) src(%dma_wait3A_342 : memref<200000xf32, #tpu.memory_space<hbm>>) dst(%dma_wait3A_338 : memref<80xf32, #tpu.memory_space<vmem>>)
    %dma_wait3A_343 = arith.constant 2000 : i32
    %dma_wait3A_344 = tpu.memref_slice %arg9[%dma_wait3A_343] : memref<5000xf32, #tpu.memory_space<vmem>> -> memref<80xf32, #tpu.memory_space<vmem>>
    %dma_wait3A_345 = arith.constant 2000 : i32
    %dma_wait3A_346 = tpu.memref_slice %arg8[%dma_wait3A_345] : memref<5000xi32, #tpu.memory_space<vmem>> -> memref<80xi32, #tpu.memory_space<vmem>>
    %dma_wait3A_347 = arith.constant 0 : i32
    %dma_wait3A_348 = tpu.memref_slice %arg3[%dma_wait3A_347] : memref<200000xf32, #tpu.memory_space<hbm>> -> memref<200000xf32, #tpu.memory_space<hbm>>
    tpu.wait_indirect_dma semaphore(%arg12 : memref<!tpu.dma_semaphore, #tpu.memory_space<semaphore_mem>>) src(%dma_wait3A_348 : memref<200000xf32, #tpu.memory_space<hbm>>) dst(%dma_wait3A_344 : memref<80xf32, #tpu.memory_space<vmem>>)
    %dma_wait3A_349 = arith.constant 2080 : i32
    %dma_wait3A_350 = tpu.memref_slice %arg9[%dma_wait3A_349] : memref<5000xf32, #tpu.memory_space<vmem>> -> memref<80xf32, #tpu.memory_space<vmem>>
    %dma_wait3A_351 = arith.constant 2080 : i32
    %dma_wait3A_352 = tpu.memref_slice %arg8[%dma_wait3A_351] : memref<5000xi32, #tpu.memory_space<vmem>> -> memref<80xi32, #tpu.memory_space<vmem>>
    %dma_wait3A_353 = arith.constant 0 : i32
    %dma_wait3A_354 = tpu.memref_slice %arg3[%dma_wait3A_353] : memref<200000xf32, #tpu.memory_space<hbm>> -> memref<200000xf32, #tpu.memory_space<hbm>>
    tpu.wait_indirect_dma semaphore(%arg12 : memref<!tpu.dma_semaphore, #tpu.memory_space<semaphore_mem>>) src(%dma_wait3A_354 : memref<200000xf32, #tpu.memory_space<hbm>>) dst(%dma_wait3A_350 : memref<80xf32, #tpu.memory_space<vmem>>)
    %dma_wait3A_355 = arith.constant 2160 : i32
    %dma_wait3A_356 = tpu.memref_slice %arg9[%dma_wait3A_355] : memref<5000xf32, #tpu.memory_space<vmem>> -> memref<80xf32, #tpu.memory_space<vmem>>
    %dma_wait3A_357 = arith.constant 2160 : i32
    %dma_wait3A_358 = tpu.memref_slice %arg8[%dma_wait3A_357] : memref<5000xi32, #tpu.memory_space<vmem>> -> memref<80xi32, #tpu.memory_space<vmem>>
    %dma_wait3A_359 = arith.constant 0 : i32
    %dma_wait3A_360 = tpu.memref_slice %arg3[%dma_wait3A_359] : memref<200000xf32, #tpu.memory_space<hbm>> -> memref<200000xf32, #tpu.memory_space<hbm>>
    tpu.wait_indirect_dma semaphore(%arg12 : memref<!tpu.dma_semaphore, #tpu.memory_space<semaphore_mem>>) src(%dma_wait3A_360 : memref<200000xf32, #tpu.memory_space<hbm>>) dst(%dma_wait3A_356 : memref<80xf32, #tpu.memory_space<vmem>>)
    %dma_wait3A_361 = arith.constant 2240 : i32
    %dma_wait3A_362 = tpu.memref_slice %arg9[%dma_wait3A_361] : memref<5000xf32, #tpu.memory_space<vmem>> -> memref<80xf32, #tpu.memory_space<vmem>>
    %dma_wait3A_363 = arith.constant 2240 : i32
    %dma_wait3A_364 = tpu.memref_slice %arg8[%dma_wait3A_363] : memref<5000xi32, #tpu.memory_space<vmem>> -> memref<80xi32, #tpu.memory_space<vmem>>
    %dma_wait3A_365 = arith.constant 0 : i32
    %dma_wait3A_366 = tpu.memref_slice %arg3[%dma_wait3A_365] : memref<200000xf32, #tpu.memory_space<hbm>> -> memref<200000xf32, #tpu.memory_space<hbm>>
    tpu.wait_indirect_dma semaphore(%arg12 : memref<!tpu.dma_semaphore, #tpu.memory_space<semaphore_mem>>) src(%dma_wait3A_366 : memref<200000xf32, #tpu.memory_space<hbm>>) dst(%dma_wait3A_362 : memref<80xf32, #tpu.memory_space<vmem>>)
    %dma_wait3A_367 = arith.constant 2320 : i32
    %dma_wait3A_368 = tpu.memref_slice %arg9[%dma_wait3A_367] : memref<5000xf32, #tpu.memory_space<vmem>> -> memref<80xf32, #tpu.memory_space<vmem>>
    %dma_wait3A_369 = arith.constant 2320 : i32
    %dma_wait3A_370 = tpu.memref_slice %arg8[%dma_wait3A_369] : memref<5000xi32, #tpu.memory_space<vmem>> -> memref<80xi32, #tpu.memory_space<vmem>>
    %dma_wait3A_371 = arith.constant 0 : i32
    %dma_wait3A_372 = tpu.memref_slice %arg3[%dma_wait3A_371] : memref<200000xf32, #tpu.memory_space<hbm>> -> memref<200000xf32, #tpu.memory_space<hbm>>
    tpu.wait_indirect_dma semaphore(%arg12 : memref<!tpu.dma_semaphore, #tpu.memory_space<semaphore_mem>>) src(%dma_wait3A_372 : memref<200000xf32, #tpu.memory_space<hbm>>) dst(%dma_wait3A_368 : memref<80xf32, #tpu.memory_space<vmem>>)
    %dma_wait3A_373 = arith.constant 2400 : i32
    %dma_wait3A_374 = tpu.memref_slice %arg9[%dma_wait3A_373] : memref<5000xf32, #tpu.memory_space<vmem>> -> memref<80xf32, #tpu.memory_space<vmem>>
    %dma_wait3A_375 = arith.constant 2400 : i32
    %dma_wait3A_376 = tpu.memref_slice %arg8[%dma_wait3A_375] : memref<5000xi32, #tpu.memory_space<vmem>> -> memref<80xi32, #tpu.memory_space<vmem>>
    %dma_wait3A_377 = arith.constant 0 : i32
    %dma_wait3A_378 = tpu.memref_slice %arg3[%dma_wait3A_377] : memref<200000xf32, #tpu.memory_space<hbm>> -> memref<200000xf32, #tpu.memory_space<hbm>>
    tpu.wait_indirect_dma semaphore(%arg12 : memref<!tpu.dma_semaphore, #tpu.memory_space<semaphore_mem>>) src(%dma_wait3A_378 : memref<200000xf32, #tpu.memory_space<hbm>>) dst(%dma_wait3A_374 : memref<80xf32, #tpu.memory_space<vmem>>)
    %dma_wait3A_379 = arith.constant 2480 : i32
    %dma_wait3A_380 = tpu.memref_slice %arg9[%dma_wait3A_379] : memref<5000xf32, #tpu.memory_space<vmem>> -> memref<80xf32, #tpu.memory_space<vmem>>
    %dma_wait3A_381 = arith.constant 2480 : i32
    %dma_wait3A_382 = tpu.memref_slice %arg8[%dma_wait3A_381] : memref<5000xi32, #tpu.memory_space<vmem>> -> memref<80xi32, #tpu.memory_space<vmem>>
    %dma_wait3A_383 = arith.constant 0 : i32
    %dma_wait3A_384 = tpu.memref_slice %arg3[%dma_wait3A_383] : memref<200000xf32, #tpu.memory_space<hbm>> -> memref<200000xf32, #tpu.memory_space<hbm>>
    tpu.wait_indirect_dma semaphore(%arg12 : memref<!tpu.dma_semaphore, #tpu.memory_space<semaphore_mem>>) src(%dma_wait3A_384 : memref<200000xf32, #tpu.memory_space<hbm>>) dst(%dma_wait3A_380 : memref<80xf32, #tpu.memory_space<vmem>>)
    %dma_start3A_385 = arith.constant 2560 : i32
    %dma_start3A_386 = tpu.memref_slice %arg9[%dma_start3A_385] : memref<5000xf32, #tpu.memory_space<vmem>> -> memref<80xf32, #tpu.memory_space<vmem>>
    %dma_start3A_387 = arith.constant 2560 : i32
    %dma_start3A_388 = tpu.memref_slice %arg8[%dma_start3A_387] : memref<5000xi32, #tpu.memory_space<vmem>> -> memref<80xi32, #tpu.memory_space<vmem>>
    %dma_start3A_389 = arith.constant 0 : i32
    %dma_start3A_390 = tpu.memref_slice %arg3[%dma_start3A_389] : memref<200000xf32, #tpu.memory_space<hbm>> -> memref<200000xf32, #tpu.memory_space<hbm>>
    tpu.enqueue_indirect_dma source(%dma_start3A_390 : memref<200000xf32, #tpu.memory_space<hbm>>) target(%dma_start3A_386 : memref<80xf32, #tpu.memory_space<vmem>>) offsets(%dma_start3A_388 : memref<80xi32, #tpu.memory_space<vmem>>) semaphore(%arg12 : memref<!tpu.dma_semaphore, #tpu.memory_space<semaphore_mem>>)
    %dma_start3A_391 = arith.constant 2640 : i32
    %dma_start3A_392 = tpu.memref_slice %arg9[%dma_start3A_391] : memref<5000xf32, #tpu.memory_space<vmem>> -> memref<80xf32, #tpu.memory_space<vmem>>
    %dma_start3A_393 = arith.constant 2640 : i32
    %dma_start3A_394 = tpu.memref_slice %arg8[%dma_start3A_393] : memref<5000xi32, #tpu.memory_space<vmem>> -> memref<80xi32, #tpu.memory_space<vmem>>
    %dma_start3A_395 = arith.constant 0 : i32
    %dma_start3A_396 = tpu.memref_slice %arg3[%dma_start3A_395] : memref<200000xf32, #tpu.memory_space<hbm>> -> memref<200000xf32, #tpu.memory_space<hbm>>
    tpu.enqueue_indirect_dma source(%dma_start3A_396 : memref<200000xf32, #tpu.memory_space<hbm>>) target(%dma_start3A_392 : memref<80xf32, #tpu.memory_space<vmem>>) offsets(%dma_start3A_394 : memref<80xi32, #tpu.memory_space<vmem>>) semaphore(%arg12 : memref<!tpu.dma_semaphore, #tpu.memory_space<semaphore_mem>>)
    %dma_start3A_397 = arith.constant 2720 : i32
    %dma_start3A_398 = tpu.memref_slice %arg9[%dma_start3A_397] : memref<5000xf32, #tpu.memory_space<vmem>> -> memref<80xf32, #tpu.memory_space<vmem>>
    %dma_start3A_399 = arith.constant 2720 : i32
    %dma_start3A_400 = tpu.memref_slice %arg8[%dma_start3A_399] : memref<5000xi32, #tpu.memory_space<vmem>> -> memref<80xi32, #tpu.memory_space<vmem>>
    %dma_start3A_401 = arith.constant 0 : i32
    %dma_start3A_402 = tpu.memref_slice %arg3[%dma_start3A_401] : memref<200000xf32, #tpu.memory_space<hbm>> -> memref<200000xf32, #tpu.memory_space<hbm>>
    tpu.enqueue_indirect_dma source(%dma_start3A_402 : memref<200000xf32, #tpu.memory_space<hbm>>) target(%dma_start3A_398 : memref<80xf32, #tpu.memory_space<vmem>>) offsets(%dma_start3A_400 : memref<80xi32, #tpu.memory_space<vmem>>) semaphore(%arg12 : memref<!tpu.dma_semaphore, #tpu.memory_space<semaphore_mem>>)
    %dma_start3A_403 = arith.constant 2800 : i32
    %dma_start3A_404 = tpu.memref_slice %arg9[%dma_start3A_403] : memref<5000xf32, #tpu.memory_space<vmem>> -> memref<80xf32, #tpu.memory_space<vmem>>
    %dma_start3A_405 = arith.constant 2800 : i32
    %dma_start3A_406 = tpu.memref_slice %arg8[%dma_start3A_405] : memref<5000xi32, #tpu.memory_space<vmem>> -> memref<80xi32, #tpu.memory_space<vmem>>
    %dma_start3A_407 = arith.constant 0 : i32
    %dma_start3A_408 = tpu.memref_slice %arg3[%dma_start3A_407] : memref<200000xf32, #tpu.memory_space<hbm>> -> memref<200000xf32, #tpu.memory_space<hbm>>
    tpu.enqueue_indirect_dma source(%dma_start3A_408 : memref<200000xf32, #tpu.memory_space<hbm>>) target(%dma_start3A_404 : memref<80xf32, #tpu.memory_space<vmem>>) offsets(%dma_start3A_406 : memref<80xi32, #tpu.memory_space<vmem>>) semaphore(%arg12 : memref<!tpu.dma_semaphore, #tpu.memory_space<semaphore_mem>>)
    %dma_start3A_409 = arith.constant 2880 : i32
    %dma_start3A_410 = tpu.memref_slice %arg9[%dma_start3A_409] : memref<5000xf32, #tpu.memory_space<vmem>> -> memref<80xf32, #tpu.memory_space<vmem>>
    %dma_start3A_411 = arith.constant 2880 : i32
    %dma_start3A_412 = tpu.memref_slice %arg8[%dma_start3A_411] : memref<5000xi32, #tpu.memory_space<vmem>> -> memref<80xi32, #tpu.memory_space<vmem>>
    %dma_start3A_413 = arith.constant 0 : i32
    %dma_start3A_414 = tpu.memref_slice %arg3[%dma_start3A_413] : memref<200000xf32, #tpu.memory_space<hbm>> -> memref<200000xf32, #tpu.memory_space<hbm>>
    tpu.enqueue_indirect_dma source(%dma_start3A_414 : memref<200000xf32, #tpu.memory_space<hbm>>) target(%dma_start3A_410 : memref<80xf32, #tpu.memory_space<vmem>>) offsets(%dma_start3A_412 : memref<80xi32, #tpu.memory_space<vmem>>) semaphore(%arg12 : memref<!tpu.dma_semaphore, #tpu.memory_space<semaphore_mem>>)
    %dma_start3A_415 = arith.constant 2960 : i32
    %dma_start3A_416 = tpu.memref_slice %arg9[%dma_start3A_415] : memref<5000xf32, #tpu.memory_space<vmem>> -> memref<80xf32, #tpu.memory_space<vmem>>
    %dma_start3A_417 = arith.constant 2960 : i32
    %dma_start3A_418 = tpu.memref_slice %arg8[%dma_start3A_417] : memref<5000xi32, #tpu.memory_space<vmem>> -> memref<80xi32, #tpu.memory_space<vmem>>
    %dma_start3A_419 = arith.constant 0 : i32
    %dma_start3A_420 = tpu.memref_slice %arg3[%dma_start3A_419] : memref<200000xf32, #tpu.memory_space<hbm>> -> memref<200000xf32, #tpu.memory_space<hbm>>
    tpu.enqueue_indirect_dma source(%dma_start3A_420 : memref<200000xf32, #tpu.memory_space<hbm>>) target(%dma_start3A_416 : memref<80xf32, #tpu.memory_space<vmem>>) offsets(%dma_start3A_418 : memref<80xi32, #tpu.memory_space<vmem>>) semaphore(%arg12 : memref<!tpu.dma_semaphore, #tpu.memory_space<semaphore_mem>>)
    %dma_start3A_421 = arith.constant 3040 : i32
    %dma_start3A_422 = tpu.memref_slice %arg9[%dma_start3A_421] : memref<5000xf32, #tpu.memory_space<vmem>> -> memref<80xf32, #tpu.memory_space<vmem>>
    %dma_start3A_423 = arith.constant 3040 : i32
    %dma_start3A_424 = tpu.memref_slice %arg8[%dma_start3A_423] : memref<5000xi32, #tpu.memory_space<vmem>> -> memref<80xi32, #tpu.memory_space<vmem>>
    %dma_start3A_425 = arith.constant 0 : i32
    %dma_start3A_426 = tpu.memref_slice %arg3[%dma_start3A_425] : memref<200000xf32, #tpu.memory_space<hbm>> -> memref<200000xf32, #tpu.memory_space<hbm>>
    tpu.enqueue_indirect_dma source(%dma_start3A_426 : memref<200000xf32, #tpu.memory_space<hbm>>) target(%dma_start3A_422 : memref<80xf32, #tpu.memory_space<vmem>>) offsets(%dma_start3A_424 : memref<80xi32, #tpu.memory_space<vmem>>) semaphore(%arg12 : memref<!tpu.dma_semaphore, #tpu.memory_space<semaphore_mem>>)
    %dma_start3A_427 = arith.constant 3120 : i32
    %dma_start3A_428 = tpu.memref_slice %arg9[%dma_start3A_427] : memref<5000xf32, #tpu.memory_space<vmem>> -> memref<80xf32, #tpu.memory_space<vmem>>
    %dma_start3A_429 = arith.constant 3120 : i32
    %dma_start3A_430 = tpu.memref_slice %arg8[%dma_start3A_429] : memref<5000xi32, #tpu.memory_space<vmem>> -> memref<80xi32, #tpu.memory_space<vmem>>
    %dma_start3A_431 = arith.constant 0 : i32
    %dma_start3A_432 = tpu.memref_slice %arg3[%dma_start3A_431] : memref<200000xf32, #tpu.memory_space<hbm>> -> memref<200000xf32, #tpu.memory_space<hbm>>
    tpu.enqueue_indirect_dma source(%dma_start3A_432 : memref<200000xf32, #tpu.memory_space<hbm>>) target(%dma_start3A_428 : memref<80xf32, #tpu.memory_space<vmem>>) offsets(%dma_start3A_430 : memref<80xi32, #tpu.memory_space<vmem>>) semaphore(%arg12 : memref<!tpu.dma_semaphore, #tpu.memory_space<semaphore_mem>>)
    %dma_wait3A_433 = arith.constant 2560 : i32
    %dma_wait3A_434 = tpu.memref_slice %arg9[%dma_wait3A_433] : memref<5000xf32, #tpu.memory_space<vmem>> -> memref<80xf32, #tpu.memory_space<vmem>>
    %dma_wait3A_435 = arith.constant 2560 : i32
    %dma_wait3A_436 = tpu.memref_slice %arg8[%dma_wait3A_435] : memref<5000xi32, #tpu.memory_space<vmem>> -> memref<80xi32, #tpu.memory_space<vmem>>
    %dma_wait3A_437 = arith.constant 0 : i32
    %dma_wait3A_438 = tpu.memref_slice %arg3[%dma_wait3A_437] : memref<200000xf32, #tpu.memory_space<hbm>> -> memref<200000xf32, #tpu.memory_space<hbm>>
    tpu.wait_indirect_dma semaphore(%arg12 : memref<!tpu.dma_semaphore, #tpu.memory_space<semaphore_mem>>) src(%dma_wait3A_438 : memref<200000xf32, #tpu.memory_space<hbm>>) dst(%dma_wait3A_434 : memref<80xf32, #tpu.memory_space<vmem>>)
    %dma_wait3A_439 = arith.constant 2640 : i32
    %dma_wait3A_440 = tpu.memref_slice %arg9[%dma_wait3A_439] : memref<5000xf32, #tpu.memory_space<vmem>> -> memref<80xf32, #tpu.memory_space<vmem>>
    %dma_wait3A_441 = arith.constant 2640 : i32
    %dma_wait3A_442 = tpu.memref_slice %arg8[%dma_wait3A_441] : memref<5000xi32, #tpu.memory_space<vmem>> -> memref<80xi32, #tpu.memory_space<vmem>>
    %dma_wait3A_443 = arith.constant 0 : i32
    %dma_wait3A_444 = tpu.memref_slice %arg3[%dma_wait3A_443] : memref<200000xf32, #tpu.memory_space<hbm>> -> memref<200000xf32, #tpu.memory_space<hbm>>
    tpu.wait_indirect_dma semaphore(%arg12 : memref<!tpu.dma_semaphore, #tpu.memory_space<semaphore_mem>>) src(%dma_wait3A_444 : memref<200000xf32, #tpu.memory_space<hbm>>) dst(%dma_wait3A_440 : memref<80xf32, #tpu.memory_space<vmem>>)
    %dma_wait3A_445 = arith.constant 2720 : i32
    %dma_wait3A_446 = tpu.memref_slice %arg9[%dma_wait3A_445] : memref<5000xf32, #tpu.memory_space<vmem>> -> memref<80xf32, #tpu.memory_space<vmem>>
    %dma_wait3A_447 = arith.constant 2720 : i32
    %dma_wait3A_448 = tpu.memref_slice %arg8[%dma_wait3A_447] : memref<5000xi32, #tpu.memory_space<vmem>> -> memref<80xi32, #tpu.memory_space<vmem>>
    %dma_wait3A_449 = arith.constant 0 : i32
    %dma_wait3A_450 = tpu.memref_slice %arg3[%dma_wait3A_449] : memref<200000xf32, #tpu.memory_space<hbm>> -> memref<200000xf32, #tpu.memory_space<hbm>>
    tpu.wait_indirect_dma semaphore(%arg12 : memref<!tpu.dma_semaphore, #tpu.memory_space<semaphore_mem>>) src(%dma_wait3A_450 : memref<200000xf32, #tpu.memory_space<hbm>>) dst(%dma_wait3A_446 : memref<80xf32, #tpu.memory_space<vmem>>)
    %dma_wait3A_451 = arith.constant 2800 : i32
    %dma_wait3A_452 = tpu.memref_slice %arg9[%dma_wait3A_451] : memref<5000xf32, #tpu.memory_space<vmem>> -> memref<80xf32, #tpu.memory_space<vmem>>
    %dma_wait3A_453 = arith.constant 2800 : i32
    %dma_wait3A_454 = tpu.memref_slice %arg8[%dma_wait3A_453] : memref<5000xi32, #tpu.memory_space<vmem>> -> memref<80xi32, #tpu.memory_space<vmem>>
    %dma_wait3A_455 = arith.constant 0 : i32
    %dma_wait3A_456 = tpu.memref_slice %arg3[%dma_wait3A_455] : memref<200000xf32, #tpu.memory_space<hbm>> -> memref<200000xf32, #tpu.memory_space<hbm>>
    tpu.wait_indirect_dma semaphore(%arg12 : memref<!tpu.dma_semaphore, #tpu.memory_space<semaphore_mem>>) src(%dma_wait3A_456 : memref<200000xf32, #tpu.memory_space<hbm>>) dst(%dma_wait3A_452 : memref<80xf32, #tpu.memory_space<vmem>>)
    %dma_wait3A_457 = arith.constant 2880 : i32
    %dma_wait3A_458 = tpu.memref_slice %arg9[%dma_wait3A_457] : memref<5000xf32, #tpu.memory_space<vmem>> -> memref<80xf32, #tpu.memory_space<vmem>>
    %dma_wait3A_459 = arith.constant 2880 : i32
    %dma_wait3A_460 = tpu.memref_slice %arg8[%dma_wait3A_459] : memref<5000xi32, #tpu.memory_space<vmem>> -> memref<80xi32, #tpu.memory_space<vmem>>
    %dma_wait3A_461 = arith.constant 0 : i32
    %dma_wait3A_462 = tpu.memref_slice %arg3[%dma_wait3A_461] : memref<200000xf32, #tpu.memory_space<hbm>> -> memref<200000xf32, #tpu.memory_space<hbm>>
    tpu.wait_indirect_dma semaphore(%arg12 : memref<!tpu.dma_semaphore, #tpu.memory_space<semaphore_mem>>) src(%dma_wait3A_462 : memref<200000xf32, #tpu.memory_space<hbm>>) dst(%dma_wait3A_458 : memref<80xf32, #tpu.memory_space<vmem>>)
    %dma_wait3A_463 = arith.constant 2960 : i32
    %dma_wait3A_464 = tpu.memref_slice %arg9[%dma_wait3A_463] : memref<5000xf32, #tpu.memory_space<vmem>> -> memref<80xf32, #tpu.memory_space<vmem>>
    %dma_wait3A_465 = arith.constant 2960 : i32
    %dma_wait3A_466 = tpu.memref_slice %arg8[%dma_wait3A_465] : memref<5000xi32, #tpu.memory_space<vmem>> -> memref<80xi32, #tpu.memory_space<vmem>>
    %dma_wait3A_467 = arith.constant 0 : i32
    %dma_wait3A_468 = tpu.memref_slice %arg3[%dma_wait3A_467] : memref<200000xf32, #tpu.memory_space<hbm>> -> memref<200000xf32, #tpu.memory_space<hbm>>
    tpu.wait_indirect_dma semaphore(%arg12 : memref<!tpu.dma_semaphore, #tpu.memory_space<semaphore_mem>>) src(%dma_wait3A_468 : memref<200000xf32, #tpu.memory_space<hbm>>) dst(%dma_wait3A_464 : memref<80xf32, #tpu.memory_space<vmem>>)
    %dma_wait3A_469 = arith.constant 3040 : i32
    %dma_wait3A_470 = tpu.memref_slice %arg9[%dma_wait3A_469] : memref<5000xf32, #tpu.memory_space<vmem>> -> memref<80xf32, #tpu.memory_space<vmem>>
    %dma_wait3A_471 = arith.constant 3040 : i32
    %dma_wait3A_472 = tpu.memref_slice %arg8[%dma_wait3A_471] : memref<5000xi32, #tpu.memory_space<vmem>> -> memref<80xi32, #tpu.memory_space<vmem>>
    %dma_wait3A_473 = arith.constant 0 : i32
    %dma_wait3A_474 = tpu.memref_slice %arg3[%dma_wait3A_473] : memref<200000xf32, #tpu.memory_space<hbm>> -> memref<200000xf32, #tpu.memory_space<hbm>>
    tpu.wait_indirect_dma semaphore(%arg12 : memref<!tpu.dma_semaphore, #tpu.memory_space<semaphore_mem>>) src(%dma_wait3A_474 : memref<200000xf32, #tpu.memory_space<hbm>>) dst(%dma_wait3A_470 : memref<80xf32, #tpu.memory_space<vmem>>)
    %dma_wait3A_475 = arith.constant 3120 : i32
    %dma_wait3A_476 = tpu.memref_slice %arg9[%dma_wait3A_475] : memref<5000xf32, #tpu.memory_space<vmem>> -> memref<80xf32, #tpu.memory_space<vmem>>
    %dma_wait3A_477 = arith.constant 3120 : i32
    %dma_wait3A_478 = tpu.memref_slice %arg8[%dma_wait3A_477] : memref<5000xi32, #tpu.memory_space<vmem>> -> memref<80xi32, #tpu.memory_space<vmem>>
    %dma_wait3A_479 = arith.constant 0 : i32
    %dma_wait3A_480 = tpu.memref_slice %arg3[%dma_wait3A_479] : memref<200000xf32, #tpu.memory_space<hbm>> -> memref<200000xf32, #tpu.memory_space<hbm>>
    tpu.wait_indirect_dma semaphore(%arg12 : memref<!tpu.dma_semaphore, #tpu.memory_space<semaphore_mem>>) src(%dma_wait3A_480 : memref<200000xf32, #tpu.memory_space<hbm>>) dst(%dma_wait3A_476 : memref<80xf32, #tpu.memory_space<vmem>>)
    %dma_start3A_481 = arith.constant 3200 : i32
    %dma_start3A_482 = tpu.memref_slice %arg9[%dma_start3A_481] : memref<5000xf32, #tpu.memory_space<vmem>> -> memref<80xf32, #tpu.memory_space<vmem>>
    %dma_start3A_483 = arith.constant 3200 : i32
    %dma_start3A_484 = tpu.memref_slice %arg8[%dma_start3A_483] : memref<5000xi32, #tpu.memory_space<vmem>> -> memref<80xi32, #tpu.memory_space<vmem>>
    %dma_start3A_485 = arith.constant 0 : i32
    %dma_start3A_486 = tpu.memref_slice %arg3[%dma_start3A_485] : memref<200000xf32, #tpu.memory_space<hbm>> -> memref<200000xf32, #tpu.memory_space<hbm>>
    tpu.enqueue_indirect_dma source(%dma_start3A_486 : memref<200000xf32, #tpu.memory_space<hbm>>) target(%dma_start3A_482 : memref<80xf32, #tpu.memory_space<vmem>>) offsets(%dma_start3A_484 : memref<80xi32, #tpu.memory_space<vmem>>) semaphore(%arg12 : memref<!tpu.dma_semaphore, #tpu.memory_space<semaphore_mem>>)
    %dma_start3A_487 = arith.constant 3280 : i32
    %dma_start3A_488 = tpu.memref_slice %arg9[%dma_start3A_487] : memref<5000xf32, #tpu.memory_space<vmem>> -> memref<80xf32, #tpu.memory_space<vmem>>
    %dma_start3A_489 = arith.constant 3280 : i32
    %dma_start3A_490 = tpu.memref_slice %arg8[%dma_start3A_489] : memref<5000xi32, #tpu.memory_space<vmem>> -> memref<80xi32, #tpu.memory_space<vmem>>
    %dma_start3A_491 = arith.constant 0 : i32
    %dma_start3A_492 = tpu.memref_slice %arg3[%dma_start3A_491] : memref<200000xf32, #tpu.memory_space<hbm>> -> memref<200000xf32, #tpu.memory_space<hbm>>
    tpu.enqueue_indirect_dma source(%dma_start3A_492 : memref<200000xf32, #tpu.memory_space<hbm>>) target(%dma_start3A_488 : memref<80xf32, #tpu.memory_space<vmem>>) offsets(%dma_start3A_490 : memref<80xi32, #tpu.memory_space<vmem>>) semaphore(%arg12 : memref<!tpu.dma_semaphore, #tpu.memory_space<semaphore_mem>>)
    %dma_start3A_493 = arith.constant 3360 : i32
    %dma_start3A_494 = tpu.memref_slice %arg9[%dma_start3A_493] : memref<5000xf32, #tpu.memory_space<vmem>> -> memref<80xf32, #tpu.memory_space<vmem>>
    %dma_start3A_495 = arith.constant 3360 : i32
    %dma_start3A_496 = tpu.memref_slice %arg8[%dma_start3A_495] : memref<5000xi32, #tpu.memory_space<vmem>> -> memref<80xi32, #tpu.memory_space<vmem>>
    %dma_start3A_497 = arith.constant 0 : i32
    %dma_start3A_498 = tpu.memref_slice %arg3[%dma_start3A_497] : memref<200000xf32, #tpu.memory_space<hbm>> -> memref<200000xf32, #tpu.memory_space<hbm>>
    tpu.enqueue_indirect_dma source(%dma_start3A_498 : memref<200000xf32, #tpu.memory_space<hbm>>) target(%dma_start3A_494 : memref<80xf32, #tpu.memory_space<vmem>>) offsets(%dma_start3A_496 : memref<80xi32, #tpu.memory_space<vmem>>) semaphore(%arg12 : memref<!tpu.dma_semaphore, #tpu.memory_space<semaphore_mem>>)
    %dma_start3A_499 = arith.constant 3440 : i32
    %dma_start3A_500 = tpu.memref_slice %arg9[%dma_start3A_499] : memref<5000xf32, #tpu.memory_space<vmem>> -> memref<80xf32, #tpu.memory_space<vmem>>
    %dma_start3A_501 = arith.constant 3440 : i32
    %dma_start3A_502 = tpu.memref_slice %arg8[%dma_start3A_501] : memref<5000xi32, #tpu.memory_space<vmem>> -> memref<80xi32, #tpu.memory_space<vmem>>
    %dma_start3A_503 = arith.constant 0 : i32
    %dma_start3A_504 = tpu.memref_slice %arg3[%dma_start3A_503] : memref<200000xf32, #tpu.memory_space<hbm>> -> memref<200000xf32, #tpu.memory_space<hbm>>
    tpu.enqueue_indirect_dma source(%dma_start3A_504 : memref<200000xf32, #tpu.memory_space<hbm>>) target(%dma_start3A_500 : memref<80xf32, #tpu.memory_space<vmem>>) offsets(%dma_start3A_502 : memref<80xi32, #tpu.memory_space<vmem>>) semaphore(%arg12 : memref<!tpu.dma_semaphore, #tpu.memory_space<semaphore_mem>>)
    %dma_start3A_505 = arith.constant 3520 : i32
    %dma_start3A_506 = tpu.memref_slice %arg9[%dma_start3A_505] : memref<5000xf32, #tpu.memory_space<vmem>> -> memref<80xf32, #tpu.memory_space<vmem>>
    %dma_start3A_507 = arith.constant 3520 : i32
    %dma_start3A_508 = tpu.memref_slice %arg8[%dma_start3A_507] : memref<5000xi32, #tpu.memory_space<vmem>> -> memref<80xi32, #tpu.memory_space<vmem>>
    %dma_start3A_509 = arith.constant 0 : i32
    %dma_start3A_510 = tpu.memref_slice %arg3[%dma_start3A_509] : memref<200000xf32, #tpu.memory_space<hbm>> -> memref<200000xf32, #tpu.memory_space<hbm>>
    tpu.enqueue_indirect_dma source(%dma_start3A_510 : memref<200000xf32, #tpu.memory_space<hbm>>) target(%dma_start3A_506 : memref<80xf32, #tpu.memory_space<vmem>>) offsets(%dma_start3A_508 : memref<80xi32, #tpu.memory_space<vmem>>) semaphore(%arg12 : memref<!tpu.dma_semaphore, #tpu.memory_space<semaphore_mem>>)
    %dma_start3A_511 = arith.constant 3600 : i32
    %dma_start3A_512 = tpu.memref_slice %arg9[%dma_start3A_511] : memref<5000xf32, #tpu.memory_space<vmem>> -> memref<80xf32, #tpu.memory_space<vmem>>
    %dma_start3A_513 = arith.constant 3600 : i32
    %dma_start3A_514 = tpu.memref_slice %arg8[%dma_start3A_513] : memref<5000xi32, #tpu.memory_space<vmem>> -> memref<80xi32, #tpu.memory_space<vmem>>
    %dma_start3A_515 = arith.constant 0 : i32
    %dma_start3A_516 = tpu.memref_slice %arg3[%dma_start3A_515] : memref<200000xf32, #tpu.memory_space<hbm>> -> memref<200000xf32, #tpu.memory_space<hbm>>
    tpu.enqueue_indirect_dma source(%dma_start3A_516 : memref<200000xf32, #tpu.memory_space<hbm>>) target(%dma_start3A_512 : memref<80xf32, #tpu.memory_space<vmem>>) offsets(%dma_start3A_514 : memref<80xi32, #tpu.memory_space<vmem>>) semaphore(%arg12 : memref<!tpu.dma_semaphore, #tpu.memory_space<semaphore_mem>>)
    %dma_start3A_517 = arith.constant 3680 : i32
    %dma_start3A_518 = tpu.memref_slice %arg9[%dma_start3A_517] : memref<5000xf32, #tpu.memory_space<vmem>> -> memref<80xf32, #tpu.memory_space<vmem>>
    %dma_start3A_519 = arith.constant 3680 : i32
    %dma_start3A_520 = tpu.memref_slice %arg8[%dma_start3A_519] : memref<5000xi32, #tpu.memory_space<vmem>> -> memref<80xi32, #tpu.memory_space<vmem>>
    %dma_start3A_521 = arith.constant 0 : i32
    %dma_start3A_522 = tpu.memref_slice %arg3[%dma_start3A_521] : memref<200000xf32, #tpu.memory_space<hbm>> -> memref<200000xf32, #tpu.memory_space<hbm>>
    tpu.enqueue_indirect_dma source(%dma_start3A_522 : memref<200000xf32, #tpu.memory_space<hbm>>) target(%dma_start3A_518 : memref<80xf32, #tpu.memory_space<vmem>>) offsets(%dma_start3A_520 : memref<80xi32, #tpu.memory_space<vmem>>) semaphore(%arg12 : memref<!tpu.dma_semaphore, #tpu.memory_space<semaphore_mem>>)
    %dma_start3A_523 = arith.constant 3760 : i32
    %dma_start3A_524 = tpu.memref_slice %arg9[%dma_start3A_523] : memref<5000xf32, #tpu.memory_space<vmem>> -> memref<80xf32, #tpu.memory_space<vmem>>
    %dma_start3A_525 = arith.constant 3760 : i32
    %dma_start3A_526 = tpu.memref_slice %arg8[%dma_start3A_525] : memref<5000xi32, #tpu.memory_space<vmem>> -> memref<80xi32, #tpu.memory_space<vmem>>
    %dma_start3A_527 = arith.constant 0 : i32
    %dma_start3A_528 = tpu.memref_slice %arg3[%dma_start3A_527] : memref<200000xf32, #tpu.memory_space<hbm>> -> memref<200000xf32, #tpu.memory_space<hbm>>
    tpu.enqueue_indirect_dma source(%dma_start3A_528 : memref<200000xf32, #tpu.memory_space<hbm>>) target(%dma_start3A_524 : memref<80xf32, #tpu.memory_space<vmem>>) offsets(%dma_start3A_526 : memref<80xi32, #tpu.memory_space<vmem>>) semaphore(%arg12 : memref<!tpu.dma_semaphore, #tpu.memory_space<semaphore_mem>>)
    %dma_wait3A_529 = arith.constant 3200 : i32
    %dma_wait3A_530 = tpu.memref_slice %arg9[%dma_wait3A_529] : memref<5000xf32, #tpu.memory_space<vmem>> -> memref<80xf32, #tpu.memory_space<vmem>>
    %dma_wait3A_531 = arith.constant 3200 : i32
    %dma_wait3A_532 = tpu.memref_slice %arg8[%dma_wait3A_531] : memref<5000xi32, #tpu.memory_space<vmem>> -> memref<80xi32, #tpu.memory_space<vmem>>
    %dma_wait3A_533 = arith.constant 0 : i32
    %dma_wait3A_534 = tpu.memref_slice %arg3[%dma_wait3A_533] : memref<200000xf32, #tpu.memory_space<hbm>> -> memref<200000xf32, #tpu.memory_space<hbm>>
    tpu.wait_indirect_dma semaphore(%arg12 : memref<!tpu.dma_semaphore, #tpu.memory_space<semaphore_mem>>) src(%dma_wait3A_534 : memref<200000xf32, #tpu.memory_space<hbm>>) dst(%dma_wait3A_530 : memref<80xf32, #tpu.memory_space<vmem>>)
    %dma_wait3A_535 = arith.constant 3280 : i32
    %dma_wait3A_536 = tpu.memref_slice %arg9[%dma_wait3A_535] : memref<5000xf32, #tpu.memory_space<vmem>> -> memref<80xf32, #tpu.memory_space<vmem>>
    %dma_wait3A_537 = arith.constant 3280 : i32
    %dma_wait3A_538 = tpu.memref_slice %arg8[%dma_wait3A_537] : memref<5000xi32, #tpu.memory_space<vmem>> -> memref<80xi32, #tpu.memory_space<vmem>>
    %dma_wait3A_539 = arith.constant 0 : i32
    %dma_wait3A_540 = tpu.memref_slice %arg3[%dma_wait3A_539] : memref<200000xf32, #tpu.memory_space<hbm>> -> memref<200000xf32, #tpu.memory_space<hbm>>
    tpu.wait_indirect_dma semaphore(%arg12 : memref<!tpu.dma_semaphore, #tpu.memory_space<semaphore_mem>>) src(%dma_wait3A_540 : memref<200000xf32, #tpu.memory_space<hbm>>) dst(%dma_wait3A_536 : memref<80xf32, #tpu.memory_space<vmem>>)
    %dma_wait3A_541 = arith.constant 3360 : i32
    %dma_wait3A_542 = tpu.memref_slice %arg9[%dma_wait3A_541] : memref<5000xf32, #tpu.memory_space<vmem>> -> memref<80xf32, #tpu.memory_space<vmem>>
    %dma_wait3A_543 = arith.constant 3360 : i32
    %dma_wait3A_544 = tpu.memref_slice %arg8[%dma_wait3A_543] : memref<5000xi32, #tpu.memory_space<vmem>> -> memref<80xi32, #tpu.memory_space<vmem>>
    %dma_wait3A_545 = arith.constant 0 : i32
    %dma_wait3A_546 = tpu.memref_slice %arg3[%dma_wait3A_545] : memref<200000xf32, #tpu.memory_space<hbm>> -> memref<200000xf32, #tpu.memory_space<hbm>>
    tpu.wait_indirect_dma semaphore(%arg12 : memref<!tpu.dma_semaphore, #tpu.memory_space<semaphore_mem>>) src(%dma_wait3A_546 : memref<200000xf32, #tpu.memory_space<hbm>>) dst(%dma_wait3A_542 : memref<80xf32, #tpu.memory_space<vmem>>)
    %dma_wait3A_547 = arith.constant 3440 : i32
    %dma_wait3A_548 = tpu.memref_slice %arg9[%dma_wait3A_547] : memref<5000xf32, #tpu.memory_space<vmem>> -> memref<80xf32, #tpu.memory_space<vmem>>
    %dma_wait3A_549 = arith.constant 3440 : i32
    %dma_wait3A_550 = tpu.memref_slice %arg8[%dma_wait3A_549] : memref<5000xi32, #tpu.memory_space<vmem>> -> memref<80xi32, #tpu.memory_space<vmem>>
    %dma_wait3A_551 = arith.constant 0 : i32
    %dma_wait3A_552 = tpu.memref_slice %arg3[%dma_wait3A_551] : memref<200000xf32, #tpu.memory_space<hbm>> -> memref<200000xf32, #tpu.memory_space<hbm>>
    tpu.wait_indirect_dma semaphore(%arg12 : memref<!tpu.dma_semaphore, #tpu.memory_space<semaphore_mem>>) src(%dma_wait3A_552 : memref<200000xf32, #tpu.memory_space<hbm>>) dst(%dma_wait3A_548 : memref<80xf32, #tpu.memory_space<vmem>>)
    %dma_wait3A_553 = arith.constant 3520 : i32
    %dma_wait3A_554 = tpu.memref_slice %arg9[%dma_wait3A_553] : memref<5000xf32, #tpu.memory_space<vmem>> -> memref<80xf32, #tpu.memory_space<vmem>>
    %dma_wait3A_555 = arith.constant 3520 : i32
    %dma_wait3A_556 = tpu.memref_slice %arg8[%dma_wait3A_555] : memref<5000xi32, #tpu.memory_space<vmem>> -> memref<80xi32, #tpu.memory_space<vmem>>
    %dma_wait3A_557 = arith.constant 0 : i32
    %dma_wait3A_558 = tpu.memref_slice %arg3[%dma_wait3A_557] : memref<200000xf32, #tpu.memory_space<hbm>> -> memref<200000xf32, #tpu.memory_space<hbm>>
    tpu.wait_indirect_dma semaphore(%arg12 : memref<!tpu.dma_semaphore, #tpu.memory_space<semaphore_mem>>) src(%dma_wait3A_558 : memref<200000xf32, #tpu.memory_space<hbm>>) dst(%dma_wait3A_554 : memref<80xf32, #tpu.memory_space<vmem>>)
    %dma_wait3A_559 = arith.constant 3600 : i32
    %dma_wait3A_560 = tpu.memref_slice %arg9[%dma_wait3A_559] : memref<5000xf32, #tpu.memory_space<vmem>> -> memref<80xf32, #tpu.memory_space<vmem>>
    %dma_wait3A_561 = arith.constant 3600 : i32
    %dma_wait3A_562 = tpu.memref_slice %arg8[%dma_wait3A_561] : memref<5000xi32, #tpu.memory_space<vmem>> -> memref<80xi32, #tpu.memory_space<vmem>>
    %dma_wait3A_563 = arith.constant 0 : i32
    %dma_wait3A_564 = tpu.memref_slice %arg3[%dma_wait3A_563] : memref<200000xf32, #tpu.memory_space<hbm>> -> memref<200000xf32, #tpu.memory_space<hbm>>
    tpu.wait_indirect_dma semaphore(%arg12 : memref<!tpu.dma_semaphore, #tpu.memory_space<semaphore_mem>>) src(%dma_wait3A_564 : memref<200000xf32, #tpu.memory_space<hbm>>) dst(%dma_wait3A_560 : memref<80xf32, #tpu.memory_space<vmem>>)
    %dma_wait3A_565 = arith.constant 3680 : i32
    %dma_wait3A_566 = tpu.memref_slice %arg9[%dma_wait3A_565] : memref<5000xf32, #tpu.memory_space<vmem>> -> memref<80xf32, #tpu.memory_space<vmem>>
    %dma_wait3A_567 = arith.constant 3680 : i32
    %dma_wait3A_568 = tpu.memref_slice %arg8[%dma_wait3A_567] : memref<5000xi32, #tpu.memory_space<vmem>> -> memref<80xi32, #tpu.memory_space<vmem>>
    %dma_wait3A_569 = arith.constant 0 : i32
    %dma_wait3A_570 = tpu.memref_slice %arg3[%dma_wait3A_569] : memref<200000xf32, #tpu.memory_space<hbm>> -> memref<200000xf32, #tpu.memory_space<hbm>>
    tpu.wait_indirect_dma semaphore(%arg12 : memref<!tpu.dma_semaphore, #tpu.memory_space<semaphore_mem>>) src(%dma_wait3A_570 : memref<200000xf32, #tpu.memory_space<hbm>>) dst(%dma_wait3A_566 : memref<80xf32, #tpu.memory_space<vmem>>)
    %dma_wait3A_571 = arith.constant 3760 : i32
    %dma_wait3A_572 = tpu.memref_slice %arg9[%dma_wait3A_571] : memref<5000xf32, #tpu.memory_space<vmem>> -> memref<80xf32, #tpu.memory_space<vmem>>
    %dma_wait3A_573 = arith.constant 3760 : i32
    %dma_wait3A_574 = tpu.memref_slice %arg8[%dma_wait3A_573] : memref<5000xi32, #tpu.memory_space<vmem>> -> memref<80xi32, #tpu.memory_space<vmem>>
    %dma_wait3A_575 = arith.constant 0 : i32
    %dma_wait3A_576 = tpu.memref_slice %arg3[%dma_wait3A_575] : memref<200000xf32, #tpu.memory_space<hbm>> -> memref<200000xf32, #tpu.memory_space<hbm>>
    tpu.wait_indirect_dma semaphore(%arg12 : memref<!tpu.dma_semaphore, #tpu.memory_space<semaphore_mem>>) src(%dma_wait3A_576 : memref<200000xf32, #tpu.memory_space<hbm>>) dst(%dma_wait3A_572 : memref<80xf32, #tpu.memory_space<vmem>>)
    %dma_start3A_577 = arith.constant 3840 : i32
    %dma_start3A_578 = tpu.memref_slice %arg9[%dma_start3A_577] : memref<5000xf32, #tpu.memory_space<vmem>> -> memref<80xf32, #tpu.memory_space<vmem>>
    %dma_start3A_579 = arith.constant 3840 : i32
    %dma_start3A_580 = tpu.memref_slice %arg8[%dma_start3A_579] : memref<5000xi32, #tpu.memory_space<vmem>> -> memref<80xi32, #tpu.memory_space<vmem>>
    %dma_start3A_581 = arith.constant 0 : i32
    %dma_start3A_582 = tpu.memref_slice %arg3[%dma_start3A_581] : memref<200000xf32, #tpu.memory_space<hbm>> -> memref<200000xf32, #tpu.memory_space<hbm>>
    tpu.enqueue_indirect_dma source(%dma_start3A_582 : memref<200000xf32, #tpu.memory_space<hbm>>) target(%dma_start3A_578 : memref<80xf32, #tpu.memory_space<vmem>>) offsets(%dma_start3A_580 : memref<80xi32, #tpu.memory_space<vmem>>) semaphore(%arg12 : memref<!tpu.dma_semaphore, #tpu.memory_space<semaphore_mem>>)
    %dma_start3A_583 = arith.constant 3920 : i32
    %dma_start3A_584 = tpu.memref_slice %arg9[%dma_start3A_583] : memref<5000xf32, #tpu.memory_space<vmem>> -> memref<80xf32, #tpu.memory_space<vmem>>
    %dma_start3A_585 = arith.constant 3920 : i32
    %dma_start3A_586 = tpu.memref_slice %arg8[%dma_start3A_585] : memref<5000xi32, #tpu.memory_space<vmem>> -> memref<80xi32, #tpu.memory_space<vmem>>
    %dma_start3A_587 = arith.constant 0 : i32
    %dma_start3A_588 = tpu.memref_slice %arg3[%dma_start3A_587] : memref<200000xf32, #tpu.memory_space<hbm>> -> memref<200000xf32, #tpu.memory_space<hbm>>
    tpu.enqueue_indirect_dma source(%dma_start3A_588 : memref<200000xf32, #tpu.memory_space<hbm>>) target(%dma_start3A_584 : memref<80xf32, #tpu.memory_space<vmem>>) offsets(%dma_start3A_586 : memref<80xi32, #tpu.memory_space<vmem>>) semaphore(%arg12 : memref<!tpu.dma_semaphore, #tpu.memory_space<semaphore_mem>>)
    %dma_start3A_589 = arith.constant 4000 : i32
    %dma_start3A_590 = tpu.memref_slice %arg9[%dma_start3A_589] : memref<5000xf32, #tpu.memory_space<vmem>> -> memref<80xf32, #tpu.memory_space<vmem>>
    %dma_start3A_591 = arith.constant 4000 : i32
    %dma_start3A_592 = tpu.memref_slice %arg8[%dma_start3A_591] : memref<5000xi32, #tpu.memory_space<vmem>> -> memref<80xi32, #tpu.memory_space<vmem>>
    %dma_start3A_593 = arith.constant 0 : i32
    %dma_start3A_594 = tpu.memref_slice %arg3[%dma_start3A_593] : memref<200000xf32, #tpu.memory_space<hbm>> -> memref<200000xf32, #tpu.memory_space<hbm>>
    tpu.enqueue_indirect_dma source(%dma_start3A_594 : memref<200000xf32, #tpu.memory_space<hbm>>) target(%dma_start3A_590 : memref<80xf32, #tpu.memory_space<vmem>>) offsets(%dma_start3A_592 : memref<80xi32, #tpu.memory_space<vmem>>) semaphore(%arg12 : memref<!tpu.dma_semaphore, #tpu.memory_space<semaphore_mem>>)
    %dma_start3A_595 = arith.constant 4080 : i32
    %dma_start3A_596 = tpu.memref_slice %arg9[%dma_start3A_595] : memref<5000xf32, #tpu.memory_space<vmem>> -> memref<80xf32, #tpu.memory_space<vmem>>
    %dma_start3A_597 = arith.constant 4080 : i32
    %dma_start3A_598 = tpu.memref_slice %arg8[%dma_start3A_597] : memref<5000xi32, #tpu.memory_space<vmem>> -> memref<80xi32, #tpu.memory_space<vmem>>
    %dma_start3A_599 = arith.constant 0 : i32
    %dma_start3A_600 = tpu.memref_slice %arg3[%dma_start3A_599] : memref<200000xf32, #tpu.memory_space<hbm>> -> memref<200000xf32, #tpu.memory_space<hbm>>
    tpu.enqueue_indirect_dma source(%dma_start3A_600 : memref<200000xf32, #tpu.memory_space<hbm>>) target(%dma_start3A_596 : memref<80xf32, #tpu.memory_space<vmem>>) offsets(%dma_start3A_598 : memref<80xi32, #tpu.memory_space<vmem>>) semaphore(%arg12 : memref<!tpu.dma_semaphore, #tpu.memory_space<semaphore_mem>>)
    %dma_start3A_601 = arith.constant 4160 : i32
    %dma_start3A_602 = tpu.memref_slice %arg9[%dma_start3A_601] : memref<5000xf32, #tpu.memory_space<vmem>> -> memref<80xf32, #tpu.memory_space<vmem>>
    %dma_start3A_603 = arith.constant 4160 : i32
    %dma_start3A_604 = tpu.memref_slice %arg8[%dma_start3A_603] : memref<5000xi32, #tpu.memory_space<vmem>> -> memref<80xi32, #tpu.memory_space<vmem>>
    %dma_start3A_605 = arith.constant 0 : i32
    %dma_start3A_606 = tpu.memref_slice %arg3[%dma_start3A_605] : memref<200000xf32, #tpu.memory_space<hbm>> -> memref<200000xf32, #tpu.memory_space<hbm>>
    tpu.enqueue_indirect_dma source(%dma_start3A_606 : memref<200000xf32, #tpu.memory_space<hbm>>) target(%dma_start3A_602 : memref<80xf32, #tpu.memory_space<vmem>>) offsets(%dma_start3A_604 : memref<80xi32, #tpu.memory_space<vmem>>) semaphore(%arg12 : memref<!tpu.dma_semaphore, #tpu.memory_space<semaphore_mem>>)
    %dma_start3A_607 = arith.constant 4240 : i32
    %dma_start3A_608 = tpu.memref_slice %arg9[%dma_start3A_607] : memref<5000xf32, #tpu.memory_space<vmem>> -> memref<80xf32, #tpu.memory_space<vmem>>
    %dma_start3A_609 = arith.constant 4240 : i32
    %dma_start3A_610 = tpu.memref_slice %arg8[%dma_start3A_609] : memref<5000xi32, #tpu.memory_space<vmem>> -> memref<80xi32, #tpu.memory_space<vmem>>
    %dma_start3A_611 = arith.constant 0 : i32
    %dma_start3A_612 = tpu.memref_slice %arg3[%dma_start3A_611] : memref<200000xf32, #tpu.memory_space<hbm>> -> memref<200000xf32, #tpu.memory_space<hbm>>
    tpu.enqueue_indirect_dma source(%dma_start3A_612 : memref<200000xf32, #tpu.memory_space<hbm>>) target(%dma_start3A_608 : memref<80xf32, #tpu.memory_space<vmem>>) offsets(%dma_start3A_610 : memref<80xi32, #tpu.memory_space<vmem>>) semaphore(%arg12 : memref<!tpu.dma_semaphore, #tpu.memory_space<semaphore_mem>>)
    %dma_start3A_613 = arith.constant 4320 : i32
    %dma_start3A_614 = tpu.memref_slice %arg9[%dma_start3A_613] : memref<5000xf32, #tpu.memory_space<vmem>> -> memref<80xf32, #tpu.memory_space<vmem>>
    %dma_start3A_615 = arith.constant 4320 : i32
    %dma_start3A_616 = tpu.memref_slice %arg8[%dma_start3A_615] : memref<5000xi32, #tpu.memory_space<vmem>> -> memref<80xi32, #tpu.memory_space<vmem>>
    %dma_start3A_617 = arith.constant 0 : i32
    %dma_start3A_618 = tpu.memref_slice %arg3[%dma_start3A_617] : memref<200000xf32, #tpu.memory_space<hbm>> -> memref<200000xf32, #tpu.memory_space<hbm>>
    tpu.enqueue_indirect_dma source(%dma_start3A_618 : memref<200000xf32, #tpu.memory_space<hbm>>) target(%dma_start3A_614 : memref<80xf32, #tpu.memory_space<vmem>>) offsets(%dma_start3A_616 : memref<80xi32, #tpu.memory_space<vmem>>) semaphore(%arg12 : memref<!tpu.dma_semaphore, #tpu.memory_space<semaphore_mem>>)
    %dma_start3A_619 = arith.constant 4400 : i32
    %dma_start3A_620 = tpu.memref_slice %arg9[%dma_start3A_619] : memref<5000xf32, #tpu.memory_space<vmem>> -> memref<80xf32, #tpu.memory_space<vmem>>
    %dma_start3A_621 = arith.constant 4400 : i32
    %dma_start3A_622 = tpu.memref_slice %arg8[%dma_start3A_621] : memref<5000xi32, #tpu.memory_space<vmem>> -> memref<80xi32, #tpu.memory_space<vmem>>
    %dma_start3A_623 = arith.constant 0 : i32
    %dma_start3A_624 = tpu.memref_slice %arg3[%dma_start3A_623] : memref<200000xf32, #tpu.memory_space<hbm>> -> memref<200000xf32, #tpu.memory_space<hbm>>
    tpu.enqueue_indirect_dma source(%dma_start3A_624 : memref<200000xf32, #tpu.memory_space<hbm>>) target(%dma_start3A_620 : memref<80xf32, #tpu.memory_space<vmem>>) offsets(%dma_start3A_622 : memref<80xi32, #tpu.memory_space<vmem>>) semaphore(%arg12 : memref<!tpu.dma_semaphore, #tpu.memory_space<semaphore_mem>>)
    %dma_wait3A_625 = arith.constant 3840 : i32
    %dma_wait3A_626 = tpu.memref_slice %arg9[%dma_wait3A_625] : memref<5000xf32, #tpu.memory_space<vmem>> -> memref<80xf32, #tpu.memory_space<vmem>>
    %dma_wait3A_627 = arith.constant 3840 : i32
    %dma_wait3A_628 = tpu.memref_slice %arg8[%dma_wait3A_627] : memref<5000xi32, #tpu.memory_space<vmem>> -> memref<80xi32, #tpu.memory_space<vmem>>
    %dma_wait3A_629 = arith.constant 0 : i32
    %dma_wait3A_630 = tpu.memref_slice %arg3[%dma_wait3A_629] : memref<200000xf32, #tpu.memory_space<hbm>> -> memref<200000xf32, #tpu.memory_space<hbm>>
    tpu.wait_indirect_dma semaphore(%arg12 : memref<!tpu.dma_semaphore, #tpu.memory_space<semaphore_mem>>) src(%dma_wait3A_630 : memref<200000xf32, #tpu.memory_space<hbm>>) dst(%dma_wait3A_626 : memref<80xf32, #tpu.memory_space<vmem>>)
    %dma_wait3A_631 = arith.constant 3920 : i32
    %dma_wait3A_632 = tpu.memref_slice %arg9[%dma_wait3A_631] : memref<5000xf32, #tpu.memory_space<vmem>> -> memref<80xf32, #tpu.memory_space<vmem>>
    %dma_wait3A_633 = arith.constant 3920 : i32
    %dma_wait3A_634 = tpu.memref_slice %arg8[%dma_wait3A_633] : memref<5000xi32, #tpu.memory_space<vmem>> -> memref<80xi32, #tpu.memory_space<vmem>>
    %dma_wait3A_635 = arith.constant 0 : i32
    %dma_wait3A_636 = tpu.memref_slice %arg3[%dma_wait3A_635] : memref<200000xf32, #tpu.memory_space<hbm>> -> memref<200000xf32, #tpu.memory_space<hbm>>
    tpu.wait_indirect_dma semaphore(%arg12 : memref<!tpu.dma_semaphore, #tpu.memory_space<semaphore_mem>>) src(%dma_wait3A_636 : memref<200000xf32, #tpu.memory_space<hbm>>) dst(%dma_wait3A_632 : memref<80xf32, #tpu.memory_space<vmem>>)
    %dma_wait3A_637 = arith.constant 4000 : i32
    %dma_wait3A_638 = tpu.memref_slice %arg9[%dma_wait3A_637] : memref<5000xf32, #tpu.memory_space<vmem>> -> memref<80xf32, #tpu.memory_space<vmem>>
    %dma_wait3A_639 = arith.constant 4000 : i32
    %dma_wait3A_640 = tpu.memref_slice %arg8[%dma_wait3A_639] : memref<5000xi32, #tpu.memory_space<vmem>> -> memref<80xi32, #tpu.memory_space<vmem>>
    %dma_wait3A_641 = arith.constant 0 : i32
    %dma_wait3A_642 = tpu.memref_slice %arg3[%dma_wait3A_641] : memref<200000xf32, #tpu.memory_space<hbm>> -> memref<200000xf32, #tpu.memory_space<hbm>>
    tpu.wait_indirect_dma semaphore(%arg12 : memref<!tpu.dma_semaphore, #tpu.memory_space<semaphore_mem>>) src(%dma_wait3A_642 : memref<200000xf32, #tpu.memory_space<hbm>>) dst(%dma_wait3A_638 : memref<80xf32, #tpu.memory_space<vmem>>)
    %dma_wait3A_643 = arith.constant 4080 : i32
    %dma_wait3A_644 = tpu.memref_slice %arg9[%dma_wait3A_643] : memref<5000xf32, #tpu.memory_space<vmem>> -> memref<80xf32, #tpu.memory_space<vmem>>
    %dma_wait3A_645 = arith.constant 4080 : i32
    %dma_wait3A_646 = tpu.memref_slice %arg8[%dma_wait3A_645] : memref<5000xi32, #tpu.memory_space<vmem>> -> memref<80xi32, #tpu.memory_space<vmem>>
    %dma_wait3A_647 = arith.constant 0 : i32
    %dma_wait3A_648 = tpu.memref_slice %arg3[%dma_wait3A_647] : memref<200000xf32, #tpu.memory_space<hbm>> -> memref<200000xf32, #tpu.memory_space<hbm>>
    tpu.wait_indirect_dma semaphore(%arg12 : memref<!tpu.dma_semaphore, #tpu.memory_space<semaphore_mem>>) src(%dma_wait3A_648 : memref<200000xf32, #tpu.memory_space<hbm>>) dst(%dma_wait3A_644 : memref<80xf32, #tpu.memory_space<vmem>>)
    %dma_wait3A_649 = arith.constant 4160 : i32
    %dma_wait3A_650 = tpu.memref_slice %arg9[%dma_wait3A_649] : memref<5000xf32, #tpu.memory_space<vmem>> -> memref<80xf32, #tpu.memory_space<vmem>>
    %dma_wait3A_651 = arith.constant 4160 : i32
    %dma_wait3A_652 = tpu.memref_slice %arg8[%dma_wait3A_651] : memref<5000xi32, #tpu.memory_space<vmem>> -> memref<80xi32, #tpu.memory_space<vmem>>
    %dma_wait3A_653 = arith.constant 0 : i32
    %dma_wait3A_654 = tpu.memref_slice %arg3[%dma_wait3A_653] : memref<200000xf32, #tpu.memory_space<hbm>> -> memref<200000xf32, #tpu.memory_space<hbm>>
    tpu.wait_indirect_dma semaphore(%arg12 : memref<!tpu.dma_semaphore, #tpu.memory_space<semaphore_mem>>) src(%dma_wait3A_654 : memref<200000xf32, #tpu.memory_space<hbm>>) dst(%dma_wait3A_650 : memref<80xf32, #tpu.memory_space<vmem>>)
    %dma_wait3A_655 = arith.constant 4240 : i32
    %dma_wait3A_656 = tpu.memref_slice %arg9[%dma_wait3A_655] : memref<5000xf32, #tpu.memory_space<vmem>> -> memref<80xf32, #tpu.memory_space<vmem>>
    %dma_wait3A_657 = arith.constant 4240 : i32
    %dma_wait3A_658 = tpu.memref_slice %arg8[%dma_wait3A_657] : memref<5000xi32, #tpu.memory_space<vmem>> -> memref<80xi32, #tpu.memory_space<vmem>>
    %dma_wait3A_659 = arith.constant 0 : i32
    %dma_wait3A_660 = tpu.memref_slice %arg3[%dma_wait3A_659] : memref<200000xf32, #tpu.memory_space<hbm>> -> memref<200000xf32, #tpu.memory_space<hbm>>
    tpu.wait_indirect_dma semaphore(%arg12 : memref<!tpu.dma_semaphore, #tpu.memory_space<semaphore_mem>>) src(%dma_wait3A_660 : memref<200000xf32, #tpu.memory_space<hbm>>) dst(%dma_wait3A_656 : memref<80xf32, #tpu.memory_space<vmem>>)
    %dma_wait3A_661 = arith.constant 4320 : i32
    %dma_wait3A_662 = tpu.memref_slice %arg9[%dma_wait3A_661] : memref<5000xf32, #tpu.memory_space<vmem>> -> memref<80xf32, #tpu.memory_space<vmem>>
    %dma_wait3A_663 = arith.constant 4320 : i32
    %dma_wait3A_664 = tpu.memref_slice %arg8[%dma_wait3A_663] : memref<5000xi32, #tpu.memory_space<vmem>> -> memref<80xi32, #tpu.memory_space<vmem>>
    %dma_wait3A_665 = arith.constant 0 : i32
    %dma_wait3A_666 = tpu.memref_slice %arg3[%dma_wait3A_665] : memref<200000xf32, #tpu.memory_space<hbm>> -> memref<200000xf32, #tpu.memory_space<hbm>>
    tpu.wait_indirect_dma semaphore(%arg12 : memref<!tpu.dma_semaphore, #tpu.memory_space<semaphore_mem>>) src(%dma_wait3A_666 : memref<200000xf32, #tpu.memory_space<hbm>>) dst(%dma_wait3A_662 : memref<80xf32, #tpu.memory_space<vmem>>)
    %dma_wait3A_667 = arith.constant 4400 : i32
    %dma_wait3A_668 = tpu.memref_slice %arg9[%dma_wait3A_667] : memref<5000xf32, #tpu.memory_space<vmem>> -> memref<80xf32, #tpu.memory_space<vmem>>
    %dma_wait3A_669 = arith.constant 4400 : i32
    %dma_wait3A_670 = tpu.memref_slice %arg8[%dma_wait3A_669] : memref<5000xi32, #tpu.memory_space<vmem>> -> memref<80xi32, #tpu.memory_space<vmem>>
    %dma_wait3A_671 = arith.constant 0 : i32
    %dma_wait3A_672 = tpu.memref_slice %arg3[%dma_wait3A_671] : memref<200000xf32, #tpu.memory_space<hbm>> -> memref<200000xf32, #tpu.memory_space<hbm>>
    tpu.wait_indirect_dma semaphore(%arg12 : memref<!tpu.dma_semaphore, #tpu.memory_space<semaphore_mem>>) src(%dma_wait3A_672 : memref<200000xf32, #tpu.memory_space<hbm>>) dst(%dma_wait3A_668 : memref<80xf32, #tpu.memory_space<vmem>>)
    %dma_start3A_673 = arith.constant 4480 : i32
    %dma_start3A_674 = tpu.memref_slice %arg9[%dma_start3A_673] : memref<5000xf32, #tpu.memory_space<vmem>> -> memref<80xf32, #tpu.memory_space<vmem>>
    %dma_start3A_675 = arith.constant 4480 : i32
    %dma_start3A_676 = tpu.memref_slice %arg8[%dma_start3A_675] : memref<5000xi32, #tpu.memory_space<vmem>> -> memref<80xi32, #tpu.memory_space<vmem>>
    %dma_start3A_677 = arith.constant 0 : i32
    %dma_start3A_678 = tpu.memref_slice %arg3[%dma_start3A_677] : memref<200000xf32, #tpu.memory_space<hbm>> -> memref<200000xf32, #tpu.memory_space<hbm>>
    tpu.enqueue_indirect_dma source(%dma_start3A_678 : memref<200000xf32, #tpu.memory_space<hbm>>) target(%dma_start3A_674 : memref<80xf32, #tpu.memory_space<vmem>>) offsets(%dma_start3A_676 : memref<80xi32, #tpu.memory_space<vmem>>) semaphore(%arg12 : memref<!tpu.dma_semaphore, #tpu.memory_space<semaphore_mem>>)
    %dma_start3A_679 = arith.constant 4560 : i32
    %dma_start3A_680 = tpu.memref_slice %arg9[%dma_start3A_679] : memref<5000xf32, #tpu.memory_space<vmem>> -> memref<80xf32, #tpu.memory_space<vmem>>
    %dma_start3A_681 = arith.constant 4560 : i32
    %dma_start3A_682 = tpu.memref_slice %arg8[%dma_start3A_681] : memref<5000xi32, #tpu.memory_space<vmem>> -> memref<80xi32, #tpu.memory_space<vmem>>
    %dma_start3A_683 = arith.constant 0 : i32
    %dma_start3A_684 = tpu.memref_slice %arg3[%dma_start3A_683] : memref<200000xf32, #tpu.memory_space<hbm>> -> memref<200000xf32, #tpu.memory_space<hbm>>
    tpu.enqueue_indirect_dma source(%dma_start3A_684 : memref<200000xf32, #tpu.memory_space<hbm>>) target(%dma_start3A_680 : memref<80xf32, #tpu.memory_space<vmem>>) offsets(%dma_start3A_682 : memref<80xi32, #tpu.memory_space<vmem>>) semaphore(%arg12 : memref<!tpu.dma_semaphore, #tpu.memory_space<semaphore_mem>>)
    %dma_start3A_685 = arith.constant 4640 : i32
    %dma_start3A_686 = tpu.memref_slice %arg9[%dma_start3A_685] : memref<5000xf32, #tpu.memory_space<vmem>> -> memref<80xf32, #tpu.memory_space<vmem>>
    %dma_start3A_687 = arith.constant 4640 : i32
    %dma_start3A_688 = tpu.memref_slice %arg8[%dma_start3A_687] : memref<5000xi32, #tpu.memory_space<vmem>> -> memref<80xi32, #tpu.memory_space<vmem>>
    %dma_start3A_689 = arith.constant 0 : i32
    %dma_start3A_690 = tpu.memref_slice %arg3[%dma_start3A_689] : memref<200000xf32, #tpu.memory_space<hbm>> -> memref<200000xf32, #tpu.memory_space<hbm>>
    tpu.enqueue_indirect_dma source(%dma_start3A_690 : memref<200000xf32, #tpu.memory_space<hbm>>) target(%dma_start3A_686 : memref<80xf32, #tpu.memory_space<vmem>>) offsets(%dma_start3A_688 : memref<80xi32, #tpu.memory_space<vmem>>) semaphore(%arg12 : memref<!tpu.dma_semaphore, #tpu.memory_space<semaphore_mem>>)
    %dma_start3A_691 = arith.constant 4720 : i32
    %dma_start3A_692 = tpu.memref_slice %arg9[%dma_start3A_691] : memref<5000xf32, #tpu.memory_space<vmem>> -> memref<80xf32, #tpu.memory_space<vmem>>
    %dma_start3A_693 = arith.constant 4720 : i32
    %dma_start3A_694 = tpu.memref_slice %arg8[%dma_start3A_693] : memref<5000xi32, #tpu.memory_space<vmem>> -> memref<80xi32, #tpu.memory_space<vmem>>
    %dma_start3A_695 = arith.constant 0 : i32
    %dma_start3A_696 = tpu.memref_slice %arg3[%dma_start3A_695] : memref<200000xf32, #tpu.memory_space<hbm>> -> memref<200000xf32, #tpu.memory_space<hbm>>
    tpu.enqueue_indirect_dma source(%dma_start3A_696 : memref<200000xf32, #tpu.memory_space<hbm>>) target(%dma_start3A_692 : memref<80xf32, #tpu.memory_space<vmem>>) offsets(%dma_start3A_694 : memref<80xi32, #tpu.memory_space<vmem>>) semaphore(%arg12 : memref<!tpu.dma_semaphore, #tpu.memory_space<semaphore_mem>>)
    %dma_start3A_697 = arith.constant 4800 : i32
    %dma_start3A_698 = tpu.memref_slice %arg9[%dma_start3A_697] : memref<5000xf32, #tpu.memory_space<vmem>> -> memref<80xf32, #tpu.memory_space<vmem>>
    %dma_start3A_699 = arith.constant 4800 : i32
    %dma_start3A_700 = tpu.memref_slice %arg8[%dma_start3A_699] : memref<5000xi32, #tpu.memory_space<vmem>> -> memref<80xi32, #tpu.memory_space<vmem>>
    %dma_start3A_701 = arith.constant 0 : i32
    %dma_start3A_702 = tpu.memref_slice %arg3[%dma_start3A_701] : memref<200000xf32, #tpu.memory_space<hbm>> -> memref<200000xf32, #tpu.memory_space<hbm>>
    tpu.enqueue_indirect_dma source(%dma_start3A_702 : memref<200000xf32, #tpu.memory_space<hbm>>) target(%dma_start3A_698 : memref<80xf32, #tpu.memory_space<vmem>>) offsets(%dma_start3A_700 : memref<80xi32, #tpu.memory_space<vmem>>) semaphore(%arg12 : memref<!tpu.dma_semaphore, #tpu.memory_space<semaphore_mem>>)
    %dma_start3A_703 = arith.constant 4880 : i32
    %dma_start3A_704 = tpu.memref_slice %arg9[%dma_start3A_703] : memref<5000xf32, #tpu.memory_space<vmem>> -> memref<80xf32, #tpu.memory_space<vmem>>
    %dma_start3A_705 = arith.constant 4880 : i32
    %dma_start3A_706 = tpu.memref_slice %arg8[%dma_start3A_705] : memref<5000xi32, #tpu.memory_space<vmem>> -> memref<80xi32, #tpu.memory_space<vmem>>
    %dma_start3A_707 = arith.constant 0 : i32
    %dma_start3A_708 = tpu.memref_slice %arg3[%dma_start3A_707] : memref<200000xf32, #tpu.memory_space<hbm>> -> memref<200000xf32, #tpu.memory_space<hbm>>
    tpu.enqueue_indirect_dma source(%dma_start3A_708 : memref<200000xf32, #tpu.memory_space<hbm>>) target(%dma_start3A_704 : memref<80xf32, #tpu.memory_space<vmem>>) offsets(%dma_start3A_706 : memref<80xi32, #tpu.memory_space<vmem>>) semaphore(%arg12 : memref<!tpu.dma_semaphore, #tpu.memory_space<semaphore_mem>>)
    %dma_start3A_709 = arith.constant 4960 : i32
    %dma_start3A_710 = tpu.memref_slice %arg9[%dma_start3A_709] : memref<5000xf32, #tpu.memory_space<vmem>> -> memref<40xf32, #tpu.memory_space<vmem>>
    %dma_start3A_711 = arith.constant 4960 : i32
    %dma_start3A_712 = tpu.memref_slice %arg8[%dma_start3A_711] : memref<5000xi32, #tpu.memory_space<vmem>> -> memref<40xi32, #tpu.memory_space<vmem>>
    %dma_start3A_713 = arith.constant 0 : i32
    %dma_start3A_714 = tpu.memref_slice %arg3[%dma_start3A_713] : memref<200000xf32, #tpu.memory_space<hbm>> -> memref<200000xf32, #tpu.memory_space<hbm>>
    tpu.enqueue_indirect_dma source(%dma_start3A_714 : memref<200000xf32, #tpu.memory_space<hbm>>) target(%dma_start3A_710 : memref<40xf32, #tpu.memory_space<vmem>>) offsets(%dma_start3A_712 : memref<40xi32, #tpu.memory_space<vmem>>) semaphore(%arg12 : memref<!tpu.dma_semaphore, #tpu.memory_space<semaphore_mem>>)
    %dma_wait3A_715 = arith.constant 4480 : i32
    %dma_wait3A_716 = tpu.memref_slice %arg9[%dma_wait3A_715] : memref<5000xf32, #tpu.memory_space<vmem>> -> memref<80xf32, #tpu.memory_space<vmem>>
    %dma_wait3A_717 = arith.constant 4480 : i32
    %dma_wait3A_718 = tpu.memref_slice %arg8[%dma_wait3A_717] : memref<5000xi32, #tpu.memory_space<vmem>> -> memref<80xi32, #tpu.memory_space<vmem>>
    %dma_wait3A_719 = arith.constant 0 : i32
    %dma_wait3A_720 = tpu.memref_slice %arg3[%dma_wait3A_719] : memref<200000xf32, #tpu.memory_space<hbm>> -> memref<200000xf32, #tpu.memory_space<hbm>>
    tpu.wait_indirect_dma semaphore(%arg12 : memref<!tpu.dma_semaphore, #tpu.memory_space<semaphore_mem>>) src(%dma_wait3A_720 : memref<200000xf32, #tpu.memory_space<hbm>>) dst(%dma_wait3A_716 : memref<80xf32, #tpu.memory_space<vmem>>)
    %dma_wait3A_721 = arith.constant 4560 : i32
    %dma_wait3A_722 = tpu.memref_slice %arg9[%dma_wait3A_721] : memref<5000xf32, #tpu.memory_space<vmem>> -> memref<80xf32, #tpu.memory_space<vmem>>
    %dma_wait3A_723 = arith.constant 4560 : i32
    %dma_wait3A_724 = tpu.memref_slice %arg8[%dma_wait3A_723] : memref<5000xi32, #tpu.memory_space<vmem>> -> memref<80xi32, #tpu.memory_space<vmem>>
    %dma_wait3A_725 = arith.constant 0 : i32
    %dma_wait3A_726 = tpu.memref_slice %arg3[%dma_wait3A_725] : memref<200000xf32, #tpu.memory_space<hbm>> -> memref<200000xf32, #tpu.memory_space<hbm>>
    tpu.wait_indirect_dma semaphore(%arg12 : memref<!tpu.dma_semaphore, #tpu.memory_space<semaphore_mem>>) src(%dma_wait3A_726 : memref<200000xf32, #tpu.memory_space<hbm>>) dst(%dma_wait3A_722 : memref<80xf32, #tpu.memory_space<vmem>>)
    %dma_wait3A_727 = arith.constant 4640 : i32
    %dma_wait3A_728 = tpu.memref_slice %arg9[%dma_wait3A_727] : memref<5000xf32, #tpu.memory_space<vmem>> -> memref<80xf32, #tpu.memory_space<vmem>>
    %dma_wait3A_729 = arith.constant 4640 : i32
    %dma_wait3A_730 = tpu.memref_slice %arg8[%dma_wait3A_729] : memref<5000xi32, #tpu.memory_space<vmem>> -> memref<80xi32, #tpu.memory_space<vmem>>
    %dma_wait3A_731 = arith.constant 0 : i32
    %dma_wait3A_732 = tpu.memref_slice %arg3[%dma_wait3A_731] : memref<200000xf32, #tpu.memory_space<hbm>> -> memref<200000xf32, #tpu.memory_space<hbm>>
    tpu.wait_indirect_dma semaphore(%arg12 : memref<!tpu.dma_semaphore, #tpu.memory_space<semaphore_mem>>) src(%dma_wait3A_732 : memref<200000xf32, #tpu.memory_space<hbm>>) dst(%dma_wait3A_728 : memref<80xf32, #tpu.memory_space<vmem>>)
    %dma_wait3A_733 = arith.constant 4720 : i32
    %dma_wait3A_734 = tpu.memref_slice %arg9[%dma_wait3A_733] : memref<5000xf32, #tpu.memory_space<vmem>> -> memref<80xf32, #tpu.memory_space<vmem>>
    %dma_wait3A_735 = arith.constant 4720 : i32
    %dma_wait3A_736 = tpu.memref_slice %arg8[%dma_wait3A_735] : memref<5000xi32, #tpu.memory_space<vmem>> -> memref<80xi32, #tpu.memory_space<vmem>>
    %dma_wait3A_737 = arith.constant 0 : i32
    %dma_wait3A_738 = tpu.memref_slice %arg3[%dma_wait3A_737] : memref<200000xf32, #tpu.memory_space<hbm>> -> memref<200000xf32, #tpu.memory_space<hbm>>
    tpu.wait_indirect_dma semaphore(%arg12 : memref<!tpu.dma_semaphore, #tpu.memory_space<semaphore_mem>>) src(%dma_wait3A_738 : memref<200000xf32, #tpu.memory_space<hbm>>) dst(%dma_wait3A_734 : memref<80xf32, #tpu.memory_space<vmem>>)
    %dma_wait3A_739 = arith.constant 4800 : i32
    %dma_wait3A_740 = tpu.memref_slice %arg9[%dma_wait3A_739] : memref<5000xf32, #tpu.memory_space<vmem>> -> memref<80xf32, #tpu.memory_space<vmem>>
    %dma_wait3A_741 = arith.constant 4800 : i32
    %dma_wait3A_742 = tpu.memref_slice %arg8[%dma_wait3A_741] : memref<5000xi32, #tpu.memory_space<vmem>> -> memref<80xi32, #tpu.memory_space<vmem>>
    %dma_wait3A_743 = arith.constant 0 : i32
    %dma_wait3A_744 = tpu.memref_slice %arg3[%dma_wait3A_743] : memref<200000xf32, #tpu.memory_space<hbm>> -> memref<200000xf32, #tpu.memory_space<hbm>>
    tpu.wait_indirect_dma semaphore(%arg12 : memref<!tpu.dma_semaphore, #tpu.memory_space<semaphore_mem>>) src(%dma_wait3A_744 : memref<200000xf32, #tpu.memory_space<hbm>>) dst(%dma_wait3A_740 : memref<80xf32, #tpu.memory_space<vmem>>)
    %dma_wait3A_745 = arith.constant 4880 : i32
    %dma_wait3A_746 = tpu.memref_slice %arg9[%dma_wait3A_745] : memref<5000xf32, #tpu.memory_space<vmem>> -> memref<80xf32, #tpu.memory_space<vmem>>
    %dma_wait3A_747 = arith.constant 4880 : i32
    %dma_wait3A_748 = tpu.memref_slice %arg8[%dma_wait3A_747] : memref<5000xi32, #tpu.memory_space<vmem>> -> memref<80xi32, #tpu.memory_space<vmem>>
    %dma_wait3A_749 = arith.constant 0 : i32
    %dma_wait3A_750 = tpu.memref_slice %arg3[%dma_wait3A_749] : memref<200000xf32, #tpu.memory_space<hbm>> -> memref<200000xf32, #tpu.memory_space<hbm>>
    tpu.wait_indirect_dma semaphore(%arg12 : memref<!tpu.dma_semaphore, #tpu.memory_space<semaphore_mem>>) src(%dma_wait3A_750 : memref<200000xf32, #tpu.memory_space<hbm>>) dst(%dma_wait3A_746 : memref<80xf32, #tpu.memory_space<vmem>>)
    %dma_wait3A_751 = arith.constant 4960 : i32
    %dma_wait3A_752 = tpu.memref_slice %arg9[%dma_wait3A_751] : memref<5000xf32, #tpu.memory_space<vmem>> -> memref<40xf32, #tpu.memory_space<vmem>>
    %dma_wait3A_753 = arith.constant 4960 : i32
    %dma_wait3A_754 = tpu.memref_slice %arg8[%dma_wait3A_753] : memref<5000xi32, #tpu.memory_space<vmem>> -> memref<40xi32, #tpu.memory_space<vmem>>
    %dma_wait3A_755 = arith.constant 0 : i32
    %dma_wait3A_756 = tpu.memref_slice %arg3[%dma_wait3A_755] : memref<200000xf32, #tpu.memory_space<hbm>> -> memref<200000xf32, #tpu.memory_space<hbm>>
    tpu.wait_indirect_dma semaphore(%arg12 : memref<!tpu.dma_semaphore, #tpu.memory_space<semaphore_mem>>) src(%dma_wait3A_756 : memref<200000xf32, #tpu.memory_space<hbm>>) dst(%dma_wait3A_752 : memref<40xf32, #tpu.memory_space<vmem>>)
    "tpu.region"() ({
      %run_scoped3A = tpu.sem_alloc : memref<!tpu.dma_semaphore, #tpu.memory_space<semaphore_mem>>
      %dma_start3A_819 = tpu.memref_slice %arg6[%mul3A_2] : memref<160000xf32, #tpu.memory_space<hbm>> -> memref<5000xf32, #tpu.memory_space<hbm>>
      %dma_start3A_820 = tpu.memref_slice %arg6[%mul3A_2] : memref<160000xf32, #tpu.memory_space<hbm>> -> memref<5000xf32, #tpu.memory_space<hbm>>
      tpu.enqueue_dma source(%arg9 : memref<5000xf32, #tpu.memory_space<vmem>>) target(%dma_start3A_820 : memref<5000xf32, #tpu.memory_space<hbm>>) target_semaphore(%run_scoped3A : memref<!tpu.dma_semaphore, #tpu.memory_space<semaphore_mem>>)
      %dma_wait3A_821 = tpu.memref_slice %arg6[%mul3A_2] : memref<160000xf32, #tpu.memory_space<hbm>> -> memref<5000xf32, #tpu.memory_space<hbm>>
      %dma_wait3A_822 = tpu.memref_slice %arg6[%mul3A_2] : memref<160000xf32, #tpu.memory_space<hbm>> -> memref<5000xf32, #tpu.memory_space<hbm>>
      tpu.wait_dma2 semaphore(%run_scoped3A : memref<!tpu.dma_semaphore, #tpu.memory_space<semaphore_mem>>) src(%arg9 : memref<5000xf32, #tpu.memory_space<vmem>>) dst(%dma_wait3A_822 : memref<5000xf32, #tpu.memory_space<hbm>>)
      tpu.yield
    }) : () -> ()
    %mul3A_757 = arith.constant 320 : i32
    %mul3A_758 = arith.muli %add3A, %mul3A_757 : i32
    "tpu.region"() ({
      %run_scoped3A = tpu.sem_alloc : memref<!tpu.dma_semaphore, #tpu.memory_space<semaphore_mem>>
      %dma_start3A_819 = tpu.memref_slice %arg4[%mul3A_758] : memref<10240xi32, #tpu.memory_space<hbm>> -> memref<320xi32, #tpu.memory_space<hbm>>
      %dma_start3A_820 = tpu.memref_slice %arg4[%mul3A_758] : memref<10240xi32, #tpu.memory_space<hbm>> -> memref<320xi32, #tpu.memory_space<hbm>>
      tpu.enqueue_dma source(%dma_start3A_820 : memref<320xi32, #tpu.memory_space<hbm>>) target(%arg10 : memref<320xi32, #tpu.memory_space<vmem>>) target_semaphore(%run_scoped3A : memref<!tpu.dma_semaphore, #tpu.memory_space<semaphore_mem>>)
      %dma_wait3A_821 = tpu.memref_slice %arg4[%mul3A_758] : memref<10240xi32, #tpu.memory_space<hbm>> -> memref<320xi32, #tpu.memory_space<hbm>>
      %dma_wait3A_822 = tpu.memref_slice %arg4[%mul3A_758] : memref<10240xi32, #tpu.memory_space<hbm>> -> memref<320xi32, #tpu.memory_space<hbm>>
      tpu.wait_dma2 semaphore(%run_scoped3A : memref<!tpu.dma_semaphore, #tpu.memory_space<semaphore_mem>>) src(%dma_wait3A_822 : memref<320xi32, #tpu.memory_space<hbm>>) dst(%arg10 : memref<320xi32, #tpu.memory_space<vmem>>)
      tpu.yield
    }) : () -> ()
    %dma_start3A_759 = arith.constant 0 : i32
    %dma_start3A_760 = tpu.memref_slice %arg11[%dma_start3A_759] : memref<320xf32, #tpu.memory_space<vmem>> -> memref<64xf32, #tpu.memory_space<vmem>>
    %dma_start3A_761 = arith.constant 0 : i32
    %dma_start3A_762 = tpu.memref_slice %arg10[%dma_start3A_761] : memref<320xi32, #tpu.memory_space<vmem>> -> memref<64xi32, #tpu.memory_space<vmem>>
    %dma_start3A_763 = arith.constant 0 : i32
    %dma_start3A_764 = tpu.memref_slice %arg5[%dma_start3A_763] : memref<50000xf32, #tpu.memory_space<hbm>> -> memref<50000xf32, #tpu.memory_space<hbm>>
    tpu.enqueue_indirect_dma source(%dma_start3A_764 : memref<50000xf32, #tpu.memory_space<hbm>>) target(%dma_start3A_760 : memref<64xf32, #tpu.memory_space<vmem>>) offsets(%dma_start3A_762 : memref<64xi32, #tpu.memory_space<vmem>>) semaphore(%arg12 : memref<!tpu.dma_semaphore, #tpu.memory_space<semaphore_mem>>)
    %dma_start3A_765 = arith.constant 64 : i32
    %dma_start3A_766 = tpu.memref_slice %arg11[%dma_start3A_765] : memref<320xf32, #tpu.memory_space<vmem>> -> memref<64xf32, #tpu.memory_space<vmem>>
    %dma_start3A_767 = arith.constant 64 : i32
    %dma_start3A_768 = tpu.memref_slice %arg10[%dma_start3A_767] : memref<320xi32, #tpu.memory_space<vmem>> -> memref<64xi32, #tpu.memory_space<vmem>>
    %dma_start3A_769 = arith.constant 0 : i32
    %dma_start3A_770 = tpu.memref_slice %arg5[%dma_start3A_769] : memref<50000xf32, #tpu.memory_space<hbm>> -> memref<50000xf32, #tpu.memory_space<hbm>>
    tpu.enqueue_indirect_dma source(%dma_start3A_770 : memref<50000xf32, #tpu.memory_space<hbm>>) target(%dma_start3A_766 : memref<64xf32, #tpu.memory_space<vmem>>) offsets(%dma_start3A_768 : memref<64xi32, #tpu.memory_space<vmem>>) semaphore(%arg12 : memref<!tpu.dma_semaphore, #tpu.memory_space<semaphore_mem>>)
    %dma_start3A_771 = arith.constant 128 : i32
    %dma_start3A_772 = tpu.memref_slice %arg11[%dma_start3A_771] : memref<320xf32, #tpu.memory_space<vmem>> -> memref<64xf32, #tpu.memory_space<vmem>>
    %dma_start3A_773 = arith.constant 128 : i32
    %dma_start3A_774 = tpu.memref_slice %arg10[%dma_start3A_773] : memref<320xi32, #tpu.memory_space<vmem>> -> memref<64xi32, #tpu.memory_space<vmem>>
    %dma_start3A_775 = arith.constant 0 : i32
    %dma_start3A_776 = tpu.memref_slice %arg5[%dma_start3A_775] : memref<50000xf32, #tpu.memory_space<hbm>> -> memref<50000xf32, #tpu.memory_space<hbm>>
    tpu.enqueue_indirect_dma source(%dma_start3A_776 : memref<50000xf32, #tpu.memory_space<hbm>>) target(%dma_start3A_772 : memref<64xf32, #tpu.memory_space<vmem>>) offsets(%dma_start3A_774 : memref<64xi32, #tpu.memory_space<vmem>>) semaphore(%arg12 : memref<!tpu.dma_semaphore, #tpu.memory_space<semaphore_mem>>)
    %dma_start3A_777 = arith.constant 192 : i32
    %dma_start3A_778 = tpu.memref_slice %arg11[%dma_start3A_777] : memref<320xf32, #tpu.memory_space<vmem>> -> memref<64xf32, #tpu.memory_space<vmem>>
    %dma_start3A_779 = arith.constant 192 : i32
    %dma_start3A_780 = tpu.memref_slice %arg10[%dma_start3A_779] : memref<320xi32, #tpu.memory_space<vmem>> -> memref<64xi32, #tpu.memory_space<vmem>>
    %dma_start3A_781 = arith.constant 0 : i32
    %dma_start3A_782 = tpu.memref_slice %arg5[%dma_start3A_781] : memref<50000xf32, #tpu.memory_space<hbm>> -> memref<50000xf32, #tpu.memory_space<hbm>>
    tpu.enqueue_indirect_dma source(%dma_start3A_782 : memref<50000xf32, #tpu.memory_space<hbm>>) target(%dma_start3A_778 : memref<64xf32, #tpu.memory_space<vmem>>) offsets(%dma_start3A_780 : memref<64xi32, #tpu.memory_space<vmem>>) semaphore(%arg12 : memref<!tpu.dma_semaphore, #tpu.memory_space<semaphore_mem>>)
    %dma_start3A_783 = arith.constant 256 : i32
    %dma_start3A_784 = tpu.memref_slice %arg11[%dma_start3A_783] : memref<320xf32, #tpu.memory_space<vmem>> -> memref<64xf32, #tpu.memory_space<vmem>>
    %dma_start3A_785 = arith.constant 256 : i32
    %dma_start3A_786 = tpu.memref_slice %arg10[%dma_start3A_785] : memref<320xi32, #tpu.memory_space<vmem>> -> memref<64xi32, #tpu.memory_space<vmem>>
    %dma_start3A_787 = arith.constant 0 : i32
    %dma_start3A_788 = tpu.memref_slice %arg5[%dma_start3A_787] : memref<50000xf32, #tpu.memory_space<hbm>> -> memref<50000xf32, #tpu.memory_space<hbm>>
    tpu.enqueue_indirect_dma source(%dma_start3A_788 : memref<50000xf32, #tpu.memory_space<hbm>>) target(%dma_start3A_784 : memref<64xf32, #tpu.memory_space<vmem>>) offsets(%dma_start3A_786 : memref<64xi32, #tpu.memory_space<vmem>>) semaphore(%arg12 : memref<!tpu.dma_semaphore, #tpu.memory_space<semaphore_mem>>)
    %dma_wait3A_789 = arith.constant 0 : i32
    %dma_wait3A_790 = tpu.memref_slice %arg11[%dma_wait3A_789] : memref<320xf32, #tpu.memory_space<vmem>> -> memref<64xf32, #tpu.memory_space<vmem>>
    %dma_wait3A_791 = arith.constant 0 : i32
    %dma_wait3A_792 = tpu.memref_slice %arg10[%dma_wait3A_791] : memref<320xi32, #tpu.memory_space<vmem>> -> memref<64xi32, #tpu.memory_space<vmem>>
    %dma_wait3A_793 = arith.constant 0 : i32
    %dma_wait3A_794 = tpu.memref_slice %arg5[%dma_wait3A_793] : memref<50000xf32, #tpu.memory_space<hbm>> -> memref<50000xf32, #tpu.memory_space<hbm>>
    tpu.wait_indirect_dma semaphore(%arg12 : memref<!tpu.dma_semaphore, #tpu.memory_space<semaphore_mem>>) src(%dma_wait3A_794 : memref<50000xf32, #tpu.memory_space<hbm>>) dst(%dma_wait3A_790 : memref<64xf32, #tpu.memory_space<vmem>>)
    %dma_wait3A_795 = arith.constant 64 : i32
    %dma_wait3A_796 = tpu.memref_slice %arg11[%dma_wait3A_795] : memref<320xf32, #tpu.memory_space<vmem>> -> memref<64xf32, #tpu.memory_space<vmem>>
    %dma_wait3A_797 = arith.constant 64 : i32
    %dma_wait3A_798 = tpu.memref_slice %arg10[%dma_wait3A_797] : memref<320xi32, #tpu.memory_space<vmem>> -> memref<64xi32, #tpu.memory_space<vmem>>
    %dma_wait3A_799 = arith.constant 0 : i32
    %dma_wait3A_800 = tpu.memref_slice %arg5[%dma_wait3A_799] : memref<50000xf32, #tpu.memory_space<hbm>> -> memref<50000xf32, #tpu.memory_space<hbm>>
    tpu.wait_indirect_dma semaphore(%arg12 : memref<!tpu.dma_semaphore, #tpu.memory_space<semaphore_mem>>) src(%dma_wait3A_800 : memref<50000xf32, #tpu.memory_space<hbm>>) dst(%dma_wait3A_796 : memref<64xf32, #tpu.memory_space<vmem>>)
    %dma_wait3A_801 = arith.constant 128 : i32
    %dma_wait3A_802 = tpu.memref_slice %arg11[%dma_wait3A_801] : memref<320xf32, #tpu.memory_space<vmem>> -> memref<64xf32, #tpu.memory_space<vmem>>
    %dma_wait3A_803 = arith.constant 128 : i32
    %dma_wait3A_804 = tpu.memref_slice %arg10[%dma_wait3A_803] : memref<320xi32, #tpu.memory_space<vmem>> -> memref<64xi32, #tpu.memory_space<vmem>>
    %dma_wait3A_805 = arith.constant 0 : i32
    %dma_wait3A_806 = tpu.memref_slice %arg5[%dma_wait3A_805] : memref<50000xf32, #tpu.memory_space<hbm>> -> memref<50000xf32, #tpu.memory_space<hbm>>
    tpu.wait_indirect_dma semaphore(%arg12 : memref<!tpu.dma_semaphore, #tpu.memory_space<semaphore_mem>>) src(%dma_wait3A_806 : memref<50000xf32, #tpu.memory_space<hbm>>) dst(%dma_wait3A_802 : memref<64xf32, #tpu.memory_space<vmem>>)
    %dma_wait3A_807 = arith.constant 192 : i32
    %dma_wait3A_808 = tpu.memref_slice %arg11[%dma_wait3A_807] : memref<320xf32, #tpu.memory_space<vmem>> -> memref<64xf32, #tpu.memory_space<vmem>>
    %dma_wait3A_809 = arith.constant 192 : i32
    %dma_wait3A_810 = tpu.memref_slice %arg10[%dma_wait3A_809] : memref<320xi32, #tpu.memory_space<vmem>> -> memref<64xi32, #tpu.memory_space<vmem>>
    %dma_wait3A_811 = arith.constant 0 : i32
    %dma_wait3A_812 = tpu.memref_slice %arg5[%dma_wait3A_811] : memref<50000xf32, #tpu.memory_space<hbm>> -> memref<50000xf32, #tpu.memory_space<hbm>>
    tpu.wait_indirect_dma semaphore(%arg12 : memref<!tpu.dma_semaphore, #tpu.memory_space<semaphore_mem>>) src(%dma_wait3A_812 : memref<50000xf32, #tpu.memory_space<hbm>>) dst(%dma_wait3A_808 : memref<64xf32, #tpu.memory_space<vmem>>)
    %dma_wait3A_813 = arith.constant 256 : i32
    %dma_wait3A_814 = tpu.memref_slice %arg11[%dma_wait3A_813] : memref<320xf32, #tpu.memory_space<vmem>> -> memref<64xf32, #tpu.memory_space<vmem>>
    %dma_wait3A_815 = arith.constant 256 : i32
    %dma_wait3A_816 = tpu.memref_slice %arg10[%dma_wait3A_815] : memref<320xi32, #tpu.memory_space<vmem>> -> memref<64xi32, #tpu.memory_space<vmem>>
    %dma_wait3A_817 = arith.constant 0 : i32
    %dma_wait3A_818 = tpu.memref_slice %arg5[%dma_wait3A_817] : memref<50000xf32, #tpu.memory_space<hbm>> -> memref<50000xf32, #tpu.memory_space<hbm>>
    tpu.wait_indirect_dma semaphore(%arg12 : memref<!tpu.dma_semaphore, #tpu.memory_space<semaphore_mem>>) src(%dma_wait3A_818 : memref<50000xf32, #tpu.memory_space<hbm>>) dst(%dma_wait3A_814 : memref<64xf32, #tpu.memory_space<vmem>>)
    "tpu.region"() ({
      %run_scoped3A = tpu.sem_alloc : memref<!tpu.dma_semaphore, #tpu.memory_space<semaphore_mem>>
      %dma_start3A_819 = tpu.memref_slice %arg7[%mul3A_758] : memref<10240xf32, #tpu.memory_space<hbm>> -> memref<320xf32, #tpu.memory_space<hbm>>
      %dma_start3A_820 = tpu.memref_slice %arg7[%mul3A_758] : memref<10240xf32, #tpu.memory_space<hbm>> -> memref<320xf32, #tpu.memory_space<hbm>>
      tpu.enqueue_dma source(%arg11 : memref<320xf32, #tpu.memory_space<vmem>>) target(%dma_start3A_820 : memref<320xf32, #tpu.memory_space<hbm>>) target_semaphore(%run_scoped3A : memref<!tpu.dma_semaphore, #tpu.memory_space<semaphore_mem>>)
      %dma_wait3A_821 = tpu.memref_slice %arg7[%mul3A_758] : memref<10240xf32, #tpu.memory_space<hbm>> -> memref<320xf32, #tpu.memory_space<hbm>>
      %dma_wait3A_822 = tpu.memref_slice %arg7[%mul3A_758] : memref<10240xf32, #tpu.memory_space<hbm>> -> memref<320xf32, #tpu.memory_space<hbm>>
      tpu.wait_dma2 semaphore(%run_scoped3A : memref<!tpu.dma_semaphore, #tpu.memory_space<semaphore_mem>>) src(%arg11 : memref<320xf32, #tpu.memory_space<vmem>>) dst(%dma_wait3A_822 : memref<320xf32, #tpu.memory_space<hbm>>)
      tpu.yield
    }) : () -> ()
    return
  }
}

#map = affine_map<(d0, d1) -> (0, 0)>
#map1 = affine_map<(d0, d1) -> (0)>
module attributes {stable_mosaic.version = 14 : i64} {
  func.func @_propagate(%arg0: i32, %arg1: i32, %arg2: memref<128x10000xi32, #tpu.memory_space<hbm>>, %arg3: memref<160000xi32, #tpu.memory_space<hbm>>, %arg4: memref<160000xi32, #tpu.memory_space<hbm>>, %arg5: memref<160000xf32, #tpu.memory_space<hbm>>, %arg6: memref<10240xf32, #tpu.memory_space<hbm>>, %arg7: memref<10000xi32, #tpu.memory_space<hbm>>, %arg8: memref<16384xf32, #tpu.memory_space<hbm>>, %arg9: memref<10000xi32, #tpu.memory_space<vmem>>, %arg10: memref<10000xi32, #tpu.memory_space<vmem>>, %arg11: memref<10000xi32, #tpu.memory_space<vmem>>, %arg12: memref<10000xi32, #tpu.memory_space<vmem>>, %arg13: memref<10000xi32, #tpu.memory_space<vmem>>, %arg14: memref<10000xi32, #tpu.memory_space<vmem>>, %arg15: memref<10000xi32, #tpu.memory_space<vmem>>, %arg16: memref<10000xi32, #tpu.memory_space<vmem>>, %arg17: memref<2000xi32, #tpu.memory_space<vmem>>, %arg18: memref<2000xi32, #tpu.memory_space<vmem>>, %arg19: memref<2000xi32, #tpu.memory_space<vmem>>, %arg20: memref<2000xi32, #tpu.memory_space<vmem>>, %arg21: memref<2000xf32, #tpu.memory_space<vmem>>, %arg22: memref<2000xf32, #tpu.memory_space<vmem>>, %arg23: memref<10000xf32, #tpu.memory_space<vmem>>, %arg24: memref<10000xi32, #tpu.memory_space<vmem>>, %arg25: memref<512xf32, #tpu.memory_space<vmem>>, %arg26: memref<!tpu.dma_semaphore, #tpu.memory_space<semaphore_mem>>, %arg27: memref<!tpu.dma_semaphore, #tpu.memory_space<semaphore_mem>>) attributes {dimension_semantics = [#tpu.dimension_semantics<core_parallel>, #tpu.dimension_semantics<subcore_parallel>], iteration_bounds = array<i64: 2, 16>, scalar_prefetch = 0 : i64, scratch_operands = 19 : i64, tpu.core_type = #tpu.core_type<sc_vector_subcore>, window_params = [{transform_indices = #map}, {transform_indices = #map1}, {transform_indices = #map1}, {transform_indices = #map1}, {transform_indices = #map1}, {transform_indices = #map1}, {transform_indices = #map1}]} {
    %mul3A = arith.constant 2 : i32
    %mul3A_0 = arith.muli %arg1, %mul3A : i32
    %add3A = arith.addi %mul3A_0, %arg0 : i32
    "tpu.region"() ({
      %run_scoped3A = tpu.sem_alloc : memref<!tpu.dma_semaphore, #tpu.memory_space<semaphore_mem>>
      %dma_start3A_64 = arith.constant 0 : i32
      %dma_start3A_65 = tpu.memref_slice %arg6[%dma_start3A_64] : memref<10240xf32, #tpu.memory_space<hbm>> -> memref<10000xf32, #tpu.memory_space<hbm>>
      %dma_start3A_66 = arith.constant 0 : i32
      %dma_start3A_67 = tpu.memref_slice %arg6[%dma_start3A_66] : memref<10240xf32, #tpu.memory_space<hbm>> -> memref<10000xf32, #tpu.memory_space<hbm>>
      tpu.enqueue_dma source(%dma_start3A_67 : memref<10000xf32, #tpu.memory_space<hbm>>) target(%arg23 : memref<10000xf32, #tpu.memory_space<vmem>>) target_semaphore(%run_scoped3A : memref<!tpu.dma_semaphore, #tpu.memory_space<semaphore_mem>>)
      %dma_wait3A = arith.constant 0 : i32
      %dma_wait3A_68 = tpu.memref_slice %arg6[%dma_wait3A] : memref<10240xf32, #tpu.memory_space<hbm>> -> memref<10000xf32, #tpu.memory_space<hbm>>
      %dma_wait3A_69 = arith.constant 0 : i32
      %dma_wait3A_70 = tpu.memref_slice %arg6[%dma_wait3A_69] : memref<10240xf32, #tpu.memory_space<hbm>> -> memref<10000xf32, #tpu.memory_space<hbm>>
      tpu.wait_dma2 semaphore(%run_scoped3A : memref<!tpu.dma_semaphore, #tpu.memory_space<semaphore_mem>>) src(%dma_wait3A_70 : memref<10000xf32, #tpu.memory_space<hbm>>) dst(%arg23 : memref<10000xf32, #tpu.memory_space<vmem>>)
      tpu.yield
    }) : () -> ()
    "tpu.region"() ({
      %run_scoped3A = tpu.sem_alloc : memref<!tpu.dma_semaphore, #tpu.memory_space<semaphore_mem>>
      %dma_start3A_64 = arith.constant 0 : i32
      %dma_start3A_65 = tpu.memref_slice %arg7[%dma_start3A_64] : memref<10000xi32, #tpu.memory_space<hbm>> -> memref<10000xi32, #tpu.memory_space<hbm>>
      %dma_start3A_66 = arith.constant 0 : i32
      %dma_start3A_67 = tpu.memref_slice %arg7[%dma_start3A_66] : memref<10000xi32, #tpu.memory_space<hbm>> -> memref<10000xi32, #tpu.memory_space<hbm>>
      tpu.enqueue_dma source(%dma_start3A_67 : memref<10000xi32, #tpu.memory_space<hbm>>) target(%arg24 : memref<10000xi32, #tpu.memory_space<vmem>>) target_semaphore(%run_scoped3A : memref<!tpu.dma_semaphore, #tpu.memory_space<semaphore_mem>>)
      %dma_wait3A = arith.constant 0 : i32
      %dma_wait3A_68 = tpu.memref_slice %arg7[%dma_wait3A] : memref<10000xi32, #tpu.memory_space<hbm>> -> memref<10000xi32, #tpu.memory_space<hbm>>
      %dma_wait3A_69 = arith.constant 0 : i32
      %dma_wait3A_70 = tpu.memref_slice %arg7[%dma_wait3A_69] : memref<10000xi32, #tpu.memory_space<hbm>> -> memref<10000xi32, #tpu.memory_space<hbm>>
      tpu.wait_dma2 semaphore(%run_scoped3A : memref<!tpu.dma_semaphore, #tpu.memory_space<semaphore_mem>>) src(%dma_wait3A_70 : memref<10000xi32, #tpu.memory_space<hbm>>) dst(%arg24 : memref<10000xi32, #tpu.memory_space<vmem>>)
      tpu.yield
    }) : () -> ()
    %mul3A_1 = arith.constant 4 : i32
    %mul3A_2 = arith.muli %add3A, %mul3A_1 : i32
    %add3A_3 = arith.constant 0 : i32
    %add3A_4 = arith.addi %mul3A_2, %add3A_3 : i32
    "tpu.region"() ({
      %run_scoped3A = tpu.sem_alloc : memref<!tpu.dma_semaphore, #tpu.memory_space<semaphore_mem>>
      %dma_start3A_64 = arith.constant 0 : i32
      %dma_start3A_65 = tpu.memref_slice %arg2[%add3A_4, %dma_start3A_64] : memref<128x10000xi32, #tpu.memory_space<hbm>> -> memref<1x10000xi32, #tpu.memory_space<hbm>>
      %dma_start3A_66 = tpu.memref_squeeze %dma_start3A_65 : memref<1x10000xi32, #tpu.memory_space<hbm>> -> memref<10000xi32, #tpu.memory_space<hbm>>
      %dma_start3A_67 = arith.constant 0 : i32
      %dma_start3A_68 = tpu.memref_slice %arg2[%add3A_4, %dma_start3A_67] : memref<128x10000xi32, #tpu.memory_space<hbm>> -> memref<1x10000xi32, #tpu.memory_space<hbm>>
      %dma_start3A_69 = tpu.memref_squeeze %dma_start3A_68 : memref<1x10000xi32, #tpu.memory_space<hbm>> -> memref<10000xi32, #tpu.memory_space<hbm>>
      tpu.enqueue_dma source(%dma_start3A_69 : memref<10000xi32, #tpu.memory_space<hbm>>) target(%arg9 : memref<10000xi32, #tpu.memory_space<vmem>>) target_semaphore(%run_scoped3A : memref<!tpu.dma_semaphore, #tpu.memory_space<semaphore_mem>>)
      %dma_wait3A = arith.constant 0 : i32
      %dma_wait3A_70 = tpu.memref_slice %arg2[%add3A_4, %dma_wait3A] : memref<128x10000xi32, #tpu.memory_space<hbm>> -> memref<1x10000xi32, #tpu.memory_space<hbm>>
      %dma_wait3A_71 = tpu.memref_squeeze %dma_wait3A_70 : memref<1x10000xi32, #tpu.memory_space<hbm>> -> memref<10000xi32, #tpu.memory_space<hbm>>
      %dma_wait3A_72 = arith.constant 0 : i32
      %dma_wait3A_73 = tpu.memref_slice %arg2[%add3A_4, %dma_wait3A_72] : memref<128x10000xi32, #tpu.memory_space<hbm>> -> memref<1x10000xi32, #tpu.memory_space<hbm>>
      %dma_wait3A_74 = tpu.memref_squeeze %dma_wait3A_73 : memref<1x10000xi32, #tpu.memory_space<hbm>> -> memref<10000xi32, #tpu.memory_space<hbm>>
      tpu.wait_dma2 semaphore(%run_scoped3A : memref<!tpu.dma_semaphore, #tpu.memory_space<semaphore_mem>>) src(%dma_wait3A_74 : memref<10000xi32, #tpu.memory_space<hbm>>) dst(%arg9 : memref<10000xi32, #tpu.memory_space<vmem>>)
      tpu.yield
    }) : () -> ()
    %mul3A_5 = arith.constant 4 : i32
    %mul3A_6 = arith.muli %add3A, %mul3A_5 : i32
    %add3A_7 = arith.constant 1 : i32
    %add3A_8 = arith.addi %mul3A_6, %add3A_7 : i32
    "tpu.region"() ({
      %run_scoped3A = tpu.sem_alloc : memref<!tpu.dma_semaphore, #tpu.memory_space<semaphore_mem>>
      %dma_start3A_64 = arith.constant 0 : i32
      %dma_start3A_65 = tpu.memref_slice %arg2[%add3A_8, %dma_start3A_64] : memref<128x10000xi32, #tpu.memory_space<hbm>> -> memref<1x10000xi32, #tpu.memory_space<hbm>>
      %dma_start3A_66 = tpu.memref_squeeze %dma_start3A_65 : memref<1x10000xi32, #tpu.memory_space<hbm>> -> memref<10000xi32, #tpu.memory_space<hbm>>
      %dma_start3A_67 = arith.constant 0 : i32
      %dma_start3A_68 = tpu.memref_slice %arg2[%add3A_8, %dma_start3A_67] : memref<128x10000xi32, #tpu.memory_space<hbm>> -> memref<1x10000xi32, #tpu.memory_space<hbm>>
      %dma_start3A_69 = tpu.memref_squeeze %dma_start3A_68 : memref<1x10000xi32, #tpu.memory_space<hbm>> -> memref<10000xi32, #tpu.memory_space<hbm>>
      tpu.enqueue_dma source(%dma_start3A_69 : memref<10000xi32, #tpu.memory_space<hbm>>) target(%arg10 : memref<10000xi32, #tpu.memory_space<vmem>>) target_semaphore(%run_scoped3A : memref<!tpu.dma_semaphore, #tpu.memory_space<semaphore_mem>>)
      %dma_wait3A = arith.constant 0 : i32
      %dma_wait3A_70 = tpu.memref_slice %arg2[%add3A_8, %dma_wait3A] : memref<128x10000xi32, #tpu.memory_space<hbm>> -> memref<1x10000xi32, #tpu.memory_space<hbm>>
      %dma_wait3A_71 = tpu.memref_squeeze %dma_wait3A_70 : memref<1x10000xi32, #tpu.memory_space<hbm>> -> memref<10000xi32, #tpu.memory_space<hbm>>
      %dma_wait3A_72 = arith.constant 0 : i32
      %dma_wait3A_73 = tpu.memref_slice %arg2[%add3A_8, %dma_wait3A_72] : memref<128x10000xi32, #tpu.memory_space<hbm>> -> memref<1x10000xi32, #tpu.memory_space<hbm>>
      %dma_wait3A_74 = tpu.memref_squeeze %dma_wait3A_73 : memref<1x10000xi32, #tpu.memory_space<hbm>> -> memref<10000xi32, #tpu.memory_space<hbm>>
      tpu.wait_dma2 semaphore(%run_scoped3A : memref<!tpu.dma_semaphore, #tpu.memory_space<semaphore_mem>>) src(%dma_wait3A_74 : memref<10000xi32, #tpu.memory_space<hbm>>) dst(%arg10 : memref<10000xi32, #tpu.memory_space<vmem>>)
      tpu.yield
    }) : () -> ()
    %mul3A_9 = arith.constant 4 : i32
    %mul3A_10 = arith.muli %add3A, %mul3A_9 : i32
    %add3A_11 = arith.constant 2 : i32
    %add3A_12 = arith.addi %mul3A_10, %add3A_11 : i32
    "tpu.region"() ({
      %run_scoped3A = tpu.sem_alloc : memref<!tpu.dma_semaphore, #tpu.memory_space<semaphore_mem>>
      %dma_start3A_64 = arith.constant 0 : i32
      %dma_start3A_65 = tpu.memref_slice %arg2[%add3A_12, %dma_start3A_64] : memref<128x10000xi32, #tpu.memory_space<hbm>> -> memref<1x10000xi32, #tpu.memory_space<hbm>>
      %dma_start3A_66 = tpu.memref_squeeze %dma_start3A_65 : memref<1x10000xi32, #tpu.memory_space<hbm>> -> memref<10000xi32, #tpu.memory_space<hbm>>
      %dma_start3A_67 = arith.constant 0 : i32
      %dma_start3A_68 = tpu.memref_slice %arg2[%add3A_12, %dma_start3A_67] : memref<128x10000xi32, #tpu.memory_space<hbm>> -> memref<1x10000xi32, #tpu.memory_space<hbm>>
      %dma_start3A_69 = tpu.memref_squeeze %dma_start3A_68 : memref<1x10000xi32, #tpu.memory_space<hbm>> -> memref<10000xi32, #tpu.memory_space<hbm>>
      tpu.enqueue_dma source(%dma_start3A_69 : memref<10000xi32, #tpu.memory_space<hbm>>) target(%arg11 : memref<10000xi32, #tpu.memory_space<vmem>>) target_semaphore(%run_scoped3A : memref<!tpu.dma_semaphore, #tpu.memory_space<semaphore_mem>>)
      %dma_wait3A = arith.constant 0 : i32
      %dma_wait3A_70 = tpu.memref_slice %arg2[%add3A_12, %dma_wait3A] : memref<128x10000xi32, #tpu.memory_space<hbm>> -> memref<1x10000xi32, #tpu.memory_space<hbm>>
      %dma_wait3A_71 = tpu.memref_squeeze %dma_wait3A_70 : memref<1x10000xi32, #tpu.memory_space<hbm>> -> memref<10000xi32, #tpu.memory_space<hbm>>
      %dma_wait3A_72 = arith.constant 0 : i32
      %dma_wait3A_73 = tpu.memref_slice %arg2[%add3A_12, %dma_wait3A_72] : memref<128x10000xi32, #tpu.memory_space<hbm>> -> memref<1x10000xi32, #tpu.memory_space<hbm>>
      %dma_wait3A_74 = tpu.memref_squeeze %dma_wait3A_73 : memref<1x10000xi32, #tpu.memory_space<hbm>> -> memref<10000xi32, #tpu.memory_space<hbm>>
      tpu.wait_dma2 semaphore(%run_scoped3A : memref<!tpu.dma_semaphore, #tpu.memory_space<semaphore_mem>>) src(%dma_wait3A_74 : memref<10000xi32, #tpu.memory_space<hbm>>) dst(%arg11 : memref<10000xi32, #tpu.memory_space<vmem>>)
      tpu.yield
    }) : () -> ()
    %mul3A_13 = arith.constant 4 : i32
    %mul3A_14 = arith.muli %add3A, %mul3A_13 : i32
    %add3A_15 = arith.constant 3 : i32
    %add3A_16 = arith.addi %mul3A_14, %add3A_15 : i32
    "tpu.region"() ({
      %run_scoped3A = tpu.sem_alloc : memref<!tpu.dma_semaphore, #tpu.memory_space<semaphore_mem>>
      %dma_start3A_64 = arith.constant 0 : i32
      %dma_start3A_65 = tpu.memref_slice %arg2[%add3A_16, %dma_start3A_64] : memref<128x10000xi32, #tpu.memory_space<hbm>> -> memref<1x10000xi32, #tpu.memory_space<hbm>>
      %dma_start3A_66 = tpu.memref_squeeze %dma_start3A_65 : memref<1x10000xi32, #tpu.memory_space<hbm>> -> memref<10000xi32, #tpu.memory_space<hbm>>
      %dma_start3A_67 = arith.constant 0 : i32
      %dma_start3A_68 = tpu.memref_slice %arg2[%add3A_16, %dma_start3A_67] : memref<128x10000xi32, #tpu.memory_space<hbm>> -> memref<1x10000xi32, #tpu.memory_space<hbm>>
      %dma_start3A_69 = tpu.memref_squeeze %dma_start3A_68 : memref<1x10000xi32, #tpu.memory_space<hbm>> -> memref<10000xi32, #tpu.memory_space<hbm>>
      tpu.enqueue_dma source(%dma_start3A_69 : memref<10000xi32, #tpu.memory_space<hbm>>) target(%arg12 : memref<10000xi32, #tpu.memory_space<vmem>>) target_semaphore(%run_scoped3A : memref<!tpu.dma_semaphore, #tpu.memory_space<semaphore_mem>>)
      %dma_wait3A = arith.constant 0 : i32
      %dma_wait3A_70 = tpu.memref_slice %arg2[%add3A_16, %dma_wait3A] : memref<128x10000xi32, #tpu.memory_space<hbm>> -> memref<1x10000xi32, #tpu.memory_space<hbm>>
      %dma_wait3A_71 = tpu.memref_squeeze %dma_wait3A_70 : memref<1x10000xi32, #tpu.memory_space<hbm>> -> memref<10000xi32, #tpu.memory_space<hbm>>
      %dma_wait3A_72 = arith.constant 0 : i32
      %dma_wait3A_73 = tpu.memref_slice %arg2[%add3A_16, %dma_wait3A_72] : memref<128x10000xi32, #tpu.memory_space<hbm>> -> memref<1x10000xi32, #tpu.memory_space<hbm>>
      %dma_wait3A_74 = tpu.memref_squeeze %dma_wait3A_73 : memref<1x10000xi32, #tpu.memory_space<hbm>> -> memref<10000xi32, #tpu.memory_space<hbm>>
      tpu.wait_dma2 semaphore(%run_scoped3A : memref<!tpu.dma_semaphore, #tpu.memory_space<semaphore_mem>>) src(%dma_wait3A_74 : memref<10000xi32, #tpu.memory_space<hbm>>) dst(%arg12 : memref<10000xi32, #tpu.memory_space<vmem>>)
      tpu.yield
    }) : () -> ()
    %scan3A = arith.constant 0 : i32
    %scan3A_17 = arith.constant 625 : i32
    %scan3A_18 = arith.addi %scan3A, %scan3A_17 : i32
    %scan3A_19 = arith.constant 1 : i32
    scf.for %scan3A_64 = %scan3A to %scan3A_18 step %scan3A_19  : i32 {
      %mul3A_65 = arith.constant 1 : i32
      %mul3A_66 = arith.muli %scan3A_64, %mul3A_65 : i32
      %add3A_67 = arith.constant 0 : i32
      %add3A_68 = arith.addi %add3A_67, %mul3A_66 : i32
      %broadcast_in_dim3A = arith.constant -8355968 : i32
      %broadcast_in_dim3A_69 = vector.broadcast %broadcast_in_dim3A : i32 to vector<16xi32>
      %mul3A_70 = arith.constant 16 : i32
      %mul3A_71 = arith.muli %add3A_68, %mul3A_70 : i32
      %swap3A = arith.index_cast %mul3A_71 : i32 to index
      %swap3A_72 = tpu.vector_load %arg13[%swap3A] {strides = array<i32>} : memref<10000xi32, #tpu.memory_space<vmem>>, vector<16xi32>,
      tpu.vector_store %arg13[%swap3A], %broadcast_in_dim3A_69 {strides = array<i32>} : memref<10000xi32, #tpu.memory_space<vmem>>, vector<16xi32>,
    }
    %scan3A_20 = arith.constant 625 : i32
    %scan3A_21 = arith.constant 0 : i32
    %scan3A_22 = arith.constant 625 : i32
    %scan3A_23 = arith.addi %scan3A_21, %scan3A_22 : i32
    %scan3A_24 = arith.constant 1 : i32
    scf.for %scan3A_64 = %scan3A_21 to %scan3A_23 step %scan3A_24  : i32 {
      %mul3A_65 = arith.constant 1 : i32
      %mul3A_66 = arith.muli %scan3A_64, %mul3A_65 : i32
      %add3A_67 = arith.constant 0 : i32
      %add3A_68 = arith.addi %add3A_67, %mul3A_66 : i32
      %broadcast_in_dim3A = arith.constant -8355968 : i32
      %broadcast_in_dim3A_69 = vector.broadcast %broadcast_in_dim3A : i32 to vector<16xi32>
      %mul3A_70 = arith.constant 16 : i32
      %mul3A_71 = arith.muli %add3A_68, %mul3A_70 : i32
      %swap3A = arith.index_cast %mul3A_71 : i32 to index
      %swap3A_72 = tpu.vector_load %arg14[%swap3A] {strides = array<i32>} : memref<10000xi32, #tpu.memory_space<vmem>>, vector<16xi32>,
      tpu.vector_store %arg14[%swap3A], %broadcast_in_dim3A_69 {strides = array<i32>} : memref<10000xi32, #tpu.memory_space<vmem>>, vector<16xi32>,
    }
    %scan3A_25 = arith.constant 625 : i32
    %scan3A_26 = arith.constant 0 : i32
    %scan3A_27 = arith.constant 625 : i32
    %scan3A_28 = arith.addi %scan3A_26, %scan3A_27 : i32
    %scan3A_29 = arith.constant 1 : i32
    scf.for %scan3A_64 = %scan3A_26 to %scan3A_28 step %scan3A_29  : i32 {
      %mul3A_65 = arith.constant 1 : i32
      %mul3A_66 = arith.muli %scan3A_64, %mul3A_65 : i32
      %add3A_67 = arith.constant 0 : i32
      %add3A_68 = arith.addi %add3A_67, %mul3A_66 : i32
      %broadcast_in_dim3A = arith.constant -8355968 : i32
      %broadcast_in_dim3A_69 = vector.broadcast %broadcast_in_dim3A : i32 to vector<16xi32>
      %mul3A_70 = arith.constant 16 : i32
      %mul3A_71 = arith.muli %add3A_68, %mul3A_70 : i32
      %swap3A = arith.index_cast %mul3A_71 : i32 to index
      %swap3A_72 = tpu.vector_load %arg15[%swap3A] {strides = array<i32>} : memref<10000xi32, #tpu.memory_space<vmem>>, vector<16xi32>,
      tpu.vector_store %arg15[%swap3A], %broadcast_in_dim3A_69 {strides = array<i32>} : memref<10000xi32, #tpu.memory_space<vmem>>, vector<16xi32>,
    }
    %scan3A_30 = arith.constant 625 : i32
    %scan3A_31 = arith.constant 0 : i32
    %scan3A_32 = arith.constant 625 : i32
    %scan3A_33 = arith.addi %scan3A_31, %scan3A_32 : i32
    %scan3A_34 = arith.constant 1 : i32
    scf.for %scan3A_64 = %scan3A_31 to %scan3A_33 step %scan3A_34  : i32 {
      %mul3A_65 = arith.constant 1 : i32
      %mul3A_66 = arith.muli %scan3A_64, %mul3A_65 : i32
      %add3A_67 = arith.constant 0 : i32
      %add3A_68 = arith.addi %add3A_67, %mul3A_66 : i32
      %broadcast_in_dim3A = arith.constant -8355968 : i32
      %broadcast_in_dim3A_69 = vector.broadcast %broadcast_in_dim3A : i32 to vector<16xi32>
      %mul3A_70 = arith.constant 16 : i32
      %mul3A_71 = arith.muli %add3A_68, %mul3A_70 : i32
      %swap3A = arith.index_cast %mul3A_71 : i32 to index
      %swap3A_72 = tpu.vector_load %arg16[%swap3A] {strides = array<i32>} : memref<10000xi32, #tpu.memory_space<vmem>>, vector<16xi32>,
      tpu.vector_store %arg16[%swap3A], %broadcast_in_dim3A_69 {strides = array<i32>} : memref<10000xi32, #tpu.memory_space<vmem>>, vector<16xi32>,
    }
    %scan3A_35 = arith.constant 625 : i32
    %scan3A_36 = arith.constant 0 : i32
    %scan3A_37 = arith.constant 32 : i32
    %scan3A_38 = arith.addi %scan3A_36, %scan3A_37 : i32
    %scan3A_39 = arith.constant 1 : i32
    scf.for %scan3A_64 = %scan3A_36 to %scan3A_38 step %scan3A_39  : i32 {
      %mul3A_65 = arith.constant 1 : i32
      %mul3A_66 = arith.muli %scan3A_64, %mul3A_65 : i32
      %add3A_67 = arith.constant 0 : i32
      %add3A_68 = arith.addi %add3A_67, %mul3A_66 : i32
      %broadcast_in_dim3A = arith.constant 0.000000e+00 : f32
      %broadcast_in_dim3A_69 = vector.broadcast %broadcast_in_dim3A : f32 to vector<16xf32>
      %mul3A_70 = arith.constant 16 : i32
      %mul3A_71 = arith.muli %add3A_68, %mul3A_70 : i32
      %swap3A = arith.index_cast %mul3A_71 : i32 to index
      %swap3A_72 = tpu.vector_load %arg25[%swap3A] {strides = array<i32>} : memref<512xf32, #tpu.memory_space<vmem>>, vector<16xf32>,
      tpu.vector_store %arg25[%swap3A], %broadcast_in_dim3A_69 {strides = array<i32>} : memref<512xf32, #tpu.memory_space<vmem>>, vector<16xf32>,
    }
    %scan3A_40 = arith.constant 32 : i32
    %dma_start3A = arith.constant 0 : i32
    %dma_start3A_41 = tpu.memref_slice %arg3[%dma_start3A] : memref<160000xi32, #tpu.memory_space<hbm>> -> memref<2000xi32, #tpu.memory_space<hbm>>
    %dma_start3A_42 = arith.constant 0 : i32
    %dma_start3A_43 = tpu.memref_slice %arg3[%dma_start3A_42] : memref<160000xi32, #tpu.memory_space<hbm>> -> memref<2000xi32, #tpu.memory_space<hbm>>
    tpu.enqueue_dma source(%dma_start3A_43 : memref<2000xi32, #tpu.memory_space<hbm>>) target(%arg17 : memref<2000xi32, #tpu.memory_space<vmem>>) target_semaphore(%arg26 : memref<!tpu.dma_semaphore, #tpu.memory_space<semaphore_mem>>)
    %dma_start3A_44 = arith.constant 0 : i32
    %dma_start3A_45 = tpu.memref_slice %arg4[%dma_start3A_44] : memref<160000xi32, #tpu.memory_space<hbm>> -> memref<2000xi32, #tpu.memory_space<hbm>>
    %dma_start3A_46 = arith.constant 0 : i32
    %dma_start3A_47 = tpu.memref_slice %arg4[%dma_start3A_46] : memref<160000xi32, #tpu.memory_space<hbm>> -> memref<2000xi32, #tpu.memory_space<hbm>>
    tpu.enqueue_dma source(%dma_start3A_47 : memref<2000xi32, #tpu.memory_space<hbm>>) target(%arg19 : memref<2000xi32, #tpu.memory_space<vmem>>) target_semaphore(%arg26 : memref<!tpu.dma_semaphore, #tpu.memory_space<semaphore_mem>>)
    %dma_start3A_48 = arith.constant 0 : i32
    %dma_start3A_49 = tpu.memref_slice %arg5[%dma_start3A_48] : memref<160000xf32, #tpu.memory_space<hbm>> -> memref<2000xf32, #tpu.memory_space<hbm>>
    %dma_start3A_50 = arith.constant 0 : i32
    %dma_start3A_51 = tpu.memref_slice %arg5[%dma_start3A_50] : memref<160000xf32, #tpu.memory_space<hbm>> -> memref<2000xf32, #tpu.memory_space<hbm>>
    tpu.enqueue_dma source(%dma_start3A_51 : memref<2000xf32, #tpu.memory_space<hbm>>) target(%arg21 : memref<2000xf32, #tpu.memory_space<vmem>>) target_semaphore(%arg26 : memref<!tpu.dma_semaphore, #tpu.memory_space<semaphore_mem>>)
    %scan3A_52 = arith.constant 0 : i32
    %scan3A_53 = arith.constant 40 : i32
    %scan3A_54 = arith.addi %scan3A_52, %scan3A_53 : i32
    %scan3A_55 = arith.constant 1 : i32
    scf.for %scan3A_64 = %scan3A_52 to %scan3A_54 step %scan3A_55  : i32 {
      %mul3A_65 = arith.constant 1 : i32
      %mul3A_66 = arith.muli %scan3A_64, %mul3A_65 : i32
      %add3A_67 = arith.constant 0 : i32
      %add3A_68 = arith.addi %add3A_67, %mul3A_66 : i32
      %mul3A_69 = arith.constant 2 : i32
      %mul3A_70 = arith.muli %mul3A_69, %add3A_68 : i32
      %add3A_71 = arith.constant 1 : i32
      %add3A_72 = arith.addi %mul3A_70, %add3A_71 : i32
      %mul3A_73 = arith.constant 2000 : i32
      %mul3A_74 = arith.muli %add3A_72, %mul3A_73 : i32
      %dma_start3A_75 = tpu.memref_slice %arg3[%mul3A_74] : memref<160000xi32, #tpu.memory_space<hbm>> -> memref<2000xi32, #tpu.memory_space<hbm>>
      %dma_start3A_76 = tpu.memref_slice %arg3[%mul3A_74] : memref<160000xi32, #tpu.memory_space<hbm>> -> memref<2000xi32, #tpu.memory_space<hbm>>
      tpu.enqueue_dma source(%dma_start3A_76 : memref<2000xi32, #tpu.memory_space<hbm>>) target(%arg18 : memref<2000xi32, #tpu.memory_space<vmem>>) target_semaphore(%arg27 : memref<!tpu.dma_semaphore, #tpu.memory_space<semaphore_mem>>)
      %dma_start3A_77 = tpu.memref_slice %arg4[%mul3A_74] : memref<160000xi32, #tpu.memory_space<hbm>> -> memref<2000xi32, #tpu.memory_space<hbm>>
      %dma_start3A_78 = tpu.memref_slice %arg4[%mul3A_74] : memref<160000xi32, #tpu.memory_space<hbm>> -> memref<2000xi32, #tpu.memory_space<hbm>>
      tpu.enqueue_dma source(%dma_start3A_78 : memref<2000xi32, #tpu.memory_space<hbm>>) target(%arg20 : memref<2000xi32, #tpu.memory_space<vmem>>) target_semaphore(%arg27 : memref<!tpu.dma_semaphore, #tpu.memory_space<semaphore_mem>>)
      %dma_start3A_79 = tpu.memref_slice %arg5[%mul3A_74] : memref<160000xf32, #tpu.memory_space<hbm>> -> memref<2000xf32, #tpu.memory_space<hbm>>
      %dma_start3A_80 = tpu.memref_slice %arg5[%mul3A_74] : memref<160000xf32, #tpu.memory_space<hbm>> -> memref<2000xf32, #tpu.memory_space<hbm>>
      tpu.enqueue_dma source(%dma_start3A_80 : memref<2000xf32, #tpu.memory_space<hbm>>) target(%arg22 : memref<2000xf32, #tpu.memory_space<vmem>>) target_semaphore(%arg27 : memref<!tpu.dma_semaphore, #tpu.memory_space<semaphore_mem>>)
      %dma_wait3A = arith.constant 0 : i32
      %dma_wait3A_81 = tpu.memref_slice %arg3[%dma_wait3A] : memref<160000xi32, #tpu.memory_space<hbm>> -> memref<2000xi32, #tpu.memory_space<hbm>>
      %dma_wait3A_82 = arith.constant 0 : i32
      %dma_wait3A_83 = tpu.memref_slice %arg3[%dma_wait3A_82] : memref<160000xi32, #tpu.memory_space<hbm>> -> memref<2000xi32, #tpu.memory_space<hbm>>
      tpu.wait_dma2 semaphore(%arg26 : memref<!tpu.dma_semaphore, #tpu.memory_space<semaphore_mem>>) src(%dma_wait3A_83 : memref<2000xi32, #tpu.memory_space<hbm>>) dst(%arg17 : memref<2000xi32, #tpu.memory_space<vmem>>)
      %dma_wait3A_84 = arith.constant 0 : i32
      %dma_wait3A_85 = tpu.memref_slice %arg4[%dma_wait3A_84] : memref<160000xi32, #tpu.memory_space<hbm>> -> memref<2000xi32, #tpu.memory_space<hbm>>
      %dma_wait3A_86 = arith.constant 0 : i32
      %dma_wait3A_87 = tpu.memref_slice %arg4[%dma_wait3A_86] : memref<160000xi32, #tpu.memory_space<hbm>> -> memref<2000xi32, #tpu.memory_space<hbm>>
      tpu.wait_dma2 semaphore(%arg26 : memref<!tpu.dma_semaphore, #tpu.memory_space<semaphore_mem>>) src(%dma_wait3A_87 : memref<2000xi32, #tpu.memory_space<hbm>>) dst(%arg19 : memref<2000xi32, #tpu.memory_space<vmem>>)
      %dma_wait3A_88 = arith.constant 0 : i32
      %dma_wait3A_89 = tpu.memref_slice %arg5[%dma_wait3A_88] : memref<160000xf32, #tpu.memory_space<hbm>> -> memref<2000xf32, #tpu.memory_space<hbm>>
      %dma_wait3A_90 = arith.constant 0 : i32
      %dma_wait3A_91 = tpu.memref_slice %arg5[%dma_wait3A_90] : memref<160000xf32, #tpu.memory_space<hbm>> -> memref<2000xf32, #tpu.memory_space<hbm>>
      tpu.wait_dma2 semaphore(%arg26 : memref<!tpu.dma_semaphore, #tpu.memory_space<semaphore_mem>>) src(%dma_wait3A_91 : memref<2000xf32, #tpu.memory_space<hbm>>) dst(%arg21 : memref<2000xf32, #tpu.memory_space<vmem>>)
      %broadcast_in_dim3A = arith.constant 0 : i32
      %broadcast_in_dim3A_92 = vector.broadcast %broadcast_in_dim3A : i32 to vector<16xi32>
      %get3A = arith.constant 0 : index
      %get3A_93 = tpu.vector_load %arg17[%get3A] {strides = array<i32>} : memref<2000xi32, #tpu.memory_space<vmem>>, vector<16xi32>,
      %get3A_94 = arith.constant 0 : index
      %get3A_95 = tpu.vector_load %arg19[%get3A_94] {strides = array<i32>} : memref<2000xi32, #tpu.memory_space<vmem>>, vector<16xi32>,
      %get3A_96 = arith.constant 0 : index
      %get3A_97 = tpu.vector_load %arg21[%get3A_96] {strides = array<i32>} : memref<2000xf32, #tpu.memory_space<vmem>>, vector<16xf32>,
      %gather3A = tpu.vector_load_idx %arg9[%get3A_93] : memref<10000xi32, #tpu.memory_space<vmem>>[vector<16xi32>], vector<16xi32>,
      %gather3A_98 = tpu.vector_load_idx %arg10[%get3A_93] : memref<10000xi32, #tpu.memory_space<vmem>>[vector<16xi32>], vector<16xi32>,
      %gather3A_99 = tpu.vector_load_idx %arg11[%get3A_93] : memref<10000xi32, #tpu.memory_space<vmem>>[vector<16xi32>], vector<16xi32>,
      %gather3A_100 = tpu.vector_load_idx %arg12[%get3A_93] : memref<10000xi32, #tpu.memory_space<vmem>>[vector<16xi32>], vector<16xi32>,
      %scan3A_101 = arith.constant 0 : i32
      %scan3A_102 = arith.constant 124 : i32
      %scan3A_103 = arith.addi %scan3A_101, %scan3A_102 : i32
      %scan3A_104 = arith.constant 1 : i32
      %scan3A_105:7 = scf.for %scan3A_264 = %scan3A_101 to %scan3A_103 step %scan3A_104 iter_args(%scan3A_265 = %broadcast_in_dim3A_92, %scan3A_266 = %get3A_95, %scan3A_267 = %get3A_97, %scan3A_268 = %gather3A, %scan3A_269 = %gather3A_98, %scan3A_270 = %gather3A_99, %scan3A_271 = %gather3A_100) -> (vector<16xi32>, vector<16xi32>, vector<16xf32>, vector<16xi32>, vector<16xi32>, vector<16xi32>, vector<16xi32>)  : i32 {
        %mul3A_272 = arith.constant 1 : i32
        %mul3A_273 = arith.muli %scan3A_264, %mul3A_272 : i32
        %add3A_274 = arith.constant 0 : i32
        %add3A_275 = arith.addi %add3A_274, %mul3A_273 : i32
        %broadcast_in_dim3A_276 = arith.constant true
        %broadcast_in_dim3A_277 = vector.broadcast %broadcast_in_dim3A_276 : i1 to vector<16xi1>
        %unique3A_278, %unique3A_279 = tpu.scan_count mask(%broadcast_in_dim3A_277 : vector<16xi1>) value(%scan3A_266 : vector<16xi32>) : vector<16xi1>, vector<16xi32>
        %pack3A_280 = tpu.pack_subelements %scan3A_267, %scan3A_267 {pack_format = #tpu.pack_format<interleaved>, positions = array<i32: 0, 1>} : vector<16xf32>, vector<16xf32> -> vector<32xbf16>
        %bitcast3A_281 = vector.bitcast %scan3A_268 : vector<16xi32> to vector<32xbf16>
        %mul3A_282 = arith.mulf %pack3A_280, %bitcast3A_281 : vector<32xbf16>
        %bitcast3A_283 = vector.bitcast %scan3A_269 : vector<16xi32> to vector<32xbf16>
        %mul3A_284 = arith.mulf %pack3A_280, %bitcast3A_283 : vector<32xbf16>
        %bitcast3A_285 = vector.bitcast %scan3A_270 : vector<16xi32> to vector<32xbf16>
        %mul3A_286 = arith.mulf %pack3A_280, %bitcast3A_285 : vector<32xbf16>
        %bitcast3A_287 = vector.bitcast %scan3A_271 : vector<16xi32> to vector<32xbf16>
        %mul3A_288 = arith.mulf %pack3A_280, %bitcast3A_287 : vector<32xbf16>
        %eq3A_289 = arith.constant 0 : i32
        %eq3A_290 = vector.broadcast %eq3A_289 : i32 to vector<16xi32>
        %eq3A_291 = arith.cmpi eq, %unique3A_279, %eq3A_290 : vector<16xi32>
        %eq3A_292 = arith.constant 1 : i32
        %eq3A_293 = vector.broadcast %eq3A_292 : i32 to vector<16xi32>
        %eq3A_294 = arith.cmpi eq, %unique3A_279, %eq3A_293 : vector<16xi32>
        %gather3A_295 = tpu.vector_load_idx %arg13[%scan3A_266] : memref<10000xi32, #tpu.memory_space<vmem>>[vector<16xi32>], vector<16xi32>,
        %gather3A_296 = tpu.vector_load_idx %arg14[%scan3A_266] : memref<10000xi32, #tpu.memory_space<vmem>>[vector<16xi32>], vector<16xi32>,
        %gather3A_297 = tpu.vector_load_idx %arg15[%scan3A_266] : memref<10000xi32, #tpu.memory_space<vmem>>[vector<16xi32>], vector<16xi32>,
        %gather3A_298 = tpu.vector_load_idx %arg16[%scan3A_266] : memref<10000xi32, #tpu.memory_space<vmem>>[vector<16xi32>], vector<16xi32>,
        %bitcast3A_299 = vector.bitcast %gather3A_295 : vector<16xi32> to vector<32xbf16>
        %max3A_300 = arith.maximumf %bitcast3A_299, %mul3A_282 : vector<32xbf16>
        %bitcast3A_301 = vector.bitcast %max3A_300 : vector<32xbf16> to vector<16xi32>
        %bitcast3A_302 = vector.bitcast %gather3A_296 : vector<16xi32> to vector<32xbf16>
        %max3A_303 = arith.maximumf %bitcast3A_302, %mul3A_284 : vector<32xbf16>
        %bitcast3A_304 = vector.bitcast %max3A_303 : vector<32xbf16> to vector<16xi32>
        %bitcast3A_305 = vector.bitcast %gather3A_297 : vector<16xi32> to vector<32xbf16>
        %max3A_306 = arith.maximumf %bitcast3A_305, %mul3A_286 : vector<32xbf16>
        %bitcast3A_307 = vector.bitcast %max3A_306 : vector<32xbf16> to vector<16xi32>
        %bitcast3A_308 = vector.bitcast %gather3A_298 : vector<16xi32> to vector<32xbf16>
        %max3A_309 = arith.maximumf %bitcast3A_308, %mul3A_288 : vector<32xbf16>
        %bitcast3A_310 = vector.bitcast %max3A_309 : vector<32xbf16> to vector<16xi32>
        tpu.vector_store_idx %arg13[%scan3A_266], %bitcast3A_301 masked %eq3A_291 : memref<10000xi32, #tpu.memory_space<vmem>>[vector<16xi32>], vector<16xi32>, vector<16xi1>
        tpu.vector_store_idx %arg14[%scan3A_266], %bitcast3A_304 masked %eq3A_291 : memref<10000xi32, #tpu.memory_space<vmem>>[vector<16xi32>], vector<16xi32>, vector<16xi1>
        tpu.vector_store_idx %arg15[%scan3A_266], %bitcast3A_307 masked %eq3A_291 : memref<10000xi32, #tpu.memory_space<vmem>>[vector<16xi32>], vector<16xi32>, vector<16xi1>
        tpu.vector_store_idx %arg16[%scan3A_266], %bitcast3A_310 masked %eq3A_291 : memref<10000xi32, #tpu.memory_space<vmem>>[vector<16xi32>], vector<16xi32>, vector<16xi1>
        %gather3A_311 = tpu.vector_load_idx %arg13[%scan3A_266] : memref<10000xi32, #tpu.memory_space<vmem>>[vector<16xi32>], vector<16xi32>,
        %gather3A_312 = tpu.vector_load_idx %arg14[%scan3A_266] : memref<10000xi32, #tpu.memory_space<vmem>>[vector<16xi32>], vector<16xi32>,
        %gather3A_313 = tpu.vector_load_idx %arg15[%scan3A_266] : memref<10000xi32, #tpu.memory_space<vmem>>[vector<16xi32>], vector<16xi32>,
        %gather3A_314 = tpu.vector_load_idx %arg16[%scan3A_266] : memref<10000xi32, #tpu.memory_space<vmem>>[vector<16xi32>], vector<16xi32>,
        %bitcast3A_315 = vector.bitcast %gather3A_311 : vector<16xi32> to vector<32xbf16>
        %max3A_316 = arith.maximumf %bitcast3A_315, %mul3A_282 : vector<32xbf16>
        %bitcast3A_317 = vector.bitcast %max3A_316 : vector<32xbf16> to vector<16xi32>
        %bitcast3A_318 = vector.bitcast %gather3A_312 : vector<16xi32> to vector<32xbf16>
        %max3A_319 = arith.maximumf %bitcast3A_318, %mul3A_284 : vector<32xbf16>
        %bitcast3A_320 = vector.bitcast %max3A_319 : vector<32xbf16> to vector<16xi32>
        %bitcast3A_321 = vector.bitcast %gather3A_313 : vector<16xi32> to vector<32xbf16>
        %max3A_322 = arith.maximumf %bitcast3A_321, %mul3A_286 : vector<32xbf16>
        %bitcast3A_323 = vector.bitcast %max3A_322 : vector<32xbf16> to vector<16xi32>
        %bitcast3A_324 = vector.bitcast %gather3A_314 : vector<16xi32> to vector<32xbf16>
        %max3A_325 = arith.maximumf %bitcast3A_324, %mul3A_288 : vector<32xbf16>
        %bitcast3A_326 = vector.bitcast %max3A_325 : vector<32xbf16> to vector<16xi32>
        tpu.vector_store_idx %arg13[%scan3A_266], %bitcast3A_317 masked %eq3A_294 : memref<10000xi32, #tpu.memory_space<vmem>>[vector<16xi32>], vector<16xi32>, vector<16xi1>
        tpu.vector_store_idx %arg14[%scan3A_266], %bitcast3A_320 masked %eq3A_294 : memref<10000xi32, #tpu.memory_space<vmem>>[vector<16xi32>], vector<16xi32>, vector<16xi1>
        tpu.vector_store_idx %arg15[%scan3A_266], %bitcast3A_323 masked %eq3A_294 : memref<10000xi32, #tpu.memory_space<vmem>>[vector<16xi32>], vector<16xi32>, vector<16xi1>
        tpu.vector_store_idx %arg16[%scan3A_266], %bitcast3A_326 masked %eq3A_294 : memref<10000xi32, #tpu.memory_space<vmem>>[vector<16xi32>], vector<16xi32>, vector<16xi1>
        %add3A_327 = arith.constant 1 : i32
        %add3A_328 = arith.addi %add3A_275, %add3A_327 : i32
        %mul3A_329 = arith.constant 16 : i32
        %mul3A_330 = arith.muli %add3A_328, %mul3A_329 : i32
        %get3A_331 = arith.index_cast %mul3A_330 : i32 to index
        %get3A_332 = tpu.vector_load %arg17[%get3A_331] {strides = array<i32>} : memref<2000xi32, #tpu.memory_space<vmem>>, vector<16xi32>,
        %get3A_333 = arith.index_cast %mul3A_330 : i32 to index
        %get3A_334 = tpu.vector_load %arg19[%get3A_333] {strides = array<i32>} : memref<2000xi32, #tpu.memory_space<vmem>>, vector<16xi32>,
        %get3A_335 = arith.index_cast %mul3A_330 : i32 to index
        %get3A_336 = tpu.vector_load %arg21[%get3A_335] {strides = array<i32>} : memref<2000xf32, #tpu.memory_space<vmem>>, vector<16xf32>,
        %gather3A_337 = tpu.vector_load_idx %arg9[%get3A_332] : memref<10000xi32, #tpu.memory_space<vmem>>[vector<16xi32>], vector<16xi32>,
        %gather3A_338 = tpu.vector_load_idx %arg10[%get3A_332] : memref<10000xi32, #tpu.memory_space<vmem>>[vector<16xi32>], vector<16xi32>,
        %gather3A_339 = tpu.vector_load_idx %arg11[%get3A_332] : memref<10000xi32, #tpu.memory_space<vmem>>[vector<16xi32>], vector<16xi32>,
        %gather3A_340 = tpu.vector_load_idx %arg12[%get3A_332] : memref<10000xi32, #tpu.memory_space<vmem>>[vector<16xi32>], vector<16xi32>,
        %max3A_341 = arith.maxsi %scan3A_265, %unique3A_279 : vector<16xi32>
        scf.yield %max3A_341, %get3A_334, %get3A_336, %gather3A_337, %gather3A_338, %gather3A_339, %gather3A_340 : vector<16xi32>, vector<16xi32>, vector<16xf32>, vector<16xi32>, vector<16xi32>, vector<16xi32>, vector<16xi32>
      }
      %scan3A_106 = arith.constant 124 : i32
      %broadcast_in_dim3A_107 = arith.constant true
      %broadcast_in_dim3A_108 = vector.broadcast %broadcast_in_dim3A_107 : i1 to vector<16xi1>
      %unique3A, %unique3A_109 = tpu.scan_count mask(%broadcast_in_dim3A_108 : vector<16xi1>) value(%scan3A_105#1 : vector<16xi32>) : vector<16xi1>, vector<16xi32>
      %pack3A = tpu.pack_subelements %scan3A_105#2, %scan3A_105#2 {pack_format = #tpu.pack_format<interleaved>, positions = array<i32: 0, 1>} : vector<16xf32>, vector<16xf32> -> vector<32xbf16>
      %bitcast3A = vector.bitcast %scan3A_105#3 : vector<16xi32> to vector<32xbf16>
      %mul3A_110 = arith.mulf %pack3A, %bitcast3A : vector<32xbf16>
      %bitcast3A_111 = vector.bitcast %scan3A_105#4 : vector<16xi32> to vector<32xbf16>
      %mul3A_112 = arith.mulf %pack3A, %bitcast3A_111 : vector<32xbf16>
      %bitcast3A_113 = vector.bitcast %scan3A_105#5 : vector<16xi32> to vector<32xbf16>
      %mul3A_114 = arith.mulf %pack3A, %bitcast3A_113 : vector<32xbf16>
      %bitcast3A_115 = vector.bitcast %scan3A_105#6 : vector<16xi32> to vector<32xbf16>
      %mul3A_116 = arith.mulf %pack3A, %bitcast3A_115 : vector<32xbf16>
      %eq3A = arith.constant 0 : i32
      %eq3A_117 = vector.broadcast %eq3A : i32 to vector<16xi32>
      %eq3A_118 = arith.cmpi eq, %unique3A_109, %eq3A_117 : vector<16xi32>
      %eq3A_119 = arith.constant 1 : i32
      %eq3A_120 = vector.broadcast %eq3A_119 : i32 to vector<16xi32>
      %eq3A_121 = arith.cmpi eq, %unique3A_109, %eq3A_120 : vector<16xi32>
      %gather3A_122 = tpu.vector_load_idx %arg13[%scan3A_105#1] : memref<10000xi32, #tpu.memory_space<vmem>>[vector<16xi32>], vector<16xi32>,
      %gather3A_123 = tpu.vector_load_idx %arg14[%scan3A_105#1] : memref<10000xi32, #tpu.memory_space<vmem>>[vector<16xi32>], vector<16xi32>,
      %gather3A_124 = tpu.vector_load_idx %arg15[%scan3A_105#1] : memref<10000xi32, #tpu.memory_space<vmem>>[vector<16xi32>], vector<16xi32>,
      %gather3A_125 = tpu.vector_load_idx %arg16[%scan3A_105#1] : memref<10000xi32, #tpu.memory_space<vmem>>[vector<16xi32>], vector<16xi32>,
      %bitcast3A_126 = vector.bitcast %gather3A_122 : vector<16xi32> to vector<32xbf16>
      %max3A = arith.maximumf %bitcast3A_126, %mul3A_110 : vector<32xbf16>
      %bitcast3A_127 = vector.bitcast %max3A : vector<32xbf16> to vector<16xi32>
      %bitcast3A_128 = vector.bitcast %gather3A_123 : vector<16xi32> to vector<32xbf16>
      %max3A_129 = arith.maximumf %bitcast3A_128, %mul3A_112 : vector<32xbf16>
      %bitcast3A_130 = vector.bitcast %max3A_129 : vector<32xbf16> to vector<16xi32>
      %bitcast3A_131 = vector.bitcast %gather3A_124 : vector<16xi32> to vector<32xbf16>
      %max3A_132 = arith.maximumf %bitcast3A_131, %mul3A_114 : vector<32xbf16>
      %bitcast3A_133 = vector.bitcast %max3A_132 : vector<32xbf16> to vector<16xi32>
      %bitcast3A_134 = vector.bitcast %gather3A_125 : vector<16xi32> to vector<32xbf16>
      %max3A_135 = arith.maximumf %bitcast3A_134, %mul3A_116 : vector<32xbf16>
      %bitcast3A_136 = vector.bitcast %max3A_135 : vector<32xbf16> to vector<16xi32>
      tpu.vector_store_idx %arg13[%scan3A_105#1], %bitcast3A_127 masked %eq3A_118 : memref<10000xi32, #tpu.memory_space<vmem>>[vector<16xi32>], vector<16xi32>, vector<16xi1>
      tpu.vector_store_idx %arg14[%scan3A_105#1], %bitcast3A_130 masked %eq3A_118 : memref<10000xi32, #tpu.memory_space<vmem>>[vector<16xi32>], vector<16xi32>, vector<16xi1>
      tpu.vector_store_idx %arg15[%scan3A_105#1], %bitcast3A_133 masked %eq3A_118 : memref<10000xi32, #tpu.memory_space<vmem>>[vector<16xi32>], vector<16xi32>, vector<16xi1>
      tpu.vector_store_idx %arg16[%scan3A_105#1], %bitcast3A_136 masked %eq3A_118 : memref<10000xi32, #tpu.memory_space<vmem>>[vector<16xi32>], vector<16xi32>, vector<16xi1>
      %gather3A_137 = tpu.vector_load_idx %arg13[%scan3A_105#1] : memref<10000xi32, #tpu.memory_space<vmem>>[vector<16xi32>], vector<16xi32>,
      %gather3A_138 = tpu.vector_load_idx %arg14[%scan3A_105#1] : memref<10000xi32, #tpu.memory_space<vmem>>[vector<16xi32>], vector<16xi32>,
      %gather3A_139 = tpu.vector_load_idx %arg15[%scan3A_105#1] : memref<10000xi32, #tpu.memory_space<vmem>>[vector<16xi32>], vector<16xi32>,
      %gather3A_140 = tpu.vector_load_idx %arg16[%scan3A_105#1] : memref<10000xi32, #tpu.memory_space<vmem>>[vector<16xi32>], vector<16xi32>,
      %bitcast3A_141 = vector.bitcast %gather3A_137 : vector<16xi32> to vector<32xbf16>
      %max3A_142 = arith.maximumf %bitcast3A_141, %mul3A_110 : vector<32xbf16>
      %bitcast3A_143 = vector.bitcast %max3A_142 : vector<32xbf16> to vector<16xi32>
      %bitcast3A_144 = vector.bitcast %gather3A_138 : vector<16xi32> to vector<32xbf16>
      %max3A_145 = arith.maximumf %bitcast3A_144, %mul3A_112 : vector<32xbf16>
      %bitcast3A_146 = vector.bitcast %max3A_145 : vector<32xbf16> to vector<16xi32>
      %bitcast3A_147 = vector.bitcast %gather3A_139 : vector<16xi32> to vector<32xbf16>
      %max3A_148 = arith.maximumf %bitcast3A_147, %mul3A_114 : vector<32xbf16>
      %bitcast3A_149 = vector.bitcast %max3A_148 : vector<32xbf16> to vector<16xi32>
      %bitcast3A_150 = vector.bitcast %gather3A_140 : vector<16xi32> to vector<32xbf16>
      %max3A_151 = arith.maximumf %bitcast3A_150, %mul3A_116 : vector<32xbf16>
      %bitcast3A_152 = vector.bitcast %max3A_151 : vector<32xbf16> to vector<16xi32>
      tpu.vector_store_idx %arg13[%scan3A_105#1], %bitcast3A_143 masked %eq3A_121 : memref<10000xi32, #tpu.memory_space<vmem>>[vector<16xi32>], vector<16xi32>, vector<16xi1>
      tpu.vector_store_idx %arg14[%scan3A_105#1], %bitcast3A_146 masked %eq3A_121 : memref<10000xi32, #tpu.memory_space<vmem>>[vector<16xi32>], vector<16xi32>, vector<16xi1>
      tpu.vector_store_idx %arg15[%scan3A_105#1], %bitcast3A_149 masked %eq3A_121 : memref<10000xi32, #tpu.memory_space<vmem>>[vector<16xi32>], vector<16xi32>, vector<16xi1>
      tpu.vector_store_idx %arg16[%scan3A_105#1], %bitcast3A_152 masked %eq3A_121 : memref<10000xi32, #tpu.memory_space<vmem>>[vector<16xi32>], vector<16xi32>, vector<16xi1>
      %max3A_153 = arith.maxsi %scan3A_105#0, %unique3A_109 : vector<16xi32>
      %reduce_max3A = arith.constant true
      %reduce_max3A_154 = vector.broadcast %reduce_max3A : i1 to vector<16xi1>
      %reduce_max3A_155 = arith.constant -2147483648 : i32
      %reduce_max3A_156 = vector.broadcast %reduce_max3A_155 : i32 to vector<16xi32>
      %reduce_max3A_157 = arith.xori %max3A_153, %reduce_max3A_156 : vector<16xi32>
      %reduce_max3A_158 = tpu.scan <max>, %reduce_max3A_157 masked %reduce_max3A_154 : vector<16xi32>, vector<16xi1> -> vector<16xi32>
      %reduce_max3A_159 = arith.xori %reduce_max3A_158, %reduce_max3A_156 : vector<16xi32>
      %reduce_max3A_160 = vector.extract %reduce_max3A_159[15] : i32 from vector<16xi32>
      %ge3A = arith.constant 2 : i32
      %ge3A_161 = arith.cmpi sge, %reduce_max3A_160, %ge3A : i32
      %convert_element_type3A = arith.extui %ge3A_161 : i1 to i32
      %cond3A = arith.constant 0 : i32
      %cond3A_162 = arith.cmpi ne, %convert_element_type3A, %cond3A : i32
      scf.if %cond3A_162 {
        %scan3A_264 = arith.constant 0 : i32
        %scan3A_265 = arith.constant 125 : i32
        %scan3A_266 = arith.addi %scan3A_264, %scan3A_265 : i32
        %scan3A_267 = arith.constant 1 : i32
        scf.for %scan3A_269 = %scan3A_264 to %scan3A_266 step %scan3A_267  : i32 {
          %mul3A_270 = arith.constant 1 : i32
          %mul3A_271 = arith.muli %scan3A_269, %mul3A_270 : i32
          %add3A_272 = arith.constant 0 : i32
          %add3A_273 = arith.addi %add3A_272, %mul3A_271 : i32
          %mul3A_274 = arith.constant 16 : i32
          %mul3A_275 = arith.muli %add3A_273, %mul3A_274 : i32
          %get3A_276 = arith.index_cast %mul3A_275 : i32 to index
          %get3A_277 = tpu.vector_load %arg17[%get3A_276] {strides = array<i32>} : memref<2000xi32, #tpu.memory_space<vmem>>, vector<16xi32>,
          %get3A_278 = arith.index_cast %mul3A_275 : i32 to index
          %get3A_279 = tpu.vector_load %arg19[%get3A_278] {strides = array<i32>} : memref<2000xi32, #tpu.memory_space<vmem>>, vector<16xi32>,
          %get3A_280 = arith.index_cast %mul3A_275 : i32 to index
          %get3A_281 = tpu.vector_load %arg21[%get3A_280] {strides = array<i32>} : memref<2000xf32, #tpu.memory_space<vmem>>, vector<16xf32>,
          %broadcast_in_dim3A_282 = arith.constant true
          %broadcast_in_dim3A_283 = vector.broadcast %broadcast_in_dim3A_282 : i1 to vector<16xi1>
          %unique3A_284, %unique3A_285 = tpu.scan_count mask(%broadcast_in_dim3A_283 : vector<16xi1>) value(%get3A_279 : vector<16xi32>) : vector<16xi1>, vector<16xi32>
          %reduce_max3A_286 = arith.constant true
          %reduce_max3A_287 = vector.broadcast %reduce_max3A_286 : i1 to vector<16xi1>
          %reduce_max3A_288 = arith.constant -2147483648 : i32
          %reduce_max3A_289 = vector.broadcast %reduce_max3A_288 : i32 to vector<16xi32>
          %reduce_max3A_290 = arith.xori %unique3A_285, %reduce_max3A_289 : vector<16xi32>
          %reduce_max3A_291 = tpu.scan <max>, %reduce_max3A_290 masked %reduce_max3A_287 : vector<16xi32>, vector<16xi1> -> vector<16xi32>
          %reduce_max3A_292 = arith.xori %reduce_max3A_291, %reduce_max3A_289 : vector<16xi32>
          %reduce_max3A_293 = vector.extract %reduce_max3A_292[15] : i32 from vector<16xi32>
          %add3A_294 = arith.constant 1 : i32
          %add3A_295 = arith.addi %reduce_max3A_293, %add3A_294 : i32
          %pack3A_296 = tpu.pack_subelements %get3A_281, %get3A_281 {pack_format = #tpu.pack_format<interleaved>, positions = array<i32: 0, 1>} : vector<16xf32>, vector<16xf32> -> vector<32xbf16>
          %gather3A_297 = tpu.vector_load_idx %arg9[%get3A_277] : memref<10000xi32, #tpu.memory_space<vmem>>[vector<16xi32>], vector<16xi32>,
          %bitcast3A_298 = vector.bitcast %gather3A_297 : vector<16xi32> to vector<32xbf16>
          %mul3A_299 = arith.mulf %pack3A_296, %bitcast3A_298 : vector<32xbf16>
          %gather3A_300 = tpu.vector_load_idx %arg10[%get3A_277] : memref<10000xi32, #tpu.memory_space<vmem>>[vector<16xi32>], vector<16xi32>,
          %bitcast3A_301 = vector.bitcast %gather3A_300 : vector<16xi32> to vector<32xbf16>
          %mul3A_302 = arith.mulf %pack3A_296, %bitcast3A_301 : vector<32xbf16>
          %gather3A_303 = tpu.vector_load_idx %arg11[%get3A_277] : memref<10000xi32, #tpu.memory_space<vmem>>[vector<16xi32>], vector<16xi32>,
          %bitcast3A_304 = vector.bitcast %gather3A_303 : vector<16xi32> to vector<32xbf16>
          %mul3A_305 = arith.mulf %pack3A_296, %bitcast3A_304 : vector<32xbf16>
          %gather3A_306 = tpu.vector_load_idx %arg12[%get3A_277] : memref<10000xi32, #tpu.memory_space<vmem>>[vector<16xi32>], vector<16xi32>,
          %bitcast3A_307 = vector.bitcast %gather3A_306 : vector<16xi32> to vector<32xbf16>
          %mul3A_308 = arith.mulf %pack3A_296, %bitcast3A_307 : vector<32xbf16>
          %while3A = arith.constant 0 : i32
          %while3A_309 = arith.constant 2 : i32
          %while3A_310 = arith.subi %add3A_295, %while3A_309 : i32
          %while3A_311 = arith.addi %while3A_309, %while3A_310 : i32
          %while3A_312 = arith.constant 1 : i32
          %while3A_313 = arith.divsi %while3A_310, %while3A_312 : i32
          %while3A_314 = arith.muli %while3A_313, %while3A_312 : i32
          %while3A_315 = arith.addi %while3A_309, %while3A_314 : i32
          %while3A_316 = arith.constant 1 : i32
          scf.for %while3A_318 = %while3A_309 to %while3A_315 step %while3A_316  : i32 {
            %eq3A_319 = vector.broadcast %while3A_318 : i32 to vector<16xi32>
            %eq3A_320 = arith.cmpi eq, %unique3A_285, %eq3A_319 : vector<16xi32>
            %gather3A_321 = tpu.vector_load_idx %arg13[%get3A_279] : memref<10000xi32, #tpu.memory_space<vmem>>[vector<16xi32>], vector<16xi32>,
            %bitcast3A_322 = vector.bitcast %gather3A_321 : vector<16xi32> to vector<32xbf16>
            %max3A_323 = arith.maximumf %bitcast3A_322, %mul3A_299 : vector<32xbf16>
            %bitcast3A_324 = vector.bitcast %max3A_323 : vector<32xbf16> to vector<16xi32>
            tpu.vector_store_idx %arg13[%get3A_279], %bitcast3A_324 masked %eq3A_320 : memref<10000xi32, #tpu.memory_space<vmem>>[vector<16xi32>], vector<16xi32>, vector<16xi1>
            %gather3A_325 = tpu.vector_load_idx %arg14[%get3A_279] : memref<10000xi32, #tpu.memory_space<vmem>>[vector<16xi32>], vector<16xi32>,
            %bitcast3A_326 = vector.bitcast %gather3A_325 : vector<16xi32> to vector<32xbf16>
            %max3A_327 = arith.maximumf %bitcast3A_326, %mul3A_302 : vector<32xbf16>
            %bitcast3A_328 = vector.bitcast %max3A_327 : vector<32xbf16> to vector<16xi32>
            tpu.vector_store_idx %arg14[%get3A_279], %bitcast3A_328 masked %eq3A_320 : memref<10000xi32, #tpu.memory_space<vmem>>[vector<16xi32>], vector<16xi32>, vector<16xi1>
            %gather3A_329 = tpu.vector_load_idx %arg15[%get3A_279] : memref<10000xi32, #tpu.memory_space<vmem>>[vector<16xi32>], vector<16xi32>,
            %bitcast3A_330 = vector.bitcast %gather3A_329 : vector<16xi32> to vector<32xbf16>
            %max3A_331 = arith.maximumf %bitcast3A_330, %mul3A_305 : vector<32xbf16>
            %bitcast3A_332 = vector.bitcast %max3A_331 : vector<32xbf16> to vector<16xi32>
            tpu.vector_store_idx %arg15[%get3A_279], %bitcast3A_332 masked %eq3A_320 : memref<10000xi32, #tpu.memory_space<vmem>>[vector<16xi32>], vector<16xi32>, vector<16xi1>
            %gather3A_333 = tpu.vector_load_idx %arg16[%get3A_279] : memref<10000xi32, #tpu.memory_space<vmem>>[vector<16xi32>], vector<16xi32>,
            %bitcast3A_334 = vector.bitcast %gather3A_333 : vector<16xi32> to vector<32xbf16>
            %max3A_335 = arith.maximumf %bitcast3A_334, %mul3A_308 : vector<32xbf16>
            %bitcast3A_336 = vector.bitcast %max3A_335 : vector<32xbf16> to vector<16xi32>
            tpu.vector_store_idx %arg16[%get3A_279], %bitcast3A_336 masked %eq3A_320 : memref<10000xi32, #tpu.memory_space<vmem>>[vector<16xi32>], vector<16xi32>, vector<16xi1>
          }
          %while3A_317 = arith.constant 1 : i32
          scf.for %while3A_318 = %while3A_315 to %while3A_311 step %while3A_317  : i32 {
            %eq3A_319 = vector.broadcast %while3A_318 : i32 to vector<16xi32>
            %eq3A_320 = arith.cmpi eq, %unique3A_285, %eq3A_319 : vector<16xi32>
            %gather3A_321 = tpu.vector_load_idx %arg13[%get3A_279] : memref<10000xi32, #tpu.memory_space<vmem>>[vector<16xi32>], vector<16xi32>,
            %bitcast3A_322 = vector.bitcast %gather3A_321 : vector<16xi32> to vector<32xbf16>
            %max3A_323 = arith.maximumf %bitcast3A_322, %mul3A_299 : vector<32xbf16>
            %bitcast3A_324 = vector.bitcast %max3A_323 : vector<32xbf16> to vector<16xi32>
            tpu.vector_store_idx %arg13[%get3A_279], %bitcast3A_324 masked %eq3A_320 : memref<10000xi32, #tpu.memory_space<vmem>>[vector<16xi32>], vector<16xi32>, vector<16xi1>
            %gather3A_325 = tpu.vector_load_idx %arg14[%get3A_279] : memref<10000xi32, #tpu.memory_space<vmem>>[vector<16xi32>], vector<16xi32>,
            %bitcast3A_326 = vector.bitcast %gather3A_325 : vector<16xi32> to vector<32xbf16>
            %max3A_327 = arith.maximumf %bitcast3A_326, %mul3A_302 : vector<32xbf16>
            %bitcast3A_328 = vector.bitcast %max3A_327 : vector<32xbf16> to vector<16xi32>
            tpu.vector_store_idx %arg14[%get3A_279], %bitcast3A_328 masked %eq3A_320 : memref<10000xi32, #tpu.memory_space<vmem>>[vector<16xi32>], vector<16xi32>, vector<16xi1>
            %gather3A_329 = tpu.vector_load_idx %arg15[%get3A_279] : memref<10000xi32, #tpu.memory_space<vmem>>[vector<16xi32>], vector<16xi32>,
            %bitcast3A_330 = vector.bitcast %gather3A_329 : vector<16xi32> to vector<32xbf16>
            %max3A_331 = arith.maximumf %bitcast3A_330, %mul3A_305 : vector<32xbf16>
            %bitcast3A_332 = vector.bitcast %max3A_331 : vector<32xbf16> to vector<16xi32>
            tpu.vector_store_idx %arg15[%get3A_279], %bitcast3A_332 masked %eq3A_320 : memref<10000xi32, #tpu.memory_space<vmem>>[vector<16xi32>], vector<16xi32>, vector<16xi1>
            %gather3A_333 = tpu.vector_load_idx %arg16[%get3A_279] : memref<10000xi32, #tpu.memory_space<vmem>>[vector<16xi32>], vector<16xi32>,
            %bitcast3A_334 = vector.bitcast %gather3A_333 : vector<16xi32> to vector<32xbf16>
            %max3A_335 = arith.maximumf %bitcast3A_334, %mul3A_308 : vector<32xbf16>
            %bitcast3A_336 = vector.bitcast %max3A_335 : vector<32xbf16> to vector<16xi32>
            tpu.vector_store_idx %arg16[%get3A_279], %bitcast3A_336 masked %eq3A_320 : memref<10000xi32, #tpu.memory_space<vmem>>[vector<16xi32>], vector<16xi32>, vector<16xi1>
          }
        }
        %scan3A_268 = arith.constant 125 : i32
      } else {
      }
      %add3A_163 = arith.constant 2 : i32
      %add3A_164 = arith.addi %mul3A_70, %add3A_163 : i32
      %lt3A = arith.constant 80 : i32
      %lt3A_165 = arith.cmpi slt, %add3A_164, %lt3A : i32
      %convert_element_type3A_166 = arith.extui %lt3A_165 : i1 to i32
      %cond3A_167 = arith.constant 0 : i32
      %cond3A_168 = arith.cmpi ne, %convert_element_type3A_166, %cond3A_167 : i32
      scf.if %cond3A_168 {
        %add3A_264 = arith.constant 2 : i32
        %add3A_265 = arith.addi %mul3A_70, %add3A_264 : i32
        %mul3A_266 = arith.constant 2000 : i32
        %mul3A_267 = arith.muli %add3A_265, %mul3A_266 : i32
        %dma_start3A_268 = tpu.memref_slice %arg3[%mul3A_267] : memref<160000xi32, #tpu.memory_space<hbm>> -> memref<2000xi32, #tpu.memory_space<hbm>>
        %dma_start3A_269 = tpu.memref_slice %arg3[%mul3A_267] : memref<160000xi32, #tpu.memory_space<hbm>> -> memref<2000xi32, #tpu.memory_space<hbm>>
        tpu.enqueue_dma source(%dma_start3A_269 : memref<2000xi32, #tpu.memory_space<hbm>>) target(%arg17 : memref<2000xi32, #tpu.memory_space<vmem>>) target_semaphore(%arg26 : memref<!tpu.dma_semaphore, #tpu.memory_space<semaphore_mem>>)
        %dma_start3A_270 = tpu.memref_slice %arg4[%mul3A_267] : memref<160000xi32, #tpu.memory_space<hbm>> -> memref<2000xi32, #tpu.memory_space<hbm>>
        %dma_start3A_271 = tpu.memref_slice %arg4[%mul3A_267] : memref<160000xi32, #tpu.memory_space<hbm>> -> memref<2000xi32, #tpu.memory_space<hbm>>
        tpu.enqueue_dma source(%dma_start3A_271 : memref<2000xi32, #tpu.memory_space<hbm>>) target(%arg19 : memref<2000xi32, #tpu.memory_space<vmem>>) target_semaphore(%arg26 : memref<!tpu.dma_semaphore, #tpu.memory_space<semaphore_mem>>)
        %dma_start3A_272 = tpu.memref_slice %arg5[%mul3A_267] : memref<160000xf32, #tpu.memory_space<hbm>> -> memref<2000xf32, #tpu.memory_space<hbm>>
        %dma_start3A_273 = tpu.memref_slice %arg5[%mul3A_267] : memref<160000xf32, #tpu.memory_space<hbm>> -> memref<2000xf32, #tpu.memory_space<hbm>>
        tpu.enqueue_dma source(%dma_start3A_273 : memref<2000xf32, #tpu.memory_space<hbm>>) target(%arg21 : memref<2000xf32, #tpu.memory_space<vmem>>) target_semaphore(%arg26 : memref<!tpu.dma_semaphore, #tpu.memory_space<semaphore_mem>>)
      } else {
      }
      %dma_wait3A_169 = arith.constant 0 : i32
      %dma_wait3A_170 = tpu.memref_slice %arg3[%dma_wait3A_169] : memref<160000xi32, #tpu.memory_space<hbm>> -> memref<2000xi32, #tpu.memory_space<hbm>>
      %dma_wait3A_171 = arith.constant 0 : i32
      %dma_wait3A_172 = tpu.memref_slice %arg3[%dma_wait3A_171] : memref<160000xi32, #tpu.memory_space<hbm>> -> memref<2000xi32, #tpu.memory_space<hbm>>
      tpu.wait_dma2 semaphore(%arg27 : memref<!tpu.dma_semaphore, #tpu.memory_space<semaphore_mem>>) src(%dma_wait3A_172 : memref<2000xi32, #tpu.memory_space<hbm>>) dst(%arg18 : memref<2000xi32, #tpu.memory_space<vmem>>)
      %dma_wait3A_173 = arith.constant 0 : i32
      %dma_wait3A_174 = tpu.memref_slice %arg4[%dma_wait3A_173] : memref<160000xi32, #tpu.memory_space<hbm>> -> memref<2000xi32, #tpu.memory_space<hbm>>
      %dma_wait3A_175 = arith.constant 0 : i32
      %dma_wait3A_176 = tpu.memref_slice %arg4[%dma_wait3A_175] : memref<160000xi32, #tpu.memory_space<hbm>> -> memref<2000xi32, #tpu.memory_space<hbm>>
      tpu.wait_dma2 semaphore(%arg27 : memref<!tpu.dma_semaphore, #tpu.memory_space<semaphore_mem>>) src(%dma_wait3A_176 : memref<2000xi32, #tpu.memory_space<hbm>>) dst(%arg20 : memref<2000xi32, #tpu.memory_space<vmem>>)
      %dma_wait3A_177 = arith.constant 0 : i32
      %dma_wait3A_178 = tpu.memref_slice %arg5[%dma_wait3A_177] : memref<160000xf32, #tpu.memory_space<hbm>> -> memref<2000xf32, #tpu.memory_space<hbm>>
      %dma_wait3A_179 = arith.constant 0 : i32
      %dma_wait3A_180 = tpu.memref_slice %arg5[%dma_wait3A_179] : memref<160000xf32, #tpu.memory_space<hbm>> -> memref<2000xf32, #tpu.memory_space<hbm>>
      tpu.wait_dma2 semaphore(%arg27 : memref<!tpu.dma_semaphore, #tpu.memory_space<semaphore_mem>>) src(%dma_wait3A_180 : memref<2000xf32, #tpu.memory_space<hbm>>) dst(%arg22 : memref<2000xf32, #tpu.memory_space<vmem>>)
      %broadcast_in_dim3A_181 = arith.constant 0 : i32
      %broadcast_in_dim3A_182 = vector.broadcast %broadcast_in_dim3A_181 : i32 to vector<16xi32>
      %get3A_183 = arith.constant 0 : index
      %get3A_184 = tpu.vector_load %arg18[%get3A_183] {strides = array<i32>} : memref<2000xi32, #tpu.memory_space<vmem>>, vector<16xi32>,
      %get3A_185 = arith.constant 0 : index
      %get3A_186 = tpu.vector_load %arg20[%get3A_185] {strides = array<i32>} : memref<2000xi32, #tpu.memory_space<vmem>>, vector<16xi32>,
      %get3A_187 = arith.constant 0 : index
      %get3A_188 = tpu.vector_load %arg22[%get3A_187] {strides = array<i32>} : memref<2000xf32, #tpu.memory_space<vmem>>, vector<16xf32>,
      %gather3A_189 = tpu.vector_load_idx %arg9[%get3A_184] : memref<10000xi32, #tpu.memory_space<vmem>>[vector<16xi32>], vector<16xi32>,
      %gather3A_190 = tpu.vector_load_idx %arg10[%get3A_184] : memref<10000xi32, #tpu.memory_space<vmem>>[vector<16xi32>], vector<16xi32>,
      %gather3A_191 = tpu.vector_load_idx %arg11[%get3A_184] : memref<10000xi32, #tpu.memory_space<vmem>>[vector<16xi32>], vector<16xi32>,
      %gather3A_192 = tpu.vector_load_idx %arg12[%get3A_184] : memref<10000xi32, #tpu.memory_space<vmem>>[vector<16xi32>], vector<16xi32>,
      %scan3A_193 = arith.constant 0 : i32
      %scan3A_194 = arith.constant 124 : i32
      %scan3A_195 = arith.addi %scan3A_193, %scan3A_194 : i32
      %scan3A_196 = arith.constant 1 : i32
      %scan3A_197:7 = scf.for %scan3A_264 = %scan3A_193 to %scan3A_195 step %scan3A_196 iter_args(%scan3A_265 = %broadcast_in_dim3A_182, %scan3A_266 = %get3A_186, %scan3A_267 = %get3A_188, %scan3A_268 = %gather3A_189, %scan3A_269 = %gather3A_190, %scan3A_270 = %gather3A_191, %scan3A_271 = %gather3A_192) -> (vector<16xi32>, vector<16xi32>, vector<16xf32>, vector<16xi32>, vector<16xi32>, vector<16xi32>, vector<16xi32>)  : i32 {
        %mul3A_272 = arith.constant 1 : i32
        %mul3A_273 = arith.muli %scan3A_264, %mul3A_272 : i32
        %add3A_274 = arith.constant 0 : i32
        %add3A_275 = arith.addi %add3A_274, %mul3A_273 : i32
        %broadcast_in_dim3A_276 = arith.constant true
        %broadcast_in_dim3A_277 = vector.broadcast %broadcast_in_dim3A_276 : i1 to vector<16xi1>
        %unique3A_278, %unique3A_279 = tpu.scan_count mask(%broadcast_in_dim3A_277 : vector<16xi1>) value(%scan3A_266 : vector<16xi32>) : vector<16xi1>, vector<16xi32>
        %pack3A_280 = tpu.pack_subelements %scan3A_267, %scan3A_267 {pack_format = #tpu.pack_format<interleaved>, positions = array<i32: 0, 1>} : vector<16xf32>, vector<16xf32> -> vector<32xbf16>
        %bitcast3A_281 = vector.bitcast %scan3A_268 : vector<16xi32> to vector<32xbf16>
        %mul3A_282 = arith.mulf %pack3A_280, %bitcast3A_281 : vector<32xbf16>
        %bitcast3A_283 = vector.bitcast %scan3A_269 : vector<16xi32> to vector<32xbf16>
        %mul3A_284 = arith.mulf %pack3A_280, %bitcast3A_283 : vector<32xbf16>
        %bitcast3A_285 = vector.bitcast %scan3A_270 : vector<16xi32> to vector<32xbf16>
        %mul3A_286 = arith.mulf %pack3A_280, %bitcast3A_285 : vector<32xbf16>
        %bitcast3A_287 = vector.bitcast %scan3A_271 : vector<16xi32> to vector<32xbf16>
        %mul3A_288 = arith.mulf %pack3A_280, %bitcast3A_287 : vector<32xbf16>
        %eq3A_289 = arith.constant 0 : i32
        %eq3A_290 = vector.broadcast %eq3A_289 : i32 to vector<16xi32>
        %eq3A_291 = arith.cmpi eq, %unique3A_279, %eq3A_290 : vector<16xi32>
        %eq3A_292 = arith.constant 1 : i32
        %eq3A_293 = vector.broadcast %eq3A_292 : i32 to vector<16xi32>
        %eq3A_294 = arith.cmpi eq, %unique3A_279, %eq3A_293 : vector<16xi32>
        %gather3A_295 = tpu.vector_load_idx %arg13[%scan3A_266] : memref<10000xi32, #tpu.memory_space<vmem>>[vector<16xi32>], vector<16xi32>,
        %gather3A_296 = tpu.vector_load_idx %arg14[%scan3A_266] : memref<10000xi32, #tpu.memory_space<vmem>>[vector<16xi32>], vector<16xi32>,
        %gather3A_297 = tpu.vector_load_idx %arg15[%scan3A_266] : memref<10000xi32, #tpu.memory_space<vmem>>[vector<16xi32>], vector<16xi32>,
        %gather3A_298 = tpu.vector_load_idx %arg16[%scan3A_266] : memref<10000xi32, #tpu.memory_space<vmem>>[vector<16xi32>], vector<16xi32>,
        %bitcast3A_299 = vector.bitcast %gather3A_295 : vector<16xi32> to vector<32xbf16>
        %max3A_300 = arith.maximumf %bitcast3A_299, %mul3A_282 : vector<32xbf16>
        %bitcast3A_301 = vector.bitcast %max3A_300 : vector<32xbf16> to vector<16xi32>
        %bitcast3A_302 = vector.bitcast %gather3A_296 : vector<16xi32> to vector<32xbf16>
        %max3A_303 = arith.maximumf %bitcast3A_302, %mul3A_284 : vector<32xbf16>
        %bitcast3A_304 = vector.bitcast %max3A_303 : vector<32xbf16> to vector<16xi32>
        %bitcast3A_305 = vector.bitcast %gather3A_297 : vector<16xi32> to vector<32xbf16>
        %max3A_306 = arith.maximumf %bitcast3A_305, %mul3A_286 : vector<32xbf16>
        %bitcast3A_307 = vector.bitcast %max3A_306 : vector<32xbf16> to vector<16xi32>
        %bitcast3A_308 = vector.bitcast %gather3A_298 : vector<16xi32> to vector<32xbf16>
        %max3A_309 = arith.maximumf %bitcast3A_308, %mul3A_288 : vector<32xbf16>
        %bitcast3A_310 = vector.bitcast %max3A_309 : vector<32xbf16> to vector<16xi32>
        tpu.vector_store_idx %arg13[%scan3A_266], %bitcast3A_301 masked %eq3A_291 : memref<10000xi32, #tpu.memory_space<vmem>>[vector<16xi32>], vector<16xi32>, vector<16xi1>
        tpu.vector_store_idx %arg14[%scan3A_266], %bitcast3A_304 masked %eq3A_291 : memref<10000xi32, #tpu.memory_space<vmem>>[vector<16xi32>], vector<16xi32>, vector<16xi1>
        tpu.vector_store_idx %arg15[%scan3A_266], %bitcast3A_307 masked %eq3A_291 : memref<10000xi32, #tpu.memory_space<vmem>>[vector<16xi32>], vector<16xi32>, vector<16xi1>
        tpu.vector_store_idx %arg16[%scan3A_266], %bitcast3A_310 masked %eq3A_291 : memref<10000xi32, #tpu.memory_space<vmem>>[vector<16xi32>], vector<16xi32>, vector<16xi1>
        %gather3A_311 = tpu.vector_load_idx %arg13[%scan3A_266] : memref<10000xi32, #tpu.memory_space<vmem>>[vector<16xi32>], vector<16xi32>,
        %gather3A_312 = tpu.vector_load_idx %arg14[%scan3A_266] : memref<10000xi32, #tpu.memory_space<vmem>>[vector<16xi32>], vector<16xi32>,
        %gather3A_313 = tpu.vector_load_idx %arg15[%scan3A_266] : memref<10000xi32, #tpu.memory_space<vmem>>[vector<16xi32>], vector<16xi32>,
        %gather3A_314 = tpu.vector_load_idx %arg16[%scan3A_266] : memref<10000xi32, #tpu.memory_space<vmem>>[vector<16xi32>], vector<16xi32>,
        %bitcast3A_315 = vector.bitcast %gather3A_311 : vector<16xi32> to vector<32xbf16>
        %max3A_316 = arith.maximumf %bitcast3A_315, %mul3A_282 : vector<32xbf16>
        %bitcast3A_317 = vector.bitcast %max3A_316 : vector<32xbf16> to vector<16xi32>
        %bitcast3A_318 = vector.bitcast %gather3A_312 : vector<16xi32> to vector<32xbf16>
        %max3A_319 = arith.maximumf %bitcast3A_318, %mul3A_284 : vector<32xbf16>
        %bitcast3A_320 = vector.bitcast %max3A_319 : vector<32xbf16> to vector<16xi32>
        %bitcast3A_321 = vector.bitcast %gather3A_313 : vector<16xi32> to vector<32xbf16>
        %max3A_322 = arith.maximumf %bitcast3A_321, %mul3A_286 : vector<32xbf16>
        %bitcast3A_323 = vector.bitcast %max3A_322 : vector<32xbf16> to vector<16xi32>
        %bitcast3A_324 = vector.bitcast %gather3A_314 : vector<16xi32> to vector<32xbf16>
        %max3A_325 = arith.maximumf %bitcast3A_324, %mul3A_288 : vector<32xbf16>
        %bitcast3A_326 = vector.bitcast %max3A_325 : vector<32xbf16> to vector<16xi32>
        tpu.vector_store_idx %arg13[%scan3A_266], %bitcast3A_317 masked %eq3A_294 : memref<10000xi32, #tpu.memory_space<vmem>>[vector<16xi32>], vector<16xi32>, vector<16xi1>
        tpu.vector_store_idx %arg14[%scan3A_266], %bitcast3A_320 masked %eq3A_294 : memref<10000xi32, #tpu.memory_space<vmem>>[vector<16xi32>], vector<16xi32>, vector<16xi1>
        tpu.vector_store_idx %arg15[%scan3A_266], %bitcast3A_323 masked %eq3A_294 : memref<10000xi32, #tpu.memory_space<vmem>>[vector<16xi32>], vector<16xi32>, vector<16xi1>
        tpu.vector_store_idx %arg16[%scan3A_266], %bitcast3A_326 masked %eq3A_294 : memref<10000xi32, #tpu.memory_space<vmem>>[vector<16xi32>], vector<16xi32>, vector<16xi1>
        %add3A_327 = arith.constant 1 : i32
        %add3A_328 = arith.addi %add3A_275, %add3A_327 : i32
        %mul3A_329 = arith.constant 16 : i32
        %mul3A_330 = arith.muli %add3A_328, %mul3A_329 : i32
        %get3A_331 = arith.index_cast %mul3A_330 : i32 to index
        %get3A_332 = tpu.vector_load %arg18[%get3A_331] {strides = array<i32>} : memref<2000xi32, #tpu.memory_space<vmem>>, vector<16xi32>,
        %get3A_333 = arith.index_cast %mul3A_330 : i32 to index
        %get3A_334 = tpu.vector_load %arg20[%get3A_333] {strides = array<i32>} : memref<2000xi32, #tpu.memory_space<vmem>>, vector<16xi32>,
        %get3A_335 = arith.index_cast %mul3A_330 : i32 to index
        %get3A_336 = tpu.vector_load %arg22[%get3A_335] {strides = array<i32>} : memref<2000xf32, #tpu.memory_space<vmem>>, vector<16xf32>,
        %gather3A_337 = tpu.vector_load_idx %arg9[%get3A_332] : memref<10000xi32, #tpu.memory_space<vmem>>[vector<16xi32>], vector<16xi32>,
        %gather3A_338 = tpu.vector_load_idx %arg10[%get3A_332] : memref<10000xi32, #tpu.memory_space<vmem>>[vector<16xi32>], vector<16xi32>,
        %gather3A_339 = tpu.vector_load_idx %arg11[%get3A_332] : memref<10000xi32, #tpu.memory_space<vmem>>[vector<16xi32>], vector<16xi32>,
        %gather3A_340 = tpu.vector_load_idx %arg12[%get3A_332] : memref<10000xi32, #tpu.memory_space<vmem>>[vector<16xi32>], vector<16xi32>,
        %max3A_341 = arith.maxsi %scan3A_265, %unique3A_279 : vector<16xi32>
        scf.yield %max3A_341, %get3A_334, %get3A_336, %gather3A_337, %gather3A_338, %gather3A_339, %gather3A_340 : vector<16xi32>, vector<16xi32>, vector<16xf32>, vector<16xi32>, vector<16xi32>, vector<16xi32>, vector<16xi32>
      }
      %scan3A_198 = arith.constant 124 : i32
      %broadcast_in_dim3A_199 = arith.constant true
      %broadcast_in_dim3A_200 = vector.broadcast %broadcast_in_dim3A_199 : i1 to vector<16xi1>
      %unique3A_201, %unique3A_202 = tpu.scan_count mask(%broadcast_in_dim3A_200 : vector<16xi1>) value(%scan3A_197#1 : vector<16xi32>) : vector<16xi1>, vector<16xi32>
      %pack3A_203 = tpu.pack_subelements %scan3A_197#2, %scan3A_197#2 {pack_format = #tpu.pack_format<interleaved>, positions = array<i32: 0, 1>} : vector<16xf32>, vector<16xf32> -> vector<32xbf16>
      %bitcast3A_204 = vector.bitcast %scan3A_197#3 : vector<16xi32> to vector<32xbf16>
      %mul3A_205 = arith.mulf %pack3A_203, %bitcast3A_204 : vector<32xbf16>
      %bitcast3A_206 = vector.bitcast %scan3A_197#4 : vector<16xi32> to vector<32xbf16>
      %mul3A_207 = arith.mulf %pack3A_203, %bitcast3A_206 : vector<32xbf16>
      %bitcast3A_208 = vector.bitcast %scan3A_197#5 : vector<16xi32> to vector<32xbf16>
      %mul3A_209 = arith.mulf %pack3A_203, %bitcast3A_208 : vector<32xbf16>
      %bitcast3A_210 = vector.bitcast %scan3A_197#6 : vector<16xi32> to vector<32xbf16>
      %mul3A_211 = arith.mulf %pack3A_203, %bitcast3A_210 : vector<32xbf16>
      %eq3A_212 = arith.constant 0 : i32
      %eq3A_213 = vector.broadcast %eq3A_212 : i32 to vector<16xi32>
      %eq3A_214 = arith.cmpi eq, %unique3A_202, %eq3A_213 : vector<16xi32>
      %eq3A_215 = arith.constant 1 : i32
      %eq3A_216 = vector.broadcast %eq3A_215 : i32 to vector<16xi32>
      %eq3A_217 = arith.cmpi eq, %unique3A_202, %eq3A_216 : vector<16xi32>
      %gather3A_218 = tpu.vector_load_idx %arg13[%scan3A_197#1] : memref<10000xi32, #tpu.memory_space<vmem>>[vector<16xi32>], vector<16xi32>,
      %gather3A_219 = tpu.vector_load_idx %arg14[%scan3A_197#1] : memref<10000xi32, #tpu.memory_space<vmem>>[vector<16xi32>], vector<16xi32>,
      %gather3A_220 = tpu.vector_load_idx %arg15[%scan3A_197#1] : memref<10000xi32, #tpu.memory_space<vmem>>[vector<16xi32>], vector<16xi32>,
      %gather3A_221 = tpu.vector_load_idx %arg16[%scan3A_197#1] : memref<10000xi32, #tpu.memory_space<vmem>>[vector<16xi32>], vector<16xi32>,
      %bitcast3A_222 = vector.bitcast %gather3A_218 : vector<16xi32> to vector<32xbf16>
      %max3A_223 = arith.maximumf %bitcast3A_222, %mul3A_205 : vector<32xbf16>
      %bitcast3A_224 = vector.bitcast %max3A_223 : vector<32xbf16> to vector<16xi32>
      %bitcast3A_225 = vector.bitcast %gather3A_219 : vector<16xi32> to vector<32xbf16>
      %max3A_226 = arith.maximumf %bitcast3A_225, %mul3A_207 : vector<32xbf16>
      %bitcast3A_227 = vector.bitcast %max3A_226 : vector<32xbf16> to vector<16xi32>
      %bitcast3A_228 = vector.bitcast %gather3A_220 : vector<16xi32> to vector<32xbf16>
      %max3A_229 = arith.maximumf %bitcast3A_228, %mul3A_209 : vector<32xbf16>
      %bitcast3A_230 = vector.bitcast %max3A_229 : vector<32xbf16> to vector<16xi32>
      %bitcast3A_231 = vector.bitcast %gather3A_221 : vector<16xi32> to vector<32xbf16>
      %max3A_232 = arith.maximumf %bitcast3A_231, %mul3A_211 : vector<32xbf16>
      %bitcast3A_233 = vector.bitcast %max3A_232 : vector<32xbf16> to vector<16xi32>
      tpu.vector_store_idx %arg13[%scan3A_197#1], %bitcast3A_224 masked %eq3A_214 : memref<10000xi32, #tpu.memory_space<vmem>>[vector<16xi32>], vector<16xi32>, vector<16xi1>
      tpu.vector_store_idx %arg14[%scan3A_197#1], %bitcast3A_227 masked %eq3A_214 : memref<10000xi32, #tpu.memory_space<vmem>>[vector<16xi32>], vector<16xi32>, vector<16xi1>
      tpu.vector_store_idx %arg15[%scan3A_197#1], %bitcast3A_230 masked %eq3A_214 : memref<10000xi32, #tpu.memory_space<vmem>>[vector<16xi32>], vector<16xi32>, vector<16xi1>
      tpu.vector_store_idx %arg16[%scan3A_197#1], %bitcast3A_233 masked %eq3A_214 : memref<10000xi32, #tpu.memory_space<vmem>>[vector<16xi32>], vector<16xi32>, vector<16xi1>
      %gather3A_234 = tpu.vector_load_idx %arg13[%scan3A_197#1] : memref<10000xi32, #tpu.memory_space<vmem>>[vector<16xi32>], vector<16xi32>,
      %gather3A_235 = tpu.vector_load_idx %arg14[%scan3A_197#1] : memref<10000xi32, #tpu.memory_space<vmem>>[vector<16xi32>], vector<16xi32>,
      %gather3A_236 = tpu.vector_load_idx %arg15[%scan3A_197#1] : memref<10000xi32, #tpu.memory_space<vmem>>[vector<16xi32>], vector<16xi32>,
      %gather3A_237 = tpu.vector_load_idx %arg16[%scan3A_197#1] : memref<10000xi32, #tpu.memory_space<vmem>>[vector<16xi32>], vector<16xi32>,
      %bitcast3A_238 = vector.bitcast %gather3A_234 : vector<16xi32> to vector<32xbf16>
      %max3A_239 = arith.maximumf %bitcast3A_238, %mul3A_205 : vector<32xbf16>
      %bitcast3A_240 = vector.bitcast %max3A_239 : vector<32xbf16> to vector<16xi32>
      %bitcast3A_241 = vector.bitcast %gather3A_235 : vector<16xi32> to vector<32xbf16>
      %max3A_242 = arith.maximumf %bitcast3A_241, %mul3A_207 : vector<32xbf16>
      %bitcast3A_243 = vector.bitcast %max3A_242 : vector<32xbf16> to vector<16xi32>
      %bitcast3A_244 = vector.bitcast %gather3A_236 : vector<16xi32> to vector<32xbf16>
      %max3A_245 = arith.maximumf %bitcast3A_244, %mul3A_209 : vector<32xbf16>
      %bitcast3A_246 = vector.bitcast %max3A_245 : vector<32xbf16> to vector<16xi32>
      %bitcast3A_247 = vector.bitcast %gather3A_237 : vector<16xi32> to vector<32xbf16>
      %max3A_248 = arith.maximumf %bitcast3A_247, %mul3A_211 : vector<32xbf16>
      %bitcast3A_249 = vector.bitcast %max3A_248 : vector<32xbf16> to vector<16xi32>
      tpu.vector_store_idx %arg13[%scan3A_197#1], %bitcast3A_240 masked %eq3A_217 : memref<10000xi32, #tpu.memory_space<vmem>>[vector<16xi32>], vector<16xi32>, vector<16xi1>
      tpu.vector_store_idx %arg14[%scan3A_197#1], %bitcast3A_243 masked %eq3A_217 : memref<10000xi32, #tpu.memory_space<vmem>>[vector<16xi32>], vector<16xi32>, vector<16xi1>
      tpu.vector_store_idx %arg15[%scan3A_197#1], %bitcast3A_246 masked %eq3A_217 : memref<10000xi32, #tpu.memory_space<vmem>>[vector<16xi32>], vector<16xi32>, vector<16xi1>
      tpu.vector_store_idx %arg16[%scan3A_197#1], %bitcast3A_249 masked %eq3A_217 : memref<10000xi32, #tpu.memory_space<vmem>>[vector<16xi32>], vector<16xi32>, vector<16xi1>
      %max3A_250 = arith.maxsi %scan3A_197#0, %unique3A_202 : vector<16xi32>
      %reduce_max3A_251 = arith.constant true
      %reduce_max3A_252 = vector.broadcast %reduce_max3A_251 : i1 to vector<16xi1>
      %reduce_max3A_253 = arith.constant -2147483648 : i32
      %reduce_max3A_254 = vector.broadcast %reduce_max3A_253 : i32 to vector<16xi32>
      %reduce_max3A_255 = arith.xori %max3A_250, %reduce_max3A_254 : vector<16xi32>
      %reduce_max3A_256 = tpu.scan <max>, %reduce_max3A_255 masked %reduce_max3A_252 : vector<16xi32>, vector<16xi1> -> vector<16xi32>
      %reduce_max3A_257 = arith.xori %reduce_max3A_256, %reduce_max3A_254 : vector<16xi32>
      %reduce_max3A_258 = vector.extract %reduce_max3A_257[15] : i32 from vector<16xi32>
      %ge3A_259 = arith.constant 2 : i32
      %ge3A_260 = arith.cmpi sge, %reduce_max3A_258, %ge3A_259 : i32
      %convert_element_type3A_261 = arith.extui %ge3A_260 : i1 to i32
      %cond3A_262 = arith.constant 0 : i32
      %cond3A_263 = arith.cmpi ne, %convert_element_type3A_261, %cond3A_262 : i32
      scf.if %cond3A_263 {
        %scan3A_264 = arith.constant 0 : i32
        %scan3A_265 = arith.constant 125 : i32
        %scan3A_266 = arith.addi %scan3A_264, %scan3A_265 : i32
        %scan3A_267 = arith.constant 1 : i32
        scf.for %scan3A_269 = %scan3A_264 to %scan3A_266 step %scan3A_267  : i32 {
          %mul3A_270 = arith.constant 1 : i32
          %mul3A_271 = arith.muli %scan3A_269, %mul3A_270 : i32
          %add3A_272 = arith.constant 0 : i32
          %add3A_273 = arith.addi %add3A_272, %mul3A_271 : i32
          %mul3A_274 = arith.constant 16 : i32
          %mul3A_275 = arith.muli %add3A_273, %mul3A_274 : i32
          %get3A_276 = arith.index_cast %mul3A_275 : i32 to index
          %get3A_277 = tpu.vector_load %arg18[%get3A_276] {strides = array<i32>} : memref<2000xi32, #tpu.memory_space<vmem>>, vector<16xi32>,
          %get3A_278 = arith.index_cast %mul3A_275 : i32 to index
          %get3A_279 = tpu.vector_load %arg20[%get3A_278] {strides = array<i32>} : memref<2000xi32, #tpu.memory_space<vmem>>, vector<16xi32>,
          %get3A_280 = arith.index_cast %mul3A_275 : i32 to index
          %get3A_281 = tpu.vector_load %arg22[%get3A_280] {strides = array<i32>} : memref<2000xf32, #tpu.memory_space<vmem>>, vector<16xf32>,
          %broadcast_in_dim3A_282 = arith.constant true
          %broadcast_in_dim3A_283 = vector.broadcast %broadcast_in_dim3A_282 : i1 to vector<16xi1>
          %unique3A_284, %unique3A_285 = tpu.scan_count mask(%broadcast_in_dim3A_283 : vector<16xi1>) value(%get3A_279 : vector<16xi32>) : vector<16xi1>, vector<16xi32>
          %reduce_max3A_286 = arith.constant true
          %reduce_max3A_287 = vector.broadcast %reduce_max3A_286 : i1 to vector<16xi1>
          %reduce_max3A_288 = arith.constant -2147483648 : i32
          %reduce_max3A_289 = vector.broadcast %reduce_max3A_288 : i32 to vector<16xi32>
          %reduce_max3A_290 = arith.xori %unique3A_285, %reduce_max3A_289 : vector<16xi32>
          %reduce_max3A_291 = tpu.scan <max>, %reduce_max3A_290 masked %reduce_max3A_287 : vector<16xi32>, vector<16xi1> -> vector<16xi32>
          %reduce_max3A_292 = arith.xori %reduce_max3A_291, %reduce_max3A_289 : vector<16xi32>
          %reduce_max3A_293 = vector.extract %reduce_max3A_292[15] : i32 from vector<16xi32>
          %add3A_294 = arith.constant 1 : i32
          %add3A_295 = arith.addi %reduce_max3A_293, %add3A_294 : i32
          %pack3A_296 = tpu.pack_subelements %get3A_281, %get3A_281 {pack_format = #tpu.pack_format<interleaved>, positions = array<i32: 0, 1>} : vector<16xf32>, vector<16xf32> -> vector<32xbf16>
          %gather3A_297 = tpu.vector_load_idx %arg9[%get3A_277] : memref<10000xi32, #tpu.memory_space<vmem>>[vector<16xi32>], vector<16xi32>,
          %bitcast3A_298 = vector.bitcast %gather3A_297 : vector<16xi32> to vector<32xbf16>
          %mul3A_299 = arith.mulf %pack3A_296, %bitcast3A_298 : vector<32xbf16>
          %gather3A_300 = tpu.vector_load_idx %arg10[%get3A_277] : memref<10000xi32, #tpu.memory_space<vmem>>[vector<16xi32>], vector<16xi32>,
          %bitcast3A_301 = vector.bitcast %gather3A_300 : vector<16xi32> to vector<32xbf16>
          %mul3A_302 = arith.mulf %pack3A_296, %bitcast3A_301 : vector<32xbf16>
          %gather3A_303 = tpu.vector_load_idx %arg11[%get3A_277] : memref<10000xi32, #tpu.memory_space<vmem>>[vector<16xi32>], vector<16xi32>,
          %bitcast3A_304 = vector.bitcast %gather3A_303 : vector<16xi32> to vector<32xbf16>
          %mul3A_305 = arith.mulf %pack3A_296, %bitcast3A_304 : vector<32xbf16>
          %gather3A_306 = tpu.vector_load_idx %arg12[%get3A_277] : memref<10000xi32, #tpu.memory_space<vmem>>[vector<16xi32>], vector<16xi32>,
          %bitcast3A_307 = vector.bitcast %gather3A_306 : vector<16xi32> to vector<32xbf16>
          %mul3A_308 = arith.mulf %pack3A_296, %bitcast3A_307 : vector<32xbf16>
          %while3A = arith.constant 0 : i32
          %while3A_309 = arith.constant 2 : i32
          %while3A_310 = arith.subi %add3A_295, %while3A_309 : i32
          %while3A_311 = arith.addi %while3A_309, %while3A_310 : i32
          %while3A_312 = arith.constant 1 : i32
          %while3A_313 = arith.divsi %while3A_310, %while3A_312 : i32
          %while3A_314 = arith.muli %while3A_313, %while3A_312 : i32
          %while3A_315 = arith.addi %while3A_309, %while3A_314 : i32
          %while3A_316 = arith.constant 1 : i32
          scf.for %while3A_318 = %while3A_309 to %while3A_315 step %while3A_316  : i32 {
            %eq3A_319 = vector.broadcast %while3A_318 : i32 to vector<16xi32>
            %eq3A_320 = arith.cmpi eq, %unique3A_285, %eq3A_319 : vector<16xi32>
            %gather3A_321 = tpu.vector_load_idx %arg13[%get3A_279] : memref<10000xi32, #tpu.memory_space<vmem>>[vector<16xi32>], vector<16xi32>,
            %bitcast3A_322 = vector.bitcast %gather3A_321 : vector<16xi32> to vector<32xbf16>
            %max3A_323 = arith.maximumf %bitcast3A_322, %mul3A_299 : vector<32xbf16>
            %bitcast3A_324 = vector.bitcast %max3A_323 : vector<32xbf16> to vector<16xi32>
            tpu.vector_store_idx %arg13[%get3A_279], %bitcast3A_324 masked %eq3A_320 : memref<10000xi32, #tpu.memory_space<vmem>>[vector<16xi32>], vector<16xi32>, vector<16xi1>
            %gather3A_325 = tpu.vector_load_idx %arg14[%get3A_279] : memref<10000xi32, #tpu.memory_space<vmem>>[vector<16xi32>], vector<16xi32>,
            %bitcast3A_326 = vector.bitcast %gather3A_325 : vector<16xi32> to vector<32xbf16>
            %max3A_327 = arith.maximumf %bitcast3A_326, %mul3A_302 : vector<32xbf16>
            %bitcast3A_328 = vector.bitcast %max3A_327 : vector<32xbf16> to vector<16xi32>
            tpu.vector_store_idx %arg14[%get3A_279], %bitcast3A_328 masked %eq3A_320 : memref<10000xi32, #tpu.memory_space<vmem>>[vector<16xi32>], vector<16xi32>, vector<16xi1>
            %gather3A_329 = tpu.vector_load_idx %arg15[%get3A_279] : memref<10000xi32, #tpu.memory_space<vmem>>[vector<16xi32>], vector<16xi32>,
            %bitcast3A_330 = vector.bitcast %gather3A_329 : vector<16xi32> to vector<32xbf16>
            %max3A_331 = arith.maximumf %bitcast3A_330, %mul3A_305 : vector<32xbf16>
            %bitcast3A_332 = vector.bitcast %max3A_331 : vector<32xbf16> to vector<16xi32>
            tpu.vector_store_idx %arg15[%get3A_279], %bitcast3A_332 masked %eq3A_320 : memref<10000xi32, #tpu.memory_space<vmem>>[vector<16xi32>], vector<16xi32>, vector<16xi1>
            %gather3A_333 = tpu.vector_load_idx %arg16[%get3A_279] : memref<10000xi32, #tpu.memory_space<vmem>>[vector<16xi32>], vector<16xi32>,
            %bitcast3A_334 = vector.bitcast %gather3A_333 : vector<16xi32> to vector<32xbf16>
            %max3A_335 = arith.maximumf %bitcast3A_334, %mul3A_308 : vector<32xbf16>
            %bitcast3A_336 = vector.bitcast %max3A_335 : vector<32xbf16> to vector<16xi32>
            tpu.vector_store_idx %arg16[%get3A_279], %bitcast3A_336 masked %eq3A_320 : memref<10000xi32, #tpu.memory_space<vmem>>[vector<16xi32>], vector<16xi32>, vector<16xi1>
          }
          %while3A_317 = arith.constant 1 : i32
          scf.for %while3A_318 = %while3A_315 to %while3A_311 step %while3A_317  : i32 {
            %eq3A_319 = vector.broadcast %while3A_318 : i32 to vector<16xi32>
            %eq3A_320 = arith.cmpi eq, %unique3A_285, %eq3A_319 : vector<16xi32>
            %gather3A_321 = tpu.vector_load_idx %arg13[%get3A_279] : memref<10000xi32, #tpu.memory_space<vmem>>[vector<16xi32>], vector<16xi32>,
            %bitcast3A_322 = vector.bitcast %gather3A_321 : vector<16xi32> to vector<32xbf16>
            %max3A_323 = arith.maximumf %bitcast3A_322, %mul3A_299 : vector<32xbf16>
            %bitcast3A_324 = vector.bitcast %max3A_323 : vector<32xbf16> to vector<16xi32>
            tpu.vector_store_idx %arg13[%get3A_279], %bitcast3A_324 masked %eq3A_320 : memref<10000xi32, #tpu.memory_space<vmem>>[vector<16xi32>], vector<16xi32>, vector<16xi1>
            %gather3A_325 = tpu.vector_load_idx %arg14[%get3A_279] : memref<10000xi32, #tpu.memory_space<vmem>>[vector<16xi32>], vector<16xi32>,
            %bitcast3A_326 = vector.bitcast %gather3A_325 : vector<16xi32> to vector<32xbf16>
            %max3A_327 = arith.maximumf %bitcast3A_326, %mul3A_302 : vector<32xbf16>
            %bitcast3A_328 = vector.bitcast %max3A_327 : vector<32xbf16> to vector<16xi32>
            tpu.vector_store_idx %arg14[%get3A_279], %bitcast3A_328 masked %eq3A_320 : memref<10000xi32, #tpu.memory_space<vmem>>[vector<16xi32>], vector<16xi32>, vector<16xi1>
            %gather3A_329 = tpu.vector_load_idx %arg15[%get3A_279] : memref<10000xi32, #tpu.memory_space<vmem>>[vector<16xi32>], vector<16xi32>,
            %bitcast3A_330 = vector.bitcast %gather3A_329 : vector<16xi32> to vector<32xbf16>
            %max3A_331 = arith.maximumf %bitcast3A_330, %mul3A_305 : vector<32xbf16>
            %bitcast3A_332 = vector.bitcast %max3A_331 : vector<32xbf16> to vector<16xi32>
            tpu.vector_store_idx %arg15[%get3A_279], %bitcast3A_332 masked %eq3A_320 : memref<10000xi32, #tpu.memory_space<vmem>>[vector<16xi32>], vector<16xi32>, vector<16xi1>
            %gather3A_333 = tpu.vector_load_idx %arg16[%get3A_279] : memref<10000xi32, #tpu.memory_space<vmem>>[vector<16xi32>], vector<16xi32>,
            %bitcast3A_334 = vector.bitcast %gather3A_333 : vector<16xi32> to vector<32xbf16>
            %max3A_335 = arith.maximumf %bitcast3A_334, %mul3A_308 : vector<32xbf16>
            %bitcast3A_336 = vector.bitcast %max3A_335 : vector<32xbf16> to vector<16xi32>
            tpu.vector_store_idx %arg16[%get3A_279], %bitcast3A_336 masked %eq3A_320 : memref<10000xi32, #tpu.memory_space<vmem>>[vector<16xi32>], vector<16xi32>, vector<16xi1>
          }
        }
        %scan3A_268 = arith.constant 125 : i32
      } else {
      }
    }
    %scan3A_56 = arith.constant 40 : i32
    %scan3A_57 = arith.constant 0 : i32
    %scan3A_58 = arith.constant 625 : i32
    %scan3A_59 = arith.addi %scan3A_57, %scan3A_58 : i32
    %scan3A_60 = arith.constant 1 : i32
    scf.for %scan3A_64 = %scan3A_57 to %scan3A_59 step %scan3A_60  : i32 {
      %mul3A_65 = arith.constant 1 : i32
      %mul3A_66 = arith.muli %scan3A_64, %mul3A_65 : i32
      %add3A_67 = arith.constant 0 : i32
      %add3A_68 = arith.addi %add3A_67, %mul3A_66 : i32
      %mul3A_69 = arith.constant 16 : i32
      %mul3A_70 = arith.muli %add3A_68, %mul3A_69 : i32
      %get3A = arith.index_cast %mul3A_70 : i32 to index
      %get3A_71 = tpu.vector_load %arg23[%get3A] {strides = array<i32>} : memref<10000xf32, #tpu.memory_space<vmem>>, vector<16xf32>,
      %get3A_72 = arith.index_cast %mul3A_70 : i32 to index
      %get3A_73 = tpu.vector_load %arg24[%get3A_72] {strides = array<i32>} : memref<10000xi32, #tpu.memory_space<vmem>>, vector<16xi32>,
      %get3A_74 = arith.index_cast %mul3A_70 : i32 to index
      %get3A_75 = tpu.vector_load %arg13[%get3A_74] {strides = array<i32>} : memref<10000xi32, #tpu.memory_space<vmem>>, vector<16xi32>,
      %bitcast3A = vector.bitcast %get3A_75 : vector<16xi32> to vector<32xbf16>
      %unpack3A = tpu.unpack_subelements %bitcast3A, 0 {pack_format = #tpu.pack_format<interleaved>} : vector<32xbf16> -> vector<16xf32>
      %unpack3A_76 = tpu.unpack_subelements %bitcast3A, 1 {pack_format = #tpu.pack_format<interleaved>} : vector<32xbf16> -> vector<16xf32>
      %get3A_77 = arith.index_cast %mul3A_70 : i32 to index
      %get3A_78 = tpu.vector_load %arg9[%get3A_77] {strides = array<i32>} : memref<10000xi32, #tpu.memory_space<vmem>>, vector<16xi32>,
      %bitcast3A_79 = vector.bitcast %get3A_78 : vector<16xi32> to vector<32xbf16>
      %unpack3A_80 = tpu.unpack_subelements %bitcast3A_79, 0 {pack_format = #tpu.pack_format<interleaved>} : vector<32xbf16> -> vector<16xf32>
      %unpack3A_81 = tpu.unpack_subelements %bitcast3A_79, 1 {pack_format = #tpu.pack_format<interleaved>} : vector<32xbf16> -> vector<16xf32>
      %eq3A = arith.constant 0xFF800000 : f32
      %eq3A_82 = vector.broadcast %eq3A : f32 to vector<16xf32>
      %eq3A_83 = arith.cmpf oeq, %unpack3A, %eq3A_82 : vector<16xf32>
      %jit3A = arith.constant 0.000000e+00 : f32
      %broadcast_in_dim3A = vector.broadcast %jit3A : f32 to vector<16xf32>
      %select_n3A = arith.select %eq3A_83, %broadcast_in_dim3A, %unpack3A : vector<16xi1>, vector<16xf32>
      %sub3A = arith.subf %unpack3A_80, %select_n3A : vector<16xf32>
      %mul3A_84 = arith.mulf %get3A_71, %sub3A : vector<16xf32>
      %add3A_85 = arith.addf %select_n3A, %mul3A_84 : vector<16xf32>
      %add3A_86 = arith.constant 0 : i32
      %add3A_87 = vector.broadcast %add3A_86 : i32 to vector<16xi32>
      %add3A_88 = arith.addi %get3A_73, %add3A_87 : vector<16xi32>
      tpu.vector_store_idx %arg25[%add3A_88], %add3A_85 {add = true} : memref<512xf32, #tpu.memory_space<vmem>>[vector<16xi32>], vector<16xf32>,
      %eq3A_89 = arith.constant 0xFF800000 : f32
      %eq3A_90 = vector.broadcast %eq3A_89 : f32 to vector<16xf32>
      %eq3A_91 = arith.cmpf oeq, %unpack3A_76, %eq3A_90 : vector<16xf32>
      %jit3A_92 = arith.constant 0.000000e+00 : f32
      %broadcast_in_dim3A_93 = vector.broadcast %jit3A_92 : f32 to vector<16xf32>
      %select_n3A_94 = arith.select %eq3A_91, %broadcast_in_dim3A_93, %unpack3A_76 : vector<16xi1>, vector<16xf32>
      %sub3A_95 = arith.subf %unpack3A_81, %select_n3A_94 : vector<16xf32>
      %mul3A_96 = arith.mulf %get3A_71, %sub3A_95 : vector<16xf32>
      %add3A_97 = arith.addf %select_n3A_94, %mul3A_96 : vector<16xf32>
      %add3A_98 = arith.constant 64 : i32
      %add3A_99 = vector.broadcast %add3A_98 : i32 to vector<16xi32>
      %add3A_100 = arith.addi %get3A_73, %add3A_99 : vector<16xi32>
      tpu.vector_store_idx %arg25[%add3A_100], %add3A_97 {add = true} : memref<512xf32, #tpu.memory_space<vmem>>[vector<16xi32>], vector<16xf32>,
      %get3A_101 = arith.index_cast %mul3A_70 : i32 to index
      %get3A_102 = tpu.vector_load %arg14[%get3A_101] {strides = array<i32>} : memref<10000xi32, #tpu.memory_space<vmem>>, vector<16xi32>,
      %bitcast3A_103 = vector.bitcast %get3A_102 : vector<16xi32> to vector<32xbf16>
      %unpack3A_104 = tpu.unpack_subelements %bitcast3A_103, 0 {pack_format = #tpu.pack_format<interleaved>} : vector<32xbf16> -> vector<16xf32>
      %unpack3A_105 = tpu.unpack_subelements %bitcast3A_103, 1 {pack_format = #tpu.pack_format<interleaved>} : vector<32xbf16> -> vector<16xf32>
      %get3A_106 = arith.index_cast %mul3A_70 : i32 to index
      %get3A_107 = tpu.vector_load %arg10[%get3A_106] {strides = array<i32>} : memref<10000xi32, #tpu.memory_space<vmem>>, vector<16xi32>,
      %bitcast3A_108 = vector.bitcast %get3A_107 : vector<16xi32> to vector<32xbf16>
      %unpack3A_109 = tpu.unpack_subelements %bitcast3A_108, 0 {pack_format = #tpu.pack_format<interleaved>} : vector<32xbf16> -> vector<16xf32>
      %unpack3A_110 = tpu.unpack_subelements %bitcast3A_108, 1 {pack_format = #tpu.pack_format<interleaved>} : vector<32xbf16> -> vector<16xf32>
      %eq3A_111 = arith.constant 0xFF800000 : f32
      %eq3A_112 = vector.broadcast %eq3A_111 : f32 to vector<16xf32>
      %eq3A_113 = arith.cmpf oeq, %unpack3A_104, %eq3A_112 : vector<16xf32>
      %jit3A_114 = arith.constant 0.000000e+00 : f32
      %broadcast_in_dim3A_115 = vector.broadcast %jit3A_114 : f32 to vector<16xf32>
      %select_n3A_116 = arith.select %eq3A_113, %broadcast_in_dim3A_115, %unpack3A_104 : vector<16xi1>, vector<16xf32>
      %sub3A_117 = arith.subf %unpack3A_109, %select_n3A_116 : vector<16xf32>
      %mul3A_118 = arith.mulf %get3A_71, %sub3A_117 : vector<16xf32>
      %add3A_119 = arith.addf %select_n3A_116, %mul3A_118 : vector<16xf32>
      %add3A_120 = arith.constant 128 : i32
      %add3A_121 = vector.broadcast %add3A_120 : i32 to vector<16xi32>
      %add3A_122 = arith.addi %get3A_73, %add3A_121 : vector<16xi32>
      tpu.vector_store_idx %arg25[%add3A_122], %add3A_119 {add = true} : memref<512xf32, #tpu.memory_space<vmem>>[vector<16xi32>], vector<16xf32>,
      %eq3A_123 = arith.constant 0xFF800000 : f32
      %eq3A_124 = vector.broadcast %eq3A_123 : f32 to vector<16xf32>
      %eq3A_125 = arith.cmpf oeq, %unpack3A_105, %eq3A_124 : vector<16xf32>
      %jit3A_126 = arith.constant 0.000000e+00 : f32
      %broadcast_in_dim3A_127 = vector.broadcast %jit3A_126 : f32 to vector<16xf32>
      %select_n3A_128 = arith.select %eq3A_125, %broadcast_in_dim3A_127, %unpack3A_105 : vector<16xi1>, vector<16xf32>
      %sub3A_129 = arith.subf %unpack3A_110, %select_n3A_128 : vector<16xf32>
      %mul3A_130 = arith.mulf %get3A_71, %sub3A_129 : vector<16xf32>
      %add3A_131 = arith.addf %select_n3A_128, %mul3A_130 : vector<16xf32>
      %add3A_132 = arith.constant 192 : i32
      %add3A_133 = vector.broadcast %add3A_132 : i32 to vector<16xi32>
      %add3A_134 = arith.addi %get3A_73, %add3A_133 : vector<16xi32>
      tpu.vector_store_idx %arg25[%add3A_134], %add3A_131 {add = true} : memref<512xf32, #tpu.memory_space<vmem>>[vector<16xi32>], vector<16xf32>,
      %get3A_135 = arith.index_cast %mul3A_70 : i32 to index
      %get3A_136 = tpu.vector_load %arg15[%get3A_135] {strides = array<i32>} : memref<10000xi32, #tpu.memory_space<vmem>>, vector<16xi32>,
      %bitcast3A_137 = vector.bitcast %get3A_136 : vector<16xi32> to vector<32xbf16>
      %unpack3A_138 = tpu.unpack_subelements %bitcast3A_137, 0 {pack_format = #tpu.pack_format<interleaved>} : vector<32xbf16> -> vector<16xf32>
      %unpack3A_139 = tpu.unpack_subelements %bitcast3A_137, 1 {pack_format = #tpu.pack_format<interleaved>} : vector<32xbf16> -> vector<16xf32>
      %get3A_140 = arith.index_cast %mul3A_70 : i32 to index
      %get3A_141 = tpu.vector_load %arg11[%get3A_140] {strides = array<i32>} : memref<10000xi32, #tpu.memory_space<vmem>>, vector<16xi32>,
      %bitcast3A_142 = vector.bitcast %get3A_141 : vector<16xi32> to vector<32xbf16>
      %unpack3A_143 = tpu.unpack_subelements %bitcast3A_142, 0 {pack_format = #tpu.pack_format<interleaved>} : vector<32xbf16> -> vector<16xf32>
      %unpack3A_144 = tpu.unpack_subelements %bitcast3A_142, 1 {pack_format = #tpu.pack_format<interleaved>} : vector<32xbf16> -> vector<16xf32>
      %eq3A_145 = arith.constant 0xFF800000 : f32
      %eq3A_146 = vector.broadcast %eq3A_145 : f32 to vector<16xf32>
      %eq3A_147 = arith.cmpf oeq, %unpack3A_138, %eq3A_146 : vector<16xf32>
      %jit3A_148 = arith.constant 0.000000e+00 : f32
      %broadcast_in_dim3A_149 = vector.broadcast %jit3A_148 : f32 to vector<16xf32>
      %select_n3A_150 = arith.select %eq3A_147, %broadcast_in_dim3A_149, %unpack3A_138 : vector<16xi1>, vector<16xf32>
      %sub3A_151 = arith.subf %unpack3A_143, %select_n3A_150 : vector<16xf32>
      %mul3A_152 = arith.mulf %get3A_71, %sub3A_151 : vector<16xf32>
      %add3A_153 = arith.addf %select_n3A_150, %mul3A_152 : vector<16xf32>
      %add3A_154 = arith.constant 256 : i32
      %add3A_155 = vector.broadcast %add3A_154 : i32 to vector<16xi32>
      %add3A_156 = arith.addi %get3A_73, %add3A_155 : vector<16xi32>
      tpu.vector_store_idx %arg25[%add3A_156], %add3A_153 {add = true} : memref<512xf32, #tpu.memory_space<vmem>>[vector<16xi32>], vector<16xf32>,
      %eq3A_157 = arith.constant 0xFF800000 : f32
      %eq3A_158 = vector.broadcast %eq3A_157 : f32 to vector<16xf32>
      %eq3A_159 = arith.cmpf oeq, %unpack3A_139, %eq3A_158 : vector<16xf32>
      %jit3A_160 = arith.constant 0.000000e+00 : f32
      %broadcast_in_dim3A_161 = vector.broadcast %jit3A_160 : f32 to vector<16xf32>
      %select_n3A_162 = arith.select %eq3A_159, %broadcast_in_dim3A_161, %unpack3A_139 : vector<16xi1>, vector<16xf32>
      %sub3A_163 = arith.subf %unpack3A_144, %select_n3A_162 : vector<16xf32>
      %mul3A_164 = arith.mulf %get3A_71, %sub3A_163 : vector<16xf32>
      %add3A_165 = arith.addf %select_n3A_162, %mul3A_164 : vector<16xf32>
      %add3A_166 = arith.constant 320 : i32
      %add3A_167 = vector.broadcast %add3A_166 : i32 to vector<16xi32>
      %add3A_168 = arith.addi %get3A_73, %add3A_167 : vector<16xi32>
      tpu.vector_store_idx %arg25[%add3A_168], %add3A_165 {add = true} : memref<512xf32, #tpu.memory_space<vmem>>[vector<16xi32>], vector<16xf32>,
      %get3A_169 = arith.index_cast %mul3A_70 : i32 to index
      %get3A_170 = tpu.vector_load %arg16[%get3A_169] {strides = array<i32>} : memref<10000xi32, #tpu.memory_space<vmem>>, vector<16xi32>,
      %bitcast3A_171 = vector.bitcast %get3A_170 : vector<16xi32> to vector<32xbf16>
      %unpack3A_172 = tpu.unpack_subelements %bitcast3A_171, 0 {pack_format = #tpu.pack_format<interleaved>} : vector<32xbf16> -> vector<16xf32>
      %unpack3A_173 = tpu.unpack_subelements %bitcast3A_171, 1 {pack_format = #tpu.pack_format<interleaved>} : vector<32xbf16> -> vector<16xf32>
      %get3A_174 = arith.index_cast %mul3A_70 : i32 to index
      %get3A_175 = tpu.vector_load %arg12[%get3A_174] {strides = array<i32>} : memref<10000xi32, #tpu.memory_space<vmem>>, vector<16xi32>,
      %bitcast3A_176 = vector.bitcast %get3A_175 : vector<16xi32> to vector<32xbf16>
      %unpack3A_177 = tpu.unpack_subelements %bitcast3A_176, 0 {pack_format = #tpu.pack_format<interleaved>} : vector<32xbf16> -> vector<16xf32>
      %unpack3A_178 = tpu.unpack_subelements %bitcast3A_176, 1 {pack_format = #tpu.pack_format<interleaved>} : vector<32xbf16> -> vector<16xf32>
      %eq3A_179 = arith.constant 0xFF800000 : f32
      %eq3A_180 = vector.broadcast %eq3A_179 : f32 to vector<16xf32>
      %eq3A_181 = arith.cmpf oeq, %unpack3A_172, %eq3A_180 : vector<16xf32>
      %jit3A_182 = arith.constant 0.000000e+00 : f32
      %broadcast_in_dim3A_183 = vector.broadcast %jit3A_182 : f32 to vector<16xf32>
      %select_n3A_184 = arith.select %eq3A_181, %broadcast_in_dim3A_183, %unpack3A_172 : vector<16xi1>, vector<16xf32>
      %sub3A_185 = arith.subf %unpack3A_177, %select_n3A_184 : vector<16xf32>
      %mul3A_186 = arith.mulf %get3A_71, %sub3A_185 : vector<16xf32>
      %add3A_187 = arith.addf %select_n3A_184, %mul3A_186 : vector<16xf32>
      %add3A_188 = arith.constant 384 : i32
      %add3A_189 = vector.broadcast %add3A_188 : i32 to vector<16xi32>
      %add3A_190 = arith.addi %get3A_73, %add3A_189 : vector<16xi32>
      tpu.vector_store_idx %arg25[%add3A_190], %add3A_187 {add = true} : memref<512xf32, #tpu.memory_space<vmem>>[vector<16xi32>], vector<16xf32>,
      %eq3A_191 = arith.constant 0xFF800000 : f32
      %eq3A_192 = vector.broadcast %eq3A_191 : f32 to vector<16xf32>
      %eq3A_193 = arith.cmpf oeq, %unpack3A_173, %eq3A_192 : vector<16xf32>
      %jit3A_194 = arith.constant 0.000000e+00 : f32
      %broadcast_in_dim3A_195 = vector.broadcast %jit3A_194 : f32 to vector<16xf32>
      %select_n3A_196 = arith.select %eq3A_193, %broadcast_in_dim3A_195, %unpack3A_173 : vector<16xi1>, vector<16xf32>
      %sub3A_197 = arith.subf %unpack3A_178, %select_n3A_196 : vector<16xf32>
      %mul3A_198 = arith.mulf %get3A_71, %sub3A_197 : vector<16xf32>
      %add3A_199 = arith.addf %select_n3A_196, %mul3A_198 : vector<16xf32>
      %add3A_200 = arith.constant 448 : i32
      %add3A_201 = vector.broadcast %add3A_200 : i32 to vector<16xi32>
      %add3A_202 = arith.addi %get3A_73, %add3A_201 : vector<16xi32>
      tpu.vector_store_idx %arg25[%add3A_202], %add3A_199 {add = true} : memref<512xf32, #tpu.memory_space<vmem>>[vector<16xi32>], vector<16xf32>,
    }
    %scan3A_61 = arith.constant 625 : i32
    %mul3A_62 = arith.constant 512 : i32
    %mul3A_63 = arith.muli %add3A, %mul3A_62 : i32
    "tpu.region"() ({
      %run_scoped3A = tpu.sem_alloc : memref<!tpu.dma_semaphore, #tpu.memory_space<semaphore_mem>>
      %dma_start3A_64 = tpu.memref_slice %arg8[%mul3A_63] : memref<16384xf32, #tpu.memory_space<hbm>> -> memref<512xf32, #tpu.memory_space<hbm>>
      %dma_start3A_65 = tpu.memref_slice %arg8[%mul3A_63] : memref<16384xf32, #tpu.memory_space<hbm>> -> memref<512xf32, #tpu.memory_space<hbm>>
      tpu.enqueue_dma source(%arg25 : memref<512xf32, #tpu.memory_space<vmem>>) target(%dma_start3A_65 : memref<512xf32, #tpu.memory_space<hbm>>) target_semaphore(%run_scoped3A : memref<!tpu.dma_semaphore, #tpu.memory_space<semaphore_mem>>)
      %dma_wait3A = tpu.memref_slice %arg8[%mul3A_63] : memref<16384xf32, #tpu.memory_space<hbm>> -> memref<512xf32, #tpu.memory_space<hbm>>
      %dma_wait3A_66 = tpu.memref_slice %arg8[%mul3A_63] : memref<16384xf32, #tpu.memory_space<hbm>> -> memref<512xf32, #tpu.memory_space<hbm>>
      tpu.wait_dma2 semaphore(%run_scoped3A : memref<!tpu.dma_semaphore, #tpu.memory_space<semaphore_mem>>) src(%arg25 : memref<512xf32, #tpu.memory_space<vmem>>) dst(%dma_wait3A_66 : memref<512xf32, #tpu.memory_space<hbm>>)
      tpu.yield
    }) : () -> ()
    return
  }
}

module attributes {stable_mosaic.version = 14 : i64} {
  func.func @_readout_body(%arg0: memref<256x64xf32, #tpu.memory_space<vmem>>, %arg1: memref<256x8xf32, #tpu.memory_space<vmem>>, %arg2: memref<8xf32, #tpu.memory_space<vmem>>, %arg3: memref<64x8xf32, #tpu.memory_space<vmem>>) attributes {dimension_semantics = [], scalar_prefetch = 0 : i64, scratch_operands = 0 : i64, tpu.core_type = #tpu.core_type<tc>} {
    %get3A = arith.constant 0 : index
    %get3A_0 = arith.constant 0 : index
    %get3A_1 = vector.load %arg0[%get3A, %get3A_0] : memref<256x64xf32, #tpu.memory_space<vmem>>, vector<256x64xf32>
    %get3A_2 = arith.constant 0 : index
    %get3A_3 = arith.constant 0 : index
    %get3A_4 = vector.load %arg1[%get3A_2, %get3A_3] : memref<256x8xf32, #tpu.memory_space<vmem>>, vector<256x8xf32>
    %dot_general3A = arith.constant dense<0.000000e+00> : vector<64x8xf32>
    %dot_general3A_5 = tpu.matmul %get3A_1, %get3A_4, %dot_general3A {dimension_numbers = #tpu.dot_dimension_numbers<[0], [0], [1], [1], [0, 1, 1, 1], [], []>, transpose_lhs_hint = false} : vector<256x64xf32>, vector<256x8xf32>, vector<64x8xf32> -> vector<64x8xf32>
    %get3A_6 = arith.constant 0 : index
    %get3A_7 = vector.load %arg2[%get3A_6] : memref<8xf32, #tpu.memory_space<vmem>>, vector<8xf32>
    %broadcast_in_dim3A = vector.shape_cast %get3A_7 : vector<8xf32> to vector<1x8xf32>
    %add3A = vector.broadcast %broadcast_in_dim3A : vector<1x8xf32> to vector<64x8xf32>
    %add3A_8 = arith.addf %dot_general3A_5, %add3A : vector<64x8xf32>
    %reduce_max3A = arith.constant dense<0xFF800000> : vector<64xf32>
    %reduce_max3A_9 = vector.multi_reduction <maximumf>, %add3A_8, %reduce_max3A [1] : vector<64x8xf32> to vector<64xf32>
    %broadcast_in_dim3A_10 = vector.shape_cast %reduce_max3A_9 : vector<64xf32> to vector<64x1xf32>
    %sub3A = vector.broadcast %broadcast_in_dim3A_10 : vector<64x1xf32> to vector<64x8xf32>
    %sub3A_11 = arith.subf %add3A_8, %sub3A : vector<64x8xf32>
    %exp3A = math.exp %sub3A_11 : vector<64x8xf32>
    %reduce_sum3A = arith.constant dense<0.000000e+00> : vector<64xf32>
    %reduce_sum3A_12 = vector.multi_reduction <add>, %exp3A, %reduce_sum3A [1] : vector<64x8xf32> to vector<64xf32>
    %broadcast_in_dim3A_13 = vector.shape_cast %reduce_sum3A_12 : vector<64xf32> to vector<64x1xf32>
    %div3A = vector.broadcast %broadcast_in_dim3A_13 : vector<64x1xf32> to vector<64x8xf32>
    %div3A_14 = arith.divf %exp3A, %div3A : vector<64x8xf32>
    %swap3A = arith.constant 0 : index
    %swap3A_15 = arith.constant 0 : index
    %swap3A_16 = vector.load %arg3[%swap3A, %swap3A_15] : memref<64x8xf32, #tpu.memory_space<vmem>>, vector<64x8xf32>
    tpu.vector_store %arg3[%swap3A, %swap3A_15], %div3A_14 {strides = array<i32>} : memref<64x8xf32, #tpu.memory_space<vmem>>, vector<64x8xf32>,
    return
  }
}

</mosaic_0001>

<sc_bundles>
// kernel: kernel.5.cloned.1.call-start
scs
__scs_entry_jumppad:
0x0: {  	(pc) =	sbr.rel $0x88, $3  }
0x1: {  	(tag) =	ssettag $0x0;
	lr =	simm.s32 $0x1  }
0x2: {  	[smem:$0x3F98] =	sst lr;
	_ =	strace $0xD0000000  }
0x3: {  	_ = 	snop  }
0x4: {  	_ = 	snop  }
0x5: {  	_ = 	snop  }
0x6: {  	_ = 	snop  }
0x7: {  	_ = 	snop  }
__scs_overlays_trampoline_lowered:
0x8: {  	[smem:$0x3FA7] =	sst s0  }
0x9: {  	[smem:$0x3FA8] =	sst s1  }
0xa: {  	[smem:$0x3FA9] =	sst s2  }
0xb: {  	[smem:$0x3FAA] =	sst s3  }
0xc: {  	[smem:$0x3FAB] =	sst s4  }
0xd: {  	[smem:$0x3FAC] =	sst s5  }
0xe: {  	[smem:$0x3FAD] =	sst s6  }
0xf: {  	[smem:$0x3FAE] =	sst s7  }
0x10: {  	[smem:$0x3FAF] =	sst s8  }
0x11: {  	[smem:$0x3FB0] =	sst s9;
	s0 =	simm.s32 @!p0 $0x0  }
0x12: {  	s1 =	sld [smem:$0x3F96];
	s0 =	simm.s32 @p0 $0x1  }
0x13: {  	[smem:$0x3FB1] =	sst s0;
	s0 =	simm.s32 @!p1 $0x0  }
0x14: {  	s2 =	sld [smem:$0x3F95];
	s0 =	simm.s32 @p1 $0x1  }
0x15: {  	[smem:$0x3FB2] =	sst s0;
	s0 =	simm.s32 @!p2 $0x0  }
0x16: {  	s3 =	sld [smem:$0x3FDB];
	s0 =	simm.s32 @p2 $0x1  }
0x17: {  	s4 =	simm.s32 $0x1BF5;
	[smem:$0x3FB4] =	sst s0  }
0x18: {  	s0 =	sld [smem:$0x3F97];
	_ =	swait.ge [sflag:s4], $0x0  }
0x19: {  	s7 =	sld [smem:$0x3F98]  }
0x1a: {  	s8 =	sadd.s32 $0xFFFFE003, lr  }
0x1b: {  	s9 =	sadd.s32 $0xFFFFFEF7, lr;
	s5 =	simm.s32 $0xFFFFFFFF;
	p2 =	slt.u32 s8, $0xFFFFF086  }
0x1c: {  	p1 =	slt.u32 s9, $0xF7A;
	s5 =	simm.s32 @!p2 $0x0  }
0x1d: {  	s5 =	simm.s32 @p1 $0x1;
	p0 =	seq.s32 s7, s2  }
0x1e: {  	s7 =	smul.u32 @!p0 $0xF7A, s2;
	p2 =	seq.s32 @!p0 s5, $0x0  }
0x1f: {  	s9 =	smul.u32 $0xF7A, s1;
	s8 =	simm.s32 @!p0 $0x1BF5;
	p2 =	por !p2, p0  }
0x20: {  	[sflag:s8] =	ssyncset.s32 @!p0 $0xFFFFF086;
	s6 =	sadd.s32 @!p0 s3, s7;
	s7 =	simm.s32 @!p0 $0x108  }
0x21: {  	s3 =	sadd.s32 s3, s9;
	s6 =	sadd.s32 @!p0 $0x88, s6;
	s7 =	simm.s32 @p2 $0x1082  }
0x22: {  	[simem:s7], [sflag:s8] =	dma.local @!p0 [hbm:s6], $0xF7A  }
0x23: {  	s9 =	sor.u32 $0xD0000000, s2;
	s6 =	simm.s32 $0x108;
	_ =	swait.ge @!p0 [sflag:s8], $0x0  }
0x24: {  	s3 =	sadd.s32 $0x88, s3;
	s6 =	simm.s32 @!p1 $0x1082;
	[sflag:s4] =	ssyncset.s32 $0xFFFFF086  }
0x25: {  	[simem:s6], [sflag:s4] =	dma.local [hbm:s3], $0xF7A  }
0x26: {  	[smem:$0x3F98] =	sst s1;
	(tag) =	ssettag s2;
	_ =	strace s9  }
0x27: {  	s1 =	sld [smem:$0x3FA8]  }
0x28: {  	s2 =	sld [smem:$0x3FA9]  }
0x29: {  	s4 =	sld [smem:$0x3FAB]  }
0x2a: {  	p0 =	seq.s32 s5, $0x0;
	s5 =	sld [smem:$0x3FAC]  }
0x2b: {  	s6 =	sld [smem:$0x3FAD]  }
0x2c: {  	s7 =	sld [smem:$0x3FAE]  }
0x2d: {  	s3 =	simm.s32 $0x108;
	s8 =	sld [smem:$0x3FAF]  }
0x2e: {  	s3 =	simm.s32 @!p0 $0x1082;
	s9 =	sld [smem:$0x3FB0]  }
0x2f: {  	lr =	sadd.s32 s0, s3;
	s0 =	sld [smem:$0x3FA7]  }
0x30: {  	s3 =	sld [smem:$0x3FAA]  }
0x31: {  	[smem:$0x3FB3] =	sst s10  }
0x32: {  	s10 =	sld [smem:$0x3FB1];
	_ =	sdelay $0x3  }
0x33: {  	p0 =	seq.s32 s10, $0x1;
	s10 =	sld [smem:$0x3FB3];
	_ =	sdelay $0x3  }
0x34: {  	[smem:$0x3FB3] =	sst s10  }
0x35: {  	s10 =	sld [smem:$0x3FB2];
	_ =	sdelay $0x3  }
0x36: {  	p1 =	seq.s32 s10, $0x1;
	s10 =	sld [smem:$0x3FB3];
	_ =	sdelay $0x3  }
0x37: {  	[smem:$0x3FB3] =	sst s10  }
0x38: {  	s10 =	sld [smem:$0x3FB4]  }
0x39: {  	_ = 	snop;
	(pc) =	sbr.ind lr, $3  }
0x3a: {  	_ = 	snop  }
0x3b: {  	_ = 	snop  }
0x3c: {  	p2 =	seq.s32 s10, $0x1;
	s10 =	sld [smem:$0x3FB3]  }
0x3d: {  	_ =	shalt  }
0x3e: {  	_ =	shalt  }
0x3f: {  	_ =	shalt  }
0x40: {  	_ =	shalt  }
0x41: {  	_ =	shalt  }
0x42: {  	_ =	shalt  }
0x43: {  	_ =	shalt  }
0x44: {  	_ =	shalt  }
0x45: {  	_ =	shalt  }
0x46: {  	_ =	shalt  }
0x47: {  	_ =	shalt  }
0x48: {  	_ =	shalt  }
0x49: {  	_ =	shalt  }
0x4a: {  	_ =	shalt  }
0x4b: {  	_ =	shalt  }
0x4c: {  	_ =	shalt  }
0x4d: {  	_ =	shalt  }
0x4e: {  	_ =	shalt  }
0x4f: {  	_ =	shalt  }
0x50: {  	_ =	shalt  }
0x51: {  	_ =	shalt  }
0x52: {  	_ =	shalt  }
0x53: {  	_ =	shalt  }
0x54: {  	_ =	shalt  }
0x55: {  	_ =	shalt  }
0x56: {  	_ =	shalt  }
0x57: {  	_ =	shalt  }
0x58: {  	_ =	shalt  }
0x59: {  	_ =	shalt  }
0x5a: {  	_ =	shalt  }
0x5b: {  	_ =	shalt  }
0x5c: {  	_ =	shalt  }
0x5d: {  	_ =	shalt  }
0x5e: {  	_ =	shalt  }
0x5f: {  	_ =	shalt  }
0x60: {  	_ =	shalt  }
0x61: {  	_ =	shalt  }
0x62: {  	_ =	shalt  }
0x63: {  	_ =	shalt  }
0x64: {  	_ =	shalt  }
0x65: {  	_ =	shalt  }
0x66: {  	_ =	shalt  }
0x67: {  	_ =	shalt  }
0x68: {  	_ =	shalt  }
0x69: {  	_ =	shalt  }
0x6a: {  	_ =	shalt  }
0x6b: {  	_ =	shalt  }
0x6c: {  	_ =	shalt  }
0x6d: {  	_ =	shalt  }
0x6e: {  	_ =	shalt  }
0x6f: {  	_ =	shalt  }
0x70: {  	_ =	shalt  }
0x71: {  	_ =	shalt  }
0x72: {  	_ =	shalt  }
0x73: {  	_ =	shalt  }
0x74: {  	_ =	shalt  }
0x75: {  	_ =	shalt  }
0x76: {  	_ =	shalt  }
0x77: {  	_ =	shalt  }
0x78: {  	_ =	shalt  }
0x79: {  	_ =	shalt  }
0x7a: {  	_ =	shalt  }
0x7b: {  	_ =	shalt  }
0x7c: {  	_ =	shalt  }
0x7d: {  	_ =	shalt  }
0x7e: {  	_ =	shalt  }
0x7f: {  	_ =	shalt  }
0x80: {  	_ =	shalt  }
0x81: {  	_ =	shalt  }
0x82: {  	_ =	shalt  }
0x83: {  	_ =	shalt  }
0x84: {  	_ =	shalt  }
0x85: {  	_ =	shalt  }
0x86: {  	_ =	shalt  }
0x87: {  	_ =	shalt  }
.Lfunc_end0:
.L_simem_size_0:
called_computation_lowered:
.L_overlay_start_0:
0x88: {  	s2 =	sld [smem:$0x3FD9]  }
0x89: {  	s3 =	sld [smem:$0x3FFE];
	_ =	sdelay $0x1  }
0x8a: {  	s1 =	srdreg.scid  }
0x8b: {  	s0 =	sand.u32 $0x1, s1  }
0x8c: {  	s17 =	sshll.u32 s0, $0xA;
	s2 =	sadd.s32 s3, s2  }
0x8d: {  	s2 =	sadd.s32 s2, s17  }
0x8e: {  	[smem:$0x3FBF] =	sst s2  }
0x8f: {  	_ = 	snop  }
0x90: {  	s2 =	sld [smem:$0x3FC6]  }
0x91: {  	s18 =	sld [smem:$0x3FC4]  }
0x92: {  	s4 =	sld [smem:$0x3FC3];
	(tm) =	ssettm $0x1  }
0x93: {  	s5 =	sld [smem:$0x3FFB];
	_ =	sdelay $0x3  }
0x94: {  	_ =	strace s5  }
0x95: {  	s5 =	sld [smem:$0x3FFC];
	_ =	sdelay $0x3  }
0x96: {  	_ =	strace s5  }
0x97: {  	s5 =	sld [smem:$0x3FFD];
	_ =	sdelay $0x3  }
0x98: {  	_ =	strace s5  }
0x99: {  	_ =	strace $0x8FFFFFFF  }
0x9a: {  	s19 =	sld [smem:$0x3FDB];
	_ =	sdelay $0x1  }
0x9b: {  	s6 =	simm.s32 $_scs_section_size  }
0x9c: {  	s7 =	simm.s32 $_size__tile_overlayer_lowered;
	s8 =	simm.s32 $_tile_overlayer_lowered  }
0x9d: {  	s22 =	simm.s32 $0x1BFF;
	s21 =	sshll.u32 s8, $0x1;
	s5 =	sadd.s32 s6, s19  }
0x9e: {  	s9 =	simm.s32 $0x0;
	s20 =	sshll.u32 s7, $0x1;
	s7 =	sadd.s32 s21, s5  }
0x9f: {  	[timem:s9], [sflag:s22] =	dma.local [hbm:s7], s20  }
0xa0: {  	_ =	swait.ge [sflag:s22], s20  }
0xa1: {  	s6 =	ssub.s32 $0x0, s20;
	[sflag:s22] =	ssyncset.done $0x0  }
0xa2: {  	[sflag:s22] =	ssyncadd.s32 s6;
	_ =	sdelay $0x1  }
0xa3: {  	s23 =	simm.s32 $0x1B8B  }
0xa4: {  	_ =	swait.ge [sflag:s23], $0x1  }
0xa5: {  	[sflag:s23] =	ssyncset.done $0x0  }
0xa6: {  	s25 =	simm.s32 $0x1B8E;
	s24 =	sld [smem:$0x3FFE];
	[sflag:s23] =	ssyncadd.s32 $0xFFFFFFFF  }
0xa7: {  	s26 =	simm.s32 $execute0_lowered;
	[smem:$0x3FD2] =	sst s25  }
0xa8: {  	s7 =	sshll.u32 s26, $0x1;
	_ =	strace $0x80000046;
	[dreg:$0x1] =	wrdreg $0xFFFFFFFF  }
0xa9: {  	s28 =	simm.s32 $_size_execute0_lowered;
	s5 =	sadd.s32 s5, s7;
	[dreg:$0x0] =	wrdreg $0x0  }
0xaa: {  	s7 =	sshll.u32 s28, $0x1;
	[dreg:$0x2] =	wrdreg s5  }
0xab: {  	[dreg:$0x3] =	wrdreg s7  }
0xac: {  	[dreg:$0x4] =	wrdreg $0xC0  }
0xad: {  	_ =	task [dreg:s9], $0x5FFFF  }
0xae: {  	[dreg:$0x1] =	wrdreg $0xFFFFFFFF  }
0xaf: {  	[dreg:$0x0] =	wrdreg $0x60  }
0xb0: {  	[dreg:$0x2] =	wrdreg s2  }
0xb1: {  	[dreg:$0x3] =	wrdreg s18  }
0xb2: {  	[dreg:$0x4] =	wrdreg s24  }
0xb3: {  	[dreg:$0x5] =	wrdreg s4  }
0xb4: {  	[dreg:$0x6] =	wrdreg $0x9  }
0xb5: {  	_ =	task.clear_ibuf [dreg:s9], $0x7FFFF;
	_ =	strace $0x90000046  }
0xb6: {  	s29 =	simm.s32 $0x9;
	_ =	strace $0x80000048  }
0xb7: {  	_ =	swait.ge [sflag:s29], $0x1  }
0xb8: {  	[sflag:s29] =	ssyncadd.s32 $0xFFFFFFFF  }
0xb9: {  	_ =	strace $0x90000048  }
0xba: {  	_ =	sfence  }
0xbb: {  	s30 =	sld [smem:$0x0];
	_ =	sdelay $0x2  }
0xbc: {  	s31 =	sshll.u32 s1, $0xD;
	s1 =	sshrl.u32 s1, $0x2  }
0xbd: {  	s3 =	sand.u32 $0x4000, s31;
	s1 =	sadd.s32 s1, s30  }
0xbe: {  	s0 =	sor.u32 s3, s0;
	s1 =	sshll.u32 s1, $0x11  }
0xbf: {  	s0 =	sor.u32 s1, s0  }
0xc0: {  	s0 =	sadd.s32 $0x8F2B, s0  }
0xc1: {  	[sflag:s0] =	ssyncadd.remote.s32 $0x1  }
0xc2: {  	_ =	sfence.sel $0xFFFF  }
0xc3: {  	[dreg:$0x0] =	wrdreg $0xFFFFFFFF;
	(pc) =	sbr.abs _section_cstart, $3  }
0xc4: {  	[dreg:$0x1] =	wrdreg $0xFFFFFFFF  }
0xc5: {  	_ =	task.clear_ibuf [dreg:s9], $0x2FFFF;
	_ =	strace $0x9FFFFFFF  }
0xc6: {  	(tm) =	ssettm $0x7FFFFFFF  }
0xc7: {  	_ =	shalt  }
tec
execute0_lowered:
.L_overlay_start_1:
0x0: {  	(tag) =	ssettag $0x1  }
0x1: {  	s5 =	rddreg [dreg:$0x0]  }
0x2: {  	s1 =	rddreg [dreg:$0x1]  }
0x3: {  	s2 =	srdreg.scid;
	s0 =	stileid.u32  }
0x4: {  	s6 =	rddreg [dreg:$0x2];
	s2 =	sand.u32 $0x1, s2;
	s4 =	sshll.u32 s0, $0x1  }
0x5: {  	s3 =	rddreg [dreg:$0x3];
	s7 =	sor.u32 s2, s4;
	s4 =	simm.s32 $0x0  }
0x6: {  	s23 =	simm.s32 $0x1450;
	[smem:$0x7FF] =	sst s4  }
0x7: {  	s24 =	simm.s32 $0xA0;
	_ =	strace $0x80000047;
	[dreg:$0x9] =	wrdreg s23  }
0x8: {  	s25 =	simm.s32 $0x14A0;
	[dreg:$0xa] =	wrdreg s24  }
0x9: {  	s26 =	simm.s32 $0xF0;
	[dreg:$0xb] =	wrdreg s25  }
0xa: {  	s0 =	simm.s32 $0x14F0;
	[dreg:$0xc] =	wrdreg s26  }
0xb: {  	s10 =	simm.s32 $0x1E0;
	[dreg:$0xd] =	wrdreg s0  }
0xc: {  	s11 =	simm.s32 $0x15E0;
	[dreg:$0x12] =	wrdreg s10  }
0xd: {  	s12 =	simm.s32 $0x230;
	[dreg:$0x13] =	wrdreg s11  }
0xe: {  	s13 =	simm.s32 $0x1630;
	[dreg:$0x14] =	wrdreg s12  }
0xf: {  	s14 =	simm.s32 $0x280;
	[dreg:$0x15] =	wrdreg s13  }
0x10: {  	s15 =	simm.s32 $0x1680;
	[dreg:$0x16] =	wrdreg s14  }
0x11: {  	s16 =	simm.s32 $0x2D0;
	[dreg:$0x17] =	wrdreg s15  }
0x12: {  	s17 =	simm.s32 $0x16D0;
	[dreg:$0x18] =	wrdreg s16  }
0x13: {  	s18 =	simm.s32 $0x320;
	[dreg:$0x19] =	wrdreg s17  }
0x14: {  	s19 =	simm.s32 $0x1720;
	[dreg:$0x1a] =	wrdreg s18  }
0x15: {  	[dreg:$0x1b] =	wrdreg s19;
	s23 =	simm.s32 $0x17C0  }
0x16: {  	s24 =	simm.s32 $0x410;
	[dreg:$0x1f] =	wrdreg s23  }
0x17: {  	s25 =	simm.s32 $0x1810;
	[smem:$0x7A4] =	sst s24  }
0x18: {  	s26 =	simm.s32 $0x460;
	[smem:$0x7A5] =	sst s25  }
0x19: {  	s0 =	simm.s32 $0x1860;
	[smem:$0x7A6] =	sst s26  }
0x1a: {  	s10 =	simm.s32 $0x550;
	[smem:$0x7A7] =	sst s0  }
0x1b: {  	s11 =	simm.s32 $0x1950;
	[smem:$0x7AC] =	sst s10  }
0x1c: {  	s12 =	simm.s32 $0x5A0;
	[smem:$0x7AD] =	sst s11  }
0x1d: {  	s13 =	simm.s32 $0x19A0;
	[smem:$0x7AE] =	sst s12  }
0x1e: {  	s14 =	simm.s32 $0x5F0;
	[smem:$0x7AF] =	sst s13  }
0x1f: {  	s15 =	simm.s32 $0x19F0;
	[smem:$0x7B0] =	sst s14  }
0x20: {  	s16 =	simm.s32 $0x640;
	[smem:$0x7B1] =	sst s15  }
0x21: {  	s17 =	simm.s32 $0x1A40;
	[smem:$0x7B2] =	sst s16  }
0x22: {  	s8 =	smul.u32 $0x271, s7;
	s18 =	simm.s32 $0x690;
	[smem:$0x7B3] =	sst s17  }
0x23: {  	s7 =	smul.u32 $0x28, s7;
	s19 =	simm.s32 $0x1A90;
	[smem:$0x7B4] =	sst s18  }
0x24: {  	s9 =	sadd.s32 s8, s6;
	s5 =	sadd.s32 s5, s8;
	[smem:$0x7B5] =	sst s19  }
0x25: {  	s6 =	sadd.s32 s7, s6;
	s7 =	simm.s32 $0x1540;
	[dreg:$0x5] =	wrdreg s5  }
0x26: {  	s8 =	simm.s32 $0x190;
	[dreg:$0xf] =	wrdreg s7  }
0x27: {  	s23 =	simm.s32 $0x1B30;
	[dreg:$0x10] =	wrdreg s8  }
0x28: {  	s24 =	simm.s32 $0x780;
	[smem:$0x7B9] =	sst s23  }
0x29: {  	s25 =	simm.s32 $0x1B80;
	[smem:$0x7BA] =	sst s24  }
0x2a: {  	s26 =	simm.s32 $0x7D0;
	[smem:$0x7BB] =	sst s25  }
0x2b: {  	s0 =	simm.s32 $0x1BD0;
	[smem:$0x7BC] =	sst s26  }
0x2c: {  	s10 =	simm.s32 $0x8C0;
	[smem:$0x7BD] =	sst s0  }
0x2d: {  	s11 =	simm.s32 $0x1CC0;
	[smem:$0x7C2] =	sst s10  }
0x2e: {  	s12 =	simm.s32 $0x910;
	[smem:$0x7C3] =	sst s11  }
0x2f: {  	s13 =	simm.s32 $0x1D10;
	[smem:$0x7C4] =	sst s12  }
0x30: {  	s14 =	simm.s32 $0x960;
	[smem:$0x7C5] =	sst s13  }
0x31: {  	s15 =	simm.s32 $0x1D60;
	[smem:$0x7C6] =	sst s14  }
0x32: {  	s16 =	simm.s32 $0x9B0;
	[smem:$0x7C7] =	sst s15  }
0x33: {  	s17 =	simm.s32 $0x1DB0;
	[smem:$0x7C8] =	sst s16  }
0x34: {  	s18 =	simm.s32 $0xA00;
	[smem:$0x7C9] =	sst s17  }
0x35: {  	s19 =	simm.s32 $0x1E00;
	[smem:$0x7CA] =	sst s18  }
0x36: {  	s20 =	sadd.s32 $0xA00, s9;
	[smem:$0x7CB] =	sst s19  }
0x37: {  	s21 =	sadd.s32 $0x400, s6;
	[dreg:$0x6] =	wrdreg s20  }
0x38: {  	s22 =	sadd.s32 $0x5A00, s6;
	[dreg:$0x7] =	wrdreg s21  }
0x39: {  	s6 =	simm.s32 $0x140;
	[dreg:$0x8] =	wrdreg s22  }
0x3a: {  	s9 =	simm.s32 $0x1590;
	[dreg:$0xe] =	wrdreg s6  }
0x3b: {  	s7 =	simm.s32 $0x18B0;
	[dreg:$0x11] =	wrdreg s9  }
0x3c: {  	s8 =	simm.s32 $0x500;
	[smem:$0x7A9] =	sst s7  }
0x3d: {  	s23 =	simm.s32 $0x1EA0;
	[smem:$0x7AA] =	sst s8  }
0x3e: {  	s24 =	simm.s32 $0xAF0;
	[smem:$0x7CF] =	sst s23  }
0x3f: {  	s25 =	simm.s32 $0x1EF0;
	[smem:$0x7D0] =	sst s24  }
0x40: {  	s26 =	simm.s32 $0xB40;
	[smem:$0x7D1] =	sst s25  }
0x41: {  	s0 =	simm.s32 $0x1F40;
	[smem:$0x7D2] =	sst s26  }
0x42: {  	s10 =	simm.s32 $0xC30;
	[smem:$0x7D3] =	sst s0  }
0x43: {  	s11 =	simm.s32 $0x2030;
	[smem:$0x7D8] =	sst s10  }
0x44: {  	s12 =	simm.s32 $0xC80;
	[smem:$0x7D9] =	sst s11  }
0x45: {  	s13 =	simm.s32 $0x2080;
	[smem:$0x7DA] =	sst s12  }
0x46: {  	s14 =	simm.s32 $0xCD0;
	[smem:$0x7DB] =	sst s13  }
0x47: {  	s15 =	simm.s32 $0x20D0;
	[smem:$0x7DC] =	sst s14  }
0x48: {  	s16 =	simm.s32 $0xD20;
	[smem:$0x7DD] =	sst s15  }
0x49: {  	s17 =	simm.s32 $0x2120;
	[smem:$0x7DE] =	sst s16  }
0x4a: {  	s18 =	simm.s32 $0xD70;
	[smem:$0x7DF] =	sst s17  }
0x4b: {  	s19 =	simm.s32 $0x2170;
	[smem:$0x7E0] =	sst s18  }
0x4c: {  	s20 =	simm.s32 $0x370;
	[smem:$0x7E1] =	sst s19  }
0x4d: {  	s21 =	simm.s32 $0x1770;
	[dreg:$0x1c] =	wrdreg s20  }
0x4e: {  	s22 =	simm.s32 $0x3C0;
	[dreg:$0x1d] =	wrdreg s21  }
0x4f: {  	s6 =	simm.s32 $0x4B0;
	[dreg:$0x1e] =	wrdreg s22  }
0x50: {  	s9 =	simm.s32 $0x1900;
	[smem:$0x7A8] =	sst s6  }
0x51: {  	s7 =	simm.s32 $0x1C20;
	[smem:$0x7AB] =	sst s9  }
0x52: {  	s8 =	simm.s32 $0x870;
	[smem:$0x7BF] =	sst s7  }
0x53: {  	s23 =	simm.s32 $0x2210;
	[smem:$0x7C0] =	sst s8  }
0x54: {  	s24 =	simm.s32 $0xE60;
	[smem:$0x7E5] =	sst s23  }
0x55: {  	s25 =	simm.s32 $0x2260;
	[smem:$0x7E6] =	sst s24  }
0x56: {  	s26 =	simm.s32 $0xEB0;
	[smem:$0x7E7] =	sst s25  }
0x57: {  	s0 =	simm.s32 $0x22B0;
	[smem:$0x7E8] =	sst s26  }
0x58: {  	s10 =	simm.s32 $0xFA0;
	[smem:$0x7E9] =	sst s0  }
0x59: {  	s11 =	simm.s32 $0x23A0;
	[smem:$0x7EE] =	sst s10  }
0x5a: {  	s12 =	simm.s32 $0xFF0;
	[smem:$0x7EF] =	sst s11  }
0x5b: {  	s13 =	simm.s32 $0x23F0;
	[smem:$0x7F0] =	sst s12  }
0x5c: {  	s14 =	simm.s32 $0x1040;
	[smem:$0x7F1] =	sst s13  }
0x5d: {  	s15 =	simm.s32 $0x2440;
	[smem:$0x7F2] =	sst s14  }
0x5e: {  	s16 =	simm.s32 $0x1090;
	[smem:$0x7F3] =	sst s15  }
0x5f: {  	s17 =	simm.s32 $0x2490;
	[smem:$0x7F4] =	sst s16  }
0x60: {  	s18 =	simm.s32 $0x10E0;
	[smem:$0x7F5] =	sst s17  }
0x61: {  	s19 =	simm.s32 $0x24E0;
	[smem:$0x7F6] =	sst s18  }
0x62: {  	s20 =	simm.s32 $0x6E0;
	[smem:$0x7F7] =	sst s19  }
0x63: {  	s21 =	simm.s32 $0x1AE0;
	[smem:$0x7B6] =	sst s20  }
0x64: {  	s22 =	simm.s32 $0x730;
	[smem:$0x7B7] =	sst s21  }
0x65: {  	s6 =	simm.s32 $0x820;
	[smem:$0x7B8] =	sst s22  }
0x66: {  	s9 =	simm.s32 $0x1C70;
	[smem:$0x7BE] =	sst s6  }
0x67: {  	s7 =	simm.s32 $0x1F90;
	[smem:$0x7C1] =	sst s9  }
0x68: {  	s28 =	simm.s32 $0x2A00;
	s8 =	simm.s32 $0xBE0;
	[smem:$0x7D5] =	sst s7  }
0x69: {  	s29 =	simm.s32 $0x28C0;
	s23 =	simm.s32 $0x1180;
	[smem:$0x7D6] =	sst s8  }
0x6a: {  	s30 =	simm.s32 $0x2A40;
	s24 =	simm.s32 $0x2580;
	[smem:$0x7FA] =	sst s23  }
0x6b: {  	s31 =	simm.s32 $0x2900;
	s25 =	simm.s32 $0x11D0;
	[smem:$0x7FB] =	sst s24  }
0x6c: {  	s2 =	ssub.s32 $0x2, s2;
	s26 =	simm.s32 $0x25D0;
	[smem:$0x7FC] =	sst s25  }
0x6d: {  	s13 =	simm.s32 $0x2670;
	s20 =	simm.s32 $0xA50;
	[smem:$0x7FD] =	sst s26  }
0x6e: {  	s14 =	simm.s32 $0x12C0;
	s21 =	simm.s32 $0x1E50;
	[smem:$0x7CC] =	sst s20  }
0x6f: {  	s15 =	simm.s32 $0x26C0;
	s22 =	simm.s32 $0xAA0;
	[smem:$0x7CD] =	sst s21  }
0x70: {  	s16 =	simm.s32 $0x1310;
	s6 =	simm.s32 $0xB90;
	[smem:$0x7CE] =	sst s22  }
0x71: {  	s17 =	simm.s32 $0x2710;
	s9 =	simm.s32 $0x1FE0;
	[smem:$0x7D4] =	sst s6  }
0x72: {  	s18 =	simm.s32 $0x28;
	s7 =	simm.s32 $0x2300;
	[smem:$0x7D7] =	sst s9  }
0x73: {  	s19 =	simm.s32 $0x1360;
	s8 =	simm.s32 $0xF50;
	[smem:$0x7EB] =	sst s7  }
0x74: {  	s23 =	simm.s32 $0x2980;
	s20 =	simm.s32 $0xDC0;
	[smem:$0x7EC] =	sst s8  }
0x75: {  	s24 =	simm.s32 $0x2840;
	s21 =	simm.s32 $0x21C0;
	[smem:$0x7E2] =	sst s20  }
0x76: {  	s25 =	simm.s32 $0x29C0;
	s22 =	simm.s32 $0xE10;
	[smem:$0x7E3] =	sst s21  }
0x77: {  	s26 =	simm.s32 $0x2880;
	s6 =	simm.s32 $0xF00;
	[smem:$0x7E4] =	sst s22  }
0x78: {  	s9 =	simm.s32 $0x2350;
	s7 =	simm.s32 $0x50;
	[smem:$0x7EA] =	sst s6  }
0x79: {  	s8 =	simm.s32 $0x1400;
	[smem:$0x7ED] =	sst s9;
	s20 =	sshrl.u32 s2, $0x1  }
0x7a: {  	s21 =	simm.s32 $0x1130;
	s22 =	simm.s32 $0x2530;
	s6 =	simm.s32 $0x2  }
0x7b: {  	s9 =	simm.s32 $0x1;
	s2 =	ssub.s32 s2, s20;
	[smem:$0x7F8] =	sst s21  }
0x7c: {  	[smem:$0x7F9] =	sst s22;
	s20 =	simm.s32 $0x2760;
	s21 =	simm.s32 $0x2800  }
0x7d: {  	s22 =	simm.s32 $0x40;
	s5 =	smax.u32 s2, $0x1;
	s2 =	simm.s32 $0x2A80  }
.LBB2_1:
0x7e: {  	s0 =	rddreg [dreg:$0x5]  }
0x7f: {  	[tilespmem:s4], [sflag:$0x2] =	stream.linear.gather [hbm4b:s0+s4], $0x1388, $0x38;
	[tilespmem:$0x2B00] =	vst v63  }
0x80: {  	_ =	swait.ge [sflag:s6], $0x1388  }
0x81: {  	s12 =	rddreg [dreg:$0x9]  }
0x82: {  	[sflag:s6] =	ssyncset.done $0x0;
	s0 =	rddreg [dreg:$0xa]  }
0x83: {  	s10 =	rddreg [dreg:$0xb];
	[sflag:s6] =	ssyncadd.s32 $0xFFFFEC78  }
0x84: {  	[tilespmem:s8], [sflag:$0x1] =	stream.indirect.gather [hbm4b:s1+s7], $0x1, s4, s7, $0xb8;
	[tilespmem:$0x2B00] =	vst v63  }
0x85: {  	s11 =	rddreg [dreg:$0xc]  }
0x86: {  	[tilespmem:s12], [sflag:$0x1] =	stream.indirect.gather [hbm4b:s1+s7], $0x1, s7, s7, $0xb8;
	[tilespmem:$0x2B00] =	vst v63  }
0x87: {  	s12 =	rddreg [dreg:$0xd]  }
0x88: {  	[tilespmem:s10], [sflag:$0x1] =	stream.indirect.gather [hbm4b:s1+s7], $0x1, s0, s7, $0xb8;
	[tilespmem:$0x2B00] =	vst v63  }
0x89: {  	s0 =	rddreg [dreg:$0xe]  }
0x8a: {  	s10 =	rddreg [dreg:$0xf]  }
0x8b: {  	[tilespmem:s12], [sflag:$0x1] =	stream.indirect.gather [hbm4b:s1+s7], $0x1, s11, s7, $0xb8;
	[tilespmem:$0x2B00] =	vst v63  }
0x8c: {  	s11 =	rddreg [dreg:$0x10]  }
0x8d: {  	s12 =	rddreg [dreg:$0x11]  }
0x8e: {  	[tilespmem:s10], [sflag:$0x1] =	stream.indirect.gather [hbm4b:s1+s7], $0x1, s0, s7, $0xb8;
	[tilespmem:$0x2B00] =	vst v63  }
0x8f: {  	s0 =	rddreg [dreg:$0x12]  }
0x90: {  	s10 =	rddreg [dreg:$0x13]  }
0x91: {  	[tilespmem:s12], [sflag:$0x1] =	stream.indirect.gather [hbm4b:s1+s7], $0x1, s11, s7, $0xb8;
	[tilespmem:$0x2B00] =	vst v63  }
0x92: {  	s11 =	rddreg [dreg:$0x14]  }
0x93: {  	[tilespmem:s10], [sflag:$0x1] =	stream.indirect.gather [hbm4b:s1+s7], $0x1, s0, s7, $0xb8;
	[tilespmem:$0x2B00] =	vst v63  }
0x94: {  	s12 =	rddreg [dreg:$0x15]  }
0x95: {  	[tilespmem:s12], [sflag:$0x1] =	stream.indirect.gather [hbm4b:s1+s7], $0x1, s11, s7, $0xb8;
	[tilespmem:$0x2B00] =	vst v63  }
0x96: {  	_ =	swait.ge [sflag:s9], $0x50  }
0x97: {  	[sflag:s9] =	ssyncset.done $0x0  }
0x98: {  	[sflag:s9] =	ssyncadd.s32 $0xFFFFFFB0  }
0x99: {  	_ =	swait.ge [sflag:s9], $0x50  }
0x9a: {  	[sflag:s9] =	ssyncset.done $0x0  }
0x9b: {  	[sflag:s9] =	ssyncadd.s32 $0xFFFFFFB0  }
0x9c: {  	_ =	swait.ge [sflag:s9], $0x50  }
0x9d: {  	[sflag:s9] =	ssyncset.done $0x0  }
0x9e: {  	[sflag:s9] =	ssyncadd.s32 $0xFFFFFFB0  }
0x9f: {  	_ =	swait.ge [sflag:s9], $0x50  }
0xa0: {  	[sflag:s9] =	ssyncset.done $0x0  }
0xa1: {  	[sflag:s9] =	ssyncadd.s32 $0xFFFFFFB0  }
0xa2: {  	_ =	swait.ge [sflag:s9], $0x50  }
0xa3: {  	[sflag:s9] =	ssyncset.done $0x0  }
0xa4: {  	[sflag:s9] =	ssyncadd.s32 $0xFFFFFFB0  }
0xa5: {  	_ =	swait.ge [sflag:s9], $0x50  }
0xa6: {  	[sflag:s9] =	ssyncset.done $0x0  }
0xa7: {  	[sflag:s9] =	ssyncadd.s32 $0xFFFFFFB0  }
0xa8: {  	_ =	swait.ge [sflag:s9], $0x50  }
0xa9: {  	[sflag:s9] =	ssyncset.done $0x0  }
0xaa: {  	[sflag:s9] =	ssyncadd.s32 $0xFFFFFFB0  }
0xab: {  	_ =	swait.ge [sflag:s9], $0x50  }
0xac: {  	s0 =	rddreg [dreg:$0x16]  }
0xad: {  	s10 =	rddreg [dreg:$0x17]  }
0xae: {  	[sflag:s9] =	ssyncset.done $0x0;
	s11 =	rddreg [dreg:$0x18]  }
0xaf: {  	s12 =	rddreg [dreg:$0x19];
	[sflag:s9] =	ssyncadd.s32 $0xFFFFFFB0  }
0xb0: {  	[tilespmem:s10], [sflag:$0x1] =	stream.indirect.gather [hbm4b:s1+s7], $0x1, s0, s7, $0xb8;
	[tilespmem:$0x2B00] =	vst v63  }
0xb1: {  	s0 =	rddreg [dreg:$0x1a]  }
0xb2: {  	s10 =	rddreg [dreg:$0x1b]  }
0xb3: {  	[tilespmem:s12], [sflag:$0x1] =	stream.indirect.gather [hbm4b:s1+s7], $0x1, s11, s7, $0xb8;
	[tilespmem:$0x2B00] =	vst v63  }
0xb4: {  	s11 =	rddreg [dreg:$0x1c]  }
0xb5: {  	s12 =	rddreg [dreg:$0x1d]  }
0xb6: {  	[tilespmem:s10], [sflag:$0x1] =	stream.indirect.gather [hbm4b:s1+s7], $0x1, s0, s7, $0xb8;
	[tilespmem:$0x2B00] =	vst v63  }
0xb7: {  	s0 =	rddreg [dreg:$0x1e]  }
0xb8: {  	s10 =	rddreg [dreg:$0x1f]  }
0xb9: {  	[tilespmem:s12], [sflag:$0x1] =	stream.indirect.gather [hbm4b:s1+s7], $0x1, s11, s7, $0xb8;
	[tilespmem:$0x2B00] =	vst v63  }
0xba: {  	s11 =	sld [smem:$0x7A4]  }
0xbb: {  	s12 =	sld [smem:$0x7A5]  }
0xbc: {  	[tilespmem:s10], [sflag:$0x1] =	stream.indirect.gather [hbm4b:s1+s7], $0x1, s0, s7, $0xb8;
	[tilespmem:$0x2B00] =	vst v63  }
0xbd: {  	s0 =	sld [smem:$0x7A6]  }
0xbe: {  	s10 =	sld [smem:$0x7A7]  }
0xbf: {  	[tilespmem:s12], [sflag:$0x1] =	stream.indirect.gather [hbm4b:s1+s7], $0x1, s11, s7, $0xb8;
	[tilespmem:$0x2B00] =	vst v63  }
0xc0: {  	s11 =	sld [smem:$0x7A8]  }
0xc1: {  	s12 =	sld [smem:$0x7A9]  }
0xc2: {  	[tilespmem:s10], [sflag:$0x1] =	stream.indirect.gather [hbm4b:s1+s7], $0x1, s0, s7, $0xb8;
	[tilespmem:$0x2B00] =	vst v63  }
0xc3: {  	_ = 	snop  }
0xc4: {  	[tilespmem:s12], [sflag:$0x1] =	stream.indirect.gather [hbm4b:s1+s7], $0x1, s11, s7, $0xb8;
	[tilespmem:$0x2B00] =	vst v63  }
0xc5: {  	_ =	swait.ge [sflag:s9], $0x50  }
0xc6: {  	[sflag:s9] =	ssyncset.done $0x0  }
0xc7: {  	[sflag:s9] =	ssyncadd.s32 $0xFFFFFFB0  }
0xc8: {  	_ =	swait.ge [sflag:s9], $0x50  }
0xc9: {  	[sflag:s9] =	ssyncset.done $0x0  }
0xca: {  	[sflag:s9] =	ssyncadd.s32 $0xFFFFFFB0  }
0xcb: {  	_ =	swait.ge [sflag:s9], $0x50  }
0xcc: {  	[sflag:s9] =	ssyncset.done $0x0  }
0xcd: {  	[sflag:s9] =	ssyncadd.s32 $0xFFFFFFB0  }
0xce: {  	_ =	swait.ge [sflag:s9], $0x50  }
0xcf: {  	[sflag:s9] =	ssyncset.done $0x0  }
0xd0: {  	[sflag:s9] =	ssyncadd.s32 $0xFFFFFFB0  }
0xd1: {  	_ =	swait.ge [sflag:s9], $0x50  }
0xd2: {  	[sflag:s9] =	ssyncset.done $0x0  }
0xd3: {  	[sflag:s9] =	ssyncadd.s32 $0xFFFFFFB0  }
0xd4: {  	_ =	swait.ge [sflag:s9], $0x50  }
0xd5: {  	[sflag:s9] =	ssyncset.done $0x0  }
0xd6: {  	[sflag:s9] =	ssyncadd.s32 $0xFFFFFFB0  }
0xd7: {  	_ =	swait.ge [sflag:s9], $0x50  }
0xd8: {  	[sflag:s9] =	ssyncset.done $0x0  }
0xd9: {  	[sflag:s9] =	ssyncadd.s32 $0xFFFFFFB0  }
0xda: {  	_ =	swait.ge [sflag:s9], $0x50  }
0xdb: {  	s0 =	sld [smem:$0x7AA]  }
0xdc: {  	s10 =	sld [smem:$0x7AB]  }
0xdd: {  	[sflag:s9] =	ssyncset.done $0x0;
	s11 =	sld [smem:$0x7AC]  }
0xde: {  	s12 =	sld [smem:$0x7AD];
	[sflag:s9] =	ssyncadd.s32 $0xFFFFFFB0  }
0xdf: {  	[tilespmem:s10], [sflag:$0x1] =	stream.indirect.gather [hbm4b:s1+s7], $0x1, s0, s7, $0xb8;
	[tilespmem:$0x2B00] =	vst v63  }
0xe0: {  	s0 =	sld [smem:$0x7AE]  }
0xe1: {  	s10 =	sld [smem:$0x7AF]  }
0xe2: {  	[tilespmem:s12], [sflag:$0x1] =	stream.indirect.gather [hbm4b:s1+s7], $0x1, s11, s7, $0xb8;
	[tilespmem:$0x2B00] =	vst v63  }
0xe3: {  	s11 =	sld [smem:$0x7B0]  }
0xe4: {  	s12 =	sld [smem:$0x7B1]  }
0xe5: {  	[tilespmem:s10], [sflag:$0x1] =	stream.indirect.gather [hbm4b:s1+s7], $0x1, s0, s7, $0xb8;
	[tilespmem:$0x2B00] =	vst v63  }
0xe6: {  	s0 =	sld [smem:$0x7B2]  }
0xe7: {  	s10 =	sld [smem:$0x7B3]  }
0xe8: {  	[tilespmem:s12], [sflag:$0x1] =	stream.indirect.gather [hbm4b:s1+s7], $0x1, s11, s7, $0xb8;
	[tilespmem:$0x2B00] =	vst v63  }
0xe9: {  	s11 =	sld [smem:$0x7B4]  }
0xea: {  	s12 =	sld [smem:$0x7B5]  }
0xeb: {  	[tilespmem:s10], [sflag:$0x1] =	stream.indirect.gather [hbm4b:s1+s7], $0x1, s0, s7, $0xb8;
	[tilespmem:$0x2B00] =	vst v63  }
0xec: {  	s0 =	sld [smem:$0x7B6]  }
0xed: {  	s10 =	sld [smem:$0x7B7]  }
0xee: {  	[tilespmem:s12], [sflag:$0x1] =	stream.indirect.gather [hbm4b:s1+s7], $0x1, s11, s7, $0xb8;
	[tilespmem:$0x2B00] =	vst v63  }
0xef: {  	s11 =	sld [smem:$0x7B8]  }
0xf0: {  	s12 =	sld [smem:$0x7B9]  }
0xf1: {  	[tilespmem:s10], [sflag:$0x1] =	stream.indirect.gather [hbm4b:s1+s7], $0x1, s0, s7, $0xb8;
	[tilespmem:$0x2B00] =	vst v63  }
0xf2: {  	_ = 	snop  }
0xf3: {  	[tilespmem:s12], [sflag:$0x1] =	stream.indirect.gather [hbm4b:s1+s7], $0x1, s11, s7, $0xb8;
	[tilespmem:$0x2B00] =	vst v63  }
0xf4: {  	_ =	swait.ge [sflag:s9], $0x50  }
0xf5: {  	[sflag:s9] =	ssyncset.done $0x0  }
0xf6: {  	[sflag:s9] =	ssyncadd.s32 $0xFFFFFFB0  }
0xf7: {  	_ =	swait.ge [sflag:s9], $0x50  }
0xf8: {  	[sflag:s9] =	ssyncset.done $0x0  }
0xf9: {  	[sflag:s9] =	ssyncadd.s32 $0xFFFFFFB0  }
0xfa: {  	_ =	swait.ge [sflag:s9], $0x50  }
0xfb: {  	[sflag:s9] =	ssyncset.done $0x0  }
0xfc: {  	[sflag:s9] =	ssyncadd.s32 $0xFFFFFFB0  }
0xfd: {  	_ =	swait.ge [sflag:s9], $0x50  }
0xfe: {  	[sflag:s9] =	ssyncset.done $0x0  }
0xff: {  	[sflag:s9] =	ssyncadd.s32 $0xFFFFFFB0  }
0x100: {  	_ =	swait.ge [sflag:s9], $0x50  }
0x101: {  	[sflag:s9] =	ssyncset.done $0x0  }
0x102: {  	[sflag:s9] =	ssyncadd.s32 $0xFFFFFFB0  }
0x103: {  	_ =	swait.ge [sflag:s9], $0x50  }
0x104: {  	[sflag:s9] =	ssyncset.done $0x0  }
0x105: {  	[sflag:s9] =	ssyncadd.s32 $0xFFFFFFB0  }
0x106: {  	_ =	swait.ge [sflag:s9], $0x50  }
0x107: {  	[sflag:s9] =	ssyncset.done $0x0  }
0x108: {  	[sflag:s9] =	ssyncadd.s32 $0xFFFFFFB0  }
0x109: {  	_ =	swait.ge [sflag:s9], $0x50  }
0x10a: {  	s0 =	sld [smem:$0x7BA]  }
0x10b: {  	s10 =	sld [smem:$0x7BB]  }
0x10c: {  	[sflag:s9] =	ssyncset.done $0x0;
	s11 =	sld [smem:$0x7BC]  }
0x10d: {  	s12 =	sld [smem:$0x7BD];
	[sflag:s9] =	ssyncadd.s32 $0xFFFFFFB0  }
0x10e: {  	[tilespmem:s10], [sflag:$0x1] =	stream.indirect.gather [hbm4b:s1+s7], $0x1, s0, s7, $0xb8;
	[tilespmem:$0x2B00] =	vst v63  }
0x10f: {  	s0 =	sld [smem:$0x7BE]  }
0x110: {  	s10 =	sld [smem:$0x7BF]  }
0x111: {  	[tilespmem:s12], [sflag:$0x1] =	stream.indirect.gather [hbm4b:s1+s7], $0x1, s11, s7, $0xb8;
	[tilespmem:$0x2B00] =	vst v63  }
0x112: {  	s11 =	sld [smem:$0x7C0]  }
0x113: {  	s12 =	sld [smem:$0x7C1]  }
0x114: {  	[tilespmem:s10], [sflag:$0x1] =	stream.indirect.gather [hbm4b:s1+s7], $0x1, s0, s7, $0xb8;
	[tilespmem:$0x2B00] =	vst v63  }
0x115: {  	s0 =	sld [smem:$0x7C2]  }
0x116: {  	s10 =	sld [smem:$0x7C3]  }
0x117: {  	[tilespmem:s12], [sflag:$0x1] =	stream.indirect.gather [hbm4b:s1+s7], $0x1, s11, s7, $0xb8;
	[tilespmem:$0x2B00] =	vst v63  }
0x118: {  	s11 =	sld [smem:$0x7C4]  }
0x119: {  	s12 =	sld [smem:$0x7C5]  }
0x11a: {  	[tilespmem:s10], [sflag:$0x1] =	stream.indirect.gather [hbm4b:s1+s7], $0x1, s0, s7, $0xb8;
	[tilespmem:$0x2B00] =	vst v63  }
0x11b: {  	s0 =	sld [smem:$0x7C6]  }
0x11c: {  	s10 =	sld [smem:$0x7C7]  }
0x11d: {  	[tilespmem:s12], [sflag:$0x1] =	stream.indirect.gather [hbm4b:s1+s7], $0x1, s11, s7, $0xb8;
	[tilespmem:$0x2B00] =	vst v63  }
0x11e: {  	s11 =	sld [smem:$0x7C8]  }
0x11f: {  	s12 =	sld [smem:$0x7C9]  }
0x120: {  	[tilespmem:s10], [sflag:$0x1] =	stream.indirect.gather [hbm4b:s1+s7], $0x1, s0, s7, $0xb8;
	[tilespmem:$0x2B00] =	vst v63  }
0x121: {  	_ = 	snop  }
0x122: {  	[tilespmem:s12], [sflag:$0x1] =	stream.indirect.gather [hbm4b:s1+s7], $0x1, s11, s7, $0xb8;
	[tilespmem:$0x2B00] =	vst v63  }
0x123: {  	_ =	swait.ge [sflag:s9], $0x50  }
0x124: {  	[sflag:s9] =	ssyncset.done $0x0  }
0x125: {  	[sflag:s9] =	ssyncadd.s32 $0xFFFFFFB0  }
0x126: {  	_ =	swait.ge [sflag:s9], $0x50  }
0x127: {  	[sflag:s9] =	ssyncset.done $0x0  }
0x128: {  	[sflag:s9] =	ssyncadd.s32 $0xFFFFFFB0  }
0x129: {  	_ =	swait.ge [sflag:s9], $0x50  }
0x12a: {  	[sflag:s9] =	ssyncset.done $0x0  }
0x12b: {  	[sflag:s9] =	ssyncadd.s32 $0xFFFFFFB0  }
0x12c: {  	_ =	swait.ge [sflag:s9], $0x50  }
0x12d: {  	[sflag:s9] =	ssyncset.done $0x0  }
0x12e: {  	[sflag:s9] =	ssyncadd.s32 $0xFFFFFFB0  }
0x12f: {  	_ =	swait.ge [sflag:s9], $0x50  }
0x130: {  	[sflag:s9] =	ssyncset.done $0x0  }
0x131: {  	[sflag:s9] =	ssyncadd.s32 $0xFFFFFFB0  }
0x132: {  	_ =	swait.ge [sflag:s9], $0x50  }
0x133: {  	[sflag:s9] =	ssyncset.done $0x0  }
0x134: {  	[sflag:s9] =	ssyncadd.s32 $0xFFFFFFB0  }
0x135: {  	_ =	swait.ge [sflag:s9], $0x50  }
0x136: {  	[sflag:s9] =	ssyncset.done $0x0  }
0x137: {  	[sflag:s9] =	ssyncadd.s32 $0xFFFFFFB0  }
0x138: {  	_ =	swait.ge [sflag:s9], $0x50  }
0x139: {  	s0 =	sld [smem:$0x7CA]  }
0x13a: {  	s10 =	sld [smem:$0x7CB]  }
0x13b: {  	[sflag:s9] =	ssyncset.done $0x0;
	s11 =	sld [smem:$0x7CC]  }
0x13c: {  	s12 =	sld [smem:$0x7CD];
	[sflag:s9] =	ssyncadd.s32 $0xFFFFFFB0  }
0x13d: {  	[tilespmem:s10], [sflag:$0x1] =	stream.indirect.gather [hbm4b:s1+s7], $0x1, s0, s7, $0xb8;
	[tilespmem:$0x2B00] =	vst v63  }
0x13e: {  	s0 =	sld [smem:$0x7CE]  }
0x13f: {  	s10 =	sld [smem:$0x7CF]  }
0x140: {  	[tilespmem:s12], [sflag:$0x1] =	stream.indirect.gather [hbm4b:s1+s7], $0x1, s11, s7, $0xb8;
	[tilespmem:$0x2B00] =	vst v63  }
0x141: {  	s11 =	sld [smem:$0x7D0]  }
0x142: {  	s12 =	sld [smem:$0x7D1]  }
0x143: {  	[tilespmem:s10], [sflag:$0x1] =	stream.indirect.gather [hbm4b:s1+s7], $0x1, s0, s7, $0xb8;
	[tilespmem:$0x2B00] =	vst v63  }
0x144: {  	s0 =	sld [smem:$0x7D2]  }
0x145: {  	s10 =	sld [smem:$0x7D3]  }
0x146: {  	[tilespmem:s12], [sflag:$0x1] =	stream.indirect.gather [hbm4b:s1+s7], $0x1, s11, s7, $0xb8;
	[tilespmem:$0x2B00] =	vst v63  }
0x147: {  	s11 =	sld [smem:$0x7D4]  }
0x148: {  	s12 =	sld [smem:$0x7D5]  }
0x149: {  	[tilespmem:s10], [sflag:$0x1] =	stream.indirect.gather [hbm4b:s1+s7], $0x1, s0, s7, $0xb8;
	[tilespmem:$0x2B00] =	vst v63  }
0x14a: {  	s0 =	sld [smem:$0x7D6]  }
0x14b: {  	s10 =	sld [smem:$0x7D7]  }
0x14c: {  	[tilespmem:s12], [sflag:$0x1] =	stream.indirect.gather [hbm4b:s1+s7], $0x1, s11, s7, $0xb8;
	[tilespmem:$0x2B00] =	vst v63  }
0x14d: {  	s11 =	sld [smem:$0x7D8]  }
0x14e: {  	s12 =	sld [smem:$0x7D9]  }
0x14f: {  	[tilespmem:s10], [sflag:$0x1] =	stream.indirect.gather [hbm4b:s1+s7], $0x1, s0, s7, $0xb8;
	[tilespmem:$0x2B00] =	vst v63  }
0x150: {  	_ = 	snop  }
0x151: {  	[tilespmem:s12], [sflag:$0x1] =	stream.indirect.gather [hbm4b:s1+s7], $0x1, s11, s7, $0xb8;
	[tilespmem:$0x2B00] =	vst v63  }
0x152: {  	_ =	swait.ge [sflag:s9], $0x50  }
0x153: {  	[sflag:s9] =	ssyncset.done $0x0  }
0x154: {  	[sflag:s9] =	ssyncadd.s32 $0xFFFFFFB0  }
0x155: {  	_ =	swait.ge [sflag:s9], $0x50  }
0x156: {  	[sflag:s9] =	ssyncset.done $0x0  }
0x157: {  	[sflag:s9] =	ssyncadd.s32 $0xFFFFFFB0  }
0x158: {  	_ =	swait.ge [sflag:s9], $0x50  }
0x159: {  	[sflag:s9] =	ssyncset.done $0x0  }
0x15a: {  	[sflag:s9] =	ssyncadd.s32 $0xFFFFFFB0  }
0x15b: {  	_ =	swait.ge [sflag:s9], $0x50  }
0x15c: {  	[sflag:s9] =	ssyncset.done $0x0  }
0x15d: {  	[sflag:s9] =	ssyncadd.s32 $0xFFFFFFB0  }
0x15e: {  	_ =	swait.ge [sflag:s9], $0x50  }
0x15f: {  	[sflag:s9] =	ssyncset.done $0x0  }
0x160: {  	[sflag:s9] =	ssyncadd.s32 $0xFFFFFFB0  }
0x161: {  	_ =	swait.ge [sflag:s9], $0x50  }
0x162: {  	[sflag:s9] =	ssyncset.done $0x0  }
0x163: {  	[sflag:s9] =	ssyncadd.s32 $0xFFFFFFB0  }
0x164: {  	_ =	swait.ge [sflag:s9], $0x50  }
0x165: {  	[sflag:s9] =	ssyncset.done $0x0  }
0x166: {  	[sflag:s9] =	ssyncadd.s32 $0xFFFFFFB0  }
0x167: {  	_ =	swait.ge [sflag:s9], $0x50  }
0x168: {  	s0 =	sld [smem:$0x7DA]  }
0x169: {  	s10 =	sld [smem:$0x7DB]  }
0x16a: {  	[sflag:s9] =	ssyncset.done $0x0;
	s11 =	sld [smem:$0x7DC]  }
0x16b: {  	s12 =	sld [smem:$0x7DD];
	[sflag:s9] =	ssyncadd.s32 $0xFFFFFFB0  }
0x16c: {  	[tilespmem:s10], [sflag:$0x1] =	stream.indirect.gather [hbm4b:s1+s7], $0x1, s0, s7, $0xb8;
	[tilespmem:$0x2B00] =	vst v63  }
0x16d: {  	s0 =	sld [smem:$0x7DE]  }
0x16e: {  	s10 =	sld [smem:$0x7DF]  }
0x16f: {  	[tilespmem:s12], [sflag:$0x1] =	stream.indirect.gather [hbm4b:s1+s7], $0x1, s11, s7, $0xb8;
	[tilespmem:$0x2B00] =	vst v63  }
0x170: {  	s11 =	sld [smem:$0x7E0]  }
0x171: {  	s12 =	sld [smem:$0x7E1]  }
0x172: {  	[tilespmem:s10], [sflag:$0x1] =	stream.indirect.gather [hbm4b:s1+s7], $0x1, s0, s7, $0xb8;
	[tilespmem:$0x2B00] =	vst v63  }
0x173: {  	s0 =	sld [smem:$0x7E2]  }
0x174: {  	s10 =	sld [smem:$0x7E3]  }
0x175: {  	[tilespmem:s12], [sflag:$0x1] =	stream.indirect.gather [hbm4b:s1+s7], $0x1, s11, s7, $0xb8;
	[tilespmem:$0x2B00] =	vst v63  }
0x176: {  	s11 =	sld [smem:$0x7E4]  }
0x177: {  	s12 =	sld [smem:$0x7E5]  }
0x178: {  	[tilespmem:s10], [sflag:$0x1] =	stream.indirect.gather [hbm4b:s1+s7], $0x1, s0, s7, $0xb8;
	[tilespmem:$0x2B00] =	vst v63  }
0x179: {  	s0 =	sld [smem:$0x7E6]  }
0x17a: {  	s10 =	sld [smem:$0x7E7]  }
0x17b: {  	[tilespmem:s12], [sflag:$0x1] =	stream.indirect.gather [hbm4b:s1+s7], $0x1, s11, s7, $0xb8;
	[tilespmem:$0x2B00] =	vst v63  }
0x17c: {  	s11 =	sld [smem:$0x7E8]  }
0x17d: {  	s12 =	sld [smem:$0x7E9]  }
0x17e: {  	[tilespmem:s10], [sflag:$0x1] =	stream.indirect.gather [hbm4b:s1+s7], $0x1, s0, s7, $0xb8;
	[tilespmem:$0x2B00] =	vst v63  }
0x17f: {  	_ = 	snop  }
0x180: {  	[tilespmem:s12], [sflag:$0x1] =	stream.indirect.gather [hbm4b:s1+s7], $0x1, s11, s7, $0xb8;
	[tilespmem:$0x2B00] =	vst v63  }
0x181: {  	_ =	swait.ge [sflag:s9], $0x50  }
0x182: {  	[sflag:s9] =	ssyncset.done $0x0  }
0x183: {  	[sflag:s9] =	ssyncadd.s32 $0xFFFFFFB0  }
0x184: {  	_ =	swait.ge [sflag:s9], $0x50  }
0x185: {  	[sflag:s9] =	ssyncset.done $0x0  }
0x186: {  	[sflag:s9] =	ssyncadd.s32 $0xFFFFFFB0  }
0x187: {  	_ =	swait.ge [sflag:s9], $0x50  }
0x188: {  	[sflag:s9] =	ssyncset.done $0x0  }
0x189: {  	[sflag:s9] =	ssyncadd.s32 $0xFFFFFFB0  }
0x18a: {  	_ =	swait.ge [sflag:s9], $0x50  }
0x18b: {  	[sflag:s9] =	ssyncset.done $0x0  }
0x18c: {  	[sflag:s9] =	ssyncadd.s32 $0xFFFFFFB0  }
0x18d: {  	_ =	swait.ge [sflag:s9], $0x50  }
0x18e: {  	[sflag:s9] =	ssyncset.done $0x0  }
0x18f: {  	[sflag:s9] =	ssyncadd.s32 $0xFFFFFFB0  }
0x190: {  	_ =	swait.ge [sflag:s9], $0x50  }
0x191: {  	[sflag:s9] =	ssyncset.done $0x0  }
0x192: {  	[sflag:s9] =	ssyncadd.s32 $0xFFFFFFB0  }
0x193: {  	_ =	swait.ge [sflag:s9], $0x50  }
0x194: {  	[sflag:s9] =	ssyncset.done $0x0  }
0x195: {  	[sflag:s9] =	ssyncadd.s32 $0xFFFFFFB0  }
0x196: {  	_ =	swait.ge [sflag:s9], $0x50  }
0x197: {  	s0 =	sld [smem:$0x7EA]  }
0x198: {  	s10 =	sld [smem:$0x7EB]  }
0x199: {  	[sflag:s9] =	ssyncset.done $0x0;
	s11 =	sld [smem:$0x7EC]  }
0x19a: {  	s12 =	sld [smem:$0x7ED];
	[sflag:s9] =	ssyncadd.s32 $0xFFFFFFB0  }
0x19b: {  	[tilespmem:s10], [sflag:$0x1] =	stream.indirect.gather [hbm4b:s1+s7], $0x1, s0, s7, $0xb8;
	[tilespmem:$0x2B00] =	vst v63  }
0x19c: {  	s0 =	sld [smem:$0x7EE]  }
0x19d: {  	s10 =	sld [smem:$0x7EF]  }
0x19e: {  	[tilespmem:s12], [sflag:$0x1] =	stream.indirect.gather [hbm4b:s1+s7], $0x1, s11, s7, $0xb8;
	[tilespmem:$0x2B00] =	vst v63  }
0x19f: {  	s11 =	sld [smem:$0x7F0]  }
0x1a0: {  	s12 =	sld [smem:$0x7F1]  }
0x1a1: {  	[tilespmem:s10], [sflag:$0x1] =	stream.indirect.gather [hbm4b:s1+s7], $0x1, s0, s7, $0xb8;
	[tilespmem:$0x2B00] =	vst v63  }
0x1a2: {  	s0 =	sld [smem:$0x7F2]  }
0x1a3: {  	s10 =	sld [smem:$0x7F3]  }
0x1a4: {  	[tilespmem:s12], [sflag:$0x1] =	stream.indirect.gather [hbm4b:s1+s7], $0x1, s11, s7, $0xb8;
	[tilespmem:$0x2B00] =	vst v63  }
0x1a5: {  	s11 =	sld [smem:$0x7F4]  }
0x1a6: {  	s12 =	sld [smem:$0x7F5]  }
0x1a7: {  	[tilespmem:s10], [sflag:$0x1] =	stream.indirect.gather [hbm4b:s1+s7], $0x1, s0, s7, $0xb8;
	[tilespmem:$0x2B00] =	vst v63  }
0x1a8: {  	s0 =	sld [smem:$0x7F6]  }
0x1a9: {  	s10 =	sld [smem:$0x7F7]  }
0x1aa: {  	[tilespmem:s12], [sflag:$0x1] =	stream.indirect.gather [hbm4b:s1+s7], $0x1, s11, s7, $0xb8;
	[tilespmem:$0x2B00] =	vst v63  }
0x1ab: {  	s11 =	sld [smem:$0x7F8]  }
0x1ac: {  	s12 =	sld [smem:$0x7F9]  }
0x1ad: {  	[tilespmem:s10], [sflag:$0x1] =	stream.indirect.gather [hbm4b:s1+s7], $0x1, s0, s7, $0xb8;
	[tilespmem:$0x2B00] =	vst v63  }
0x1ae: {  	_ = 	snop  }
0x1af: {  	[tilespmem:s12], [sflag:$0x1] =	stream.indirect.gather [hbm4b:s1+s7], $0x1, s11, s7, $0xb8;
	[tilespmem:$0x2B00] =	vst v63  }
0x1b0: {  	_ =	swait.ge [sflag:s9], $0x50  }
0x1b1: {  	[sflag:s9] =	ssyncset.done $0x0  }
0x1b2: {  	[sflag:s9] =	ssyncadd.s32 $0xFFFFFFB0  }
0x1b3: {  	_ =	swait.ge [sflag:s9], $0x50  }
0x1b4: {  	[sflag:s9] =	ssyncset.done $0x0  }
0x1b5: {  	[sflag:s9] =	ssyncadd.s32 $0xFFFFFFB0  }
0x1b6: {  	_ =	swait.ge [sflag:s9], $0x50  }
0x1b7: {  	[sflag:s9] =	ssyncset.done $0x0  }
0x1b8: {  	[sflag:s9] =	ssyncadd.s32 $0xFFFFFFB0  }
0x1b9: {  	_ =	swait.ge [sflag:s9], $0x50  }
0x1ba: {  	[sflag:s9] =	ssyncset.done $0x0  }
0x1bb: {  	[sflag:s9] =	ssyncadd.s32 $0xFFFFFFB0  }
0x1bc: {  	_ =	swait.ge [sflag:s9], $0x50  }
0x1bd: {  	[sflag:s9] =	ssyncset.done $0x0  }
0x1be: {  	[sflag:s9] =	ssyncadd.s32 $0xFFFFFFB0  }
0x1bf: {  	_ =	swait.ge [sflag:s9], $0x50  }
0x1c0: {  	[sflag:s9] =	ssyncset.done $0x0  }
0x1c1: {  	[sflag:s9] =	ssyncadd.s32 $0xFFFFFFB0  }
0x1c2: {  	_ =	swait.ge [sflag:s9], $0x50  }
0x1c3: {  	[sflag:s9] =	ssyncset.done $0x0  }
0x1c4: {  	[sflag:s9] =	ssyncadd.s32 $0xFFFFFFB0  }
0x1c5: {  	_ =	swait.ge [sflag:s9], $0x50  }
0x1c6: {  	s0 =	sld [smem:$0x7FA]  }
0x1c7: {  	s10 =	sld [smem:$0x7FB]  }
0x1c8: {  	[sflag:s9] =	ssyncset.done $0x0;
	s11 =	sld [smem:$0x7FC]  }
0x1c9: {  	s12 =	sld [smem:$0x7FD];
	[sflag:s9] =	ssyncadd.s32 $0xFFFFFFB0  }
0x1ca: {  	[tilespmem:s10], [sflag:$0x1] =	stream.indirect.gather [hbm4b:s1+s7], $0x1, s0, s7, $0xb8;
	[tilespmem:$0x2B00] =	vst v63  }
0x1cb: {  	_ = 	snop  }
0x1cc: {  	[tilespmem:s12], [sflag:$0x1] =	stream.indirect.gather [hbm4b:s1+s7], $0x1, s11, s7, $0xb8;
	[tilespmem:$0x2B00] =	vst v63  }
0x1cd: {  	s10 =	simm.s32 $0x1220;
	s11 =	simm.s32 $0x2620  }
0x1ce: {  	[tilespmem:s11], [sflag:$0x1] =	stream.indirect.gather [hbm4b:s1+s7], $0x1, s10, s7, $0xb8;
	[tilespmem:$0x2B00] =	vst v63  }
0x1cf: {  	s12 =	simm.s32 $0x1270  }
0x1d0: {  	[tilespmem:s13], [sflag:$0x1] =	stream.indirect.gather [hbm4b:s1+s7], $0x1, s12, s7, $0xb8;
	[tilespmem:$0x2B00] =	vst v63  }
0x1d1: {  	_ = 	snop  }
0x1d2: {  	[tilespmem:s15], [sflag:$0x1] =	stream.indirect.gather [hbm4b:s1+s7], $0x1, s14, s7, $0xb8;
	[tilespmem:$0x2B00] =	vst v63  }
0x1d3: {  	_ = 	snop  }
0x1d4: {  	[tilespmem:s17], [sflag:$0x1] =	stream.indirect.gather [hbm4b:s1+s7], $0x1, s16, s7, $0xb8;
	[tilespmem:$0x2B00] =	vst v63  }
0x1d5: {  	_ = 	snop  }
0x1d6: {  	[tilespmem:s20], [sflag:$0x1] =	stream.indirect.gather [hbm4b:s1+s18], $0x1, s19, s18, $0xb8;
	[tilespmem:$0x2B00] =	vst v63  }
0x1d7: {  	_ =	swait.ge [sflag:s9], $0x50  }
0x1d8: {  	[sflag:s9] =	ssyncset.done $0x0  }
0x1d9: {  	[sflag:s9] =	ssyncadd.s32 $0xFFFFFFB0  }
0x1da: {  	_ =	swait.ge [sflag:s9], $0x50  }
0x1db: {  	[sflag:s9] =	ssyncset.done $0x0  }
0x1dc: {  	[sflag:s9] =	ssyncadd.s32 $0xFFFFFFB0  }
0x1dd: {  	_ =	swait.ge [sflag:s9], $0x50  }
0x1de: {  	[sflag:s9] =	ssyncset.done $0x0  }
0x1df: {  	[sflag:s9] =	ssyncadd.s32 $0xFFFFFFB0  }
0x1e0: {  	_ =	swait.ge [sflag:s9], $0x50  }
0x1e1: {  	[sflag:s9] =	ssyncset.done $0x0  }
0x1e2: {  	[sflag:s9] =	ssyncadd.s32 $0xFFFFFFB0  }
0x1e3: {  	_ =	swait.ge [sflag:s9], $0x50  }
0x1e4: {  	[sflag:s9] =	ssyncset.done $0x0  }
0x1e5: {  	[sflag:s9] =	ssyncadd.s32 $0xFFFFFFB0  }
0x1e6: {  	_ =	swait.ge [sflag:s9], $0x50  }
0x1e7: {  	[sflag:s9] =	ssyncset.done $0x0  }
0x1e8: {  	[sflag:s9] =	ssyncadd.s32 $0xFFFFFFB0  }
0x1e9: {  	_ =	swait.ge [sflag:s9], $0x28  }
0x1ea: {  	[sflag:s9] =	ssyncset.done $0x0  }
0x1eb: {  	s10 =	rddreg [dreg:$0x6];
	[sflag:s9] =	ssyncadd.s32 $0xFFFFFFD8  }
0x1ec: {  	[hbm4b:s10+s4] =	stream.linear.scatter [tilespmem:s8], [sflag:$0x2], $0x1388, $0x38;
	[tilespmem:$0x2B00] =	vst v63  }
0x1ed: {  	_ =	swait.ge [sflag:s6], $0x1388  }
0x1ee: {  	[sflag:s6] =	ssyncset.done $0x0  }
0x1ef: {  	s11 =	rddreg [dreg:$0x7];
	[sflag:s6] =	ssyncadd.s32 $0xFFFFEC78  }
0x1f0: {  	[tilespmem:s21], [sflag:$0x2] =	stream.linear.gather [hbm4b:s11+s4], $0x140, $0x38;
	[tilespmem:$0x2B00] =	vst v63  }
0x1f1: {  	_ =	swait.ge [sflag:s6], $0x140  }
0x1f2: {  	[sflag:s6] =	ssyncset.done $0x0  }
0x1f3: {  	[sflag:s6] =	ssyncadd.s32 $0xFFFFFEC0  }
0x1f4: {  	[tilespmem:s23], [sflag:$0x1] =	stream.indirect.gather [hbm4b:s3+s22], $0x1, s21, s22, $0xb8;
	[tilespmem:$0x2B00] =	vst v63  }
0x1f5: {  	_ = 	snop  }
0x1f6: {  	[tilespmem:s25], [sflag:$0x1] =	stream.indirect.gather [hbm4b:s3+s22], $0x1, s24, s22, $0xb8;
	[tilespmem:$0x2B00] =	vst v63  }
0x1f7: {  	_ = 	snop  }
0x1f8: {  	[tilespmem:s28], [sflag:$0x1] =	stream.indirect.gather [hbm4b:s3+s22], $0x1, s26, s22, $0xb8;
	[tilespmem:$0x2B00] =	vst v63  }
0x1f9: {  	_ = 	snop  }
0x1fa: {  	[tilespmem:s30], [sflag:$0x1] =	stream.indirect.gather [hbm4b:s3+s22], $0x1, s29, s22, $0xb8;
	[tilespmem:$0x2B00] =	vst v63  }
0x1fb: {  	_ = 	snop  }
0x1fc: {  	[tilespmem:s2], [sflag:$0x1] =	stream.indirect.gather [hbm4b:s3+s22], $0x1, s31, s22, $0xb8;
	[tilespmem:$0x2B00] =	vst v63  }
0x1fd: {  	_ =	swait.ge [sflag:s9], $0x40  }
0x1fe: {  	[sflag:s9] =	ssyncset.done $0x0  }
0x1ff: {  	[sflag:s9] =	ssyncadd.s32 $0xFFFFFFC0  }
0x200: {  	_ =	swait.ge [sflag:s9], $0x40  }
0x201: {  	[sflag:s9] =	ssyncset.done $0x0  }
0x202: {  	[sflag:s9] =	ssyncadd.s32 $0xFFFFFFC0  }
0x203: {  	_ =	swait.ge [sflag:s9], $0x40  }
0x204: {  	[sflag:s9] =	ssyncset.done $0x0  }
0x205: {  	[sflag:s9] =	ssyncadd.s32 $0xFFFFFFC0  }
0x206: {  	_ =	swait.ge [sflag:s9], $0x40  }
0x207: {  	[sflag:s9] =	ssyncset.done $0x0  }
0x208: {  	[sflag:s9] =	ssyncadd.s32 $0xFFFFFFC0  }
0x209: {  	_ =	swait.ge [sflag:s9], $0x40  }
0x20a: {  	p0 =	sne.s32 s5, $0x1;
	[sflag:s9] =	ssyncset.done $0x0  }
.Ltmp0:
0x20b: {  	s12 =	rddreg [dreg:$0x8];
	[sflag:s9] =	ssyncadd.s32 $0xFFFFFFC0;
	(pc) =	sbr.rel @p0 .LBB2_1-.Ltmp0, $4  }
0x20c: {  	[hbm4b:s12+s4] =	stream.linear.scatter [tilespmem:s23], [sflag:$0x2], $0x140, $0x38;
	[tilespmem:$0x2B00] =	vst v63  }
0x20d: {  	_ =	swait.ge [sflag:s6], $0x140  }
0x20e: {  	[sflag:s6] =	ssyncset.done $0x0  }
0x20f: {  	s5 =	sadd.s32 $0xFFFFFFFF, s5;
	[sflag:s6] =	ssyncadd.s32 $0xFFFFFEC0  }
0x210: {  	_ =	sfence.sel $0x180000  }
0x211: {  	[bflag:$0x0] =	sbarrier.arrive $0xFFFF  }
0x212: {  	_ =	strace $0x90000047  }
0x213: {  	s0 =	stileid.u32;
	[bflag:$0x2] =	sbarrier.arrive $0xFFFF  }
0x214: {  	p0 =	sne.s32 s0, $0x0;
	s0 =	rddreg [dreg:$0x4]  }
0x215: {  	s0 =	sadd.s32 @!p0 $0x100000, s0  }
0x216: {  	[sflag:s0] =	ssyncadd.tile.s32 @!p0 $0x1;
	_ =	shalt  }
.Lfunc_end2:
_tile_overlayer_lowered:
.L_overlay_start_2:
0x217: {  	(tag) =	ssettag $0x2  }
0x218: {  	s0 =	rddreg [dreg:$0x0];
	s2 =	stileid.u32  }
0x219: {  	s1 =	rddreg [dreg:$0x1];
	p0 =	sne.s32 s2, $0x0  }
0x21a: {  	s3 =	rddreg [dreg:$0x2];
	[bflag:$0x3] =	sbarrier.arrive $0xFFFF;
	s2 =	simm.s32 @!p0 $0x1C02  }
0x21b: {  	[timem:s3], [sflag:s2] =	dma.local @!p0 [hbm:s0], s1  }
0x21c: {  	s0 =	simm.s32 @!p0 $0x2  }
0x21d: {  	_ =	swait.ge @!p0 [sflag:s0], s1  }
0x21e: {  	s1 =	ssub.s32 @!p0 $0x0, s1;
	[sflag:s0] =	ssyncset.done @!p0 $0x0  }
0x21f: {  	[sflag:s0] =	ssyncadd.s32 @!p0 s1  }
0x220: {  	[bflag:$0x3] =	sbarrier.arrive $0xFFFF  }
0x221: {  	_ =	shalt  }

// kernel: kernel.8.cloned.1.call-start
scs
__scs_entry_jumppad:
0x0: {  	(pc) =	sbr.rel $0x88, $3  }
0x1: {  	(tag) =	ssettag $0x0;
	lr =	simm.s32 $0x1  }
0x2: {  	[smem:$0x3F98] =	sst lr;
	_ =	strace $0xD0000000  }
0x3: {  	_ = 	snop  }
0x4: {  	_ = 	snop  }
0x5: {  	_ = 	snop  }
0x6: {  	_ = 	snop  }
0x7: {  	_ = 	snop  }
__scs_overlays_trampoline_lowered:
0x8: {  	[smem:$0x3FA7] =	sst s0  }
0x9: {  	[smem:$0x3FA8] =	sst s1  }
0xa: {  	[smem:$0x3FA9] =	sst s2  }
0xb: {  	[smem:$0x3FAA] =	sst s3  }
0xc: {  	[smem:$0x3FAB] =	sst s4  }
0xd: {  	[smem:$0x3FAC] =	sst s5  }
0xe: {  	[smem:$0x3FAD] =	sst s6  }
0xf: {  	[smem:$0x3FAE] =	sst s7  }
0x10: {  	[smem:$0x3FAF] =	sst s8  }
0x11: {  	[smem:$0x3FB0] =	sst s9;
	s0 =	simm.s32 @!p0 $0x0  }
0x12: {  	s1 =	sld [smem:$0x3F96];
	s0 =	simm.s32 @p0 $0x1  }
0x13: {  	[smem:$0x3FB1] =	sst s0;
	s0 =	simm.s32 @!p1 $0x0  }
0x14: {  	s2 =	sld [smem:$0x3F95];
	s0 =	simm.s32 @p1 $0x1  }
0x15: {  	[smem:$0x3FB2] =	sst s0;
	s0 =	simm.s32 @!p2 $0x0  }
0x16: {  	s3 =	sld [smem:$0x3FDB];
	s0 =	simm.s32 @p2 $0x1  }
0x17: {  	s4 =	simm.s32 $0x1BF5;
	[smem:$0x3FB4] =	sst s0  }
0x18: {  	s0 =	sld [smem:$0x3F97];
	_ =	swait.ge [sflag:s4], $0x0  }
0x19: {  	s7 =	sld [smem:$0x3F98]  }
0x1a: {  	s8 =	sadd.s32 $0xFFFFE003, lr  }
0x1b: {  	s9 =	sadd.s32 $0xFFFFFEF7, lr;
	s5 =	simm.s32 $0xFFFFFFFF;
	p2 =	slt.u32 s8, $0xFFFFF086  }
0x1c: {  	p1 =	slt.u32 s9, $0xF7A;
	s5 =	simm.s32 @!p2 $0x0  }
0x1d: {  	s5 =	simm.s32 @p1 $0x1;
	p0 =	seq.s32 s7, s2  }
0x1e: {  	s7 =	smul.u32 @!p0 $0xF7A, s2;
	p2 =	seq.s32 @!p0 s5, $0x0  }
0x1f: {  	s9 =	smul.u32 $0xF7A, s1;
	s8 =	simm.s32 @!p0 $0x1BF5;
	p2 =	por !p2, p0  }
0x20: {  	[sflag:s8] =	ssyncset.s32 @!p0 $0xFFFFF086;
	s6 =	sadd.s32 @!p0 s3, s7;
	s7 =	simm.s32 @!p0 $0x108  }
0x21: {  	s3 =	sadd.s32 s3, s9;
	s6 =	sadd.s32 @!p0 $0x88, s6;
	s7 =	simm.s32 @p2 $0x1082  }
0x22: {  	[simem:s7], [sflag:s8] =	dma.local @!p0 [hbm:s6], $0xF7A  }
0x23: {  	s9 =	sor.u32 $0xD0000000, s2;
	s6 =	simm.s32 $0x108;
	_ =	swait.ge @!p0 [sflag:s8], $0x0  }
0x24: {  	s3 =	sadd.s32 $0x88, s3;
	s6 =	simm.s32 @!p1 $0x1082;
	[sflag:s4] =	ssyncset.s32 $0xFFFFF086  }
0x25: {  	[simem:s6], [sflag:s4] =	dma.local [hbm:s3], $0xF7A  }
0x26: {  	[smem:$0x3F98] =	sst s1;
	(tag) =	ssettag s2;
	_ =	strace s9  }
0x27: {  	s1 =	sld [smem:$0x3FA8]  }
0x28: {  	s2 =	sld [smem:$0x3FA9]  }
0x29: {  	s4 =	sld [smem:$0x3FAB]  }
0x2a: {  	p0 =	seq.s32 s5, $0x0;
	s5 =	sld [smem:$0x3FAC]  }
0x2b: {  	s6 =	sld [smem:$0x3FAD]  }
0x2c: {  	s7 =	sld [smem:$0x3FAE]  }
0x2d: {  	s3 =	simm.s32 $0x108;
	s8 =	sld [smem:$0x3FAF]  }
0x2e: {  	s3 =	simm.s32 @!p0 $0x1082;
	s9 =	sld [smem:$0x3FB0]  }
0x2f: {  	lr =	sadd.s32 s0, s3;
	s0 =	sld [smem:$0x3FA7]  }
0x30: {  	s3 =	sld [smem:$0x3FAA]  }
0x31: {  	[smem:$0x3FB3] =	sst s10  }
0x32: {  	s10 =	sld [smem:$0x3FB1];
	_ =	sdelay $0x3  }
0x33: {  	p0 =	seq.s32 s10, $0x1;
	s10 =	sld [smem:$0x3FB3];
	_ =	sdelay $0x3  }
0x34: {  	[smem:$0x3FB3] =	sst s10  }
0x35: {  	s10 =	sld [smem:$0x3FB2];
	_ =	sdelay $0x3  }
0x36: {  	p1 =	seq.s32 s10, $0x1;
	s10 =	sld [smem:$0x3FB3];
	_ =	sdelay $0x3  }
0x37: {  	[smem:$0x3FB3] =	sst s10  }
0x38: {  	s10 =	sld [smem:$0x3FB4]  }
0x39: {  	_ = 	snop;
	(pc) =	sbr.ind lr, $3  }
0x3a: {  	_ = 	snop  }
0x3b: {  	_ = 	snop  }
0x3c: {  	p2 =	seq.s32 s10, $0x1;
	s10 =	sld [smem:$0x3FB3]  }
0x3d: {  	_ =	shalt  }
0x3e: {  	_ =	shalt  }
0x3f: {  	_ =	shalt  }
0x40: {  	_ =	shalt  }
0x41: {  	_ =	shalt  }
0x42: {  	_ =	shalt  }
0x43: {  	_ =	shalt  }
0x44: {  	_ =	shalt  }
0x45: {  	_ =	shalt  }
0x46: {  	_ =	shalt  }
0x47: {  	_ =	shalt  }
0x48: {  	_ =	shalt  }
0x49: {  	_ =	shalt  }
0x4a: {  	_ =	shalt  }
0x4b: {  	_ =	shalt  }
0x4c: {  	_ =	shalt  }
0x4d: {  	_ =	shalt  }
0x4e: {  	_ =	shalt  }
0x4f: {  	_ =	shalt  }
0x50: {  	_ =	shalt  }
0x51: {  	_ =	shalt  }
0x52: {  	_ =	shalt  }
0x53: {  	_ =	shalt  }
0x54: {  	_ =	shalt  }
0x55: {  	_ =	shalt  }
0x56: {  	_ =	shalt  }
0x57: {  	_ =	shalt  }
0x58: {  	_ =	shalt  }
0x59: {  	_ =	shalt  }
0x5a: {  	_ =	shalt  }
0x5b: {  	_ =	shalt  }
0x5c: {  	_ =	shalt  }
0x5d: {  	_ =	shalt  }
0x5e: {  	_ =	shalt  }
0x5f: {  	_ =	shalt  }
0x60: {  	_ =	shalt  }
0x61: {  	_ =	shalt  }
0x62: {  	_ =	shalt  }
0x63: {  	_ =	shalt  }
0x64: {  	_ =	shalt  }
0x65: {  	_ =	shalt  }
0x66: {  	_ =	shalt  }
0x67: {  	_ =	shalt  }
0x68: {  	_ =	shalt  }
0x69: {  	_ =	shalt  }
0x6a: {  	_ =	shalt  }
0x6b: {  	_ =	shalt  }
0x6c: {  	_ =	shalt  }
0x6d: {  	_ =	shalt  }
0x6e: {  	_ =	shalt  }
0x6f: {  	_ =	shalt  }
0x70: {  	_ =	shalt  }
0x71: {  	_ =	shalt  }
0x72: {  	_ =	shalt  }
0x73: {  	_ =	shalt  }
0x74: {  	_ =	shalt  }
0x75: {  	_ =	shalt  }
0x76: {  	_ =	shalt  }
0x77: {  	_ =	shalt  }
0x78: {  	_ =	shalt  }
0x79: {  	_ =	shalt  }
0x7a: {  	_ =	shalt  }
0x7b: {  	_ =	shalt  }
0x7c: {  	_ =	shalt  }
0x7d: {  	_ =	shalt  }
0x7e: {  	_ =	shalt  }
0x7f: {  	_ =	shalt  }
0x80: {  	_ =	shalt  }
0x81: {  	_ =	shalt  }
0x82: {  	_ =	shalt  }
0x83: {  	_ =	shalt  }
0x84: {  	_ =	shalt  }
0x85: {  	_ =	shalt  }
0x86: {  	_ =	shalt  }
0x87: {  	_ =	shalt  }
.Lfunc_end0:
.L_simem_size_0:
called_computation.1_lowered:
.L_overlay_start_0:
0x88: {  	s2 =	sld [smem:$0x3FD9]  }
0x89: {  	s3 =	sld [smem:$0x3FFE];
	_ =	sdelay $0x1  }
0x8a: {  	s1 =	srdreg.scid  }
0x8b: {  	s0 =	sand.u32 $0x1, s1  }
0x8c: {  	s17 =	sshll.u32 s0, $0xA;
	s2 =	sadd.s32 s3, s2  }
0x8d: {  	s2 =	sadd.s32 s2, s17  }
0x8e: {  	[smem:$0x3FBF] =	sst s2  }
0x8f: {  	_ = 	snop  }
0x90: {  	s2 =	sld [smem:$0x3FC5];
	(tm) =	ssettm $0x1  }
0x91: {  	s18 =	sld [smem:$0x3FFB];
	_ =	sdelay $0x3  }
0x92: {  	_ =	strace s18  }
0x93: {  	s3 =	sld [smem:$0x3FFC];
	_ =	sdelay $0x3  }
0x94: {  	_ =	strace s3  }
0x95: {  	s3 =	sld [smem:$0x3FFD];
	_ =	sdelay $0x3  }
0x96: {  	_ =	strace s3  }
0x97: {  	_ =	strace $0x8FFFFFFF  }
0x98: {  	s19 =	sld [smem:$0x3FDB];
	_ =	sdelay $0x1  }
0x99: {  	s4 =	simm.s32 $_scs_section_size  }
0x9a: {  	s5 =	simm.s32 $_size__tile_overlayer_lowered;
	s6 =	simm.s32 $_tile_overlayer_lowered  }
0x9b: {  	s22 =	simm.s32 $0x1BFF;
	s21 =	sshll.u32 s6, $0x1;
	s3 =	sadd.s32 s4, s19  }
0x9c: {  	s7 =	simm.s32 $0x0;
	s20 =	sshll.u32 s5, $0x1;
	s5 =	sadd.s32 s21, s3  }
0x9d: {  	[timem:s7], [sflag:s22] =	dma.local [hbm:s5], s20  }
0x9e: {  	_ =	swait.ge [sflag:s22], s20  }
0x9f: {  	s4 =	ssub.s32 $0x0, s20;
	[sflag:s22] =	ssyncset.done $0x0  }
0xa0: {  	[sflag:s22] =	ssyncadd.s32 s4;
	_ =	sdelay $0x1  }
0xa1: {  	s23 =	simm.s32 $0x1B8B  }
0xa2: {  	_ =	swait.ge [sflag:s23], $0x1  }
0xa3: {  	[sflag:s23] =	ssyncset.done $0x0  }
0xa4: {  	s25 =	simm.s32 $0x1B8E;
	s24 =	sld [smem:$0x3FFE];
	[sflag:s23] =	ssyncadd.s32 $0xFFFFFFFF  }
0xa5: {  	s26 =	simm.s32 $execute0_lowered;
	[smem:$0x3FD2] =	sst s25  }
0xa6: {  	s5 =	sshll.u32 s26, $0x1;
	_ =	strace $0x80000049;
	[dreg:$0x1] =	wrdreg $0xFFFFFFFF  }
0xa7: {  	s28 =	simm.s32 $_size_execute0_lowered;
	s3 =	sadd.s32 s3, s5;
	[dreg:$0x0] =	wrdreg $0x0  }
0xa8: {  	s5 =	sshll.u32 s28, $0x1;
	[dreg:$0x2] =	wrdreg s3  }
0xa9: {  	[dreg:$0x3] =	wrdreg s5  }
0xaa: {  	[dreg:$0x4] =	wrdreg $0xC0  }
0xab: {  	_ =	task [dreg:s7], $0x5FFFF  }
0xac: {  	[dreg:$0x1] =	wrdreg $0xFFFFFFFF  }
0xad: {  	[dreg:$0x0] =	wrdreg $0x60  }
0xae: {  	[dreg:$0x2] =	wrdreg s24  }
0xaf: {  	[dreg:$0x3] =	wrdreg s2  }
0xb0: {  	[dreg:$0x4] =	wrdreg $0x9  }
0xb1: {  	_ =	task.clear_ibuf [dreg:s7], $0x5FFFF;
	_ =	strace $0x90000049  }
0xb2: {  	s29 =	simm.s32 $0x9;
	_ =	strace $0x8000004B  }
0xb3: {  	_ =	swait.ge [sflag:s29], $0x1  }
0xb4: {  	[sflag:s29] =	ssyncadd.s32 $0xFFFFFFFF  }
0xb5: {  	_ =	strace $0x9000004B  }
0xb6: {  	_ =	sfence  }
0xb7: {  	s30 =	sld [smem:$0x0];
	_ =	sdelay $0x2  }
0xb8: {  	s31 =	sshll.u32 s1, $0xD;
	s1 =	sshrl.u32 s1, $0x2  }
0xb9: {  	s3 =	sand.u32 $0x4000, s31;
	s1 =	sadd.s32 s1, s30  }
0xba: {  	s0 =	sor.u32 s3, s0;
	s1 =	sshll.u32 s1, $0x11  }
0xbb: {  	s0 =	sor.u32 s1, s0  }
0xbc: {  	s0 =	sadd.s32 $0x8F2B, s0  }
0xbd: {  	[sflag:s0] =	ssyncadd.remote.s32 $0x1  }
0xbe: {  	_ =	sfence.sel $0xFFFF  }
0xbf: {  	[dreg:$0x0] =	wrdreg $0xFFFFFFFF;
	(pc) =	sbr.abs _section_cstart, $3  }
0xc0: {  	[dreg:$0x1] =	wrdreg $0xFFFFFFFF  }
0xc1: {  	_ =	task.clear_ibuf [dreg:s7], $0x2FFFF;
	_ =	strace $0x9FFFFFFF  }
0xc2: {  	(tm) =	ssettm $0x7FFFFFFF  }
0xc3: {  	_ =	shalt  }
tec
execute0_lowered:
.L_overlay_start_1:
0x0: {  	(tag) =	ssettag $0x1  }
0x1: {  	s0 =	srdreg.scid  }
0x2: {  	s9 =	stileid.u32;
	s1 =	rddreg [dreg:$0x0];
	s3 =	simm.s32 $0x0  }
0x3: {  	s15 =	simm.s32 $0x3;
	s17 =	simm.s32 $0x80;
	s18 =	simm.s32 $0x400  }
0x4: {  	s19 =	simm.s32 $0x2780;
	s20 =	simm.s32 $0x4F00;
	s21 =	simm.s32 $0x7680  }
0x5: {  	s28 =	simm.s32 $0x16400;
	s29 =	simm.s32 $0x1;
	s30 =	simm.s32 $0x9E00  }
0x6: {  	s31 =	simm.s32 $0xC580;
	s14 =	simm.s32 $0x1BB00;
	s16 =	simm.s32 $0x0  }
0x7: {  	s0 =	sand.u32 $0x1, s0;
	s2 =	smul.u32 $0x13C00, s9;
	[smem:$0x7FF] =	sst s3  }
0x8: {  	s5 =	sadd.s32 $0x6000, s1;
	s6 =	sadd.s32 $0xA00, s1;
	s10 =	sadd.s32 $0x5A00, s1  }
0x9: {  	s26 =	sshll.u32 s9, $0x7;
	s4 =	sshll.u32 s0, $0x9;
	_ =	strace $0x8000004A  }
0xa: {  	s7 =	ssub.s32 $0x2, s0;
	s0 =	sshll.u32 s0, $0x6;
	[dreg:$0x3] =	wrdreg s10  }
0xb: {  	s2 =	sor.u32 s4, s2;
	s4 =	sadd.s32 $0xB000, s1;
	s8 =	sshrl.u32 s7, $0x1  }
0xc: {  	s0 =	sadd.s32 s0, s1;
	s2 =	sshrl.u32 s2, $0x3;
	s23 =	ssub.s32 s7, s8  }
0xd: {  	s0 =	sadd.s32 s26, s0;
	s26 =	simm.s32 $0x15400;
	s2 =	sadd.s32 s2, s1  }
0xe: {  	s12 =	sadd.s32 $0x37800, s0;
	s13 =	smax.u32 s23, $0x1;
	s1 =	simm.s32 $0xED00  }
0xf: {  	s0 =	simm.s32 $0x11480;
	s24 =	sadd.s32 $0x10000, s2;
	s25 =	sadd.s32 $0x10010, s2  }
0x10: {  	s10 =	sadd.s32 $0x10020, s2;
	s11 =	sadd.s32 $0x10030, s2;
	[dreg:$0x4] =	wrdreg s24  }
0x11: {  	v0 =	vimm.s32 $0xFF807F80;
	v1 =	vimm.f32 $0.0e+00;
	s2 =	simm.s32 $0x2;
	[dreg:$0x5] =	wrdreg s25;
	s25 =	simm.s32 $0x14400  }
.LBB2_1:
0x12: {  	s7 =	rddreg [dreg:$0x3];
	s8 =	simm.s32 $0x16C00  }
0x13: {  	[tilespmem:s8], [sflag:$0x3] =	stream.linear.gather [hbm4b:s7+s3], $0x2710, $0x38;
	[tilespmem:$0x1BD00] =	vst v63  }
0x14: {  	_ =	swait.ge [sflag:s15], $0x2710  }
0x15: {  	[sflag:s15] =	ssyncset.done $0x0  }
0x16: {  	[sflag:s15] =	ssyncadd.s32 $0xFFFFD8F0  }
0x17: {  	s22 =	simm.s32 $0x19380;
	s9 =	rddreg [dreg:$0x1]  }
0x18: {  	[tilespmem:s22], [sflag:$0x3] =	stream.linear.gather [hbm4b:s9+s3], $0x2780, $0x38;
	[tilespmem:$0x1BD00] =	vst v63  }
0x19: {  	_ =	swait.ge [sflag:s15], $0x2780  }
0x1a: {  	[sflag:s15] =	ssyncset.done $0x0  }
0x1b: {  	s23 =	rddreg [dreg:$0x4];
	[sflag:s15] =	ssyncadd.s32 $0xFFFFD880  }
0x1c: {  	[tilespmem:s3], [sflag:$0x3] =	stream.strided.gather [hbm4b:s23+s17], $0x2780, s18, s17, $0x38;
	[tilespmem:$0x1BD00] =	vst v63  }
0x1d: {  	_ =	swait.ge [sflag:s15], $0x2780  }
0x1e: {  	[sflag:s15] =	ssyncset.done $0x0  }
0x1f: {  	s24 =	rddreg [dreg:$0x5];
	[sflag:s15] =	ssyncadd.s32 $0xFFFFD880  }
0x20: {  	[tilespmem:s19], [sflag:$0x3] =	stream.strided.gather [hbm4b:s24+s17], $0x2780, s18, s17, $0x38;
	[tilespmem:$0x1BD00] =	vst v63  }
0x21: {  	_ =	swait.ge [sflag:s15], $0x2780  }
0x22: {  	[sflag:s15] =	ssyncset.done $0x0  }
0x23: {  	[sflag:s15] =	ssyncadd.s32 $0xFFFFD880  }
0x24: {  	[tilespmem:s20], [sflag:$0x3] =	stream.strided.gather [hbm4b:s10+s17], $0x2780, s18, s17, $0x38;
	[tilespmem:$0x1BD00] =	vst v63  }
0x25: {  	_ =	swait.ge [sflag:s15], $0x2780  }
0x26: {  	[sflag:s15] =	ssyncset.done $0x0  }
0x27: {  	[sflag:s15] =	ssyncadd.s32 $0xFFFFD880  }
0x28: {  	[tilespmem:s21], [sflag:$0x3] =	stream.strided.gather [hbm4b:s11+s17], $0x2780, s18, s17, $0x38;
	[tilespmem:$0x1BD00] =	vst v63  }
0x29: {  	_ =	swait.ge [sflag:s15], $0x2780  }
0x2a: {  	[sflag:s15] =	ssyncset.done $0x0  }
0x2b: {  	s7 =	simm.s32 $0x40;
	s8 =	simm.s32 $0x0;
	[sflag:s15] =	ssyncadd.s32 $0xFFFFD880  }
.LBB2_2:
0x2c: {  	p0 =	sne.s32 s7, $0x9C00;
	[tilespmem:s8+$0x9E00] =	vst v0;
	s8 =	smov.u32 s7;
	s7 =	sadd.s32 $0x40, s7  }
.Ltmp0:
0x2d: {  	(pc) =	sbr.rel @p0 .LBB2_2-.Ltmp0, $2  }
0x2e: {  	_ =	sdelay $0x2  }
0x2f: {  	s8 =	sshra.s32 s8, $0x2  }
0x30: {  	[tilespmem:s8+$0x9E00] =	vst v0;
	s7 =	simm.s32 $0x0;
	s8 =	simm.s32 $0x40;
	s9 =	simm.s32 $0x0  }
.LBB2_4:
0x31: {  	p0 =	sne.s32 s8, $0x9C00;
	[tilespmem:s9+$0xC580] =	vst v0;
	s9 =	smov.u32 s8;
	s8 =	sadd.s32 $0x40, s8  }
.Ltmp1:
0x32: {  	(pc) =	sbr.rel @p0 .LBB2_4-.Ltmp1, $2  }
0x33: {  	_ =	sdelay $0x2  }
0x34: {  	s9 =	sshra.s32 s9, $0x2  }
0x35: {  	[tilespmem:s9+$0xC580] =	vst v0  }
.LBB2_6:
0x36: {  	p0 =	sne.s32 s7, $0x9C00  }
.Ltmp2:
0x37: {  	_ = 	snop;
	(pc) =	sbr.rel @p0 .LBB2_6-.Ltmp2, $3  }
0x38: {  	_ =	sdelay $0x1  }
0x39: {  	s8 =	sshra.s32 s7, $0x2  }
0x3a: {  	s7 =	sadd.s32 $0x40, s7;
	[tilespmem:s8+$0xED00] =	vst v0  }
0x3b: {  	s7 =	simm.s32 $0x40;
	s8 =	simm.s32 $0x0  }
.LBB2_8:
0x3c: {  	p0 =	sne.s32 s7, $0x9C00;
	[tilespmem:s8+$0x11480] =	vst v0;
	s8 =	smov.u32 s7;
	s7 =	sadd.s32 $0x40, s7  }
.Ltmp3:
0x3d: {  	(pc) =	sbr.rel @p0 .LBB2_8-.Ltmp3, $2  }
0x3e: {  	_ =	sdelay $0x2  }
0x3f: {  	s8 =	sshra.s32 s8, $0x2  }
0x40: {  	[tilespmem:s8+$0x11480] =	vst v0  }
0x41: {  	[tilespmem:$0x1BB00] =	vst v1  }
0x42: {  	[tilespmem:$0x1BB10] =	vst v1  }
0x43: {  	[tilespmem:$0x1BB20] =	vst v1  }
0x44: {  	[tilespmem:$0x1BB30] =	vst v1  }
0x45: {  	[tilespmem:$0x1BB40] =	vst v1  }
0x46: {  	[tilespmem:$0x1BB50] =	vst v1  }
0x47: {  	[tilespmem:$0x1BB60] =	vst v1  }
0x48: {  	[tilespmem:$0x1BB70] =	vst v1  }
0x49: {  	[tilespmem:$0x1BB80] =	vst v1  }
0x4a: {  	[tilespmem:$0x1BB90] =	vst v1  }
0x4b: {  	[tilespmem:$0x1BBA0] =	vst v1  }
0x4c: {  	[tilespmem:$0x1BBB0] =	vst v1  }
0x4d: {  	[tilespmem:$0x1BBC0] =	vst v1  }
0x4e: {  	[tilespmem:$0x1BBD0] =	vst v1  }
0x4f: {  	[tilespmem:$0x1BBE0] =	vst v1  }
0x50: {  	[tilespmem:$0x1BBF0] =	vst v1  }
0x51: {  	[tilespmem:$0x1BC00] =	vst v1  }
0x52: {  	[tilespmem:$0x1BC10] =	vst v1  }
0x53: {  	[tilespmem:$0x1BC20] =	vst v1  }
0x54: {  	[tilespmem:$0x1BC30] =	vst v1  }
0x55: {  	[tilespmem:$0x1BC40] =	vst v1  }
0x56: {  	[tilespmem:$0x1BC50] =	vst v1  }
0x57: {  	[tilespmem:$0x1BC60] =	vst v1  }
0x58: {  	[tilespmem:$0x1BC70] =	vst v1  }
0x59: {  	[tilespmem:$0x1BC80] =	vst v1  }
0x5a: {  	[tilespmem:$0x1BC90] =	vst v1  }
0x5b: {  	[tilespmem:$0x1BCA0] =	vst v1  }
0x5c: {  	[tilespmem:$0x1BCB0] =	vst v1  }
0x5d: {  	[tilespmem:$0x1BCC0] =	vst v1  }
0x5e: {  	[tilespmem:$0x1BCD0] =	vst v1  }
0x5f: {  	[tilespmem:$0x1BCE0] =	vst v1  }
0x60: {  	s22 =	simm.s32 $0x0;
	s7 =	simm.s32 $0x13C00;
	[tilespmem:$0x1BCF0] =	vst v1  }
0x61: {  	[tilespmem:s7], [sflag:$0x1] =	stream.linear.gather [hbm4b:s4+s22], $0x7D0, $0x38;
	[tilespmem:$0x1BD00] =	vst v63  }
.Ltmp4:
0x62: {  	_ = 	snop;
	(pc) =	sbr.rel .LBB2_10-.Ltmp4, $4  }
0x63: {  	s23 =	simm.s32 $0x14C00  }
0x64: {  	[tilespmem:s23], [sflag:$0x1] =	stream.linear.gather [hbm4b:s5+s22], $0x7D0, $0x38;
	[tilespmem:$0x1BD00] =	vst v63  }
0x65: {  	s24 =	simm.s32 $0x15C00  }
0x66: {  	[tilespmem:s24], [sflag:$0x1] =	stream.linear.gather [hbm4b:s6+s22], $0x7D0, $0x38;
	[tilespmem:$0x1BD00] =	vst v63  }
.LBB2_26:
0x67: {  	s22 =	sadd.s32 $0x1, s22  }
0x68: {  	p0 =	sne.s32 s22, $0x28  }
.Ltmp5:
0x69: {  	_ = 	snop;
	(pc) =	sbr.rel @!p0 .LBB2_27-.Ltmp5, $1  }
0x6a: {  	_ =	sdelay $0x3  }
.LBB2_10:
0x6b: {  	s23 =	smul.u32 $0xFA0, s22;
	_ =	sdelay $0x1  }
0x6c: {  	s7 =	sshrl.u32 s23, $0x3  }
0x6d: {  	s7 =	sadd.s32 $0xFA, s7  }
0x6e: {  	s8 =	sadd.s32 s4, s7  }
0x6f: {  	[tilespmem:s25], [sflag:$0x2] =	stream.linear.gather [hbm4b:s8+s3], $0x7D0, $0x38;
	[tilespmem:$0x1BD00] =	vst v63  }
0x70: {  	s24 =	sadd.s32 s5, s7  }
0x71: {  	[tilespmem:s26], [sflag:$0x2] =	stream.linear.gather [hbm4b:s24+s3], $0x7D0, $0x38;
	[tilespmem:$0x1BD00] =	vst v63  }
0x72: {  	s7 =	sadd.s32 s6, s7  }
0x73: {  	[tilespmem:s28], [sflag:$0x2] =	stream.linear.gather [hbm4b:s7+s3], $0x7D0, $0x38;
	[tilespmem:$0x1BD00] =	vst v63  }
0x74: {  	_ =	swait.ge [sflag:s29], $0x7D0  }
0x75: {  	[sflag:s29] =	ssyncset.done $0x0  }
0x76: {  	[sflag:s29] =	ssyncadd.s32 $0xFFFFF830  }
0x77: {  	_ =	swait.ge [sflag:s29], $0x7D0  }
0x78: {  	[sflag:s29] =	ssyncset.done $0x0  }
0x79: {  	[sflag:s29] =	ssyncadd.s32 $0xFFFFF830  }
0x7a: {  	_ =	swait.ge [sflag:s29], $0x7D0  }
0x7b: {  	[sflag:s29] =	ssyncset.done $0x0  }
0x7c: {  	[sflag:s29] =	ssyncadd.s32 $0xFFFFF830  }
0x7d: {  	v3 =	vld [tilespmem:$0x14C00];
	_ =	sdelay $0x4  }
0x7e: {  	(xrf1) =	vunique.msk.u32 $0xffff, v3;
	_ =	sdelay $0x2  }
0x7f: {  	v2 =	vld [tilespmem:$0x13C00];
	_ =	sdelay $0x6  }
0x80: {  	v6 =	vld [tilespmem:$0x15C00]  }
0x81: {  	v4 =	vld.idx.msk [tilespmem:v2+s3+$0x0], $0xffff  }
0x82: {  	v5 =	vld.idx.msk [tilespmem:v2+s19+$0x0], $0xffff  }
0x83: {  	v7 =	vld.idx.msk [tilespmem:v2+s20+$0x0], $0xffff  }
0x84: {  	v2 =	vld.idx.msk [tilespmem:v2+s21+$0x0], $0xffff;
	_, v8, _ =	vpop (xrf1)  }
0x85: {  	v9 =	vld.idx.msk [tilespmem:v3+s30+$0x0], $0xffff;
	vm0 =	veq.s32 v8, $0x0  }
0x86: {  	v10 =	vld.idx.msk [tilespmem:v3+s31+$0x0], $0xffff  }
0x87: {  	v6 =	vpack.i.f32.bf16 v6, v6;
	v11 =	vld.idx.msk [tilespmem:v3+s1+$0x0], $0xffff  }
0x88: {  	v12 =	vld.idx.msk [tilespmem:v3+s0+$0x0], $0xffff;
	v4 =	vmul.bf16 v4, v6  }
0x89: {  	v5 =	vmul.bf16 v5, v6  }
0x8a: {  	v7 =	vmul.bf16 v7, v6;
	v9 =	vmax.bf16 v9, v4  }
0x8b: {  	v6 =	vmul.bf16 v2, v6;
	v2 =	vmax.bf16 v10, v5;
	[tilespmem:v3+s30+$0x0] =	vst.idx.msk vm0, v9  }
0x8c: {  	v61 =	vmax.bf16 v11, v7;
	[tilespmem:v3+s31+$0x0] =	vst.idx.msk vm0, v2  }
0x8d: {  	v2 =	vmax.bf16 v12, v6;
	[tilespmem:v3+s1+$0x0] =	vst.idx.msk vm0, v61  }
0x8e: {  	[tilespmem:v3+s0+$0x0] =	vst.idx.msk vm0, v2  }
0x8f: {  	vm0 =	veq.s32 v8, $0x1;
	v2 =	vld.idx.msk [tilespmem:v3+s30+$0x0], $0xffff  }
0x90: {  	v9 =	vld.idx.msk [tilespmem:v3+s31+$0x0], $0xffff  }
0x91: {  	v62 =	vld.idx.msk [tilespmem:v3+s1+$0x0], $0xffff  }
0x92: {  	v63 =	vld.idx.msk [tilespmem:v3+s0+$0x0], $0xffff;
	_ =	sdelay $0x1  }
0x93: {  	v2 =	vmax.bf16 v2, v4  }
0x94: {  	v4 =	vimm.s32 $0x0;
	v5 =	vmax.bf16 v9, v5;
	[tilespmem:v3+s30+$0x0] =	vst.idx.msk vm0, v2  }
0x95: {  	v7 =	vmax.bf16 v62, v7;
	vm1 =	vgt.s32 v4, v8;
	[tilespmem:v3+s31+$0x0] =	vst.idx.msk vm0, v5  }
0x96: {  	s9 =	simm.s32 $0x10;
	s24 =	simm.s32 $0x80;
	s7 =	simm.s32 $0xC0;
	v2 =	vsel vm1, v4, v8;
	v4 =	vmax.bf16 v63, v6;
	[tilespmem:v3+s1+$0x0] =	vst.idx.msk vm0, v7  }
.LBB2_11:
0x97: {  	p0 =	sne.s32 s7, $0x1F00;
	[tilespmem:v3+s0+$0x0] =	vst.idx.msk vm0, v4;
	s8 =	smov.u32 s7;
	s7 =	sadd.s32 $0x40, s7  }
0x98: {  	v3 =	vld [tilespmem:s9+$0x14C00]  }
0x99: {  	v4 =	vld [tilespmem:s9+$0x13C00]  }
0x9a: {  	v5 =	vld [tilespmem:s9+$0x15C00];
	_ =	sdelay $0x2  }
0x9b: {  	(xrf1) =	vunique.msk.u32 $0xffff, v3;
	_ =	sdelay $0x3  }
0x9c: {  	v6 =	vld.idx.msk [tilespmem:v4+s21+$0x0], $0xffff  }
0x9d: {  	v7 =	vld.idx.msk [tilespmem:v4+s20+$0x0], $0xffff  }
0x9e: {  	v8 =	vld.idx.msk [tilespmem:v4+s3+$0x0], $0xffff  }
0x9f: {  	v4 =	vld.idx.msk [tilespmem:v4+s19+$0x0], $0xffff;
	_ =	sdelay $0x6  }
0xa0: {  	v9 =	vld.idx.msk [tilespmem:v3+s30+$0x0], $0xffff;
	_, v10, _ =	vpop (xrf1)  }
0xa1: {  	vm0 =	veq.s32 v10, $0x0;
	v11 =	vld.idx.msk [tilespmem:v3+s31+$0x0], $0xffff;
	vm1 =	vgt.s32 v2, v10  }
0xa2: {  	v12 =	vld.idx.msk [tilespmem:v3+s1+$0x0], $0xffff;
	v2 =	vsel vm1, v2, v10  }
0xa3: {  	v5 =	vpack.i.f32.bf16 v5, v5;
	v13 =	vld.idx.msk [tilespmem:v3+s0+$0x0], $0xffff  }
0xa4: {  	v8 =	vmul.bf16 v8, v5  }
0xa5: {  	v4 =	vmul.bf16 v4, v5  }
0xa6: {  	v7 =	vmul.bf16 v7, v5;
	v9 =	vmax.bf16 v9, v8  }
0xa7: {  	v5 =	vmul.bf16 v6, v5;
	v6 =	vmax.bf16 v11, v4;
	[tilespmem:v3+s30+$0x0] =	vst.idx.msk vm0, v9  }
0xa8: {  	v9 =	vmax.bf16 v12, v7;
	[tilespmem:v3+s31+$0x0] =	vst.idx.msk vm0, v6  }
0xa9: {  	v6 =	vmax.bf16 v13, v5;
	[tilespmem:v3+s1+$0x0] =	vst.idx.msk vm0, v9  }
0xaa: {  	[tilespmem:v3+s0+$0x0] =	vst.idx.msk vm0, v6  }
0xab: {  	v6 =	vld.idx.msk [tilespmem:v3+s30+$0x0], $0xffff  }
0xac: {  	vm0 =	veq.s32 v10, $0x1;
	v9 =	vld.idx.msk [tilespmem:v3+s31+$0x0], $0xffff  }
0xad: {  	v10 =	vld.idx.msk [tilespmem:v3+s1+$0x0], $0xffff  }
0xae: {  	v11 =	vld.idx.msk [tilespmem:v3+s0+$0x0], $0xffff;
	_ =	sdelay $0x1  }
.Ltmp6:
0xaf: {  	(pc) =	sbr.rel @p0 .LBB2_11-.Ltmp6, $4  }
0xb0: {  	v6 =	vmax.bf16 v6, v8  }
0xb1: {  	v4 =	vmax.bf16 v9, v4;
	[tilespmem:v3+s30+$0x0] =	vst.idx.msk vm0, v6  }
0xb2: {  	v6 =	vmax.bf16 v10, v7;
	[tilespmem:v3+s31+$0x0] =	vst.idx.msk vm0, v4  }
0xb3: {  	s9 =	sshra.s32 s24, $0x2;
	s24 =	smov.u32 s8;
	v4 =	vmax.bf16 v11, v5;
	[tilespmem:v3+s1+$0x0] =	vst.idx.msk vm0, v6  }
0xb4: {  	_ =	sdelay $0x4  }
0xb5: {  	[tilespmem:v3+s0+$0x0] =	vst.idx.msk vm0, v4  }
0xb6: {  	v3 =	vld [tilespmem:s9+$0x14C00];
	_ =	sdelay $0x4  }
0xb7: {  	(xrf1) =	vunique.msk.u32 $0xffff, v3;
	_ =	sdelay $0x2  }
0xb8: {  	v4 =	vld [tilespmem:s9+$0x13C00];
	_ =	sdelay $0x6  }
0xb9: {  	v5 =	vld [tilespmem:s9+$0x15C00]  }
0xba: {  	v6 =	vld.idx.msk [tilespmem:v4+s21+$0x0], $0xffff  }
0xbb: {  	v7 =	vld.idx.msk [tilespmem:v4+s20+$0x0], $0xffff  }
0xbc: {  	v8 =	vld.idx.msk [tilespmem:v4+s3+$0x0], $0xffff  }
0xbd: {  	v4 =	vld.idx.msk [tilespmem:v4+s19+$0x0], $0xffff;
	_, v9, _ =	vpop (xrf1)  }
0xbe: {  	v10 =	vld.idx.msk [tilespmem:v3+s30+$0x0], $0xffff;
	vm11 =	veq.s32 v9, $0x0  }
0xbf: {  	v11 =	vld.idx.msk [tilespmem:v3+s31+$0x0], $0xffff  }
0xc0: {  	v5 =	vpack.i.f32.bf16 v5, v5;
	v12 =	vld.idx.msk [tilespmem:v3+s1+$0x0], $0xffff  }
0xc1: {  	v13 =	vld.idx.msk [tilespmem:v3+s0+$0x0], $0xffff;
	v8 =	vmul.bf16 v8, v5  }
0xc2: {  	v4 =	vmul.bf16 v4, v5  }
0xc3: {  	v7 =	vmul.bf16 v7, v5;
	v10 =	vmax.bf16 v10, v8  }
0xc4: {  	v5 =	vmul.bf16 v6, v5;
	v43 =	vmax.bf16 v11, v4;
	[tilespmem:v3+s30+$0x0] =	vst.idx.msk vm11, v10  }
0xc5: {  	v44 =	vmax.bf16 v12, v7;
	[tilespmem:v3+s31+$0x0] =	vst.idx.msk vm11, v43  }
0xc6: {  	v45 =	vmax.bf16 v13, v5;
	[tilespmem:v3+s1+$0x0] =	vst.idx.msk vm11, v44  }
0xc7: {  	[tilespmem:v3+s0+$0x0] =	vst.idx.msk vm11, v45  }
0xc8: {  	vm12 =	veq.s32 v9, $0x1;
	v6 =	vld.idx.msk [tilespmem:v3+s30+$0x0], $0xffff  }
0xc9: {  	v10 =	vld.idx.msk [tilespmem:v3+s31+$0x0], $0xffff  }
0xca: {  	v46 =	vld.idx.msk [tilespmem:v3+s1+$0x0], $0xffff  }
0xcb: {  	v47 =	vld.idx.msk [tilespmem:v3+s0+$0x0], $0xffff;
	_ =	sdelay $0x1  }
0xcc: {  	v6 =	vmax.bf16 v6, v8  }
0xcd: {  	v4 =	vmax.bf16 v10, v4;
	[tilespmem:v3+s30+$0x0] =	vst.idx.msk vm12, v6  }
0xce: {  	v48 =	vmax.bf16 v46, v7;
	[tilespmem:v3+s31+$0x0] =	vst.idx.msk vm12, v4  }
0xcf: {  	v49 =	vmax.bf16 v47, v5;
	[tilespmem:v3+s1+$0x0] =	vst.idx.msk vm12, v48  }
0xd0: {  	s7 =	sshra.s32 s24, $0x2;
	[tilespmem:v3+s0+$0x0] =	vst.idx.msk vm12, v49  }
0xd1: {  	v3 =	vld [tilespmem:s7+$0x14C00];
	_ =	sdelay $0x4  }
0xd2: {  	(xrf1) =	vunique.msk.u32 $0xffff, v3;
	_ =	sdelay $0xc  }
0xd3: {  	vm13 =	vgt.s32 v2, v9  }
0xd4: {  	v2 =	vsel vm13, v2, v9;
	_, v50, _ =	vpop (xrf1)  }
0xd5: {  	v4 =	vld [tilespmem:s7+$0x13C00];
	vm0 =	vgt.s32 v2, v50  }
0xd6: {  	v2 =	vsel vm0, v2, v50  }
0xd7: {  	v2 =	vxor.u32 $0x80000000, v2  }
0xd8: {  	(xrf0) =	vmax.scan.msk.u32 $0xffff, v2;
	_ =	sdelay $0x3  }
0xd9: {  	v6 =	vld [tilespmem:s7+$0x15C00]  }
0xda: {  	v51 =	vld.idx.msk [tilespmem:v4+s20+$0x0], $0xffff  }
0xdb: {  	v52 =	vld.idx.msk [tilespmem:v4+s3+$0x0], $0xffff;
	v55, _, _ =	vpop (xrf0)  }
0xdc: {  	v2 =	vld.idx.msk [tilespmem:v4+s21+$0x0], $0xffff;
	(v2sf) =	vpush v55, $0xF  }
0xdd: {  	v4 =	vld.idx.msk [tilespmem:v4+s19+$0x0], $0xffff  }
0xde: {  	v53 =	vld.idx.msk [tilespmem:v3+s30+$0x0], $0xffff;
	vm14 =	veq.s32 v50, $0x0  }
0xdf: {  	v54 =	vld.idx.msk [tilespmem:v3+s31+$0x0], $0xffff  }
0xe0: {  	v6 =	vpack.i.f32.bf16 v6, v6;
	v56 =	vld.idx.msk [tilespmem:v3+s1+$0x0], $0xffff  }
0xe1: {  	v57 =	vld.idx.msk [tilespmem:v3+s0+$0x0], $0xffff;
	v8 =	vmul.bf16 v52, v6  }
0xe2: {  	v4 =	vmul.bf16 v4, v6  }
0xe3: {  	v7 =	vmul.bf16 v51, v6;
	v9 =	vmax.bf16 v53, v8  }
0xe4: {  	[tilespmem:v3+s30+$0x0] =	vst.idx.msk vm14, v9;
	v2 =	vmul.bf16 v2, v6;
	v58 =	vmax.bf16 v54, v4  }
0xe5: {  	v59 =	vmax.bf16 v56, v7;
	[tilespmem:v3+s31+$0x0] =	vst.idx.msk vm14, v58  }
0xe6: {  	v60 =	vmax.bf16 v57, v2;
	[tilespmem:v3+s1+$0x0] =	vst.idx.msk vm14, v59  }
0xe7: {  	[tilespmem:v3+s0+$0x0] =	vst.idx.msk vm14, v60  }
0xe8: {  	vm15 =	veq.s32 v50, $0x1;
	v61 =	vld.idx.msk [tilespmem:v3+s30+$0x0], $0xffff  }
0xe9: {  	v6 =	vld.idx.msk [tilespmem:v3+s31+$0x0], $0xffff  }
0xea: {  	v9 =	vld.idx.msk [tilespmem:v3+s1+$0x0], $0xffff  }
0xeb: {  	v62 =	vld.idx.msk [tilespmem:v3+s0+$0x0], $0xffff;
	s24 =	spop (v2sf)  }
0xec: {  	p0 =	slt.u32 s24, $0x80000002  }
.Ltmp7:
0xed: {  	v5 =	vmax.bf16 v61, v8;
	(pc) =	sbr.rel @!p0 .LBB2_13-.Ltmp7, $4  }
0xee: {  	v4 =	vmax.bf16 v6, v4;
	[tilespmem:v3+s30+$0x0] =	vst.idx.msk vm15, v5  }
0xef: {  	v63 =	vmax.bf16 v9, v7;
	[tilespmem:v3+s31+$0x0] =	vst.idx.msk vm15, v4  }
0xf0: {  	v2 =	vmax.bf16 v62, v2;
	[tilespmem:v3+s1+$0x0] =	vst.idx.msk vm15, v63  }
0xf1: {  	[tilespmem:v3+s0+$0x0] =	vst.idx.msk vm15, v2;
	s24 =	simm.s32 $0x0  }
.LBB2_18:
0xf2: {  	p0 =	seq.s32 s22, $0x27  }
0xf3: {  	s7 =	sshrl.u32 @!p0 s23, $0x3  }
0xf4: {  	s7 =	sadd.s32 @!p0 $0x1F4, s7  }
0xf5: {  	s9 =	simm.s32 @!p0 $0x0;
	s23 =	simm.s32 @!p0 $0x13C00;
	s8 =	sadd.s32 @!p0 s4, s7  }
0xf6: {  	[tilespmem:s23], [sflag:$0x1] =	stream.linear.gather @!p0 [hbm4b:s8+s9], $0x7D0, $0x38;
	[tilespmem:$0x1BD00] =	vst v63  }
0xf7: {  	s8 =	sadd.s32 @!p0 s5, s7;
	s23 =	simm.s32 @!p0 $0x14C00  }
0xf8: {  	[tilespmem:s23], [sflag:$0x1] =	stream.linear.gather @!p0 [hbm4b:s8+s9], $0x7D0, $0x38;
	[tilespmem:$0x1BD00] =	vst v63  }
0xf9: {  	s7 =	sadd.s32 @!p0 s6, s7;
	s8 =	simm.s32 @!p0 $0x15C00  }
0xfa: {  	[tilespmem:s8], [sflag:$0x1] =	stream.linear.gather @!p0 [hbm4b:s7+s9], $0x7D0, $0x38;
	[tilespmem:$0x1BD00] =	vst v63  }
0xfb: {  	_ =	swait.ge [sflag:s2], $0x7D0  }
0xfc: {  	[sflag:s2] =	ssyncset.done $0x0  }
0xfd: {  	[sflag:s2] =	ssyncadd.s32 $0xFFFFF830  }
0xfe: {  	_ =	swait.ge [sflag:s2], $0x7D0  }
0xff: {  	[sflag:s2] =	ssyncset.done $0x0  }
0x100: {  	[sflag:s2] =	ssyncadd.s32 $0xFFFFF830  }
0x101: {  	_ =	swait.ge [sflag:s2], $0x7D0  }
0x102: {  	[sflag:s2] =	ssyncset.done $0x0  }
0x103: {  	[sflag:s2] =	ssyncadd.s32 $0xFFFFF830  }
0x104: {  	v3 =	vld [tilespmem:$0x15400];
	_ =	sdelay $0x4  }
0x105: {  	(xrf1) =	vunique.msk.u32 $0xffff, v3;
	_ =	sdelay $0x2  }
0x106: {  	v2 =	vld [tilespmem:$0x14400];
	_ =	sdelay $0x6  }
0x107: {  	v6 =	vld [tilespmem:$0x16400]  }
0x108: {  	v4 =	vld.idx.msk [tilespmem:v2+s3+$0x0], $0xffff  }
0x109: {  	v5 =	vld.idx.msk [tilespmem:v2+s19+$0x0], $0xffff  }
0x10a: {  	v7 =	vld.idx.msk [tilespmem:v2+s20+$0x0], $0xffff  }
0x10b: {  	v2 =	vld.idx.msk [tilespmem:v2+s21+$0x0], $0xffff;
	_, v8, _ =	vpop (xrf1)  }
0x10c: {  	v9 =	vld.idx.msk [tilespmem:v3+s30+$0x0], $0xffff;
	vm0 =	veq.s32 v8, $0x0  }
0x10d: {  	v10 =	vld.idx.msk [tilespmem:v3+s31+$0x0], $0xffff  }
0x10e: {  	v6 =	vpack.i.f32.bf16 v6, v6;
	v11 =	vld.idx.msk [tilespmem:v3+s1+$0x0], $0xffff  }
0x10f: {  	v12 =	vld.idx.msk [tilespmem:v3+s0+$0x0], $0xffff;
	v4 =	vmul.bf16 v4, v6  }
0x110: {  	v5 =	vmul.bf16 v5, v6  }
0x111: {  	v7 =	vmul.bf16 v7, v6;
	v9 =	vmax.bf16 v9, v4  }
0x112: {  	v6 =	vmul.bf16 v2, v6;
	v2 =	vmax.bf16 v10, v5;
	[tilespmem:v3+s30+$0x0] =	vst.idx.msk vm0, v9  }
0x113: {  	v61 =	vmax.bf16 v11, v7;
	[tilespmem:v3+s31+$0x0] =	vst.idx.msk vm0, v2  }
0x114: {  	v2 =	vmax.bf16 v12, v6;
	[tilespmem:v3+s1+$0x0] =	vst.idx.msk vm0, v61  }
0x115: {  	[tilespmem:v3+s0+$0x0] =	vst.idx.msk vm0, v2  }
0x116: {  	vm0 =	veq.s32 v8, $0x1;
	v2 =	vld.idx.msk [tilespmem:v3+s30+$0x0], $0xffff  }
0x117: {  	v9 =	vld.idx.msk [tilespmem:v3+s31+$0x0], $0xffff  }
0x118: {  	v62 =	vld.idx.msk [tilespmem:v3+s1+$0x0], $0xffff  }
0x119: {  	v63 =	vld.idx.msk [tilespmem:v3+s0+$0x0], $0xffff;
	_ =	sdelay $0x1  }
0x11a: {  	v2 =	vmax.bf16 v2, v4  }
0x11b: {  	v4 =	vimm.s32 $0x0;
	v5 =	vmax.bf16 v9, v5;
	[tilespmem:v3+s30+$0x0] =	vst.idx.msk vm0, v2  }
0x11c: {  	v7 =	vmax.bf16 v62, v7;
	vm1 =	vgt.s32 v4, v8;
	[tilespmem:v3+s31+$0x0] =	vst.idx.msk vm0, v5  }
0x11d: {  	s23 =	simm.s32 $0x80;
	s7 =	simm.s32 $0xC0;
	s9 =	simm.s32 $0x10;
	v2 =	vsel vm1, v4, v8;
	v4 =	vmax.bf16 v63, v6;
	[tilespmem:v3+s1+$0x0] =	vst.idx.msk vm0, v7  }
.LBB2_19:
0x11e: {  	p0 =	sne.s32 s7, $0x1F00;
	[tilespmem:v3+s0+$0x0] =	vst.idx.msk vm0, v4;
	s8 =	smov.u32 s7;
	s7 =	sadd.s32 $0x40, s7  }
0x11f: {  	v3 =	vld [tilespmem:s9+$0x15400]  }
0x120: {  	v4 =	vld [tilespmem:s9+$0x14400]  }
0x121: {  	v5 =	vld [tilespmem:s9+$0x16400];
	_ =	sdelay $0x2  }
0x122: {  	(xrf1) =	vunique.msk.u32 $0xffff, v3;
	_ =	sdelay $0x3  }
0x123: {  	v6 =	vld.idx.msk [tilespmem:v4+s21+$0x0], $0xffff  }
0x124: {  	v7 =	vld.idx.msk [tilespmem:v4+s20+$0x0], $0xffff  }
0x125: {  	v8 =	vld.idx.msk [tilespmem:v4+s3+$0x0], $0xffff  }
0x126: {  	v4 =	vld.idx.msk [tilespmem:v4+s19+$0x0], $0xffff;
	_ =	sdelay $0x6  }
0x127: {  	v9 =	vld.idx.msk [tilespmem:v3+s30+$0x0], $0xffff;
	_, v10, _ =	vpop (xrf1)  }
0x128: {  	vm0 =	veq.s32 v10, $0x0;
	v11 =	vld.idx.msk [tilespmem:v3+s31+$0x0], $0xffff;
	vm1 =	vgt.s32 v2, v10  }
0x129: {  	v12 =	vld.idx.msk [tilespmem:v3+s1+$0x0], $0xffff;
	v2 =	vsel vm1, v2, v10  }
0x12a: {  	v5 =	vpack.i.f32.bf16 v5, v5;
	v13 =	vld.idx.msk [tilespmem:v3+s0+$0x0], $0xffff  }
0x12b: {  	v8 =	vmul.bf16 v8, v5  }
0x12c: {  	v4 =	vmul.bf16 v4, v5  }
0x12d: {  	v7 =	vmul.bf16 v7, v5;
	v9 =	vmax.bf16 v9, v8  }
0x12e: {  	v5 =	vmul.bf16 v6, v5;
	v6 =	vmax.bf16 v11, v4;
	[tilespmem:v3+s30+$0x0] =	vst.idx.msk vm0, v9  }
0x12f: {  	v9 =	vmax.bf16 v12, v7;
	[tilespmem:v3+s31+$0x0] =	vst.idx.msk vm0, v6  }
0x130: {  	v6 =	vmax.bf16 v13, v5;
	[tilespmem:v3+s1+$0x0] =	vst.idx.msk vm0, v9  }
0x131: {  	[tilespmem:v3+s0+$0x0] =	vst.idx.msk vm0, v6  }
0x132: {  	v6 =	vld.idx.msk [tilespmem:v3+s30+$0x0], $0xffff  }
0x133: {  	vm0 =	veq.s32 v10, $0x1;
	v9 =	vld.idx.msk [tilespmem:v3+s31+$0x0], $0xffff  }
0x134: {  	v10 =	vld.idx.msk [tilespmem:v3+s1+$0x0], $0xffff  }
0x135: {  	v11 =	vld.idx.msk [tilespmem:v3+s0+$0x0], $0xffff;
	_ =	sdelay $0x1  }
.Ltmp8:
0x136: {  	(pc) =	sbr.rel @p0 .LBB2_19-.Ltmp8, $4  }
0x137: {  	v6 =	vmax.bf16 v6, v8  }
0x138: {  	v4 =	vmax.bf16 v9, v4;
	[tilespmem:v3+s30+$0x0] =	vst.idx.msk vm0, v6  }
0x139: {  	v6 =	vmax.bf16 v10, v7;
	[tilespmem:v3+s31+$0x0] =	vst.idx.msk vm0, v4  }
0x13a: {  	s9 =	sshra.s32 s23, $0x2;
	s23 =	smov.u32 s8;
	v4 =	vmax.bf16 v11, v5;
	[tilespmem:v3+s1+$0x0] =	vst.idx.msk vm0, v6  }
0x13b: {  	_ =	sdelay $0x4  }
0x13c: {  	[tilespmem:v3+s0+$0x0] =	vst.idx.msk vm0, v4  }
0x13d: {  	v3 =	vld [tilespmem:s9+$0x15400];
	_ =	sdelay $0x4  }
0x13e: {  	(xrf1) =	vunique.msk.u32 $0xffff, v3;
	_ =	sdelay $0x2  }
0x13f: {  	v4 =	vld [tilespmem:s9+$0x14400];
	_ =	sdelay $0x6  }
0x140: {  	v5 =	vld [tilespmem:s9+$0x16400]  }
0x141: {  	v6 =	vld.idx.msk [tilespmem:v4+s21+$0x0], $0xffff  }
0x142: {  	v7 =	vld.idx.msk [tilespmem:v4+s20+$0x0], $0xffff  }
0x143: {  	v8 =	vld.idx.msk [tilespmem:v4+s3+$0x0], $0xffff  }
0x144: {  	v4 =	vld.idx.msk [tilespmem:v4+s19+$0x0], $0xffff;
	_, v9, _ =	vpop (xrf1)  }
0x145: {  	v10 =	vld.idx.msk [tilespmem:v3+s30+$0x0], $0xffff;
	vm11 =	veq.s32 v9, $0x0  }
0x146: {  	v11 =	vld.idx.msk [tilespmem:v3+s31+$0x0], $0xffff  }
0x147: {  	v5 =	vpack.i.f32.bf16 v5, v5;
	v12 =	vld.idx.msk [tilespmem:v3+s1+$0x0], $0xffff  }
0x148: {  	v13 =	vld.idx.msk [tilespmem:v3+s0+$0x0], $0xffff;
	v8 =	vmul.bf16 v8, v5  }
0x149: {  	v4 =	vmul.bf16 v4, v5  }
0x14a: {  	v7 =	vmul.bf16 v7, v5;
	v10 =	vmax.bf16 v10, v8  }
0x14b: {  	v5 =	vmul.bf16 v6, v5;
	v43 =	vmax.bf16 v11, v4;
	[tilespmem:v3+s30+$0x0] =	vst.idx.msk vm11, v10  }
0x14c: {  	v44 =	vmax.bf16 v12, v7;
	[tilespmem:v3+s31+$0x0] =	vst.idx.msk vm11, v43  }
0x14d: {  	v45 =	vmax.bf16 v13, v5;
	[tilespmem:v3+s1+$0x0] =	vst.idx.msk vm11, v44  }
0x14e: {  	[tilespmem:v3+s0+$0x0] =	vst.idx.msk vm11, v45  }
0x14f: {  	vm12 =	veq.s32 v9, $0x1;
	v6 =	vld.idx.msk [tilespmem:v3+s30+$0x0], $0xffff  }
0x150: {  	v10 =	vld.idx.msk [tilespmem:v3+s31+$0x0], $0xffff  }
0x151: {  	v46 =	vld.idx.msk [tilespmem:v3+s1+$0x0], $0xffff  }
0x152: {  	v47 =	vld.idx.msk [tilespmem:v3+s0+$0x0], $0xffff;
	_ =	sdelay $0x1  }
0x153: {  	v6 =	vmax.bf16 v6, v8  }
0x154: {  	v4 =	vmax.bf16 v10, v4;
	[tilespmem:v3+s30+$0x0] =	vst.idx.msk vm12, v6  }
0x155: {  	v48 =	vmax.bf16 v46, v7;
	[tilespmem:v3+s31+$0x0] =	vst.idx.msk vm12, v4  }
0x156: {  	v49 =	vmax.bf16 v47, v5;
	[tilespmem:v3+s1+$0x0] =	vst.idx.msk vm12, v48  }
0x157: {  	s7 =	sshra.s32 s23, $0x2;
	[tilespmem:v3+s0+$0x0] =	vst.idx.msk vm12, v49  }
0x158: {  	v3 =	vld [tilespmem:s7+$0x15400];
	_ =	sdelay $0x4  }
0x159: {  	(xrf1) =	vunique.msk.u32 $0xffff, v3;
	_ =	sdelay $0xc  }
0x15a: {  	vm13 =	vgt.s32 v2, v9  }
0x15b: {  	v2 =	vsel vm13, v2, v9;
	_, v50, _ =	vpop (xrf1)  }
0x15c: {  	v4 =	vld [tilespmem:s7+$0x14400];
	vm0 =	vgt.s32 v2, v50  }
0x15d: {  	v2 =	vsel vm0, v2, v50  }
0x15e: {  	v2 =	vxor.u32 $0x80000000, v2  }
0x15f: {  	(xrf0) =	vmax.scan.msk.u32 $0xffff, v2;
	_ =	sdelay $0x3  }
0x160: {  	v6 =	vld [tilespmem:s7+$0x16400]  }
0x161: {  	v51 =	vld.idx.msk [tilespmem:v4+s20+$0x0], $0xffff  }
0x162: {  	v52 =	vld.idx.msk [tilespmem:v4+s3+$0x0], $0xffff;
	v55, _, _ =	vpop (xrf0)  }
0x163: {  	v2 =	vld.idx.msk [tilespmem:v4+s21+$0x0], $0xffff;
	(v2sf) =	vpush v55, $0xF  }
0x164: {  	v4 =	vld.idx.msk [tilespmem:v4+s19+$0x0], $0xffff  }
0x165: {  	v53 =	vld.idx.msk [tilespmem:v3+s30+$0x0], $0xffff;
	vm14 =	veq.s32 v50, $0x0  }
0x166: {  	v54 =	vld.idx.msk [tilespmem:v3+s31+$0x0], $0xffff  }
0x167: {  	v6 =	vpack.i.f32.bf16 v6, v6;
	v56 =	vld.idx.msk [tilespmem:v3+s1+$0x0], $0xffff  }
0x168: {  	v57 =	vld.idx.msk [tilespmem:v3+s0+$0x0], $0xffff;
	v8 =	vmul.bf16 v52, v6  }
0x169: {  	v4 =	vmul.bf16 v4, v6  }
0x16a: {  	v7 =	vmul.bf16 v51, v6;
	v9 =	vmax.bf16 v53, v8  }
0x16b: {  	[tilespmem:v3+s30+$0x0] =	vst.idx.msk vm14, v9;
	v2 =	vmul.bf16 v2, v6;
	v58 =	vmax.bf16 v54, v4  }
0x16c: {  	v59 =	vmax.bf16 v56, v7;
	[tilespmem:v3+s31+$0x0] =	vst.idx.msk vm14, v58  }
0x16d: {  	v60 =	vmax.bf16 v57, v2;
	[tilespmem:v3+s1+$0x0] =	vst.idx.msk vm14, v59  }
0x16e: {  	[tilespmem:v3+s0+$0x0] =	vst.idx.msk vm14, v60  }
0x16f: {  	vm15 =	veq.s32 v50, $0x1;
	v61 =	vld.idx.msk [tilespmem:v3+s30+$0x0], $0xffff  }
0x170: {  	v6 =	vld.idx.msk [tilespmem:v3+s31+$0x0], $0xffff  }
0x171: {  	v9 =	vld.idx.msk [tilespmem:v3+s1+$0x0], $0xffff  }
0x172: {  	v62 =	vld.idx.msk [tilespmem:v3+s0+$0x0], $0xffff;
	s24 =	spop (v2sf)  }
0x173: {  	p0 =	slt.u32 s24, $0x80000002  }
.Ltmp9:
0x174: {  	v5 =	vmax.bf16 v61, v8;
	(pc) =	sbr.rel @p0 .LBB2_26-.Ltmp9, $4  }
.Ltmp10:
0x175: {  	v4 =	vmax.bf16 v6, v4;
	[tilespmem:v3+s30+$0x0] =	vst.idx.msk vm15, v5;
	(pc) =	sbr.rel @!p0 .LBB2_21-.Ltmp10, $4  }
0x176: {  	v63 =	vmax.bf16 v9, v7;
	[tilespmem:v3+s31+$0x0] =	vst.idx.msk vm15, v4  }
0x177: {  	v2 =	vmax.bf16 v62, v2;
	[tilespmem:v3+s1+$0x0] =	vst.idx.msk vm15, v63  }
0x178: {  	s23 =	simm.s32 $0x0;
	[tilespmem:v3+s0+$0x0] =	vst.idx.msk vm15, v2  }
0x179: {  	_ = 	snop  }
.LBB2_16:
0x17a: {  	_ =	sdelay $0x4  }
0x17b: {  	[tilespmem:v2+s0+$0x0] =	vst.idx.msk vm0, v8  }
.LBB2_17:
0x17c: {  	s24 =	sadd.s32 $0x1, s24  }
0x17d: {  	p0 =	sne.s32 s24, $0x7D  }
.Ltmp11:
0x17e: {  	_ = 	snop;
	(pc) =	sbr.rel @!p0 .LBB2_18-.Ltmp11, $1  }
0x17f: {  	_ =	sdelay $0x3  }
.LBB2_13:
0x180: {  	s8 =	sshll.u32 s24, $0x4  }
0x181: {  	v2 =	vld [tilespmem:s8+$0x14C00];
	_ =	sdelay $0x4  }
0x182: {  	(xrf1) =	vunique.msk.u32 $0xffff, v2;
	_ =	sdelay $0xd  }
0x183: {  	_, v3, _ =	vpop (xrf1)  }
0x184: {  	v4 =	vxor.u32 $0x80000000, v3  }
0x185: {  	(xrf0) =	vmax.scan.msk.u32 $0xffff, v4;
	_ =	sdelay $0x5  }
0x186: {  	v4, _, _ =	vpop (xrf0)  }
0x187: {  	(v2sf) =	vpush v4, $0xF;
	_ =	sdelay $0xe  }
0x188: {  	s7 =	spop (v2sf)  }
0x189: {  	s9 =	sadd.s32 $0x80000001, s7  }
0x18a: {  	p0 =	slt.s32 s9, $0x3  }
.Ltmp12:
0x18b: {  	_ = 	snop;
	(pc) =	sbr.rel @p0 .LBB2_17-.Ltmp12, $3  }
0x18c: {  	_ =	sdelay $0x1  }
0x18d: {  	v5 =	vld [tilespmem:s8+$0x13C00]  }
0x18e: {  	v4 =	vld [tilespmem:s8+$0x15C00]  }
0x18f: {  	_ =	sdelay $0x6  }
0x190: {  	v6 =	vld.idx.msk [tilespmem:v5+s3+$0x0], $0xffff  }
0x191: {  	s8 =	simm.s32 $0x2  }
0x192: {  	v7 =	vld.idx.msk [tilespmem:v2+s30+$0x0], $0xffff;
	vm0 =	veq.s32 v3, s8;
	_ =	sdelay $0x1  }
0x193: {  	v8 =	vpack.i.f32.bf16 v4, v4  }
0x194: {  	v9 =	vld.idx.msk [tilespmem:v5+s20+$0x0], $0xffff;
	v4 =	vmul.bf16 v6, v8  }
0x195: {  	v10 =	vld.idx.msk [tilespmem:v5+s21+$0x0], $0xffff  }
0x196: {  	v6 =	vld.idx.msk [tilespmem:v5+s19+$0x0], $0xffff;
	v5 =	vmax.bf16 v7, v4  }
0x197: {  	[tilespmem:v2+s30+$0x0] =	vst.idx.msk vm0, v5  }
0x198: {  	v7 =	vld.idx.msk [tilespmem:v2+s31+$0x0], $0xffff;
	_ =	sdelay $0x2  }
0x199: {  	v5 =	vmul.bf16 v6, v8;
	_ =	sdelay $0x1  }
0x19a: {  	v6 =	vmax.bf16 v7, v5  }
0x19b: {  	[tilespmem:v2+s31+$0x0] =	vst.idx.msk vm0, v6  }
0x19c: {  	v7 =	vld.idx.msk [tilespmem:v2+s1+$0x0], $0xffff;
	_ =	sdelay $0x2  }
0x19d: {  	v6 =	vmul.bf16 v9, v8;
	_ =	sdelay $0x1  }
0x19e: {  	v7 =	vmax.bf16 v7, v6  }
0x19f: {  	[tilespmem:v2+s1+$0x0] =	vst.idx.msk vm0, v7  }
0x1a0: {  	p0 =	sne.s32 s7, $0x80000002;
	v9 =	vld.idx.msk [tilespmem:v2+s0+$0x0], $0xffff  }
.Ltmp13:
0x1a1: {  	_ = 	snop;
	(pc) =	sbr.rel @!p0 .LBB2_16-.Ltmp13, $3  }
0x1a2: {  	_ = 	snop  }
0x1a3: {  	v7 =	vmul.bf16 v10, v8;
	_ =	sdelay $0x1  }
0x1a4: {  	s8 =	simm.s32 $0x80000002;
	v8 =	vmax.bf16 v9, v7  }
.LBB2_15:
0x1a5: {  	[tilespmem:v2+s0+$0x0] =	vst.idx.msk vm0, v8;
	s9 =	smov.u32 s8;
	s8 =	sadd.s32 $0x1, s8  }
0x1a6: {  	s9 =	sadd.s32 $0x80000001, s9;
	v8 =	vld.idx.msk [tilespmem:v2+s30+$0x0], $0xffff;
	p0 =	sne.s32 s7, s8  }
0x1a7: {  	vm0 =	veq.s32 v3, s9;
	_ =	sdelay $0x4  }
0x1a8: {  	v8 =	vmax.bf16 v8, v4  }
0x1a9: {  	[tilespmem:v2+s30+$0x0] =	vst.idx.msk vm0, v8  }
0x1aa: {  	v8 =	vld.idx.msk [tilespmem:v2+s31+$0x0], $0xffff;
	_ =	sdelay $0x5  }
0x1ab: {  	v8 =	vmax.bf16 v8, v5  }
0x1ac: {  	[tilespmem:v2+s31+$0x0] =	vst.idx.msk vm0, v8  }
0x1ad: {  	v8 =	vld.idx.msk [tilespmem:v2+s1+$0x0], $0xffff;
	_ =	sdelay $0x5  }
0x1ae: {  	v8 =	vmax.bf16 v8, v6  }
0x1af: {  	[tilespmem:v2+s1+$0x0] =	vst.idx.msk vm0, v8  }
0x1b0: {  	v8 =	vld.idx.msk [tilespmem:v2+s0+$0x0], $0xffff;
	_ =	sdelay $0x1  }
.Ltmp14:
0x1b1: {  	(pc) =	sbr.rel @p0 .LBB2_15-.Ltmp14, $2  }
0x1b2: {  	_ =	sdelay $0x2  }
0x1b3: {  	v8 =	vmax.bf16 v8, v7  }
.Ltmp15:
0x1b4: {  	_ = 	snop;
	(pc) =	sbr.rel .LBB2_16-.Ltmp15, $1  }
0x1b5: {  	_ =	sdelay $0x3  }
.LBB2_24:
0x1b6: {  	_ =	sdelay $0x4  }
0x1b7: {  	[tilespmem:v2+s0+$0x0] =	vst.idx.msk vm0, v8  }
.LBB2_25:
0x1b8: {  	s23 =	sadd.s32 $0x1, s23  }
0x1b9: {  	p0 =	sne.s32 s23, $0x7D  }
.Ltmp16:
0x1ba: {  	_ = 	snop;
	(pc) =	sbr.rel @!p0 .LBB2_26-.Ltmp16, $1  }
0x1bb: {  	_ =	sdelay $0x3  }
.LBB2_21:
0x1bc: {  	s8 =	sshll.u32 s23, $0x4  }
0x1bd: {  	v2 =	vld [tilespmem:s8+$0x15400];
	_ =	sdelay $0x4  }
0x1be: {  	(xrf1) =	vunique.msk.u32 $0xffff, v2;
	_ =	sdelay $0xd  }
0x1bf: {  	_, v3, _ =	vpop (xrf1)  }
0x1c0: {  	v4 =	vxor.u32 $0x80000000, v3  }
0x1c1: {  	(xrf0) =	vmax.scan.msk.u32 $0xffff, v4;
	_ =	sdelay $0x5  }
0x1c2: {  	v4, _, _ =	vpop (xrf0)  }
0x1c3: {  	(v2sf) =	vpush v4, $0xF;
	_ =	sdelay $0xe  }
0x1c4: {  	s7 =	spop (v2sf)  }
0x1c5: {  	s9 =	sadd.s32 $0x80000001, s7  }
0x1c6: {  	p0 =	slt.s32 s9, $0x3  }
.Ltmp17:
0x1c7: {  	_ = 	snop;
	(pc) =	sbr.rel @p0 .LBB2_25-.Ltmp17, $3  }
0x1c8: {  	_ =	sdelay $0x1  }
0x1c9: {  	v5 =	vld [tilespmem:s8+$0x14400]  }
0x1ca: {  	v4 =	vld [tilespmem:s8+$0x16400]  }
0x1cb: {  	_ =	sdelay $0x6  }
0x1cc: {  	v6 =	vld.idx.msk [tilespmem:v5+s3+$0x0], $0xffff  }
0x1cd: {  	s8 =	simm.s32 $0x2  }
0x1ce: {  	v7 =	vld.idx.msk [tilespmem:v2+s30+$0x0], $0xffff;
	vm0 =	veq.s32 v3, s8;
	_ =	sdelay $0x1  }
0x1cf: {  	v8 =	vpack.i.f32.bf16 v4, v4  }
0x1d0: {  	v9 =	vld.idx.msk [tilespmem:v5+s20+$0x0], $0xffff;
	v4 =	vmul.bf16 v6, v8  }
0x1d1: {  	v10 =	vld.idx.msk [tilespmem:v5+s21+$0x0], $0xffff  }
0x1d2: {  	v6 =	vld.idx.msk [tilespmem:v5+s19+$0x0], $0xffff;
	v5 =	vmax.bf16 v7, v4  }
0x1d3: {  	[tilespmem:v2+s30+$0x0] =	vst.idx.msk vm0, v5  }
0x1d4: {  	v7 =	vld.idx.msk [tilespmem:v2+s31+$0x0], $0xffff;
	_ =	sdelay $0x2  }
0x1d5: {  	v5 =	vmul.bf16 v6, v8;
	_ =	sdelay $0x1  }
0x1d6: {  	v6 =	vmax.bf16 v7, v5  }
0x1d7: {  	[tilespmem:v2+s31+$0x0] =	vst.idx.msk vm0, v6  }
0x1d8: {  	v7 =	vld.idx.msk [tilespmem:v2+s1+$0x0], $0xffff;
	_ =	sdelay $0x2  }
0x1d9: {  	v6 =	vmul.bf16 v9, v8;
	_ =	sdelay $0x1  }
0x1da: {  	v7 =	vmax.bf16 v7, v6  }
0x1db: {  	[tilespmem:v2+s1+$0x0] =	vst.idx.msk vm0, v7  }
0x1dc: {  	p0 =	sne.s32 s7, $0x80000002;
	v9 =	vld.idx.msk [tilespmem:v2+s0+$0x0], $0xffff  }
.Ltmp18:
0x1dd: {  	_ = 	snop;
	(pc) =	sbr.rel @!p0 .LBB2_24-.Ltmp18, $3  }
0x1de: {  	_ = 	snop  }
0x1df: {  	v7 =	vmul.bf16 v10, v8;
	_ =	sdelay $0x1  }
0x1e0: {  	s8 =	simm.s32 $0x80000002;
	v8 =	vmax.bf16 v9, v7  }
.LBB2_23:
0x1e1: {  	[tilespmem:v2+s0+$0x0] =	vst.idx.msk vm0, v8;
	s9 =	smov.u32 s8;
	s8 =	sadd.s32 $0x1, s8  }
0x1e2: {  	s9 =	sadd.s32 $0x80000001, s9;
	v8 =	vld.idx.msk [tilespmem:v2+s30+$0x0], $0xffff;
	p0 =	sne.s32 s7, s8  }
0x1e3: {  	vm0 =	veq.s32 v3, s9;
	_ =	sdelay $0x4  }
0x1e4: {  	v8 =	vmax.bf16 v8, v4  }
0x1e5: {  	[tilespmem:v2+s30+$0x0] =	vst.idx.msk vm0, v8  }
0x1e6: {  	v8 =	vld.idx.msk [tilespmem:v2+s31+$0x0], $0xffff;
	_ =	sdelay $0x5  }
0x1e7: {  	v8 =	vmax.bf16 v8, v5  }
0x1e8: {  	[tilespmem:v2+s31+$0x0] =	vst.idx.msk vm0, v8  }
0x1e9: {  	v8 =	vld.idx.msk [tilespmem:v2+s1+$0x0], $0xffff;
	_ =	sdelay $0x5  }
0x1ea: {  	v8 =	vmax.bf16 v8, v6  }
0x1eb: {  	[tilespmem:v2+s1+$0x0] =	vst.idx.msk vm0, v8  }
0x1ec: {  	v8 =	vld.idx.msk [tilespmem:v2+s0+$0x0], $0xffff;
	_ =	sdelay $0x1  }
.Ltmp19:
0x1ed: {  	(pc) =	sbr.rel @p0 .LBB2_23-.Ltmp19, $2  }
0x1ee: {  	_ =	sdelay $0x2  }
0x1ef: {  	v8 =	vmax.bf16 v8, v7  }
.Ltmp20:
0x1f0: {  	_ = 	snop;
	(pc) =	sbr.rel .LBB2_24-.Ltmp20, $1  }
0x1f1: {  	_ =	sdelay $0x3  }
.LBB2_27:
0x1f2: {  	s7 =	simm.s32 $0x0  }
0x1f3: {  	v2 =	vld [tilespmem:s7+$0x9E00];
	_ =	sdelay $0x1  }
0x1f4: {  	v3 =	vld [tilespmem:s7+$0x0];
	_ =	sdelay $0x1  }
0x1f5: {  	v4 =	vld [tilespmem:s7+$0x19380]  }
0x1f6: {  	v5 =	vld [tilespmem:s7+$0x16C00];
	v6 =	vunpack.i.l.bf16.f32 v2  }
0x1f7: {  	v2 =	vunpack.i.u.bf16.f32 v2;
	vm0 =	veq.f32 v6, $-Inf  }
0x1f8: {  	v7 =	vunpack.i.l.bf16.f32 v3;
	vm1 =	veq.f32 v2, $-Inf;
	v6 =	vsel vm0, $0x0, v6  }
0x1f9: {  	v3 =	vunpack.i.u.bf16.f32 v3;
	v2 =	vsel vm1, $0x0, v2;
	v7 =	vsub.f32 v7, v6  }
0x1fa: {  	v3 =	vsub.f32 v3, v2  }
0x1fb: {  	v8 =	vadd.s32 $0x40, v4;
	v7 =	vmul.f32 v7, v5  }
0x1fc: {  	v3 =	vmul.f32 v3, v5  }
0x1fd: {  	v6 =	vadd.f32 v7, v6  }
0x1fe: {  	v2 =	vadd.f32 v3, v2  }
0x1ff: {  	[tilespmem:v4+s14+$0x0] =	vst.idx.add.f32.msk $0xffff, v6  }
0x200: {  	[tilespmem:v8+s14+$0x0] =	vst.idx.add.f32.msk $0xffff, v2  }
0x201: {  	v2 =	vld [tilespmem:s7+$0xC580];
	_ =	sdelay $0x1  }
0x202: {  	v3 =	vld [tilespmem:s7+$0x2780];
	_ =	sdelay $0x2  }
0x203: {  	v53 =	vunpack.i.l.bf16.f32 v2  }
0x204: {  	v2 =	vunpack.i.u.bf16.f32 v2;
	vm10 =	veq.f32 v53, $-Inf  }
0x205: {  	v54 =	vunpack.i.l.bf16.f32 v3;
	vm11 =	veq.f32 v2, $-Inf;
	v6 =	vsel vm10, $0x0, v53  }
0x206: {  	v3 =	vunpack.i.u.bf16.f32 v3;
	v2 =	vsel vm11, $0x0, v2;
	v7 =	vsub.f32 v54, v6  }
0x207: {  	v55 =	vadd.s32 $0x80, v4;
	v3 =	vsub.f32 v3, v2  }
0x208: {  	v9 =	vadd.s32 $0xC0, v4;
	v7 =	vmul.f32 v7, v5  }
0x209: {  	v3 =	vmul.f32 v3, v5  }
0x20a: {  	v6 =	vadd.f32 v7, v6  }
0x20b: {  	v2 =	vadd.f32 v3, v2  }
0x20c: {  	[tilespmem:v55+s14+$0x0] =	vst.idx.add.f32.msk $0xffff, v6  }
0x20d: {  	[tilespmem:v9+s14+$0x0] =	vst.idx.add.f32.msk $0xffff, v2  }
0x20e: {  	v2 =	vld [tilespmem:s7+$0xED00];
	_ =	sdelay $0x1  }
0x20f: {  	v3 =	vld [tilespmem:s7+$0x4F00];
	_ =	sdelay $0x2  }
0x210: {  	v56 =	vunpack.i.l.bf16.f32 v2  }
0x211: {  	v2 =	vunpack.i.u.bf16.f32 v2;
	vm12 =	veq.f32 v56, $-Inf  }
0x212: {  	v57 =	vunpack.i.l.bf16.f32 v3;
	vm13 =	veq.f32 v2, $-Inf;
	v6 =	vsel vm12, $0x0, v56  }
0x213: {  	v3 =	vunpack.i.u.bf16.f32 v3;
	v2 =	vsel vm13, $0x0, v2;
	v7 =	vsub.f32 v57, v6  }
0x214: {  	v58 =	vadd.s32 $0x100, v4;
	v3 =	vsub.f32 v3, v2  }
0x215: {  	v59 =	vadd.s32 $0x140, v4;
	v7 =	vmul.f32 v7, v5  }
0x216: {  	v3 =	vmul.f32 v3, v5  }
0x217: {  	v6 =	vadd.f32 v7, v6  }
0x218: {  	v2 =	vadd.f32 v3, v2  }
0x219: {  	[tilespmem:v58+s14+$0x0] =	vst.idx.add.f32.msk $0xffff, v6  }
0x21a: {  	[tilespmem:v59+s14+$0x0] =	vst.idx.add.f32.msk $0xffff, v2  }
0x21b: {  	v2 =	vld [tilespmem:s7+$0x11480];
	_ =	sdelay $0x1  }
0x21c: {  	v3 =	vld [tilespmem:s7+$0x7680];
	_ =	sdelay $0x2  }
0x21d: {  	v60 =	vunpack.i.l.bf16.f32 v2  }
0x21e: {  	v2 =	vunpack.i.u.bf16.f32 v2;
	vm14 =	veq.f32 v60, $-Inf  }
0x21f: {  	v61 =	vunpack.i.l.bf16.f32 v3;
	vm15 =	veq.f32 v2, $-Inf;
	v6 =	vsel vm14, $0x0, v60  }
0x220: {  	v3 =	vunpack.i.u.bf16.f32 v3;
	v62 =	vsel vm15, $0x0, v2;
	v7 =	vsub.f32 v61, v6  }
0x221: {  	v63 =	vadd.s32 $0x180, v4;
	v2 =	vsub.f32 v3, v62  }
0x222: {  	v3 =	vmul.f32 v7, v5  }
0x223: {  	v5 =	vmul.f32 v2, v5;
	v2 =	vadd.s32 $0x1C0, v4  }
0x224: {  	v6 =	vadd.f32 v3, v6;
	_ =	sdelay $0x1  }
0x225: {  	s22 =	simm.s32 $0x40;
	s23 =	simm.s32 $0x80;
	v3 =	vadd.f32 v5, v62;
	[tilespmem:v63+s14+$0x0] =	vst.idx.add.f32.msk $0xffff, v6  }
.LBB2_28:
0x226: {  	p0 =	sne.s32 s23, $0x9C00  }
0x227: {  	s24 =	sshra.s32 s22, $0x2;
	[tilespmem:v2+s14+$0x0] =	vst.idx.add.f32.msk $0xffff, v3;
	s22 =	smov.u32 s23;
	s23 =	sadd.s32 $0x40, s23  }
0x228: {  	v2 =	vld [tilespmem:s24+$0x9E00];
	_ =	sdelay $0x1  }
0x229: {  	v3 =	vld [tilespmem:s24+$0x0];
	_ =	sdelay $0x1  }
0x22a: {  	v4 =	vld [tilespmem:s24+$0x19380]  }
0x22b: {  	v5 =	vld [tilespmem:s24+$0x16C00];
	v6 =	vunpack.i.u.bf16.f32 v2;
	v2 =	vunpack.i.l.bf16.f32 v2  }
0x22c: {  	vm0 =	veq.f32 v2, $-Inf;
	vm1 =	veq.f32 v6, $-Inf  }
0x22d: {  	v7 =	vunpack.i.l.bf16.f32 v3;
	v2 =	vsel vm0, $0x0, v2;
	v6 =	vsel vm1, $0x0, v6  }
0x22e: {  	v3 =	vunpack.i.u.bf16.f32 v3;
	v7 =	vsub.f32 v7, v2  }
0x22f: {  	v3 =	vsub.f32 v3, v6  }
0x230: {  	v8 =	vadd.s32 $0x40, v4;
	v7 =	vmul.f32 v7, v5  }
0x231: {  	v3 =	vmul.f32 v3, v5  }
0x232: {  	v2 =	vadd.f32 v7, v2  }
0x233: {  	v3 =	vadd.f32 v3, v6  }
0x234: {  	[tilespmem:v4+s14+$0x0] =	vst.idx.add.f32.msk $0xffff, v2  }
0x235: {  	[tilespmem:v8+s14+$0x0] =	vst.idx.add.f32.msk $0xffff, v3  }
0x236: {  	v2 =	vld [tilespmem:s24+$0xC580];
	_ =	sdelay $0x1  }
0x237: {  	v3 =	vld [tilespmem:s24+$0x2780];
	_ =	sdelay $0x2  }
0x238: {  	v6 =	vunpack.i.u.bf16.f32 v2;
	v2 =	vunpack.i.l.bf16.f32 v2  }
0x239: {  	vm0 =	veq.f32 v2, $-Inf;
	vm1 =	veq.f32 v6, $-Inf  }
0x23a: {  	v7 =	vunpack.i.l.bf16.f32 v3;
	v2 =	vsel vm0, $0x0, v2;
	v6 =	vsel vm1, $0x0, v6  }
0x23b: {  	v3 =	vunpack.i.u.bf16.f32 v3;
	v7 =	vsub.f32 v7, v2  }
0x23c: {  	v8 =	vadd.s32 $0x80, v4;
	v3 =	vsub.f32 v3, v6  }
0x23d: {  	v9 =	vadd.s32 $0xC0, v4;
	v7 =	vmul.f32 v7, v5  }
0x23e: {  	v3 =	vmul.f32 v3, v5  }
0x23f: {  	v2 =	vadd.f32 v7, v2  }
0x240: {  	v3 =	vadd.f32 v3, v6  }
0x241: {  	[tilespmem:v8+s14+$0x0] =	vst.idx.add.f32.msk $0xffff, v2  }
0x242: {  	[tilespmem:v9+s14+$0x0] =	vst.idx.add.f32.msk $0xffff, v3  }
0x243: {  	v2 =	vld [tilespmem:s24+$0xED00]  }
0x244: {  	v3 =	vld [tilespmem:s24+$0x4F00];
	_ =	sdelay $0x3  }
0x245: {  	v6 =	vunpack.i.u.bf16.f32 v2;
	v2 =	vunpack.i.l.bf16.f32 v2  }
0x246: {  	v7 =	vunpack.i.l.bf16.f32 v3;
	vm0 =	veq.f32 v2, $-Inf;
	vm1 =	veq.f32 v6, $-Inf  }
0x247: {  	v3 =	vunpack.i.u.bf16.f32 v3;
	v2 =	vsel vm0, $0x0, v2;
	v6 =	vsel vm1, $0x0, v6  }
0x248: {  	v7 =	vsub.f32 v7, v2;
	v3 =	vsub.f32 v3, v6  }
0x249: {  	v8 =	vadd.s32 $0x100, v4  }
0x24a: {  	v9 =	vadd.s32 $0x140, v4;
	v7 =	vmul.f32 v7, v5;
	v3 =	vmul.f32 v3, v5;
	_ =	sdelay $0x1  }
0x24b: {  	v2 =	vadd.f32 v7, v2;
	v3 =	vadd.f32 v3, v6;
	_ =	sdelay $0x1  }
0x24c: {  	[tilespmem:v8+s14+$0x0] =	vst.idx.add.f32.msk $0xffff, v2  }
0x24d: {  	[tilespmem:v9+s14+$0x0] =	vst.idx.add.f32.msk $0xffff, v3  }
0x24e: {  	v2 =	vld [tilespmem:s24+$0x11480]  }
0x24f: {  	v3 =	vld [tilespmem:s24+$0x7680];
	_ =	sdelay $0x3  }
0x250: {  	v6 =	vunpack.i.u.bf16.f32 v2;
	v2 =	vunpack.i.l.bf16.f32 v2  }
0x251: {  	v7 =	vunpack.i.l.bf16.f32 v3;
	vm0 =	veq.f32 v2, $-Inf;
	vm1 =	veq.f32 v6, $-Inf  }
0x252: {  	v3 =	vunpack.i.u.bf16.f32 v3;
	v8 =	vsel vm0, $0x0, v2;
	v6 =	vsel vm1, $0x0, v6  }
0x253: {  	v2 =	vsub.f32 v7, v8;
	v3 =	vsub.f32 v3, v6  }
0x254: {  	v7 =	vadd.s32 $0x180, v4  }
.Ltmp21:
0x255: {  	v9 =	vmul.f32 v2, v5;
	v3 =	vmul.f32 v3, v5;
	v2 =	vadd.s32 $0x1C0, v4;
	(pc) =	sbr.rel @p0 .LBB2_28-.Ltmp21, $3  }
0x256: {  	_ = 	snop  }
0x257: {  	v4 =	vadd.f32 v9, v8;
	v3 =	vadd.f32 v3, v6;
	_ =	sdelay $0x1  }
0x258: {  	[tilespmem:v7+s14+$0x0] =	vst.idx.add.f32.msk $0xffff, v4  }
0x259: {  	_ =	sdelay $0x3  }
0x25a: {  	s7 =	sshra.s32 s22, $0x2;
	[tilespmem:v2+s14+$0x0] =	vst.idx.add.f32.msk $0xffff, v3  }
0x25b: {  	v2 =	vld [tilespmem:s7+$0x9E00];
	_ =	sdelay $0x1  }
0x25c: {  	v3 =	vld [tilespmem:s7+$0x0];
	_ =	sdelay $0x1  }
0x25d: {  	v4 =	vld [tilespmem:s7+$0x19380]  }
0x25e: {  	v5 =	vld [tilespmem:s7+$0x16C00];
	v6 =	vunpack.i.l.bf16.f32 v2  }
0x25f: {  	v2 =	vunpack.i.u.bf16.f32 v2;
	vm0 =	veq.f32 v6, $-Inf  }
0x260: {  	v7 =	vunpack.i.l.bf16.f32 v3;
	vm1 =	veq.f32 v2, $-Inf;
	v6 =	vsel vm0, $0x0, v6  }
0x261: {  	v3 =	vunpack.i.u.bf16.f32 v3;
	v2 =	vsel vm1, $0x0, v2;
	v7 =	vsub.f32 v7, v6  }
0x262: {  	v3 =	vsub.f32 v3, v2  }
0x263: {  	v8 =	vadd.s32 $0x40, v4;
	v7 =	vmul.f32 v7, v5  }
0x264: {  	v3 =	vmul.f32 v3, v5  }
0x265: {  	v6 =	vadd.f32 v7, v6  }
0x266: {  	v2 =	vadd.f32 v3, v2  }
0x267: {  	[tilespmem:v4+s14+$0x0] =	vst.idx.add.f32.msk $0xffff, v6  }
0x268: {  	[tilespmem:v8+s14+$0x0] =	vst.idx.add.f32.msk $0xffff, v2  }
0x269: {  	v2 =	vld [tilespmem:s7+$0xC580];
	_ =	sdelay $0x1  }
0x26a: {  	v3 =	vld [tilespmem:s7+$0x2780];
	_ =	sdelay $0x2  }
0x26b: {  	v53 =	vunpack.i.l.bf16.f32 v2  }
0x26c: {  	v2 =	vunpack.i.u.bf16.f32 v2;
	vm10 =	veq.f32 v53, $-Inf  }
0x26d: {  	v54 =	vunpack.i.l.bf16.f32 v3;
	vm11 =	veq.f32 v2, $-Inf;
	v6 =	vsel vm10, $0x0, v53  }
0x26e: {  	v3 =	vunpack.i.u.bf16.f32 v3;
	v2 =	vsel vm11, $0x0, v2;
	v7 =	vsub.f32 v54, v6  }
0x26f: {  	v55 =	vadd.s32 $0x80, v4;
	v3 =	vsub.f32 v3, v2  }
0x270: {  	v9 =	vadd.s32 $0xC0, v4;
	v7 =	vmul.f32 v7, v5  }
0x271: {  	v3 =	vmul.f32 v3, v5  }
0x272: {  	v6 =	vadd.f32 v7, v6  }
0x273: {  	v2 =	vadd.f32 v3, v2  }
0x274: {  	[tilespmem:v55+s14+$0x0] =	vst.idx.add.f32.msk $0xffff, v6  }
0x275: {  	[tilespmem:v9+s14+$0x0] =	vst.idx.add.f32.msk $0xffff, v2  }
0x276: {  	v2 =	vld [tilespmem:s7+$0xED00];
	_ =	sdelay $0x1  }
0x277: {  	v3 =	vld [tilespmem:s7+$0x4F00];
	_ =	sdelay $0x2  }
0x278: {  	v56 =	vunpack.i.l.bf16.f32 v2  }
0x279: {  	v2 =	vunpack.i.u.bf16.f32 v2;
	vm12 =	veq.f32 v56, $-Inf  }
0x27a: {  	v57 =	vunpack.i.l.bf16.f32 v3;
	vm13 =	veq.f32 v2, $-Inf;
	v6 =	vsel vm12, $0x0, v56  }
0x27b: {  	v3 =	vunpack.i.u.bf16.f32 v3;
	v2 =	vsel vm13, $0x0, v2;
	v7 =	vsub.f32 v57, v6  }
0x27c: {  	v58 =	vadd.s32 $0x100, v4;
	v3 =	vsub.f32 v3, v2  }
0x27d: {  	v59 =	vadd.s32 $0x140, v4;
	v7 =	vmul.f32 v7, v5  }
0x27e: {  	v3 =	vmul.f32 v3, v5  }
0x27f: {  	v6 =	vadd.f32 v7, v6  }
0x280: {  	v2 =	vadd.f32 v3, v2  }
0x281: {  	[tilespmem:v58+s14+$0x0] =	vst.idx.add.f32.msk $0xffff, v6  }
0x282: {  	[tilespmem:v59+s14+$0x0] =	vst.idx.add.f32.msk $0xffff, v2  }
0x283: {  	v2 =	vld [tilespmem:s7+$0x11480];
	_ =	sdelay $0x1  }
0x284: {  	v3 =	vld [tilespmem:s7+$0x7680];
	_ =	sdelay $0x2  }
0x285: {  	v60 =	vunpack.i.l.bf16.f32 v2  }
0x286: {  	v2 =	vunpack.i.u.bf16.f32 v2;
	vm14 =	veq.f32 v60, $-Inf  }
0x287: {  	v61 =	vunpack.i.l.bf16.f32 v3;
	vm15 =	veq.f32 v2, $-Inf;
	v6 =	vsel vm14, $0x0, v60  }
0x288: {  	v3 =	vunpack.i.u.bf16.f32 v3;
	v2 =	vsel vm15, $0x0, v2;
	v7 =	vsub.f32 v61, v6  }
0x289: {  	v62 =	vadd.s32 $0x180, v4;
	v3 =	vsub.f32 v3, v2  }
0x28a: {  	v4 =	vadd.s32 $0x1C0, v4;
	v7 =	vmul.f32 v7, v5  }
0x28b: {  	v3 =	vmul.f32 v3, v5  }
0x28c: {  	v63 =	vadd.f32 v7, v6  }
0x28d: {  	s16 =	sadd.s32 $0x1, s16;
	v2 =	vadd.f32 v3, v2  }
0x28e: {  	p0 =	sne.s32 s16, s13;
	[tilespmem:v62+s14+$0x0] =	vst.idx.add.f32.msk $0xffff, v63  }
.Ltmp22:
0x28f: {  	[tilespmem:v4+s14+$0x0] =	vst.idx.add.f32.msk $0xffff, v2;
	(pc) =	sbr.rel @p0 .LBB2_1-.Ltmp22, $4  }
0x290: {  	[hbm4b:s12+s3] =	stream.linear.scatter [tilespmem:s14], [sflag:$0x3], $0x200, $0x38;
	[tilespmem:$0x1BD00] =	vst v63  }
0x291: {  	_ =	swait.ge [sflag:s15], $0x200  }
0x292: {  	[sflag:s15] =	ssyncset.done $0x0  }
0x293: {  	[sflag:s15] =	ssyncadd.s32 $0xFFFFFE00  }
0x294: {  	_ =	sfence.sel $0x180000  }
0x295: {  	[bflag:$0x0] =	sbarrier.arrive $0xFFFF  }
0x296: {  	_ =	strace $0x9000004A  }
0x297: {  	s0 =	stileid.u32;
	[bflag:$0x2] =	sbarrier.arrive $0xFFFF  }
0x298: {  	p0 =	sne.s32 s0, $0x0;
	s0 =	rddreg [dreg:$0x2]  }
0x299: {  	s0 =	sadd.s32 @!p0 $0x100000, s0  }
0x29a: {  	[sflag:s0] =	ssyncadd.tile.s32 @!p0 $0x1;
	_ =	shalt  }
.Lfunc_end2:
_tile_overlayer_lowered:
.L_overlay_start_2:
0x29b: {  	(tag) =	ssettag $0x2  }
0x29c: {  	s0 =	rddreg [dreg:$0x0];
	s2 =	stileid.u32  }
0x29d: {  	s1 =	rddreg [dreg:$0x1];
	p0 =	sne.s32 s2, $0x0  }
0x29e: {  	s3 =	rddreg [dreg:$0x2];
	[bflag:$0x3] =	sbarrier.arrive $0xFFFF;
	s2 =	simm.s32 @!p0 $0x1C03  }
0x29f: {  	[timem:s3], [sflag:s2] =	dma.local @!p0 [hbm:s0], s1  }
0x2a0: {  	s0 =	simm.s32 @!p0 $0x3  }
0x2a1: {  	_ =	swait.ge @!p0 [sflag:s0], s1  }
0x2a2: {  	s1 =	ssub.s32 @!p0 $0x0, s1;
	[sflag:s0] =	ssyncset.done @!p0 $0x0  }
0x2a3: {  	[sflag:s0] =	ssyncadd.s32 @!p0 s1  }
0x2a4: {  	[bflag:$0x3] =	sbarrier.arrive $0xFFFF  }
0x2a5: {  	_ =	shalt  }

</sc_bundles>
